<compile_context>
chip_gen: v7x
topology: tpu7x:2x2x1
jax: 0.10.2.dev20260603
libtpu: 0.0.44.dev20260713+nightly
codegen_flags: <defaults>
</compile_context>

<pallas_src>
import functools

import jax
import jax.numpy as jnp
import numpy as np
from jax import lax
from jax.experimental import pallas as pl
from jax.experimental.pallas import tpu as pltpu
from jax.experimental.pallas import tpu_sc as plsc

_SC_CORES = 2
_SC_SUBCORES = 16
_GATHER_CHUNK = 512
_L_PE = 6


def _sc_gather(emb3, g_flat):
    nk = g_flat.shape[0]
    vq, de = emb3.shape
    w = _GATHER_CHUNK
    mesh = plsc.VectorSubcoreMesh(core_axis_name="c", subcore_axis_name="s")

    rows_per_tile = vq // _SC_SUBCORES
    stage_rows = 56
    nw = _SC_CORES * _SC_SUBCORES
    b_per_w = nk // nw

    @functools.partial(
        pl.kernel,
        mesh=mesh,
        out_type=jax.ShapeDtypeStruct((nk, de), jnp.int32),
        scratch_types=[
            pltpu.VMEM_SHARED((vq, de), jnp.int32),
            pltpu.VMEM((stage_rows, de), jnp.int32),
            pltpu.VMEM((w,), jnp.int32),
            pltpu.VMEM((w, de), jnp.int32),
            pltpu.SemaphoreType.DMA,
        ],
    )
    def gather_kernel(emb_hbm, idx_hbm, out_hbm, sp_table, stage_v, idx_v, rows_v, sem):
        sbase = lax.axis_index("s") * rows_per_tile

        @pl.loop(0, rows_per_tile, step=stage_rows)
        def _(off):
            pltpu.sync_copy(emb_hbm.at[pl.ds(sbase + off, stage_rows)], stage_v)
            pltpu.sync_copy(stage_v, sp_table.at[pl.ds(sbase + off, stage_rows)])

        plsc.subcore_barrier()

        wid = lax.axis_index("s") * _SC_CORES + lax.axis_index("c")
        base = wid * b_per_w

        @pl.loop(0, b_per_w, step=w)
        def _(off):
            pltpu.sync_copy(idx_hbm.at[pl.ds(base + off, w)], idx_v)
            pltpu.async_copy(sp_table.at[idx_v], rows_v, sem).wait()
            pltpu.sync_copy(rows_v, out_hbm.at[pl.ds(base + off, w)])

    return gather_kernel(emb3, g_flat)


def _mlp_kernel(geom_ref, feat_ref,
                w1_ref, w1c4_ref, b1_ref, w2_ref, b2_ref, wsig_ref, bsig_ref,
                wt1h_ref, wt1d_ref, bt1_ref, wt2_ref, bt2_ref,
                out_ref):
    f32 = jnp.float32
    geom = geom_ref[...]
    rd = geom[:, 3:6]
    pts = geom[:, 0:3] + rd * geom[:, 6:7]

    npe = 6 * _L_PE
    row3 = lax.broadcasted_iota(jnp.int32, (3, npe), 0)
    col3 = lax.broadcasted_iota(jnp.int32, (3, npe), 1)
    fr = jnp.exp2(((col3 % (2 * _L_PE)) % _L_PE).astype(f32))
    m = jnp.where(col3 // (2 * _L_PE) == row3, fr, 0.0)
    bfs = jnp.bfloat16
    mb = m.astype(bfs)
    p1 = pts.astype(bfs)
    rem = pts - p1.astype(f32)
    p2 = rem.astype(bfs)
    p3 = (rem - p2.astype(f32)).astype(bfs)
    vang = (jnp.dot(p1, mb, preferred_element_type=f32)
            + jnp.dot(p2, mb, preferred_element_type=f32)
            + jnp.dot(p3, mb, preferred_element_type=f32))
    colp = lax.broadcasted_iota(jnp.int32, (1, npe), 1)
    ph = jnp.where(colp % (2 * _L_PE) >= _L_PE, np.float32(0.5), np.float32(0.0))
    v = vang + ph
    r = v - 2.0 * jnp.round(0.5 * v)
    r2 = r * r
    pe = r * (3.1415442525 + r2 * (-5.1666563063 + r2 * (2.5437544412
              + r2 * (-0.5834079913 + r2 * 0.0647828326))))

    bf = jnp.bfloat16
    p = feat_ref.shape[0]
    fi = feat_ref[...]
    f_lo = lax.bitcast_convert_type(fi << 16, f32)
    f_hi = lax.bitcast_convert_type(fi & jnp.int32(-65536), f32)
    lane = lax.broadcasted_iota(jnp.int32, (p, 128), 1)
    q = geom[:, 7:8].astype(jnp.int32)
    featm = jnp.where(lane // 32 == q, f_lo, 0.0) + jnp.where(lane // 32 == q - 4, f_hi, 0.0)
    acc = jnp.dot(pts.astype(bf), w1_ref[0:3, :], preferred_element_type=f32)
    acc += jnp.dot(pe.astype(bf), w1_ref[3:39, :], preferred_element_type=f32)
    acc += jnp.dot(featm.astype(bf), w1c4_ref[...], preferred_element_type=f32)
    h1 = jnp.maximum(acc + b1_ref[...], 0.0).astype(bf)
    h2 = jnp.maximum(jnp.dot(h1, w2_ref[...], preferred_element_type=f32) + b2_ref[...], 0.0).astype(bf)
    out_ref[:, 0:1] = jnp.dot(h2, wsig_ref[...], preferred_element_type=f32) + bsig_ref[...]
    t = jnp.dot(h2, wt1h_ref[...], preferred_element_type=f32)
    t += jnp.dot(rd.astype(bf), wt1d_ref[...], preferred_element_type=f32)
    t = jnp.maximum(t + bt1_ref[...], 0.0).astype(bf)
    out_ref[:, 1:4] = jax.nn.sigmoid(jnp.dot(t, wt2_ref[...], preferred_element_type=f32) + bt2_ref[...])


def _mlp_call(geom, feat,
              w1, w1c4, b1, w2, b2, wsig, bsig, wt1h, wt1d, bt1, wt2, bt2, p_blk):
    nk = geom.shape[0]
    grid = nk // p_blk
    row = lambda i: (i, 0)
    rep = lambda i: (0, 0)
    f32 = jnp.float32
    return pl.pallas_call(
        _mlp_kernel,
        grid=(grid,),
        in_specs=[
            pl.BlockSpec((p_blk, geom.shape[1]), row),
            pl.BlockSpec((p_blk, feat.shape[1]), row),
            pl.BlockSpec(w1.shape, rep),
            pl.BlockSpec(w1c4.shape, rep),
            pl.BlockSpec(b1.shape, rep),
            pl.BlockSpec(w2.shape, rep),
            pl.BlockSpec(b2.shape, rep),
            pl.BlockSpec(wsig.shape, rep),
            pl.BlockSpec(bsig.shape, rep),
            pl.BlockSpec(wt1h.shape, rep),
            pl.BlockSpec(wt1d.shape, rep),
            pl.BlockSpec(bt1.shape, rep),
            pl.BlockSpec(wt2.shape, rep),
            pl.BlockSpec(bt2.shape, rep),
        ],
        out_specs=[pl.BlockSpec((p_blk, 4), row)],
        out_shape=[jax.ShapeDtypeStruct((nk, 4), f32)],
    )(geom, feat, w1, w1c4, b1, w2, b2, wsig, bsig,
      wt1h, wt1d, bt1, wt2, bt2)[0]


def _render_kernel(sig_ref, t0_ref, t1_ref, t2_ref, dep_ref, dst_ref, idx_ref,
                   probs_ref, depth_ref, miss_ref, col_ref):
    k = sig_ref.shape[1]
    maskf = (idx_ref[...] != -1).astype(jnp.float32)
    fe = jnp.maximum(sig_ref[...], 0.0) * dst_ref[...] * maskf
    row = lax.broadcasted_iota(jnp.int32, (k, k), 0)
    col = lax.broadcasted_iota(jnp.int32, (k, k), 1)
    upper = (row < col).astype(jnp.float32)
    cum = jnp.dot(fe, upper, precision=lax.Precision.HIGHEST,
                  preferred_element_type=jnp.float32)
    probs = (1.0 - jnp.exp(-fe)) * jnp.exp(-cum)
    probs_ref[...] = probs
    depth_ref[...] = jnp.sum(dep_ref[...] * probs, axis=1, keepdims=True)
    miss_ref[...] = 1.0 - jnp.sum(probs, axis=1, keepdims=True)
    c0 = jnp.sum(t0_ref[...] * probs, axis=1, keepdims=True)
    c1 = jnp.sum(t1_ref[...] * probs, axis=1, keepdims=True)
    c2 = jnp.sum(t2_ref[...] * probs, axis=1, keepdims=True)
    col_ref[...] = jnp.concatenate([c0, c1, c2], axis=1)


def _render_call(sigma2, tex0, tex1, tex2, sampled_depth, sampled_dists, sampled_idx, r_blk):
    n, k = sigma2.shape
    grid = n // r_blk
    row = lambda i: (i, 0)
    f32 = jnp.float32
    return pl.pallas_call(
        _render_kernel,
        grid=(grid,),
        in_specs=[pl.BlockSpec((r_blk, k), row)] * 7,
        out_specs=[
            pl.BlockSpec((r_blk, k), row),
            pl.BlockSpec((r_blk, 1), row),
            pl.BlockSpec((r_blk, 1), row),
            pl.BlockSpec((r_blk, 3), row),
        ],
        out_shape=[
            jax.ShapeDtypeStruct((n, k), f32),
            jax.ShapeDtypeStruct((n, 1), f32),
            jax.ShapeDtypeStruct((n, 1), f32),
            jax.ShapeDtypeStruct((n, 3), f32),
        ],
    )(sigma2, tex0, tex1, tex2, sampled_depth, sampled_dists, sampled_idx)


def kernel(ray_start, ray_dir, sampled_depth, sampled_idx, sampled_dists, emb,
           W1, b1, W2, b2, Wsig, bsig, Wt1, bt1, Wt2, bt2):
    n, k = sampled_depth.shape
    nk = n * k
    hid = W2.shape[0]

    idx_flat = jnp.maximum(sampled_idx.reshape(nk), 0).astype(jnp.int32)
    v, de0 = emb.shape
    per = 256 // de0
    unit = _SC_SUBCORES * 56
    vq = -(-(v // per) // unit) * unit
    bf = jnp.bfloat16
    embp = jnp.pad(emb.astype(bf), ((0, vq * per - v), (0, 0))).reshape(vq, 256)
    lo = lax.bitcast_convert_type(embp[:, :128], jnp.uint16).astype(jnp.uint32)
    hi = lax.bitcast_convert_type(embp[:, 128:], jnp.uint16).astype(jnp.uint32)
    emb3 = lax.bitcast_convert_type(lo | (hi << 16), jnp.int32)
    g_flat = idx_flat // per
    q_flat = (idx_flat % per).astype(jnp.float32).reshape(nk, 1)

    rs_flat = jnp.broadcast_to(ray_start[:, None, :], (n, k, 3)).reshape(nk, 3)
    rd_flat = jnp.broadcast_to(ray_dir[:, None, :], (n, k, 3)).reshape(nk, 3)
    dep_flat = sampled_depth.reshape(nk, 1)
    geom = jnp.concatenate([rs_flat, rd_flat, dep_flat, q_flat], axis=1)

    w1b = W1[:39].astype(bf)
    w1c4 = jnp.concatenate([W1[39:]] * 4, axis=0).astype(bf)
    b1r, b2r = b1.reshape(1, -1), b2.reshape(1, -1)
    bsigr, bt1r, bt2r = bsig.reshape(1, 1), bt1.reshape(1, -1), bt2.reshape(1, -1)
    w2b, wsigb, wt2b = W2.astype(bf), Wsig.astype(bf), Wt2.astype(bf)
    wt1hb, wt1db = Wt1[:hid].astype(bf), Wt1[hid:].astype(bf)

    n_stripe = 8
    stripe = nk // n_stripe
    outs = []
    for s in range(n_stripe):
        sl = slice(s * stripe, (s + 1) * stripe)
        feat_s = _sc_gather(emb3, g_flat[sl])
        outs.append(_mlp_call(
            geom[sl], feat_s,
            w1b, w1c4, b1r, w2b, b2r, wsigb, bsigr,
            wt1hb, wt1db, bt1r, wt2b, bt2r, p_blk=4096))
    st = jnp.concatenate(outs, axis=0).reshape(n, k, 4)

    probs, depths, missed, colors = _render_call(
        st[..., 0], st[..., 1], st[..., 2], st[..., 3],
        sampled_depth, sampled_dists, sampled_idx, r_blk=512)
    return probs, depths.reshape(n), missed.reshape(n), colors

# --- scband reference (transcript-rebuilt; emitter-appended) ---
"""Pipeline reference for scband-volume-renderer-35527969472978 (READ-ONLY COPY).

The authoritative reference and input builder live on the scoring server;
editing this copy changes nothing except your own understanding.
"""

import jax, jax.numpy as jnp
import numpy as np

N, K, V = 4096, 128, 50000
D_EMB = 32
L_PE = 6
D_IN = 3 + 3 * 2 * L_PE + D_EMB
W_HID = 256


def setup_inputs(seed: int = 0) -> dict:
    key = jax.random.key(seed)
    ks = jax.random.split(key, 16)
    ray_start = jax.random.normal(ks[0], (N, 3), dtype=jnp.float32)
    rd = jax.random.normal(ks[1], (N, 3), dtype=jnp.float32)
    ray_dir = rd / (jnp.linalg.norm(rd, axis=-1, keepdims=True) + 1e-8)
    sampled_depth = jnp.sort(jax.random.uniform(ks[2], (N, K), dtype=jnp.float32) * 4.0 + 0.5, axis=-1)
    idx = jax.random.randint(ks[3], (N, K), 0, V)
    keep = jax.random.uniform(ks[4], (N, K)) < 0.5
    sampled_idx = jnp.where(keep, idx, -1)
    sampled_dists = jax.random.uniform(ks[5], (N, K), dtype=jnp.float32) * 0.05 + 0.005
    emb = jax.random.normal(ks[6], (V, D_EMB), dtype=jnp.float32) * 0.05
    W1 = jax.random.normal(ks[7], (D_IN, W_HID), dtype=jnp.float32) * (1.0 / np.sqrt(D_IN))
    b1 = jnp.zeros((W_HID,), dtype=jnp.float32)
    W2 = jax.random.normal(ks[8], (W_HID, W_HID), dtype=jnp.float32) * (1.0 / np.sqrt(W_HID))
    b2 = jnp.zeros((W_HID,), dtype=jnp.float32)
    Wsig = jax.random.normal(ks[9], (W_HID, 1), dtype=jnp.float32) * (1.0 / np.sqrt(W_HID))
    bsig = jnp.zeros((1,), dtype=jnp.float32)
    Wt1 = jax.random.normal(ks[10], (W_HID + 3, 128), dtype=jnp.float32) * (1.0 / np.sqrt(W_HID + 3))
    bt1 = jnp.zeros((128,), dtype=jnp.float32)
    Wt2 = jax.random.normal(ks[11], (128, 3), dtype=jnp.float32) * (1.0 / np.sqrt(128))
    bt2 = jnp.zeros((3,), dtype=jnp.float32)
    return {"ray_start": ray_start, "ray_dir": ray_dir, "sampled_depth": sampled_depth,
            "sampled_idx": sampled_idx, "sampled_dists": sampled_dists, "emb": emb,
            "W1": W1, "b1": b1, "W2": W2, "b2": b2, "Wsig": Wsig, "bsig": bsig,
            "Wt1": Wt1, "bt1": bt1, "Wt2": Wt2, "bt2": bt2}


def reference(ray_start, ray_dir, sampled_depth, sampled_idx, sampled_dists, emb,
              W1, b1, W2, b2, Wsig, bsig, Wt1, bt1, Wt2, bt2):
    # VolumeRenderer.forward_chunk, eval mode (no noise, tolerance=0).
    N_, K_ = sampled_depth.shape
    C = 256 if N_ % 256 == 0 else 1
    num_chunks = N_ // C
    freqs = (2.0 ** jnp.arange(L_PE)).astype(jnp.float32) * jnp.pi

    def chunk_fn(carry, inp):
        ray_start_c, ray_dir_c, sampled_depth_c, sampled_idx_c, sampled_dists_c = inp
        mask = sampled_idx_c != -1
        maskf = mask.astype(jnp.float32)
        # ray(start, dir, depth): sample points along rays
        pts = ray_start_c[:, None, :] + ray_dir_c[:, None, :] * sampled_depth_c[..., None]
        # input_fn: voxel embedding gather + positional encoding
        idx_safe = jnp.where(mask, sampled_idx_c, 0)
        feat = jnp.take(emb, idx_safe, axis=0)
        ang = pts[..., None] * freqs
        pe = jnp.concatenate([jnp.sin(ang), jnp.cos(ang)], axis=-1).reshape(pts.shape[0], pts.shape[1], 3 * 2 * L_PE)
        dirs = jnp.broadcast_to(ray_dir_c[:, None, :], pts.shape)
        x = jnp.concatenate([pts, pe, feat], axis=-1)
        # field_fn: MLP -> sigma, texture
        h = jax.nn.relu(x @ W1 + b1)
        h = jax.nn.relu(h @ W2 + b2)
        sigma = (h @ Wsig + bsig)[..., 0]
        t = jax.nn.relu(jnp.concatenate([h, dirs], axis=-1) @ Wt1 + bt1)
        tex = jax.nn.sigmoid(t @ Wt2 + bt2)
        # masked_scatter equivalent: zero outside sample_mask
        free_energy = jax.nn.relu(sigma) * sampled_dists_c * maskf
        tex = tex * maskf[..., None]
        # volume rendering weights
        shifted = jnp.concatenate([jnp.zeros((free_energy.shape[0], 1), free_energy.dtype), free_energy[:, :-1]], axis=-1)
        a = 1.0 - jnp.exp(-free_energy)
        b = jnp.exp(-jnp.cumsum(shifted, axis=-1))
        probs = a * b
        depths = (sampled_depth_c * probs).sum(-1)
        missed = 1.0 - probs.sum(-1)
        colors = (tex * probs[..., None]).sum(-2)
        return carry, (probs, depths, missed, colors)

    xs = (ray_start.reshape(num_chunks, C, 3),
          ray_dir.reshape(num_chunks, C, 3),
          sampled_depth.reshape(num_chunks, C, K_),
          sampled_idx.reshape(num_chunks, C, K_),
          sampled_dists.reshape(num_chunks, C, K_))
    _, (probs, depths, missed, colors) = jax.lax.scan(chunk_fn, None, xs)
    probs = probs.reshape(N_, K_)
    depths = depths.reshape(N_)
    missed = missed.reshape(N_)
    colors = colors.reshape(N_, 3)
    return (probs, depths, missed, colors)

if __name__ == "__main__":
    import jax
    _d = setup_inputs()
    print(jax.jit(kernel)(*tuple(_d.values())))

</pallas_src>

<mosaic_0001>
#map = affine_map<(d0, d1) -> (0, 0)>
#map1 = affine_map<(d0, d1) -> (0)>
module attributes {stable_mosaic.version = 14 : i64} {
  func.func @gather_kernel(%arg0: i32, %arg1: i32, %arg2: memref<6272x128xi32, #tpu.memory_space<hbm>>, %arg3: memref<65536xi32, #tpu.memory_space<hbm>>, %arg4: memref<65536x128xi32, #tpu.memory_space<hbm>>, %arg5: memref<6272x128xi32, #tpu.memory_space<vmem_shared>>, %arg6: memref<56x128xi32, #tpu.memory_space<vmem>>, %arg7: memref<512xi32, #tpu.memory_space<vmem>>, %arg8: memref<512x128xi32, #tpu.memory_space<vmem>>, %arg9: memref<!tpu.dma_semaphore, #tpu.memory_space<semaphore_mem>>) attributes {dimension_semantics = [#tpu.dimension_semantics<core_parallel>, #tpu.dimension_semantics<subcore_parallel>], iteration_bounds = array<i64: 2, 16>, scalar_prefetch = 0 : i64, scratch_operands = 5 : i64, tpu.core_type = #tpu.core_type<sc_vector_subcore>, window_params = [{transform_indices = #map}, {transform_indices = #map1}, {transform_indices = #map}]} {
    %mul3A = arith.constant 392 : i32
    %mul3A_0 = arith.muli %arg1, %mul3A : i32
    %scan3A = arith.constant 0 : i32
    %scan3A_1 = arith.constant 7 : i32
    %scan3A_2 = arith.addi %scan3A, %scan3A_1 : i32
    %scan3A_3 = arith.constant 1 : i32
    scf.for %scan3A_14 = %scan3A to %scan3A_2 step %scan3A_3  : i32 {
      %mul3A_15 = arith.constant 56 : i32
      %mul3A_16 = arith.muli %scan3A_14, %mul3A_15 : i32
      %add3A_17 = arith.constant 0 : i32
      %add3A_18 = arith.addi %add3A_17, %mul3A_16 : i32
      %add3A_19 = arith.addi %mul3A_0, %add3A_18 : i32
      "tpu.region"() ({
        %run_scoped3A = tpu.sem_alloc : memref<!tpu.dma_semaphore, #tpu.memory_space<semaphore_mem>>
        %dma_start3A = arith.constant 0 : i32
        %dma_start3A_21 = tpu.memref_slice %arg2[%add3A_19, %dma_start3A] : memref<6272x128xi32, #tpu.memory_space<hbm>> -> memref<56x128xi32, #tpu.memory_space<hbm>>
        %dma_start3A_22 = arith.constant 0 : i32
        %dma_start3A_23 = tpu.memref_slice %arg2[%add3A_19, %dma_start3A_22] : memref<6272x128xi32, #tpu.memory_space<hbm>> -> memref<56x128xi32, #tpu.memory_space<hbm>>
        tpu.enqueue_dma source(%dma_start3A_23 : memref<56x128xi32, #tpu.memory_space<hbm>>) target(%arg6 : memref<56x128xi32, #tpu.memory_space<vmem>>) target_semaphore(%run_scoped3A : memref<!tpu.dma_semaphore, #tpu.memory_space<semaphore_mem>>)
        %dma_wait3A = arith.constant 0 : i32
        %dma_wait3A_24 = tpu.memref_slice %arg2[%add3A_19, %dma_wait3A] : memref<6272x128xi32, #tpu.memory_space<hbm>> -> memref<56x128xi32, #tpu.memory_space<hbm>>
        %dma_wait3A_25 = arith.constant 0 : i32
        %dma_wait3A_26 = tpu.memref_slice %arg2[%add3A_19, %dma_wait3A_25] : memref<6272x128xi32, #tpu.memory_space<hbm>> -> memref<56x128xi32, #tpu.memory_space<hbm>>
        tpu.wait_dma2 semaphore(%run_scoped3A : memref<!tpu.dma_semaphore, #tpu.memory_space<semaphore_mem>>) src(%dma_wait3A_26 : memref<56x128xi32, #tpu.memory_space<hbm>>) dst(%arg6 : memref<56x128xi32, #tpu.memory_space<vmem>>)
        tpu.yield
      }) : () -> ()
      %add3A_20 = arith.addi %mul3A_0, %add3A_18 : i32
      "tpu.region"() ({
        %run_scoped3A = tpu.sem_alloc : memref<!tpu.dma_semaphore, #tpu.memory_space<semaphore_mem>>
        %dma_start3A = arith.constant 0 : i32
        %dma_start3A_21 = tpu.memref_slice %arg5[%add3A_20, %dma_start3A] : memref<6272x128xi32, #tpu.memory_space<vmem_shared>> -> memref<56x128xi32, #tpu.memory_space<vmem_shared>>
        %dma_start3A_22 = arith.constant 0 : i32
        %dma_start3A_23 = tpu.memref_slice %arg5[%add3A_20, %dma_start3A_22] : memref<6272x128xi32, #tpu.memory_space<vmem_shared>> -> memref<56x128xi32, #tpu.memory_space<vmem_shared>>
        tpu.enqueue_dma source(%arg6 : memref<56x128xi32, #tpu.memory_space<vmem>>) target(%dma_start3A_23 : memref<56x128xi32, #tpu.memory_space<vmem_shared>>) target_semaphore(%run_scoped3A : memref<!tpu.dma_semaphore, #tpu.memory_space<semaphore_mem>>)
        %dma_wait3A = arith.constant 0 : i32
        %dma_wait3A_24 = tpu.memref_slice %arg5[%add3A_20, %dma_wait3A] : memref<6272x128xi32, #tpu.memory_space<vmem_shared>> -> memref<56x128xi32, #tpu.memory_space<vmem_shared>>
        %dma_wait3A_25 = arith.constant 0 : i32
        %dma_wait3A_26 = tpu.memref_slice %arg5[%add3A_20, %dma_wait3A_25] : memref<6272x128xi32, #tpu.memory_space<vmem_shared>> -> memref<56x128xi32, #tpu.memory_space<vmem_shared>>
        tpu.wait_dma2 semaphore(%run_scoped3A : memref<!tpu.dma_semaphore, #tpu.memory_space<semaphore_mem>>) src(%arg6 : memref<56x128xi32, #tpu.memory_space<vmem>>) dst(%dma_wait3A_26 : memref<56x128xi32, #tpu.memory_space<vmem_shared>>)
        tpu.yield
      }) : () -> ()
    }
    %scan3A_4 = arith.constant 7 : i32
    %barrier3A = arith.constant 0 : index
    tpu.barrier barrier_id(%barrier3A)
    %mul3A_5 = arith.constant 2 : i32
    %mul3A_6 = arith.muli %arg1, %mul3A_5 : i32
    %add3A = arith.addi %mul3A_6, %arg0 : i32
    %mul3A_7 = arith.constant 2048 : i32
    %mul3A_8 = arith.muli %add3A, %mul3A_7 : i32
    %scan3A_9 = arith.constant 0 : i32
    %scan3A_10 = arith.constant 4 : i32
    %scan3A_11 = arith.addi %scan3A_9, %scan3A_10 : i32
    %scan3A_12 = arith.constant 1 : i32
    scf.for %scan3A_14 = %scan3A_9 to %scan3A_11 step %scan3A_12  : i32 {
      %mul3A_15 = arith.constant 512 : i32
      %mul3A_16 = arith.muli %scan3A_14, %mul3A_15 : i32
      %add3A_17 = arith.constant 0 : i32
      %add3A_18 = arith.addi %add3A_17, %mul3A_16 : i32
      %add3A_19 = arith.addi %mul3A_8, %add3A_18 : i32
      "tpu.region"() ({
        %run_scoped3A = tpu.sem_alloc : memref<!tpu.dma_semaphore, #tpu.memory_space<semaphore_mem>>
        %dma_start3A_25 = tpu.memref_slice %arg3[%add3A_19] : memref<65536xi32, #tpu.memory_space<hbm>> -> memref<512xi32, #tpu.memory_space<hbm>>
        %dma_start3A_26 = tpu.memref_slice %arg3[%add3A_19] : memref<65536xi32, #tpu.memory_space<hbm>> -> memref<512xi32, #tpu.memory_space<hbm>>
        tpu.enqueue_dma source(%dma_start3A_26 : memref<512xi32, #tpu.memory_space<hbm>>) target(%arg7 : memref<512xi32, #tpu.memory_space<vmem>>) target_semaphore(%run_scoped3A : memref<!tpu.dma_semaphore, #tpu.memory_space<semaphore_mem>>)
        %dma_wait3A_27 = tpu.memref_slice %arg3[%add3A_19] : memref<65536xi32, #tpu.memory_space<hbm>> -> memref<512xi32, #tpu.memory_space<hbm>>
        %dma_wait3A_28 = tpu.memref_slice %arg3[%add3A_19] : memref<65536xi32, #tpu.memory_space<hbm>> -> memref<512xi32, #tpu.memory_space<hbm>>
        tpu.wait_dma2 semaphore(%run_scoped3A : memref<!tpu.dma_semaphore, #tpu.memory_space<semaphore_mem>>) src(%dma_wait3A_28 : memref<512xi32, #tpu.memory_space<hbm>>) dst(%arg7 : memref<512xi32, #tpu.memory_space<vmem>>)
        tpu.yield
      }) : () -> ()
      %dma_start3A = arith.constant 0 : i32
      %dma_start3A_20 = arith.constant 0 : i32
      %dma_start3A_21 = tpu.memref_slice %arg5[%dma_start3A, %dma_start3A_20] : memref<6272x128xi32, #tpu.memory_space<vmem_shared>> -> memref<6272x128xi32, #tpu.memory_space<vmem_shared>>
      tpu.enqueue_indirect_dma source(%dma_start3A_21 : memref<6272x128xi32, #tpu.memory_space<vmem_shared>>) target(%arg8 : memref<512x128xi32, #tpu.memory_space<vmem>>) offsets(%arg7 : memref<512xi32, #tpu.memory_space<vmem>>) semaphore(%arg9 : memref<!tpu.dma_semaphore, #tpu.memory_space<semaphore_mem>>)
      %dma_wait3A = arith.constant 0 : i32
      %dma_wait3A_22 = arith.constant 0 : i32
      %dma_wait3A_23 = tpu.memref_slice %arg5[%dma_wait3A, %dma_wait3A_22] : memref<6272x128xi32, #tpu.memory_space<vmem_shared>> -> memref<6272x128xi32, #tpu.memory_space<vmem_shared>>
      tpu.wait_indirect_dma semaphore(%arg9 : memref<!tpu.dma_semaphore, #tpu.memory_space<semaphore_mem>>) src(%dma_wait3A_23 : memref<6272x128xi32, #tpu.memory_space<vmem_shared>>) dst(%arg8 : memref<512x128xi32, #tpu.memory_space<vmem>>)
      %add3A_24 = arith.addi %mul3A_8, %add3A_18 : i32
      "tpu.region"() ({
        %run_scoped3A = tpu.sem_alloc : memref<!tpu.dma_semaphore, #tpu.memory_space<semaphore_mem>>
        %dma_start3A_25 = arith.constant 0 : i32
        %dma_start3A_26 = tpu.memref_slice %arg4[%add3A_24, %dma_start3A_25] : memref<65536x128xi32, #tpu.memory_space<hbm>> -> memref<512x128xi32, #tpu.memory_space<hbm>>
        %dma_start3A_27 = arith.constant 0 : i32
        %dma_start3A_28 = tpu.memref_slice %arg4[%add3A_24, %dma_start3A_27] : memref<65536x128xi32, #tpu.memory_space<hbm>> -> memref<512x128xi32, #tpu.memory_space<hbm>>
        tpu.enqueue_dma source(%arg8 : memref<512x128xi32, #tpu.memory_space<vmem>>) target(%dma_start3A_28 : memref<512x128xi32, #tpu.memory_space<hbm>>) target_semaphore(%run_scoped3A : memref<!tpu.dma_semaphore, #tpu.memory_space<semaphore_mem>>)
        %dma_wait3A_29 = arith.constant 0 : i32
        %dma_wait3A_30 = tpu.memref_slice %arg4[%add3A_24, %dma_wait3A_29] : memref<65536x128xi32, #tpu.memory_space<hbm>> -> memref<512x128xi32, #tpu.memory_space<hbm>>
        %dma_wait3A_31 = arith.constant 0 : i32
        %dma_wait3A_32 = tpu.memref_slice %arg4[%add3A_24, %dma_wait3A_31] : memref<65536x128xi32, #tpu.memory_space<hbm>> -> memref<512x128xi32, #tpu.memory_space<hbm>>
        tpu.wait_dma2 semaphore(%run_scoped3A : memref<!tpu.dma_semaphore, #tpu.memory_space<semaphore_mem>>) src(%arg8 : memref<512x128xi32, #tpu.memory_space<vmem>>) dst(%dma_wait3A_32 : memref<512x128xi32, #tpu.memory_space<hbm>>)
        tpu.yield
      }) : () -> ()
    }
    %scan3A_13 = arith.constant 4 : i32
    return
  }
}

#map = affine_map<(d0, d1) -> (0, 0)>
#map1 = affine_map<(d0, d1) -> (0)>
module attributes {stable_mosaic.version = 14 : i64} {
  func.func @gather_kernel(%arg0: i32, %arg1: i32, %arg2: memref<6272x128xi32, #tpu.memory_space<hbm>>, %arg3: memref<65536xi32, #tpu.memory_space<hbm>>, %arg4: memref<65536x128xi32, #tpu.memory_space<hbm>>, %arg5: memref<6272x128xi32, #tpu.memory_space<vmem_shared>>, %arg6: memref<56x128xi32, #tpu.memory_space<vmem>>, %arg7: memref<512xi32, #tpu.memory_space<vmem>>, %arg8: memref<512x128xi32, #tpu.memory_space<vmem>>, %arg9: memref<!tpu.dma_semaphore, #tpu.memory_space<semaphore_mem>>) attributes {dimension_semantics = [#tpu.dimension_semantics<core_parallel>, #tpu.dimension_semantics<subcore_parallel>], iteration_bounds = array<i64: 2, 16>, scalar_prefetch = 0 : i64, scratch_operands = 5 : i64, tpu.core_type = #tpu.core_type<sc_vector_subcore>, window_params = [{transform_indices = #map}, {transform_indices = #map1}, {transform_indices = #map}]} {
    %mul3A = arith.constant 392 : i32
    %mul3A_0 = arith.muli %arg1, %mul3A : i32
    %scan3A = arith.constant 0 : i32
    %scan3A_1 = arith.constant 7 : i32
    %scan3A_2 = arith.addi %scan3A, %scan3A_1 : i32
    %scan3A_3 = arith.constant 1 : i32
    scf.for %scan3A_14 = %scan3A to %scan3A_2 step %scan3A_3  : i32 {
      %mul3A_15 = arith.constant 56 : i32
      %mul3A_16 = arith.muli %scan3A_14, %mul3A_15 : i32
      %add3A_17 = arith.constant 0 : i32
      %add3A_18 = arith.addi %add3A_17, %mul3A_16 : i32
      %add3A_19 = arith.addi %mul3A_0, %add3A_18 : i32
      "tpu.region"() ({
        %run_scoped3A = tpu.sem_alloc : memref<!tpu.dma_semaphore, #tpu.memory_space<semaphore_mem>>
        %dma_start3A = arith.constant 0 : i32
        %dma_start3A_21 = tpu.memref_slice %arg2[%add3A_19, %dma_start3A] : memref<6272x128xi32, #tpu.memory_space<hbm>> -> memref<56x128xi32, #tpu.memory_space<hbm>>
        %dma_start3A_22 = arith.constant 0 : i32
        %dma_start3A_23 = tpu.memref_slice %arg2[%add3A_19, %dma_start3A_22] : memref<6272x128xi32, #tpu.memory_space<hbm>> -> memref<56x128xi32, #tpu.memory_space<hbm>>
        tpu.enqueue_dma source(%dma_start3A_23 : memref<56x128xi32, #tpu.memory_space<hbm>>) target(%arg6 : memref<56x128xi32, #tpu.memory_space<vmem>>) target_semaphore(%run_scoped3A : memref<!tpu.dma_semaphore, #tpu.memory_space<semaphore_mem>>)
        %dma_wait3A = arith.constant 0 : i32
        %dma_wait3A_24 = tpu.memref_slice %arg2[%add3A_19, %dma_wait3A] : memref<6272x128xi32, #tpu.memory_space<hbm>> -> memref<56x128xi32, #tpu.memory_space<hbm>>
        %dma_wait3A_25 = arith.constant 0 : i32
        %dma_wait3A_26 = tpu.memref_slice %arg2[%add3A_19, %dma_wait3A_25] : memref<6272x128xi32, #tpu.memory_space<hbm>> -> memref<56x128xi32, #tpu.memory_space<hbm>>
        tpu.wait_dma2 semaphore(%run_scoped3A : memref<!tpu.dma_semaphore, #tpu.memory_space<semaphore_mem>>) src(%dma_wait3A_26 : memref<56x128xi32, #tpu.memory_space<hbm>>) dst(%arg6 : memref<56x128xi32, #tpu.memory_space<vmem>>)
        tpu.yield
      }) : () -> ()
      %add3A_20 = arith.addi %mul3A_0, %add3A_18 : i32
      "tpu.region"() ({
        %run_scoped3A = tpu.sem_alloc : memref<!tpu.dma_semaphore, #tpu.memory_space<semaphore_mem>>
        %dma_start3A = arith.constant 0 : i32
        %dma_start3A_21 = tpu.memref_slice %arg5[%add3A_20, %dma_start3A] : memref<6272x128xi32, #tpu.memory_space<vmem_shared>> -> memref<56x128xi32, #tpu.memory_space<vmem_shared>>
        %dma_start3A_22 = arith.constant 0 : i32
        %dma_start3A_23 = tpu.memref_slice %arg5[%add3A_20, %dma_start3A_22] : memref<6272x128xi32, #tpu.memory_space<vmem_shared>> -> memref<56x128xi32, #tpu.memory_space<vmem_shared>>
        tpu.enqueue_dma source(%arg6 : memref<56x128xi32, #tpu.memory_space<vmem>>) target(%dma_start3A_23 : memref<56x128xi32, #tpu.memory_space<vmem_shared>>) target_semaphore(%run_scoped3A : memref<!tpu.dma_semaphore, #tpu.memory_space<semaphore_mem>>)
        %dma_wait3A = arith.constant 0 : i32
        %dma_wait3A_24 = tpu.memref_slice %arg5[%add3A_20, %dma_wait3A] : memref<6272x128xi32, #tpu.memory_space<vmem_shared>> -> memref<56x128xi32, #tpu.memory_space<vmem_shared>>
        %dma_wait3A_25 = arith.constant 0 : i32
        %dma_wait3A_26 = tpu.memref_slice %arg5[%add3A_20, %dma_wait3A_25] : memref<6272x128xi32, #tpu.memory_space<vmem_shared>> -> memref<56x128xi32, #tpu.memory_space<vmem_shared>>
        tpu.wait_dma2 semaphore(%run_scoped3A : memref<!tpu.dma_semaphore, #tpu.memory_space<semaphore_mem>>) src(%arg6 : memref<56x128xi32, #tpu.memory_space<vmem>>) dst(%dma_wait3A_26 : memref<56x128xi32, #tpu.memory_space<vmem_shared>>)
        tpu.yield
      }) : () -> ()
    }
    %scan3A_4 = arith.constant 7 : i32
    %barrier3A = arith.constant 0 : index
    tpu.barrier barrier_id(%barrier3A)
    %mul3A_5 = arith.constant 2 : i32
    %mul3A_6 = arith.muli %arg1, %mul3A_5 : i32
    %add3A = arith.addi %mul3A_6, %arg0 : i32
    %mul3A_7 = arith.constant 2048 : i32
    %mul3A_8 = arith.muli %add3A, %mul3A_7 : i32
    %scan3A_9 = arith.constant 0 : i32
    %scan3A_10 = arith.constant 4 : i32
    %scan3A_11 = arith.addi %scan3A_9, %scan3A_10 : i32
    %scan3A_12 = arith.constant 1 : i32
    scf.for %scan3A_14 = %scan3A_9 to %scan3A_11 step %scan3A_12  : i32 {
      %mul3A_15 = arith.constant 512 : i32
      %mul3A_16 = arith.muli %scan3A_14, %mul3A_15 : i32
      %add3A_17 = arith.constant 0 : i32
      %add3A_18 = arith.addi %add3A_17, %mul3A_16 : i32
      %add3A_19 = arith.addi %mul3A_8, %add3A_18 : i32
      "tpu.region"() ({
        %run_scoped3A = tpu.sem_alloc : memref<!tpu.dma_semaphore, #tpu.memory_space<semaphore_mem>>
        %dma_start3A_25 = tpu.memref_slice %arg3[%add3A_19] : memref<65536xi32, #tpu.memory_space<hbm>> -> memref<512xi32, #tpu.memory_space<hbm>>
        %dma_start3A_26 = tpu.memref_slice %arg3[%add3A_19] : memref<65536xi32, #tpu.memory_space<hbm>> -> memref<512xi32, #tpu.memory_space<hbm>>
        tpu.enqueue_dma source(%dma_start3A_26 : memref<512xi32, #tpu.memory_space<hbm>>) target(%arg7 : memref<512xi32, #tpu.memory_space<vmem>>) target_semaphore(%run_scoped3A : memref<!tpu.dma_semaphore, #tpu.memory_space<semaphore_mem>>)
        %dma_wait3A_27 = tpu.memref_slice %arg3[%add3A_19] : memref<65536xi32, #tpu.memory_space<hbm>> -> memref<512xi32, #tpu.memory_space<hbm>>
        %dma_wait3A_28 = tpu.memref_slice %arg3[%add3A_19] : memref<65536xi32, #tpu.memory_space<hbm>> -> memref<512xi32, #tpu.memory_space<hbm>>
        tpu.wait_dma2 semaphore(%run_scoped3A : memref<!tpu.dma_semaphore, #tpu.memory_space<semaphore_mem>>) src(%dma_wait3A_28 : memref<512xi32, #tpu.memory_space<hbm>>) dst(%arg7 : memref<512xi32, #tpu.memory_space<vmem>>)
        tpu.yield
      }) : () -> ()
      %dma_start3A = arith.constant 0 : i32
      %dma_start3A_20 = arith.constant 0 : i32
      %dma_start3A_21 = tpu.memref_slice %arg5[%dma_start3A, %dma_start3A_20] : memref<6272x128xi32, #tpu.memory_space<vmem_shared>> -> memref<6272x128xi32, #tpu.memory_space<vmem_shared>>
      tpu.enqueue_indirect_dma source(%dma_start3A_21 : memref<6272x128xi32, #tpu.memory_space<vmem_shared>>) target(%arg8 : memref<512x128xi32, #tpu.memory_space<vmem>>) offsets(%arg7 : memref<512xi32, #tpu.memory_space<vmem>>) semaphore(%arg9 : memref<!tpu.dma_semaphore, #tpu.memory_space<semaphore_mem>>)
      %dma_wait3A = arith.constant 0 : i32
      %dma_wait3A_22 = arith.constant 0 : i32
      %dma_wait3A_23 = tpu.memref_slice %arg5[%dma_wait3A, %dma_wait3A_22] : memref<6272x128xi32, #tpu.memory_space<vmem_shared>> -> memref<6272x128xi32, #tpu.memory_space<vmem_shared>>
      tpu.wait_indirect_dma semaphore(%arg9 : memref<!tpu.dma_semaphore, #tpu.memory_space<semaphore_mem>>) src(%dma_wait3A_23 : memref<6272x128xi32, #tpu.memory_space<vmem_shared>>) dst(%arg8 : memref<512x128xi32, #tpu.memory_space<vmem>>)
      %add3A_24 = arith.addi %mul3A_8, %add3A_18 : i32
      "tpu.region"() ({
        %run_scoped3A = tpu.sem_alloc : memref<!tpu.dma_semaphore, #tpu.memory_space<semaphore_mem>>
        %dma_start3A_25 = arith.constant 0 : i32
        %dma_start3A_26 = tpu.memref_slice %arg4[%add3A_24, %dma_start3A_25] : memref<65536x128xi32, #tpu.memory_space<hbm>> -> memref<512x128xi32, #tpu.memory_space<hbm>>
        %dma_start3A_27 = arith.constant 0 : i32
        %dma_start3A_28 = tpu.memref_slice %arg4[%add3A_24, %dma_start3A_27] : memref<65536x128xi32, #tpu.memory_space<hbm>> -> memref<512x128xi32, #tpu.memory_space<hbm>>
        tpu.enqueue_dma source(%arg8 : memref<512x128xi32, #tpu.memory_space<vmem>>) target(%dma_start3A_28 : memref<512x128xi32, #tpu.memory_space<hbm>>) target_semaphore(%run_scoped3A : memref<!tpu.dma_semaphore, #tpu.memory_space<semaphore_mem>>)
        %dma_wait3A_29 = arith.constant 0 : i32
        %dma_wait3A_30 = tpu.memref_slice %arg4[%add3A_24, %dma_wait3A_29] : memref<65536x128xi32, #tpu.memory_space<hbm>> -> memref<512x128xi32, #tpu.memory_space<hbm>>
        %dma_wait3A_31 = arith.constant 0 : i32
        %dma_wait3A_32 = tpu.memref_slice %arg4[%add3A_24, %dma_wait3A_31] : memref<65536x128xi32, #tpu.memory_space<hbm>> -> memref<512x128xi32, #tpu.memory_space<hbm>>
        tpu.wait_dma2 semaphore(%run_scoped3A : memref<!tpu.dma_semaphore, #tpu.memory_space<semaphore_mem>>) src(%arg8 : memref<512x128xi32, #tpu.memory_space<vmem>>) dst(%dma_wait3A_32 : memref<512x128xi32, #tpu.memory_space<hbm>>)
        tpu.yield
      }) : () -> ()
    }
    %scan3A_13 = arith.constant 4 : i32
    return
  }
}

#map = affine_map<(d0, d1) -> (0, 0)>
#map1 = affine_map<(d0, d1) -> (0)>
module attributes {stable_mosaic.version = 14 : i64} {
  func.func @gather_kernel(%arg0: i32, %arg1: i32, %arg2: memref<6272x128xi32, #tpu.memory_space<hbm>>, %arg3: memref<65536xi32, #tpu.memory_space<hbm>>, %arg4: memref<65536x128xi32, #tpu.memory_space<hbm>>, %arg5: memref<6272x128xi32, #tpu.memory_space<vmem_shared>>, %arg6: memref<56x128xi32, #tpu.memory_space<vmem>>, %arg7: memref<512xi32, #tpu.memory_space<vmem>>, %arg8: memref<512x128xi32, #tpu.memory_space<vmem>>, %arg9: memref<!tpu.dma_semaphore, #tpu.memory_space<semaphore_mem>>) attributes {dimension_semantics = [#tpu.dimension_semantics<core_parallel>, #tpu.dimension_semantics<subcore_parallel>], iteration_bounds = array<i64: 2, 16>, scalar_prefetch = 0 : i64, scratch_operands = 5 : i64, tpu.core_type = #tpu.core_type<sc_vector_subcore>, window_params = [{transform_indices = #map}, {transform_indices = #map1}, {transform_indices = #map}]} {
    %mul3A = arith.constant 392 : i32
    %mul3A_0 = arith.muli %arg1, %mul3A : i32
    %scan3A = arith.constant 0 : i32
    %scan3A_1 = arith.constant 7 : i32
    %scan3A_2 = arith.addi %scan3A, %scan3A_1 : i32
    %scan3A_3 = arith.constant 1 : i32
    scf.for %scan3A_14 = %scan3A to %scan3A_2 step %scan3A_3  : i32 {
      %mul3A_15 = arith.constant 56 : i32
      %mul3A_16 = arith.muli %scan3A_14, %mul3A_15 : i32
      %add3A_17 = arith.constant 0 : i32
      %add3A_18 = arith.addi %add3A_17, %mul3A_16 : i32
      %add3A_19 = arith.addi %mul3A_0, %add3A_18 : i32
      "tpu.region"() ({
        %run_scoped3A = tpu.sem_alloc : memref<!tpu.dma_semaphore, #tpu.memory_space<semaphore_mem>>
        %dma_start3A = arith.constant 0 : i32
        %dma_start3A_21 = tpu.memref_slice %arg2[%add3A_19, %dma_start3A] : memref<6272x128xi32, #tpu.memory_space<hbm>> -> memref<56x128xi32, #tpu.memory_space<hbm>>
        %dma_start3A_22 = arith.constant 0 : i32
        %dma_start3A_23 = tpu.memref_slice %arg2[%add3A_19, %dma_start3A_22] : memref<6272x128xi32, #tpu.memory_space<hbm>> -> memref<56x128xi32, #tpu.memory_space<hbm>>
        tpu.enqueue_dma source(%dma_start3A_23 : memref<56x128xi32, #tpu.memory_space<hbm>>) target(%arg6 : memref<56x128xi32, #tpu.memory_space<vmem>>) target_semaphore(%run_scoped3A : memref<!tpu.dma_semaphore, #tpu.memory_space<semaphore_mem>>)
        %dma_wait3A = arith.constant 0 : i32
        %dma_wait3A_24 = tpu.memref_slice %arg2[%add3A_19, %dma_wait3A] : memref<6272x128xi32, #tpu.memory_space<hbm>> -> memref<56x128xi32, #tpu.memory_space<hbm>>
        %dma_wait3A_25 = arith.constant 0 : i32
        %dma_wait3A_26 = tpu.memref_slice %arg2[%add3A_19, %dma_wait3A_25] : memref<6272x128xi32, #tpu.memory_space<hbm>> -> memref<56x128xi32, #tpu.memory_space<hbm>>
        tpu.wait_dma2 semaphore(%run_scoped3A : memref<!tpu.dma_semaphore, #tpu.memory_space<semaphore_mem>>) src(%dma_wait3A_26 : memref<56x128xi32, #tpu.memory_space<hbm>>) dst(%arg6 : memref<56x128xi32, #tpu.memory_space<vmem>>)
        tpu.yield
      }) : () -> ()
      %add3A_20 = arith.addi %mul3A_0, %add3A_18 : i32
      "tpu.region"() ({
        %run_scoped3A = tpu.sem_alloc : memref<!tpu.dma_semaphore, #tpu.memory_space<semaphore_mem>>
        %dma_start3A = arith.constant 0 : i32
        %dma_start3A_21 = tpu.memref_slice %arg5[%add3A_20, %dma_start3A] : memref<6272x128xi32, #tpu.memory_space<vmem_shared>> -> memref<56x128xi32, #tpu.memory_space<vmem_shared>>
        %dma_start3A_22 = arith.constant 0 : i32
        %dma_start3A_23 = tpu.memref_slice %arg5[%add3A_20, %dma_start3A_22] : memref<6272x128xi32, #tpu.memory_space<vmem_shared>> -> memref<56x128xi32, #tpu.memory_space<vmem_shared>>
        tpu.enqueue_dma source(%arg6 : memref<56x128xi32, #tpu.memory_space<vmem>>) target(%dma_start3A_23 : memref<56x128xi32, #tpu.memory_space<vmem_shared>>) target_semaphore(%run_scoped3A : memref<!tpu.dma_semaphore, #tpu.memory_space<semaphore_mem>>)
        %dma_wait3A = arith.constant 0 : i32
        %dma_wait3A_24 = tpu.memref_slice %arg5[%add3A_20, %dma_wait3A] : memref<6272x128xi32, #tpu.memory_space<vmem_shared>> -> memref<56x128xi32, #tpu.memory_space<vmem_shared>>
        %dma_wait3A_25 = arith.constant 0 : i32
        %dma_wait3A_26 = tpu.memref_slice %arg5[%add3A_20, %dma_wait3A_25] : memref<6272x128xi32, #tpu.memory_space<vmem_shared>> -> memref<56x128xi32, #tpu.memory_space<vmem_shared>>
        tpu.wait_dma2 semaphore(%run_scoped3A : memref<!tpu.dma_semaphore, #tpu.memory_space<semaphore_mem>>) src(%arg6 : memref<56x128xi32, #tpu.memory_space<vmem>>) dst(%dma_wait3A_26 : memref<56x128xi32, #tpu.memory_space<vmem_shared>>)
        tpu.yield
      }) : () -> ()
    }
    %scan3A_4 = arith.constant 7 : i32
    %barrier3A = arith.constant 0 : index
    tpu.barrier barrier_id(%barrier3A)
    %mul3A_5 = arith.constant 2 : i32
    %mul3A_6 = arith.muli %arg1, %mul3A_5 : i32
    %add3A = arith.addi %mul3A_6, %arg0 : i32
    %mul3A_7 = arith.constant 2048 : i32
    %mul3A_8 = arith.muli %add3A, %mul3A_7 : i32
    %scan3A_9 = arith.constant 0 : i32
    %scan3A_10 = arith.constant 4 : i32
    %scan3A_11 = arith.addi %scan3A_9, %scan3A_10 : i32
    %scan3A_12 = arith.constant 1 : i32
    scf.for %scan3A_14 = %scan3A_9 to %scan3A_11 step %scan3A_12  : i32 {
      %mul3A_15 = arith.constant 512 : i32
      %mul3A_16 = arith.muli %scan3A_14, %mul3A_15 : i32
      %add3A_17 = arith.constant 0 : i32
      %add3A_18 = arith.addi %add3A_17, %mul3A_16 : i32
      %add3A_19 = arith.addi %mul3A_8, %add3A_18 : i32
      "tpu.region"() ({
        %run_scoped3A = tpu.sem_alloc : memref<!tpu.dma_semaphore, #tpu.memory_space<semaphore_mem>>
        %dma_start3A_25 = tpu.memref_slice %arg3[%add3A_19] : memref<65536xi32, #tpu.memory_space<hbm>> -> memref<512xi32, #tpu.memory_space<hbm>>
        %dma_start3A_26 = tpu.memref_slice %arg3[%add3A_19] : memref<65536xi32, #tpu.memory_space<hbm>> -> memref<512xi32, #tpu.memory_space<hbm>>
        tpu.enqueue_dma source(%dma_start3A_26 : memref<512xi32, #tpu.memory_space<hbm>>) target(%arg7 : memref<512xi32, #tpu.memory_space<vmem>>) target_semaphore(%run_scoped3A : memref<!tpu.dma_semaphore, #tpu.memory_space<semaphore_mem>>)
        %dma_wait3A_27 = tpu.memref_slice %arg3[%add3A_19] : memref<65536xi32, #tpu.memory_space<hbm>> -> memref<512xi32, #tpu.memory_space<hbm>>
        %dma_wait3A_28 = tpu.memref_slice %arg3[%add3A_19] : memref<65536xi32, #tpu.memory_space<hbm>> -> memref<512xi32, #tpu.memory_space<hbm>>
        tpu.wait_dma2 semaphore(%run_scoped3A : memref<!tpu.dma_semaphore, #tpu.memory_space<semaphore_mem>>) src(%dma_wait3A_28 : memref<512xi32, #tpu.memory_space<hbm>>) dst(%arg7 : memref<512xi32, #tpu.memory_space<vmem>>)
        tpu.yield
      }) : () -> ()
      %dma_start3A = arith.constant 0 : i32
      %dma_start3A_20 = arith.constant 0 : i32
      %dma_start3A_21 = tpu.memref_slice %arg5[%dma_start3A, %dma_start3A_20] : memref<6272x128xi32, #tpu.memory_space<vmem_shared>> -> memref<6272x128xi32, #tpu.memory_space<vmem_shared>>
      tpu.enqueue_indirect_dma source(%dma_start3A_21 : memref<6272x128xi32, #tpu.memory_space<vmem_shared>>) target(%arg8 : memref<512x128xi32, #tpu.memory_space<vmem>>) offsets(%arg7 : memref<512xi32, #tpu.memory_space<vmem>>) semaphore(%arg9 : memref<!tpu.dma_semaphore, #tpu.memory_space<semaphore_mem>>)
      %dma_wait3A = arith.constant 0 : i32
      %dma_wait3A_22 = arith.constant 0 : i32
      %dma_wait3A_23 = tpu.memref_slice %arg5[%dma_wait3A, %dma_wait3A_22] : memref<6272x128xi32, #tpu.memory_space<vmem_shared>> -> memref<6272x128xi32, #tpu.memory_space<vmem_shared>>
      tpu.wait_indirect_dma semaphore(%arg9 : memref<!tpu.dma_semaphore, #tpu.memory_space<semaphore_mem>>) src(%dma_wait3A_23 : memref<6272x128xi32, #tpu.memory_space<vmem_shared>>) dst(%arg8 : memref<512x128xi32, #tpu.memory_space<vmem>>)
      %add3A_24 = arith.addi %mul3A_8, %add3A_18 : i32
      "tpu.region"() ({
        %run_scoped3A = tpu.sem_alloc : memref<!tpu.dma_semaphore, #tpu.memory_space<semaphore_mem>>
        %dma_start3A_25 = arith.constant 0 : i32
        %dma_start3A_26 = tpu.memref_slice %arg4[%add3A_24, %dma_start3A_25] : memref<65536x128xi32, #tpu.memory_space<hbm>> -> memref<512x128xi32, #tpu.memory_space<hbm>>
        %dma_start3A_27 = arith.constant 0 : i32
        %dma_start3A_28 = tpu.memref_slice %arg4[%add3A_24, %dma_start3A_27] : memref<65536x128xi32, #tpu.memory_space<hbm>> -> memref<512x128xi32, #tpu.memory_space<hbm>>
        tpu.enqueue_dma source(%arg8 : memref<512x128xi32, #tpu.memory_space<vmem>>) target(%dma_start3A_28 : memref<512x128xi32, #tpu.memory_space<hbm>>) target_semaphore(%run_scoped3A : memref<!tpu.dma_semaphore, #tpu.memory_space<semaphore_mem>>)
        %dma_wait3A_29 = arith.constant 0 : i32
        %dma_wait3A_30 = tpu.memref_slice %arg4[%add3A_24, %dma_wait3A_29] : memref<65536x128xi32, #tpu.memory_space<hbm>> -> memref<512x128xi32, #tpu.memory_space<hbm>>
        %dma_wait3A_31 = arith.constant 0 : i32
        %dma_wait3A_32 = tpu.memref_slice %arg4[%add3A_24, %dma_wait3A_31] : memref<65536x128xi32, #tpu.memory_space<hbm>> -> memref<512x128xi32, #tpu.memory_space<hbm>>
        tpu.wait_dma2 semaphore(%run_scoped3A : memref<!tpu.dma_semaphore, #tpu.memory_space<semaphore_mem>>) src(%arg8 : memref<512x128xi32, #tpu.memory_space<vmem>>) dst(%dma_wait3A_32 : memref<512x128xi32, #tpu.memory_space<hbm>>)
        tpu.yield
      }) : () -> ()
    }
    %scan3A_13 = arith.constant 4 : i32
    return
  }
}

#map = affine_map<(d0, d1) -> (0, 0)>
#map1 = affine_map<(d0, d1) -> (0)>
module attributes {stable_mosaic.version = 14 : i64} {
  func.func @gather_kernel(%arg0: i32, %arg1: i32, %arg2: memref<6272x128xi32, #tpu.memory_space<hbm>>, %arg3: memref<65536xi32, #tpu.memory_space<hbm>>, %arg4: memref<65536x128xi32, #tpu.memory_space<hbm>>, %arg5: memref<6272x128xi32, #tpu.memory_space<vmem_shared>>, %arg6: memref<56x128xi32, #tpu.memory_space<vmem>>, %arg7: memref<512xi32, #tpu.memory_space<vmem>>, %arg8: memref<512x128xi32, #tpu.memory_space<vmem>>, %arg9: memref<!tpu.dma_semaphore, #tpu.memory_space<semaphore_mem>>) attributes {dimension_semantics = [#tpu.dimension_semantics<core_parallel>, #tpu.dimension_semantics<subcore_parallel>], iteration_bounds = array<i64: 2, 16>, scalar_prefetch = 0 : i64, scratch_operands = 5 : i64, tpu.core_type = #tpu.core_type<sc_vector_subcore>, window_params = [{transform_indices = #map}, {transform_indices = #map1}, {transform_indices = #map}]} {
    %mul3A = arith.constant 392 : i32
    %mul3A_0 = arith.muli %arg1, %mul3A : i32
    %scan3A = arith.constant 0 : i32
    %scan3A_1 = arith.constant 7 : i32
    %scan3A_2 = arith.addi %scan3A, %scan3A_1 : i32
    %scan3A_3 = arith.constant 1 : i32
    scf.for %scan3A_14 = %scan3A to %scan3A_2 step %scan3A_3  : i32 {
      %mul3A_15 = arith.constant 56 : i32
      %mul3A_16 = arith.muli %scan3A_14, %mul3A_15 : i32
      %add3A_17 = arith.constant 0 : i32
      %add3A_18 = arith.addi %add3A_17, %mul3A_16 : i32
      %add3A_19 = arith.addi %mul3A_0, %add3A_18 : i32
      "tpu.region"() ({
        %run_scoped3A = tpu.sem_alloc : memref<!tpu.dma_semaphore, #tpu.memory_space<semaphore_mem>>
        %dma_start3A = arith.constant 0 : i32
        %dma_start3A_21 = tpu.memref_slice %arg2[%add3A_19, %dma_start3A] : memref<6272x128xi32, #tpu.memory_space<hbm>> -> memref<56x128xi32, #tpu.memory_space<hbm>>
        %dma_start3A_22 = arith.constant 0 : i32
        %dma_start3A_23 = tpu.memref_slice %arg2[%add3A_19, %dma_start3A_22] : memref<6272x128xi32, #tpu.memory_space<hbm>> -> memref<56x128xi32, #tpu.memory_space<hbm>>
        tpu.enqueue_dma source(%dma_start3A_23 : memref<56x128xi32, #tpu.memory_space<hbm>>) target(%arg6 : memref<56x128xi32, #tpu.memory_space<vmem>>) target_semaphore(%run_scoped3A : memref<!tpu.dma_semaphore, #tpu.memory_space<semaphore_mem>>)
        %dma_wait3A = arith.constant 0 : i32
        %dma_wait3A_24 = tpu.memref_slice %arg2[%add3A_19, %dma_wait3A] : memref<6272x128xi32, #tpu.memory_space<hbm>> -> memref<56x128xi32, #tpu.memory_space<hbm>>
        %dma_wait3A_25 = arith.constant 0 : i32
        %dma_wait3A_26 = tpu.memref_slice %arg2[%add3A_19, %dma_wait3A_25] : memref<6272x128xi32, #tpu.memory_space<hbm>> -> memref<56x128xi32, #tpu.memory_space<hbm>>
        tpu.wait_dma2 semaphore(%run_scoped3A : memref<!tpu.dma_semaphore, #tpu.memory_space<semaphore_mem>>) src(%dma_wait3A_26 : memref<56x128xi32, #tpu.memory_space<hbm>>) dst(%arg6 : memref<56x128xi32, #tpu.memory_space<vmem>>)
        tpu.yield
      }) : () -> ()
      %add3A_20 = arith.addi %mul3A_0, %add3A_18 : i32
      "tpu.region"() ({
        %run_scoped3A = tpu.sem_alloc : memref<!tpu.dma_semaphore, #tpu.memory_space<semaphore_mem>>
        %dma_start3A = arith.constant 0 : i32
        %dma_start3A_21 = tpu.memref_slice %arg5[%add3A_20, %dma_start3A] : memref<6272x128xi32, #tpu.memory_space<vmem_shared>> -> memref<56x128xi32, #tpu.memory_space<vmem_shared>>
        %dma_start3A_22 = arith.constant 0 : i32
        %dma_start3A_23 = tpu.memref_slice %arg5[%add3A_20, %dma_start3A_22] : memref<6272x128xi32, #tpu.memory_space<vmem_shared>> -> memref<56x128xi32, #tpu.memory_space<vmem_shared>>
        tpu.enqueue_dma source(%arg6 : memref<56x128xi32, #tpu.memory_space<vmem>>) target(%dma_start3A_23 : memref<56x128xi32, #tpu.memory_space<vmem_shared>>) target_semaphore(%run_scoped3A : memref<!tpu.dma_semaphore, #tpu.memory_space<semaphore_mem>>)
        %dma_wait3A = arith.constant 0 : i32
        %dma_wait3A_24 = tpu.memref_slice %arg5[%add3A_20, %dma_wait3A] : memref<6272x128xi32, #tpu.memory_space<vmem_shared>> -> memref<56x128xi32, #tpu.memory_space<vmem_shared>>
        %dma_wait3A_25 = arith.constant 0 : i32
        %dma_wait3A_26 = tpu.memref_slice %arg5[%add3A_20, %dma_wait3A_25] : memref<6272x128xi32, #tpu.memory_space<vmem_shared>> -> memref<56x128xi32, #tpu.memory_space<vmem_shared>>
        tpu.wait_dma2 semaphore(%run_scoped3A : memref<!tpu.dma_semaphore, #tpu.memory_space<semaphore_mem>>) src(%arg6 : memref<56x128xi32, #tpu.memory_space<vmem>>) dst(%dma_wait3A_26 : memref<56x128xi32, #tpu.memory_space<vmem_shared>>)
        tpu.yield
      }) : () -> ()
    }
    %scan3A_4 = arith.constant 7 : i32
    %barrier3A = arith.constant 0 : index
    tpu.barrier barrier_id(%barrier3A)
    %mul3A_5 = arith.constant 2 : i32
    %mul3A_6 = arith.muli %arg1, %mul3A_5 : i32
    %add3A = arith.addi %mul3A_6, %arg0 : i32
    %mul3A_7 = arith.constant 2048 : i32
    %mul3A_8 = arith.muli %add3A, %mul3A_7 : i32
    %scan3A_9 = arith.constant 0 : i32
    %scan3A_10 = arith.constant 4 : i32
    %scan3A_11 = arith.addi %scan3A_9, %scan3A_10 : i32
    %scan3A_12 = arith.constant 1 : i32
    scf.for %scan3A_14 = %scan3A_9 to %scan3A_11 step %scan3A_12  : i32 {
      %mul3A_15 = arith.constant 512 : i32
      %mul3A_16 = arith.muli %scan3A_14, %mul3A_15 : i32
      %add3A_17 = arith.constant 0 : i32
      %add3A_18 = arith.addi %add3A_17, %mul3A_16 : i32
      %add3A_19 = arith.addi %mul3A_8, %add3A_18 : i32
      "tpu.region"() ({
        %run_scoped3A = tpu.sem_alloc : memref<!tpu.dma_semaphore, #tpu.memory_space<semaphore_mem>>
        %dma_start3A_25 = tpu.memref_slice %arg3[%add3A_19] : memref<65536xi32, #tpu.memory_space<hbm>> -> memref<512xi32, #tpu.memory_space<hbm>>
        %dma_start3A_26 = tpu.memref_slice %arg3[%add3A_19] : memref<65536xi32, #tpu.memory_space<hbm>> -> memref<512xi32, #tpu.memory_space<hbm>>
        tpu.enqueue_dma source(%dma_start3A_26 : memref<512xi32, #tpu.memory_space<hbm>>) target(%arg7 : memref<512xi32, #tpu.memory_space<vmem>>) target_semaphore(%run_scoped3A : memref<!tpu.dma_semaphore, #tpu.memory_space<semaphore_mem>>)
        %dma_wait3A_27 = tpu.memref_slice %arg3[%add3A_19] : memref<65536xi32, #tpu.memory_space<hbm>> -> memref<512xi32, #tpu.memory_space<hbm>>
        %dma_wait3A_28 = tpu.memref_slice %arg3[%add3A_19] : memref<65536xi32, #tpu.memory_space<hbm>> -> memref<512xi32, #tpu.memory_space<hbm>>
        tpu.wait_dma2 semaphore(%run_scoped3A : memref<!tpu.dma_semaphore, #tpu.memory_space<semaphore_mem>>) src(%dma_wait3A_28 : memref<512xi32, #tpu.memory_space<hbm>>) dst(%arg7 : memref<512xi32, #tpu.memory_space<vmem>>)
        tpu.yield
      }) : () -> ()
      %dma_start3A = arith.constant 0 : i32
      %dma_start3A_20 = arith.constant 0 : i32
      %dma_start3A_21 = tpu.memref_slice %arg5[%dma_start3A, %dma_start3A_20] : memref<6272x128xi32, #tpu.memory_space<vmem_shared>> -> memref<6272x128xi32, #tpu.memory_space<vmem_shared>>
      tpu.enqueue_indirect_dma source(%dma_start3A_21 : memref<6272x128xi32, #tpu.memory_space<vmem_shared>>) target(%arg8 : memref<512x128xi32, #tpu.memory_space<vmem>>) offsets(%arg7 : memref<512xi32, #tpu.memory_space<vmem>>) semaphore(%arg9 : memref<!tpu.dma_semaphore, #tpu.memory_space<semaphore_mem>>)
      %dma_wait3A = arith.constant 0 : i32
      %dma_wait3A_22 = arith.constant 0 : i32
      %dma_wait3A_23 = tpu.memref_slice %arg5[%dma_wait3A, %dma_wait3A_22] : memref<6272x128xi32, #tpu.memory_space<vmem_shared>> -> memref<6272x128xi32, #tpu.memory_space<vmem_shared>>
      tpu.wait_indirect_dma semaphore(%arg9 : memref<!tpu.dma_semaphore, #tpu.memory_space<semaphore_mem>>) src(%dma_wait3A_23 : memref<6272x128xi32, #tpu.memory_space<vmem_shared>>) dst(%arg8 : memref<512x128xi32, #tpu.memory_space<vmem>>)
      %add3A_24 = arith.addi %mul3A_8, %add3A_18 : i32
      "tpu.region"() ({
        %run_scoped3A = tpu.sem_alloc : memref<!tpu.dma_semaphore, #tpu.memory_space<semaphore_mem>>
        %dma_start3A_25 = arith.constant 0 : i32
        %dma_start3A_26 = tpu.memref_slice %arg4[%add3A_24, %dma_start3A_25] : memref<65536x128xi32, #tpu.memory_space<hbm>> -> memref<512x128xi32, #tpu.memory_space<hbm>>
        %dma_start3A_27 = arith.constant 0 : i32
        %dma_start3A_28 = tpu.memref_slice %arg4[%add3A_24, %dma_start3A_27] : memref<65536x128xi32, #tpu.memory_space<hbm>> -> memref<512x128xi32, #tpu.memory_space<hbm>>
        tpu.enqueue_dma source(%arg8 : memref<512x128xi32, #tpu.memory_space<vmem>>) target(%dma_start3A_28 : memref<512x128xi32, #tpu.memory_space<hbm>>) target_semaphore(%run_scoped3A : memref<!tpu.dma_semaphore, #tpu.memory_space<semaphore_mem>>)
        %dma_wait3A_29 = arith.constant 0 : i32
        %dma_wait3A_30 = tpu.memref_slice %arg4[%add3A_24, %dma_wait3A_29] : memref<65536x128xi32, #tpu.memory_space<hbm>> -> memref<512x128xi32, #tpu.memory_space<hbm>>
        %dma_wait3A_31 = arith.constant 0 : i32
        %dma_wait3A_32 = tpu.memref_slice %arg4[%add3A_24, %dma_wait3A_31] : memref<65536x128xi32, #tpu.memory_space<hbm>> -> memref<512x128xi32, #tpu.memory_space<hbm>>
        tpu.wait_dma2 semaphore(%run_scoped3A : memref<!tpu.dma_semaphore, #tpu.memory_space<semaphore_mem>>) src(%arg8 : memref<512x128xi32, #tpu.memory_space<vmem>>) dst(%dma_wait3A_32 : memref<512x128xi32, #tpu.memory_space<hbm>>)
        tpu.yield
      }) : () -> ()
    }
    %scan3A_13 = arith.constant 4 : i32
    return
  }
}

#map = affine_map<(d0, d1) -> (0, 0)>
#map1 = affine_map<(d0, d1) -> (0)>
module attributes {stable_mosaic.version = 14 : i64} {
  func.func @gather_kernel(%arg0: i32, %arg1: i32, %arg2: memref<6272x128xi32, #tpu.memory_space<hbm>>, %arg3: memref<65536xi32, #tpu.memory_space<hbm>>, %arg4: memref<65536x128xi32, #tpu.memory_space<hbm>>, %arg5: memref<6272x128xi32, #tpu.memory_space<vmem_shared>>, %arg6: memref<56x128xi32, #tpu.memory_space<vmem>>, %arg7: memref<512xi32, #tpu.memory_space<vmem>>, %arg8: memref<512x128xi32, #tpu.memory_space<vmem>>, %arg9: memref<!tpu.dma_semaphore, #tpu.memory_space<semaphore_mem>>) attributes {dimension_semantics = [#tpu.dimension_semantics<core_parallel>, #tpu.dimension_semantics<subcore_parallel>], iteration_bounds = array<i64: 2, 16>, scalar_prefetch = 0 : i64, scratch_operands = 5 : i64, tpu.core_type = #tpu.core_type<sc_vector_subcore>, window_params = [{transform_indices = #map}, {transform_indices = #map1}, {transform_indices = #map}]} {
    %mul3A = arith.constant 392 : i32
    %mul3A_0 = arith.muli %arg1, %mul3A : i32
    %scan3A = arith.constant 0 : i32
    %scan3A_1 = arith.constant 7 : i32
    %scan3A_2 = arith.addi %scan3A, %scan3A_1 : i32
    %scan3A_3 = arith.constant 1 : i32
    scf.for %scan3A_14 = %scan3A to %scan3A_2 step %scan3A_3  : i32 {
      %mul3A_15 = arith.constant 56 : i32
      %mul3A_16 = arith.muli %scan3A_14, %mul3A_15 : i32
      %add3A_17 = arith.constant 0 : i32
      %add3A_18 = arith.addi %add3A_17, %mul3A_16 : i32
      %add3A_19 = arith.addi %mul3A_0, %add3A_18 : i32
      "tpu.region"() ({
        %run_scoped3A = tpu.sem_alloc : memref<!tpu.dma_semaphore, #tpu.memory_space<semaphore_mem>>
        %dma_start3A = arith.constant 0 : i32
        %dma_start3A_21 = tpu.memref_slice %arg2[%add3A_19, %dma_start3A] : memref<6272x128xi32, #tpu.memory_space<hbm>> -> memref<56x128xi32, #tpu.memory_space<hbm>>
        %dma_start3A_22 = arith.constant 0 : i32
        %dma_start3A_23 = tpu.memref_slice %arg2[%add3A_19, %dma_start3A_22] : memref<6272x128xi32, #tpu.memory_space<hbm>> -> memref<56x128xi32, #tpu.memory_space<hbm>>
        tpu.enqueue_dma source(%dma_start3A_23 : memref<56x128xi32, #tpu.memory_space<hbm>>) target(%arg6 : memref<56x128xi32, #tpu.memory_space<vmem>>) target_semaphore(%run_scoped3A : memref<!tpu.dma_semaphore, #tpu.memory_space<semaphore_mem>>)
        %dma_wait3A = arith.constant 0 : i32
        %dma_wait3A_24 = tpu.memref_slice %arg2[%add3A_19, %dma_wait3A] : memref<6272x128xi32, #tpu.memory_space<hbm>> -> memref<56x128xi32, #tpu.memory_space<hbm>>
        %dma_wait3A_25 = arith.constant 0 : i32
        %dma_wait3A_26 = tpu.memref_slice %arg2[%add3A_19, %dma_wait3A_25] : memref<6272x128xi32, #tpu.memory_space<hbm>> -> memref<56x128xi32, #tpu.memory_space<hbm>>
        tpu.wait_dma2 semaphore(%run_scoped3A : memref<!tpu.dma_semaphore, #tpu.memory_space<semaphore_mem>>) src(%dma_wait3A_26 : memref<56x128xi32, #tpu.memory_space<hbm>>) dst(%arg6 : memref<56x128xi32, #tpu.memory_space<vmem>>)
        tpu.yield
      }) : () -> ()
      %add3A_20 = arith.addi %mul3A_0, %add3A_18 : i32
      "tpu.region"() ({
        %run_scoped3A = tpu.sem_alloc : memref<!tpu.dma_semaphore, #tpu.memory_space<semaphore_mem>>
        %dma_start3A = arith.constant 0 : i32
        %dma_start3A_21 = tpu.memref_slice %arg5[%add3A_20, %dma_start3A] : memref<6272x128xi32, #tpu.memory_space<vmem_shared>> -> memref<56x128xi32, #tpu.memory_space<vmem_shared>>
        %dma_start3A_22 = arith.constant 0 : i32
        %dma_start3A_23 = tpu.memref_slice %arg5[%add3A_20, %dma_start3A_22] : memref<6272x128xi32, #tpu.memory_space<vmem_shared>> -> memref<56x128xi32, #tpu.memory_space<vmem_shared>>
        tpu.enqueue_dma source(%arg6 : memref<56x128xi32, #tpu.memory_space<vmem>>) target(%dma_start3A_23 : memref<56x128xi32, #tpu.memory_space<vmem_shared>>) target_semaphore(%run_scoped3A : memref<!tpu.dma_semaphore, #tpu.memory_space<semaphore_mem>>)
        %dma_wait3A = arith.constant 0 : i32
        %dma_wait3A_24 = tpu.memref_slice %arg5[%add3A_20, %dma_wait3A] : memref<6272x128xi32, #tpu.memory_space<vmem_shared>> -> memref<56x128xi32, #tpu.memory_space<vmem_shared>>
        %dma_wait3A_25 = arith.constant 0 : i32
        %dma_wait3A_26 = tpu.memref_slice %arg5[%add3A_20, %dma_wait3A_25] : memref<6272x128xi32, #tpu.memory_space<vmem_shared>> -> memref<56x128xi32, #tpu.memory_space<vmem_shared>>
        tpu.wait_dma2 semaphore(%run_scoped3A : memref<!tpu.dma_semaphore, #tpu.memory_space<semaphore_mem>>) src(%arg6 : memref<56x128xi32, #tpu.memory_space<vmem>>) dst(%dma_wait3A_26 : memref<56x128xi32, #tpu.memory_space<vmem_shared>>)
        tpu.yield
      }) : () -> ()
    }
    %scan3A_4 = arith.constant 7 : i32
    %barrier3A = arith.constant 0 : index
    tpu.barrier barrier_id(%barrier3A)
    %mul3A_5 = arith.constant 2 : i32
    %mul3A_6 = arith.muli %arg1, %mul3A_5 : i32
    %add3A = arith.addi %mul3A_6, %arg0 : i32
    %mul3A_7 = arith.constant 2048 : i32
    %mul3A_8 = arith.muli %add3A, %mul3A_7 : i32
    %scan3A_9 = arith.constant 0 : i32
    %scan3A_10 = arith.constant 4 : i32
    %scan3A_11 = arith.addi %scan3A_9, %scan3A_10 : i32
    %scan3A_12 = arith.constant 1 : i32
    scf.for %scan3A_14 = %scan3A_9 to %scan3A_11 step %scan3A_12  : i32 {
      %mul3A_15 = arith.constant 512 : i32
      %mul3A_16 = arith.muli %scan3A_14, %mul3A_15 : i32
      %add3A_17 = arith.constant 0 : i32
      %add3A_18 = arith.addi %add3A_17, %mul3A_16 : i32
      %add3A_19 = arith.addi %mul3A_8, %add3A_18 : i32
      "tpu.region"() ({
        %run_scoped3A = tpu.sem_alloc : memref<!tpu.dma_semaphore, #tpu.memory_space<semaphore_mem>>
        %dma_start3A_25 = tpu.memref_slice %arg3[%add3A_19] : memref<65536xi32, #tpu.memory_space<hbm>> -> memref<512xi32, #tpu.memory_space<hbm>>
        %dma_start3A_26 = tpu.memref_slice %arg3[%add3A_19] : memref<65536xi32, #tpu.memory_space<hbm>> -> memref<512xi32, #tpu.memory_space<hbm>>
        tpu.enqueue_dma source(%dma_start3A_26 : memref<512xi32, #tpu.memory_space<hbm>>) target(%arg7 : memref<512xi32, #tpu.memory_space<vmem>>) target_semaphore(%run_scoped3A : memref<!tpu.dma_semaphore, #tpu.memory_space<semaphore_mem>>)
        %dma_wait3A_27 = tpu.memref_slice %arg3[%add3A_19] : memref<65536xi32, #tpu.memory_space<hbm>> -> memref<512xi32, #tpu.memory_space<hbm>>
        %dma_wait3A_28 = tpu.memref_slice %arg3[%add3A_19] : memref<65536xi32, #tpu.memory_space<hbm>> -> memref<512xi32, #tpu.memory_space<hbm>>
        tpu.wait_dma2 semaphore(%run_scoped3A : memref<!tpu.dma_semaphore, #tpu.memory_space<semaphore_mem>>) src(%dma_wait3A_28 : memref<512xi32, #tpu.memory_space<hbm>>) dst(%arg7 : memref<512xi32, #tpu.memory_space<vmem>>)
        tpu.yield
      }) : () -> ()
      %dma_start3A = arith.constant 0 : i32
      %dma_start3A_20 = arith.constant 0 : i32
      %dma_start3A_21 = tpu.memref_slice %arg5[%dma_start3A, %dma_start3A_20] : memref<6272x128xi32, #tpu.memory_space<vmem_shared>> -> memref<6272x128xi32, #tpu.memory_space<vmem_shared>>
      tpu.enqueue_indirect_dma source(%dma_start3A_21 : memref<6272x128xi32, #tpu.memory_space<vmem_shared>>) target(%arg8 : memref<512x128xi32, #tpu.memory_space<vmem>>) offsets(%arg7 : memref<512xi32, #tpu.memory_space<vmem>>) semaphore(%arg9 : memref<!tpu.dma_semaphore, #tpu.memory_space<semaphore_mem>>)
      %dma_wait3A = arith.constant 0 : i32
      %dma_wait3A_22 = arith.constant 0 : i32
      %dma_wait3A_23 = tpu.memref_slice %arg5[%dma_wait3A, %dma_wait3A_22] : memref<6272x128xi32, #tpu.memory_space<vmem_shared>> -> memref<6272x128xi32, #tpu.memory_space<vmem_shared>>
      tpu.wait_indirect_dma semaphore(%arg9 : memref<!tpu.dma_semaphore, #tpu.memory_space<semaphore_mem>>) src(%dma_wait3A_23 : memref<6272x128xi32, #tpu.memory_space<vmem_shared>>) dst(%arg8 : memref<512x128xi32, #tpu.memory_space<vmem>>)
      %add3A_24 = arith.addi %mul3A_8, %add3A_18 : i32
      "tpu.region"() ({
        %run_scoped3A = tpu.sem_alloc : memref<!tpu.dma_semaphore, #tpu.memory_space<semaphore_mem>>
        %dma_start3A_25 = arith.constant 0 : i32
        %dma_start3A_26 = tpu.memref_slice %arg4[%add3A_24, %dma_start3A_25] : memref<65536x128xi32, #tpu.memory_space<hbm>> -> memref<512x128xi32, #tpu.memory_space<hbm>>
        %dma_start3A_27 = arith.constant 0 : i32
        %dma_start3A_28 = tpu.memref_slice %arg4[%add3A_24, %dma_start3A_27] : memref<65536x128xi32, #tpu.memory_space<hbm>> -> memref<512x128xi32, #tpu.memory_space<hbm>>
        tpu.enqueue_dma source(%arg8 : memref<512x128xi32, #tpu.memory_space<vmem>>) target(%dma_start3A_28 : memref<512x128xi32, #tpu.memory_space<hbm>>) target_semaphore(%run_scoped3A : memref<!tpu.dma_semaphore, #tpu.memory_space<semaphore_mem>>)
        %dma_wait3A_29 = arith.constant 0 : i32
        %dma_wait3A_30 = tpu.memref_slice %arg4[%add3A_24, %dma_wait3A_29] : memref<65536x128xi32, #tpu.memory_space<hbm>> -> memref<512x128xi32, #tpu.memory_space<hbm>>
        %dma_wait3A_31 = arith.constant 0 : i32
        %dma_wait3A_32 = tpu.memref_slice %arg4[%add3A_24, %dma_wait3A_31] : memref<65536x128xi32, #tpu.memory_space<hbm>> -> memref<512x128xi32, #tpu.memory_space<hbm>>
        tpu.wait_dma2 semaphore(%run_scoped3A : memref<!tpu.dma_semaphore, #tpu.memory_space<semaphore_mem>>) src(%arg8 : memref<512x128xi32, #tpu.memory_space<vmem>>) dst(%dma_wait3A_32 : memref<512x128xi32, #tpu.memory_space<hbm>>)
        tpu.yield
      }) : () -> ()
    }
    %scan3A_13 = arith.constant 4 : i32
    return
  }
}

#map = affine_map<(d0, d1) -> (0, 0)>
#map1 = affine_map<(d0, d1) -> (0)>
module attributes {stable_mosaic.version = 14 : i64} {
  func.func @gather_kernel(%arg0: i32, %arg1: i32, %arg2: memref<6272x128xi32, #tpu.memory_space<hbm>>, %arg3: memref<65536xi32, #tpu.memory_space<hbm>>, %arg4: memref<65536x128xi32, #tpu.memory_space<hbm>>, %arg5: memref<6272x128xi32, #tpu.memory_space<vmem_shared>>, %arg6: memref<56x128xi32, #tpu.memory_space<vmem>>, %arg7: memref<512xi32, #tpu.memory_space<vmem>>, %arg8: memref<512x128xi32, #tpu.memory_space<vmem>>, %arg9: memref<!tpu.dma_semaphore, #tpu.memory_space<semaphore_mem>>) attributes {dimension_semantics = [#tpu.dimension_semantics<core_parallel>, #tpu.dimension_semantics<subcore_parallel>], iteration_bounds = array<i64: 2, 16>, scalar_prefetch = 0 : i64, scratch_operands = 5 : i64, tpu.core_type = #tpu.core_type<sc_vector_subcore>, window_params = [{transform_indices = #map}, {transform_indices = #map1}, {transform_indices = #map}]} {
    %mul3A = arith.constant 392 : i32
    %mul3A_0 = arith.muli %arg1, %mul3A : i32
    %scan3A = arith.constant 0 : i32
    %scan3A_1 = arith.constant 7 : i32
    %scan3A_2 = arith.addi %scan3A, %scan3A_1 : i32
    %scan3A_3 = arith.constant 1 : i32
    scf.for %scan3A_14 = %scan3A to %scan3A_2 step %scan3A_3  : i32 {
      %mul3A_15 = arith.constant 56 : i32
      %mul3A_16 = arith.muli %scan3A_14, %mul3A_15 : i32
      %add3A_17 = arith.constant 0 : i32
      %add3A_18 = arith.addi %add3A_17, %mul3A_16 : i32
      %add3A_19 = arith.addi %mul3A_0, %add3A_18 : i32
      "tpu.region"() ({
        %run_scoped3A = tpu.sem_alloc : memref<!tpu.dma_semaphore, #tpu.memory_space<semaphore_mem>>
        %dma_start3A = arith.constant 0 : i32
        %dma_start3A_21 = tpu.memref_slice %arg2[%add3A_19, %dma_start3A] : memref<6272x128xi32, #tpu.memory_space<hbm>> -> memref<56x128xi32, #tpu.memory_space<hbm>>
        %dma_start3A_22 = arith.constant 0 : i32
        %dma_start3A_23 = tpu.memref_slice %arg2[%add3A_19, %dma_start3A_22] : memref<6272x128xi32, #tpu.memory_space<hbm>> -> memref<56x128xi32, #tpu.memory_space<hbm>>
        tpu.enqueue_dma source(%dma_start3A_23 : memref<56x128xi32, #tpu.memory_space<hbm>>) target(%arg6 : memref<56x128xi32, #tpu.memory_space<vmem>>) target_semaphore(%run_scoped3A : memref<!tpu.dma_semaphore, #tpu.memory_space<semaphore_mem>>)
        %dma_wait3A = arith.constant 0 : i32
        %dma_wait3A_24 = tpu.memref_slice %arg2[%add3A_19, %dma_wait3A] : memref<6272x128xi32, #tpu.memory_space<hbm>> -> memref<56x128xi32, #tpu.memory_space<hbm>>
        %dma_wait3A_25 = arith.constant 0 : i32
        %dma_wait3A_26 = tpu.memref_slice %arg2[%add3A_19, %dma_wait3A_25] : memref<6272x128xi32, #tpu.memory_space<hbm>> -> memref<56x128xi32, #tpu.memory_space<hbm>>
        tpu.wait_dma2 semaphore(%run_scoped3A : memref<!tpu.dma_semaphore, #tpu.memory_space<semaphore_mem>>) src(%dma_wait3A_26 : memref<56x128xi32, #tpu.memory_space<hbm>>) dst(%arg6 : memref<56x128xi32, #tpu.memory_space<vmem>>)
        tpu.yield
      }) : () -> ()
      %add3A_20 = arith.addi %mul3A_0, %add3A_18 : i32
      "tpu.region"() ({
        %run_scoped3A = tpu.sem_alloc : memref<!tpu.dma_semaphore, #tpu.memory_space<semaphore_mem>>
        %dma_start3A = arith.constant 0 : i32
        %dma_start3A_21 = tpu.memref_slice %arg5[%add3A_20, %dma_start3A] : memref<6272x128xi32, #tpu.memory_space<vmem_shared>> -> memref<56x128xi32, #tpu.memory_space<vmem_shared>>
        %dma_start3A_22 = arith.constant 0 : i32
        %dma_start3A_23 = tpu.memref_slice %arg5[%add3A_20, %dma_start3A_22] : memref<6272x128xi32, #tpu.memory_space<vmem_shared>> -> memref<56x128xi32, #tpu.memory_space<vmem_shared>>
        tpu.enqueue_dma source(%arg6 : memref<56x128xi32, #tpu.memory_space<vmem>>) target(%dma_start3A_23 : memref<56x128xi32, #tpu.memory_space<vmem_shared>>) target_semaphore(%run_scoped3A : memref<!tpu.dma_semaphore, #tpu.memory_space<semaphore_mem>>)
        %dma_wait3A = arith.constant 0 : i32
        %dma_wait3A_24 = tpu.memref_slice %arg5[%add3A_20, %dma_wait3A] : memref<6272x128xi32, #tpu.memory_space<vmem_shared>> -> memref<56x128xi32, #tpu.memory_space<vmem_shared>>
        %dma_wait3A_25 = arith.constant 0 : i32
        %dma_wait3A_26 = tpu.memref_slice %arg5[%add3A_20, %dma_wait3A_25] : memref<6272x128xi32, #tpu.memory_space<vmem_shared>> -> memref<56x128xi32, #tpu.memory_space<vmem_shared>>
        tpu.wait_dma2 semaphore(%run_scoped3A : memref<!tpu.dma_semaphore, #tpu.memory_space<semaphore_mem>>) src(%arg6 : memref<56x128xi32, #tpu.memory_space<vmem>>) dst(%dma_wait3A_26 : memref<56x128xi32, #tpu.memory_space<vmem_shared>>)
        tpu.yield
      }) : () -> ()
    }
    %scan3A_4 = arith.constant 7 : i32
    %barrier3A = arith.constant 0 : index
    tpu.barrier barrier_id(%barrier3A)
    %mul3A_5 = arith.constant 2 : i32
    %mul3A_6 = arith.muli %arg1, %mul3A_5 : i32
    %add3A = arith.addi %mul3A_6, %arg0 : i32
    %mul3A_7 = arith.constant 2048 : i32
    %mul3A_8 = arith.muli %add3A, %mul3A_7 : i32
    %scan3A_9 = arith.constant 0 : i32
    %scan3A_10 = arith.constant 4 : i32
    %scan3A_11 = arith.addi %scan3A_9, %scan3A_10 : i32
    %scan3A_12 = arith.constant 1 : i32
    scf.for %scan3A_14 = %scan3A_9 to %scan3A_11 step %scan3A_12  : i32 {
      %mul3A_15 = arith.constant 512 : i32
      %mul3A_16 = arith.muli %scan3A_14, %mul3A_15 : i32
      %add3A_17 = arith.constant 0 : i32
      %add3A_18 = arith.addi %add3A_17, %mul3A_16 : i32
      %add3A_19 = arith.addi %mul3A_8, %add3A_18 : i32
      "tpu.region"() ({
        %run_scoped3A = tpu.sem_alloc : memref<!tpu.dma_semaphore, #tpu.memory_space<semaphore_mem>>
        %dma_start3A_25 = tpu.memref_slice %arg3[%add3A_19] : memref<65536xi32, #tpu.memory_space<hbm>> -> memref<512xi32, #tpu.memory_space<hbm>>
        %dma_start3A_26 = tpu.memref_slice %arg3[%add3A_19] : memref<65536xi32, #tpu.memory_space<hbm>> -> memref<512xi32, #tpu.memory_space<hbm>>
        tpu.enqueue_dma source(%dma_start3A_26 : memref<512xi32, #tpu.memory_space<hbm>>) target(%arg7 : memref<512xi32, #tpu.memory_space<vmem>>) target_semaphore(%run_scoped3A : memref<!tpu.dma_semaphore, #tpu.memory_space<semaphore_mem>>)
        %dma_wait3A_27 = tpu.memref_slice %arg3[%add3A_19] : memref<65536xi32, #tpu.memory_space<hbm>> -> memref<512xi32, #tpu.memory_space<hbm>>
        %dma_wait3A_28 = tpu.memref_slice %arg3[%add3A_19] : memref<65536xi32, #tpu.memory_space<hbm>> -> memref<512xi32, #tpu.memory_space<hbm>>
        tpu.wait_dma2 semaphore(%run_scoped3A : memref<!tpu.dma_semaphore, #tpu.memory_space<semaphore_mem>>) src(%dma_wait3A_28 : memref<512xi32, #tpu.memory_space<hbm>>) dst(%arg7 : memref<512xi32, #tpu.memory_space<vmem>>)
        tpu.yield
      }) : () -> ()
      %dma_start3A = arith.constant 0 : i32
      %dma_start3A_20 = arith.constant 0 : i32
      %dma_start3A_21 = tpu.memref_slice %arg5[%dma_start3A, %dma_start3A_20] : memref<6272x128xi32, #tpu.memory_space<vmem_shared>> -> memref<6272x128xi32, #tpu.memory_space<vmem_shared>>
      tpu.enqueue_indirect_dma source(%dma_start3A_21 : memref<6272x128xi32, #tpu.memory_space<vmem_shared>>) target(%arg8 : memref<512x128xi32, #tpu.memory_space<vmem>>) offsets(%arg7 : memref<512xi32, #tpu.memory_space<vmem>>) semaphore(%arg9 : memref<!tpu.dma_semaphore, #tpu.memory_space<semaphore_mem>>)
      %dma_wait3A = arith.constant 0 : i32
      %dma_wait3A_22 = arith.constant 0 : i32
      %dma_wait3A_23 = tpu.memref_slice %arg5[%dma_wait3A, %dma_wait3A_22] : memref<6272x128xi32, #tpu.memory_space<vmem_shared>> -> memref<6272x128xi32, #tpu.memory_space<vmem_shared>>
      tpu.wait_indirect_dma semaphore(%arg9 : memref<!tpu.dma_semaphore, #tpu.memory_space<semaphore_mem>>) src(%dma_wait3A_23 : memref<6272x128xi32, #tpu.memory_space<vmem_shared>>) dst(%arg8 : memref<512x128xi32, #tpu.memory_space<vmem>>)
      %add3A_24 = arith.addi %mul3A_8, %add3A_18 : i32
      "tpu.region"() ({
        %run_scoped3A = tpu.sem_alloc : memref<!tpu.dma_semaphore, #tpu.memory_space<semaphore_mem>>
        %dma_start3A_25 = arith.constant 0 : i32
        %dma_start3A_26 = tpu.memref_slice %arg4[%add3A_24, %dma_start3A_25] : memref<65536x128xi32, #tpu.memory_space<hbm>> -> memref<512x128xi32, #tpu.memory_space<hbm>>
        %dma_start3A_27 = arith.constant 0 : i32
        %dma_start3A_28 = tpu.memref_slice %arg4[%add3A_24, %dma_start3A_27] : memref<65536x128xi32, #tpu.memory_space<hbm>> -> memref<512x128xi32, #tpu.memory_space<hbm>>
        tpu.enqueue_dma source(%arg8 : memref<512x128xi32, #tpu.memory_space<vmem>>) target(%dma_start3A_28 : memref<512x128xi32, #tpu.memory_space<hbm>>) target_semaphore(%run_scoped3A : memref<!tpu.dma_semaphore, #tpu.memory_space<semaphore_mem>>)
        %dma_wait3A_29 = arith.constant 0 : i32
        %dma_wait3A_30 = tpu.memref_slice %arg4[%add3A_24, %dma_wait3A_29] : memref<65536x128xi32, #tpu.memory_space<hbm>> -> memref<512x128xi32, #tpu.memory_space<hbm>>
        %dma_wait3A_31 = arith.constant 0 : i32
        %dma_wait3A_32 = tpu.memref_slice %arg4[%add3A_24, %dma_wait3A_31] : memref<65536x128xi32, #tpu.memory_space<hbm>> -> memref<512x128xi32, #tpu.memory_space<hbm>>
        tpu.wait_dma2 semaphore(%run_scoped3A : memref<!tpu.dma_semaphore, #tpu.memory_space<semaphore_mem>>) src(%arg8 : memref<512x128xi32, #tpu.memory_space<vmem>>) dst(%dma_wait3A_32 : memref<512x128xi32, #tpu.memory_space<hbm>>)
        tpu.yield
      }) : () -> ()
    }
    %scan3A_13 = arith.constant 4 : i32
    return
  }
}

#map = affine_map<(d0, d1) -> (0, 0)>
#map1 = affine_map<(d0, d1) -> (0)>
module attributes {stable_mosaic.version = 14 : i64} {
  func.func @gather_kernel(%arg0: i32, %arg1: i32, %arg2: memref<6272x128xi32, #tpu.memory_space<hbm>>, %arg3: memref<65536xi32, #tpu.memory_space<hbm>>, %arg4: memref<65536x128xi32, #tpu.memory_space<hbm>>, %arg5: memref<6272x128xi32, #tpu.memory_space<vmem_shared>>, %arg6: memref<56x128xi32, #tpu.memory_space<vmem>>, %arg7: memref<512xi32, #tpu.memory_space<vmem>>, %arg8: memref<512x128xi32, #tpu.memory_space<vmem>>, %arg9: memref<!tpu.dma_semaphore, #tpu.memory_space<semaphore_mem>>) attributes {dimension_semantics = [#tpu.dimension_semantics<core_parallel>, #tpu.dimension_semantics<subcore_parallel>], iteration_bounds = array<i64: 2, 16>, scalar_prefetch = 0 : i64, scratch_operands = 5 : i64, tpu.core_type = #tpu.core_type<sc_vector_subcore>, window_params = [{transform_indices = #map}, {transform_indices = #map1}, {transform_indices = #map}]} {
    %mul3A = arith.constant 392 : i32
    %mul3A_0 = arith.muli %arg1, %mul3A : i32
    %scan3A = arith.constant 0 : i32
    %scan3A_1 = arith.constant 7 : i32
    %scan3A_2 = arith.addi %scan3A, %scan3A_1 : i32
    %scan3A_3 = arith.constant 1 : i32
    scf.for %scan3A_14 = %scan3A to %scan3A_2 step %scan3A_3  : i32 {
      %mul3A_15 = arith.constant 56 : i32
      %mul3A_16 = arith.muli %scan3A_14, %mul3A_15 : i32
      %add3A_17 = arith.constant 0 : i32
      %add3A_18 = arith.addi %add3A_17, %mul3A_16 : i32
      %add3A_19 = arith.addi %mul3A_0, %add3A_18 : i32
      "tpu.region"() ({
        %run_scoped3A = tpu.sem_alloc : memref<!tpu.dma_semaphore, #tpu.memory_space<semaphore_mem>>
        %dma_start3A = arith.constant 0 : i32
        %dma_start3A_21 = tpu.memref_slice %arg2[%add3A_19, %dma_start3A] : memref<6272x128xi32, #tpu.memory_space<hbm>> -> memref<56x128xi32, #tpu.memory_space<hbm>>
        %dma_start3A_22 = arith.constant 0 : i32
        %dma_start3A_23 = tpu.memref_slice %arg2[%add3A_19, %dma_start3A_22] : memref<6272x128xi32, #tpu.memory_space<hbm>> -> memref<56x128xi32, #tpu.memory_space<hbm>>
        tpu.enqueue_dma source(%dma_start3A_23 : memref<56x128xi32, #tpu.memory_space<hbm>>) target(%arg6 : memref<56x128xi32, #tpu.memory_space<vmem>>) target_semaphore(%run_scoped3A : memref<!tpu.dma_semaphore, #tpu.memory_space<semaphore_mem>>)
        %dma_wait3A = arith.constant 0 : i32
        %dma_wait3A_24 = tpu.memref_slice %arg2[%add3A_19, %dma_wait3A] : memref<6272x128xi32, #tpu.memory_space<hbm>> -> memref<56x128xi32, #tpu.memory_space<hbm>>
        %dma_wait3A_25 = arith.constant 0 : i32
        %dma_wait3A_26 = tpu.memref_slice %arg2[%add3A_19, %dma_wait3A_25] : memref<6272x128xi32, #tpu.memory_space<hbm>> -> memref<56x128xi32, #tpu.memory_space<hbm>>
        tpu.wait_dma2 semaphore(%run_scoped3A : memref<!tpu.dma_semaphore, #tpu.memory_space<semaphore_mem>>) src(%dma_wait3A_26 : memref<56x128xi32, #tpu.memory_space<hbm>>) dst(%arg6 : memref<56x128xi32, #tpu.memory_space<vmem>>)
        tpu.yield
      }) : () -> ()
      %add3A_20 = arith.addi %mul3A_0, %add3A_18 : i32
      "tpu.region"() ({
        %run_scoped3A = tpu.sem_alloc : memref<!tpu.dma_semaphore, #tpu.memory_space<semaphore_mem>>
        %dma_start3A = arith.constant 0 : i32
        %dma_start3A_21 = tpu.memref_slice %arg5[%add3A_20, %dma_start3A] : memref<6272x128xi32, #tpu.memory_space<vmem_shared>> -> memref<56x128xi32, #tpu.memory_space<vmem_shared>>
        %dma_start3A_22 = arith.constant 0 : i32
        %dma_start3A_23 = tpu.memref_slice %arg5[%add3A_20, %dma_start3A_22] : memref<6272x128xi32, #tpu.memory_space<vmem_shared>> -> memref<56x128xi32, #tpu.memory_space<vmem_shared>>
        tpu.enqueue_dma source(%arg6 : memref<56x128xi32, #tpu.memory_space<vmem>>) target(%dma_start3A_23 : memref<56x128xi32, #tpu.memory_space<vmem_shared>>) target_semaphore(%run_scoped3A : memref<!tpu.dma_semaphore, #tpu.memory_space<semaphore_mem>>)
        %dma_wait3A = arith.constant 0 : i32
        %dma_wait3A_24 = tpu.memref_slice %arg5[%add3A_20, %dma_wait3A] : memref<6272x128xi32, #tpu.memory_space<vmem_shared>> -> memref<56x128xi32, #tpu.memory_space<vmem_shared>>
        %dma_wait3A_25 = arith.constant 0 : i32
        %dma_wait3A_26 = tpu.memref_slice %arg5[%add3A_20, %dma_wait3A_25] : memref<6272x128xi32, #tpu.memory_space<vmem_shared>> -> memref<56x128xi32, #tpu.memory_space<vmem_shared>>
        tpu.wait_dma2 semaphore(%run_scoped3A : memref<!tpu.dma_semaphore, #tpu.memory_space<semaphore_mem>>) src(%arg6 : memref<56x128xi32, #tpu.memory_space<vmem>>) dst(%dma_wait3A_26 : memref<56x128xi32, #tpu.memory_space<vmem_shared>>)
        tpu.yield
      }) : () -> ()
    }
    %scan3A_4 = arith.constant 7 : i32
    %barrier3A = arith.constant 0 : index
    tpu.barrier barrier_id(%barrier3A)
    %mul3A_5 = arith.constant 2 : i32
    %mul3A_6 = arith.muli %arg1, %mul3A_5 : i32
    %add3A = arith.addi %mul3A_6, %arg0 : i32
    %mul3A_7 = arith.constant 2048 : i32
    %mul3A_8 = arith.muli %add3A, %mul3A_7 : i32
    %scan3A_9 = arith.constant 0 : i32
    %scan3A_10 = arith.constant 4 : i32
    %scan3A_11 = arith.addi %scan3A_9, %scan3A_10 : i32
    %scan3A_12 = arith.constant 1 : i32
    scf.for %scan3A_14 = %scan3A_9 to %scan3A_11 step %scan3A_12  : i32 {
      %mul3A_15 = arith.constant 512 : i32
      %mul3A_16 = arith.muli %scan3A_14, %mul3A_15 : i32
      %add3A_17 = arith.constant 0 : i32
      %add3A_18 = arith.addi %add3A_17, %mul3A_16 : i32
      %add3A_19 = arith.addi %mul3A_8, %add3A_18 : i32
      "tpu.region"() ({
        %run_scoped3A = tpu.sem_alloc : memref<!tpu.dma_semaphore, #tpu.memory_space<semaphore_mem>>
        %dma_start3A_25 = tpu.memref_slice %arg3[%add3A_19] : memref<65536xi32, #tpu.memory_space<hbm>> -> memref<512xi32, #tpu.memory_space<hbm>>
        %dma_start3A_26 = tpu.memref_slice %arg3[%add3A_19] : memref<65536xi32, #tpu.memory_space<hbm>> -> memref<512xi32, #tpu.memory_space<hbm>>
        tpu.enqueue_dma source(%dma_start3A_26 : memref<512xi32, #tpu.memory_space<hbm>>) target(%arg7 : memref<512xi32, #tpu.memory_space<vmem>>) target_semaphore(%run_scoped3A : memref<!tpu.dma_semaphore, #tpu.memory_space<semaphore_mem>>)
        %dma_wait3A_27 = tpu.memref_slice %arg3[%add3A_19] : memref<65536xi32, #tpu.memory_space<hbm>> -> memref<512xi32, #tpu.memory_space<hbm>>
        %dma_wait3A_28 = tpu.memref_slice %arg3[%add3A_19] : memref<65536xi32, #tpu.memory_space<hbm>> -> memref<512xi32, #tpu.memory_space<hbm>>
        tpu.wait_dma2 semaphore(%run_scoped3A : memref<!tpu.dma_semaphore, #tpu.memory_space<semaphore_mem>>) src(%dma_wait3A_28 : memref<512xi32, #tpu.memory_space<hbm>>) dst(%arg7 : memref<512xi32, #tpu.memory_space<vmem>>)
        tpu.yield
      }) : () -> ()
      %dma_start3A = arith.constant 0 : i32
      %dma_start3A_20 = arith.constant 0 : i32
      %dma_start3A_21 = tpu.memref_slice %arg5[%dma_start3A, %dma_start3A_20] : memref<6272x128xi32, #tpu.memory_space<vmem_shared>> -> memref<6272x128xi32, #tpu.memory_space<vmem_shared>>
      tpu.enqueue_indirect_dma source(%dma_start3A_21 : memref<6272x128xi32, #tpu.memory_space<vmem_shared>>) target(%arg8 : memref<512x128xi32, #tpu.memory_space<vmem>>) offsets(%arg7 : memref<512xi32, #tpu.memory_space<vmem>>) semaphore(%arg9 : memref<!tpu.dma_semaphore, #tpu.memory_space<semaphore_mem>>)
      %dma_wait3A = arith.constant 0 : i32
      %dma_wait3A_22 = arith.constant 0 : i32
      %dma_wait3A_23 = tpu.memref_slice %arg5[%dma_wait3A, %dma_wait3A_22] : memref<6272x128xi32, #tpu.memory_space<vmem_shared>> -> memref<6272x128xi32, #tpu.memory_space<vmem_shared>>
      tpu.wait_indirect_dma semaphore(%arg9 : memref<!tpu.dma_semaphore, #tpu.memory_space<semaphore_mem>>) src(%dma_wait3A_23 : memref<6272x128xi32, #tpu.memory_space<vmem_shared>>) dst(%arg8 : memref<512x128xi32, #tpu.memory_space<vmem>>)
      %add3A_24 = arith.addi %mul3A_8, %add3A_18 : i32
      "tpu.region"() ({
        %run_scoped3A = tpu.sem_alloc : memref<!tpu.dma_semaphore, #tpu.memory_space<semaphore_mem>>
        %dma_start3A_25 = arith.constant 0 : i32
        %dma_start3A_26 = tpu.memref_slice %arg4[%add3A_24, %dma_start3A_25] : memref<65536x128xi32, #tpu.memory_space<hbm>> -> memref<512x128xi32, #tpu.memory_space<hbm>>
        %dma_start3A_27 = arith.constant 0 : i32
        %dma_start3A_28 = tpu.memref_slice %arg4[%add3A_24, %dma_start3A_27] : memref<65536x128xi32, #tpu.memory_space<hbm>> -> memref<512x128xi32, #tpu.memory_space<hbm>>
        tpu.enqueue_dma source(%arg8 : memref<512x128xi32, #tpu.memory_space<vmem>>) target(%dma_start3A_28 : memref<512x128xi32, #tpu.memory_space<hbm>>) target_semaphore(%run_scoped3A : memref<!tpu.dma_semaphore, #tpu.memory_space<semaphore_mem>>)
        %dma_wait3A_29 = arith.constant 0 : i32
        %dma_wait3A_30 = tpu.memref_slice %arg4[%add3A_24, %dma_wait3A_29] : memref<65536x128xi32, #tpu.memory_space<hbm>> -> memref<512x128xi32, #tpu.memory_space<hbm>>
        %dma_wait3A_31 = arith.constant 0 : i32
        %dma_wait3A_32 = tpu.memref_slice %arg4[%add3A_24, %dma_wait3A_31] : memref<65536x128xi32, #tpu.memory_space<hbm>> -> memref<512x128xi32, #tpu.memory_space<hbm>>
        tpu.wait_dma2 semaphore(%run_scoped3A : memref<!tpu.dma_semaphore, #tpu.memory_space<semaphore_mem>>) src(%arg8 : memref<512x128xi32, #tpu.memory_space<vmem>>) dst(%dma_wait3A_32 : memref<512x128xi32, #tpu.memory_space<hbm>>)
        tpu.yield
      }) : () -> ()
    }
    %scan3A_13 = arith.constant 4 : i32
    return
  }
}

#map = affine_map<(d0, d1) -> (0, 0)>
#map1 = affine_map<(d0, d1) -> (0)>
module attributes {stable_mosaic.version = 14 : i64} {
  func.func @gather_kernel(%arg0: i32, %arg1: i32, %arg2: memref<6272x128xi32, #tpu.memory_space<hbm>>, %arg3: memref<65536xi32, #tpu.memory_space<hbm>>, %arg4: memref<65536x128xi32, #tpu.memory_space<hbm>>, %arg5: memref<6272x128xi32, #tpu.memory_space<vmem_shared>>, %arg6: memref<56x128xi32, #tpu.memory_space<vmem>>, %arg7: memref<512xi32, #tpu.memory_space<vmem>>, %arg8: memref<512x128xi32, #tpu.memory_space<vmem>>, %arg9: memref<!tpu.dma_semaphore, #tpu.memory_space<semaphore_mem>>) attributes {dimension_semantics = [#tpu.dimension_semantics<core_parallel>, #tpu.dimension_semantics<subcore_parallel>], iteration_bounds = array<i64: 2, 16>, scalar_prefetch = 0 : i64, scratch_operands = 5 : i64, tpu.core_type = #tpu.core_type<sc_vector_subcore>, window_params = [{transform_indices = #map}, {transform_indices = #map1}, {transform_indices = #map}]} {
    %mul3A = arith.constant 392 : i32
    %mul3A_0 = arith.muli %arg1, %mul3A : i32
    %scan3A = arith.constant 0 : i32
    %scan3A_1 = arith.constant 7 : i32
    %scan3A_2 = arith.addi %scan3A, %scan3A_1 : i32
    %scan3A_3 = arith.constant 1 : i32
    scf.for %scan3A_14 = %scan3A to %scan3A_2 step %scan3A_3  : i32 {
      %mul3A_15 = arith.constant 56 : i32
      %mul3A_16 = arith.muli %scan3A_14, %mul3A_15 : i32
      %add3A_17 = arith.constant 0 : i32
      %add3A_18 = arith.addi %add3A_17, %mul3A_16 : i32
      %add3A_19 = arith.addi %mul3A_0, %add3A_18 : i32
      "tpu.region"() ({
        %run_scoped3A = tpu.sem_alloc : memref<!tpu.dma_semaphore, #tpu.memory_space<semaphore_mem>>
        %dma_start3A = arith.constant 0 : i32
        %dma_start3A_21 = tpu.memref_slice %arg2[%add3A_19, %dma_start3A] : memref<6272x128xi32, #tpu.memory_space<hbm>> -> memref<56x128xi32, #tpu.memory_space<hbm>>
        %dma_start3A_22 = arith.constant 0 : i32
        %dma_start3A_23 = tpu.memref_slice %arg2[%add3A_19, %dma_start3A_22] : memref<6272x128xi32, #tpu.memory_space<hbm>> -> memref<56x128xi32, #tpu.memory_space<hbm>>
        tpu.enqueue_dma source(%dma_start3A_23 : memref<56x128xi32, #tpu.memory_space<hbm>>) target(%arg6 : memref<56x128xi32, #tpu.memory_space<vmem>>) target_semaphore(%run_scoped3A : memref<!tpu.dma_semaphore, #tpu.memory_space<semaphore_mem>>)
        %dma_wait3A = arith.constant 0 : i32
        %dma_wait3A_24 = tpu.memref_slice %arg2[%add3A_19, %dma_wait3A] : memref<6272x128xi32, #tpu.memory_space<hbm>> -> memref<56x128xi32, #tpu.memory_space<hbm>>
        %dma_wait3A_25 = arith.constant 0 : i32
        %dma_wait3A_26 = tpu.memref_slice %arg2[%add3A_19, %dma_wait3A_25] : memref<6272x128xi32, #tpu.memory_space<hbm>> -> memref<56x128xi32, #tpu.memory_space<hbm>>
        tpu.wait_dma2 semaphore(%run_scoped3A : memref<!tpu.dma_semaphore, #tpu.memory_space<semaphore_mem>>) src(%dma_wait3A_26 : memref<56x128xi32, #tpu.memory_space<hbm>>) dst(%arg6 : memref<56x128xi32, #tpu.memory_space<vmem>>)
        tpu.yield
      }) : () -> ()
      %add3A_20 = arith.addi %mul3A_0, %add3A_18 : i32
      "tpu.region"() ({
        %run_scoped3A = tpu.sem_alloc : memref<!tpu.dma_semaphore, #tpu.memory_space<semaphore_mem>>
        %dma_start3A = arith.constant 0 : i32
        %dma_start3A_21 = tpu.memref_slice %arg5[%add3A_20, %dma_start3A] : memref<6272x128xi32, #tpu.memory_space<vmem_shared>> -> memref<56x128xi32, #tpu.memory_space<vmem_shared>>
        %dma_start3A_22 = arith.constant 0 : i32
        %dma_start3A_23 = tpu.memref_slice %arg5[%add3A_20, %dma_start3A_22] : memref<6272x128xi32, #tpu.memory_space<vmem_shared>> -> memref<56x128xi32, #tpu.memory_space<vmem_shared>>
        tpu.enqueue_dma source(%arg6 : memref<56x128xi32, #tpu.memory_space<vmem>>) target(%dma_start3A_23 : memref<56x128xi32, #tpu.memory_space<vmem_shared>>) target_semaphore(%run_scoped3A : memref<!tpu.dma_semaphore, #tpu.memory_space<semaphore_mem>>)
        %dma_wait3A = arith.constant 0 : i32
        %dma_wait3A_24 = tpu.memref_slice %arg5[%add3A_20, %dma_wait3A] : memref<6272x128xi32, #tpu.memory_space<vmem_shared>> -> memref<56x128xi32, #tpu.memory_space<vmem_shared>>
        %dma_wait3A_25 = arith.constant 0 : i32
        %dma_wait3A_26 = tpu.memref_slice %arg5[%add3A_20, %dma_wait3A_25] : memref<6272x128xi32, #tpu.memory_space<vmem_shared>> -> memref<56x128xi32, #tpu.memory_space<vmem_shared>>
        tpu.wait_dma2 semaphore(%run_scoped3A : memref<!tpu.dma_semaphore, #tpu.memory_space<semaphore_mem>>) src(%arg6 : memref<56x128xi32, #tpu.memory_space<vmem>>) dst(%dma_wait3A_26 : memref<56x128xi32, #tpu.memory_space<vmem_shared>>)
        tpu.yield
      }) : () -> ()
    }
    %scan3A_4 = arith.constant 7 : i32
    %barrier3A = arith.constant 0 : index
    tpu.barrier barrier_id(%barrier3A)
    %mul3A_5 = arith.constant 2 : i32
    %mul3A_6 = arith.muli %arg1, %mul3A_5 : i32
    %add3A = arith.addi %mul3A_6, %arg0 : i32
    %mul3A_7 = arith.constant 2048 : i32
    %mul3A_8 = arith.muli %add3A, %mul3A_7 : i32
    %scan3A_9 = arith.constant 0 : i32
    %scan3A_10 = arith.constant 4 : i32
    %scan3A_11 = arith.addi %scan3A_9, %scan3A_10 : i32
    %scan3A_12 = arith.constant 1 : i32
    scf.for %scan3A_14 = %scan3A_9 to %scan3A_11 step %scan3A_12  : i32 {
      %mul3A_15 = arith.constant 512 : i32
      %mul3A_16 = arith.muli %scan3A_14, %mul3A_15 : i32
      %add3A_17 = arith.constant 0 : i32
      %add3A_18 = arith.addi %add3A_17, %mul3A_16 : i32
      %add3A_19 = arith.addi %mul3A_8, %add3A_18 : i32
      "tpu.region"() ({
        %run_scoped3A = tpu.sem_alloc : memref<!tpu.dma_semaphore, #tpu.memory_space<semaphore_mem>>
        %dma_start3A_25 = tpu.memref_slice %arg3[%add3A_19] : memref<65536xi32, #tpu.memory_space<hbm>> -> memref<512xi32, #tpu.memory_space<hbm>>
        %dma_start3A_26 = tpu.memref_slice %arg3[%add3A_19] : memref<65536xi32, #tpu.memory_space<hbm>> -> memref<512xi32, #tpu.memory_space<hbm>>
        tpu.enqueue_dma source(%dma_start3A_26 : memref<512xi32, #tpu.memory_space<hbm>>) target(%arg7 : memref<512xi32, #tpu.memory_space<vmem>>) target_semaphore(%run_scoped3A : memref<!tpu.dma_semaphore, #tpu.memory_space<semaphore_mem>>)
        %dma_wait3A_27 = tpu.memref_slice %arg3[%add3A_19] : memref<65536xi32, #tpu.memory_space<hbm>> -> memref<512xi32, #tpu.memory_space<hbm>>
        %dma_wait3A_28 = tpu.memref_slice %arg3[%add3A_19] : memref<65536xi32, #tpu.memory_space<hbm>> -> memref<512xi32, #tpu.memory_space<hbm>>
        tpu.wait_dma2 semaphore(%run_scoped3A : memref<!tpu.dma_semaphore, #tpu.memory_space<semaphore_mem>>) src(%dma_wait3A_28 : memref<512xi32, #tpu.memory_space<hbm>>) dst(%arg7 : memref<512xi32, #tpu.memory_space<vmem>>)
        tpu.yield
      }) : () -> ()
      %dma_start3A = arith.constant 0 : i32
      %dma_start3A_20 = arith.constant 0 : i32
      %dma_start3A_21 = tpu.memref_slice %arg5[%dma_start3A, %dma_start3A_20] : memref<6272x128xi32, #tpu.memory_space<vmem_shared>> -> memref<6272x128xi32, #tpu.memory_space<vmem_shared>>
      tpu.enqueue_indirect_dma source(%dma_start3A_21 : memref<6272x128xi32, #tpu.memory_space<vmem_shared>>) target(%arg8 : memref<512x128xi32, #tpu.memory_space<vmem>>) offsets(%arg7 : memref<512xi32, #tpu.memory_space<vmem>>) semaphore(%arg9 : memref<!tpu.dma_semaphore, #tpu.memory_space<semaphore_mem>>)
      %dma_wait3A = arith.constant 0 : i32
      %dma_wait3A_22 = arith.constant 0 : i32
      %dma_wait3A_23 = tpu.memref_slice %arg5[%dma_wait3A, %dma_wait3A_22] : memref<6272x128xi32, #tpu.memory_space<vmem_shared>> -> memref<6272x128xi32, #tpu.memory_space<vmem_shared>>
      tpu.wait_indirect_dma semaphore(%arg9 : memref<!tpu.dma_semaphore, #tpu.memory_space<semaphore_mem>>) src(%dma_wait3A_23 : memref<6272x128xi32, #tpu.memory_space<vmem_shared>>) dst(%arg8 : memref<512x128xi32, #tpu.memory_space<vmem>>)
      %add3A_24 = arith.addi %mul3A_8, %add3A_18 : i32
      "tpu.region"() ({
        %run_scoped3A = tpu.sem_alloc : memref<!tpu.dma_semaphore, #tpu.memory_space<semaphore_mem>>
        %dma_start3A_25 = arith.constant 0 : i32
        %dma_start3A_26 = tpu.memref_slice %arg4[%add3A_24, %dma_start3A_25] : memref<65536x128xi32, #tpu.memory_space<hbm>> -> memref<512x128xi32, #tpu.memory_space<hbm>>
        %dma_start3A_27 = arith.constant 0 : i32
        %dma_start3A_28 = tpu.memref_slice %arg4[%add3A_24, %dma_start3A_27] : memref<65536x128xi32, #tpu.memory_space<hbm>> -> memref<512x128xi32, #tpu.memory_space<hbm>>
        tpu.enqueue_dma source(%arg8 : memref<512x128xi32, #tpu.memory_space<vmem>>) target(%dma_start3A_28 : memref<512x128xi32, #tpu.memory_space<hbm>>) target_semaphore(%run_scoped3A : memref<!tpu.dma_semaphore, #tpu.memory_space<semaphore_mem>>)
        %dma_wait3A_29 = arith.constant 0 : i32
        %dma_wait3A_30 = tpu.memref_slice %arg4[%add3A_24, %dma_wait3A_29] : memref<65536x128xi32, #tpu.memory_space<hbm>> -> memref<512x128xi32, #tpu.memory_space<hbm>>
        %dma_wait3A_31 = arith.constant 0 : i32
        %dma_wait3A_32 = tpu.memref_slice %arg4[%add3A_24, %dma_wait3A_31] : memref<65536x128xi32, #tpu.memory_space<hbm>> -> memref<512x128xi32, #tpu.memory_space<hbm>>
        tpu.wait_dma2 semaphore(%run_scoped3A : memref<!tpu.dma_semaphore, #tpu.memory_space<semaphore_mem>>) src(%arg8 : memref<512x128xi32, #tpu.memory_space<vmem>>) dst(%dma_wait3A_32 : memref<512x128xi32, #tpu.memory_space<hbm>>)
        tpu.yield
      }) : () -> ()
    }
    %scan3A_13 = arith.constant 4 : i32
    return
  }
}

module attributes {stable_mosaic.version = 14 : i64} {
  func.func @_mlp_kernel(%arg0: i32, %arg1: memref<4096x8xf32, #tpu.memory_space<vmem>>, %arg2: memref<4096x128xi32, #tpu.memory_space<vmem>>, %arg3: memref<39x256xbf16, #tpu.memory_space<vmem>>, %arg4: memref<128x256xbf16, #tpu.memory_space<vmem>>, %arg5: memref<1x256xf32, #tpu.memory_space<vmem>>, %arg6: memref<256x256xbf16, #tpu.memory_space<vmem>>, %arg7: memref<1x256xf32, #tpu.memory_space<vmem>>, %arg8: memref<256x1xbf16, #tpu.memory_space<vmem>>, %arg9: memref<1x1xf32, #tpu.memory_space<vmem>>, %arg10: memref<256x128xbf16, #tpu.memory_space<vmem>>, %arg11: memref<3x128xbf16, #tpu.memory_space<vmem>>, %arg12: memref<1x128xf32, #tpu.memory_space<vmem>>, %arg13: memref<128x3xbf16, #tpu.memory_space<vmem>>, %arg14: memref<1x3xf32, #tpu.memory_space<vmem>>, %arg15: memref<4096x4xf32, #tpu.memory_space<vmem>>) attributes {dimension_semantics = [#tpu.dimension_semantics<arbitrary>], iteration_bounds = array<i64: 16>, scalar_prefetch = 0 : i64, scratch_operands = 0 : i64, tpu.core_type = #tpu.core_type<tc>, window_params = [{transform_indices = @transform_0, window_bounds = array<i64: 4096, 8>}, {transform_indices = @transform_1, window_bounds = array<i64: 4096, 128>}, {pipeline_mode = #tpu.pipeline_mode<synchronous>, transform_indices = @transform_2, window_bounds = array<i64: 39, 256>}, {pipeline_mode = #tpu.pipeline_mode<synchronous>, transform_indices = @transform_3, window_bounds = array<i64: 128, 256>}, {pipeline_mode = #tpu.pipeline_mode<synchronous>, transform_indices = @transform_4, window_bounds = array<i64: 1, 256>}, {pipeline_mode = #tpu.pipeline_mode<synchronous>, transform_indices = @transform_5, window_bounds = array<i64: 256, 256>}, {pipeline_mode = #tpu.pipeline_mode<synchronous>, transform_indices = @transform_6, window_bounds = array<i64: 1, 256>}, {pipeline_mode = #tpu.pipeline_mode<synchronous>, transform_indices = @transform_7, window_bounds = array<i64: 256, 1>}, {pipeline_mode = #tpu.pipeline_mode<synchronous>, transform_indices = @transform_8, window_bounds = array<i64: 1, 1>}, {pipeline_mode = #tpu.pipeline_mode<synchronous>, transform_indices = @transform_9, window_bounds = array<i64: 256, 128>}, {pipeline_mode = #tpu.pipeline_mode<synchronous>, transform_indices = @transform_10, window_bounds = array<i64: 3, 128>}, {pipeline_mode = #tpu.pipeline_mode<synchronous>, transform_indices = @transform_11, window_bounds = array<i64: 1, 128>}, {pipeline_mode = #tpu.pipeline_mode<synchronous>, transform_indices = @transform_12, window_bounds = array<i64: 128, 3>}, {pipeline_mode = #tpu.pipeline_mode<synchronous>, transform_indices = @transform_13, window_bounds = array<i64: 1, 3>}, {transform_indices = @transform_14, window_bounds = array<i64: 4096, 4>}]} {
    %get3A = arith.constant 0 : index
    %get3A_0 = arith.constant 0 : index
    %get3A_1 = vector.load %arg1[%get3A, %get3A_0] : memref<4096x8xf32, #tpu.memory_space<vmem>>, vector<4096x8xf32>
    %slice3A = vector.extract_strided_slice %get3A_1 {offsets = [0, 3], sizes = [4096, 3], strides = [1, 1]} : vector<4096x8xf32> to vector<4096x3xf32>
    %slice3A_2 = vector.extract_strided_slice %get3A_1 {offsets = [0, 0], sizes = [4096, 3], strides = [1, 1]} : vector<4096x8xf32> to vector<4096x3xf32>
    %slice3A_3 = vector.extract_strided_slice %get3A_1 {offsets = [0, 6], sizes = [4096, 1], strides = [1, 1]} : vector<4096x8xf32> to vector<4096x1xf32>
    %mul3A = vector.broadcast %slice3A_3 : vector<4096x1xf32> to vector<4096x3xf32>
    %mul3A_4 = arith.mulf %slice3A, %mul3A : vector<4096x3xf32>
    %add3A = arith.addf %slice3A_2, %mul3A_4 : vector<4096x3xf32>
    %iota3A = tpu.iota {dimensions = array<i32: 0>} : vector<3x36xi32>
    %iota3A_5 = tpu.iota {dimensions = array<i32: 1>} : vector<3x36xi32>
    %jit3A = arith.constant 12 : i32
    %eq3A = arith.constant 0 : i32
    %eq3A_6 = arith.cmpi eq, %jit3A, %eq3A : i32
    %jit3A_7 = arith.constant 1 : i32
    %select_n3A = arith.select %eq3A_6, %jit3A_7, %jit3A : i32
    %rem3A = vector.broadcast %select_n3A : i32 to vector<3x36xi32>
    %rem3A_8 = arith.remsi %iota3A_5, %rem3A : vector<3x36xi32>
    %ne3A = arith.constant 0 : i32
    %ne3A_9 = vector.broadcast %ne3A : i32 to vector<3x36xi32>
    %ne3A_10 = arith.cmpi ne, %rem3A_8, %ne3A_9 : vector<3x36xi32>
    %lt3A = arith.constant 0 : i32
    %lt3A_11 = vector.broadcast %lt3A : i32 to vector<3x36xi32>
    %lt3A_12 = arith.cmpi slt, %rem3A_8, %lt3A_11 : vector<3x36xi32>
    %lt3A_13 = arith.constant 0 : i32
    %lt3A_14 = arith.cmpi slt, %select_n3A, %lt3A_13 : i32
    %ne3A_15 = vector.broadcast %lt3A_14 : i1 to vector<3x36xi1>
    %ne3A_16 = vector.broadcast %ne3A_15 : vector<3x36xi1> to vector<3x36xi1>
    %ne3A_17 = arith.xori %lt3A_12, %ne3A_16 : vector<3x36xi1>
    %and3A = arith.andi %ne3A_17, %ne3A_10 : vector<3x36xi1>
    %add3A_18 = vector.broadcast %select_n3A : i32 to vector<3x36xi32>
    %add3A_19 = arith.addi %rem3A_8, %add3A_18 : vector<3x36xi32>
    %select_n3A_20 = arith.select %and3A, %add3A_19, %rem3A_8 : vector<3x36xi1>, vector<3x36xi32>
    %jit3A_21 = arith.constant 6 : i32
    %eq3A_22 = arith.constant 0 : i32
    %eq3A_23 = arith.cmpi eq, %jit3A_21, %eq3A_22 : i32
    %jit3A_24 = arith.constant 1 : i32
    %select_n3A_25 = arith.select %eq3A_23, %jit3A_24, %jit3A_21 : i32
    %rem3A_26 = vector.broadcast %select_n3A_25 : i32 to vector<3x36xi32>
    %rem3A_27 = arith.remsi %select_n3A_20, %rem3A_26 : vector<3x36xi32>
    %ne3A_28 = arith.constant 0 : i32
    %ne3A_29 = vector.broadcast %ne3A_28 : i32 to vector<3x36xi32>
    %ne3A_30 = arith.cmpi ne, %rem3A_27, %ne3A_29 : vector<3x36xi32>
    %lt3A_31 = arith.constant 0 : i32
    %lt3A_32 = vector.broadcast %lt3A_31 : i32 to vector<3x36xi32>
    %lt3A_33 = arith.cmpi slt, %rem3A_27, %lt3A_32 : vector<3x36xi32>
    %lt3A_34 = arith.constant 0 : i32
    %lt3A_35 = arith.cmpi slt, %select_n3A_25, %lt3A_34 : i32
    %ne3A_36 = vector.broadcast %lt3A_35 : i1 to vector<3x36xi1>
    %ne3A_37 = vector.broadcast %ne3A_36 : vector<3x36xi1> to vector<3x36xi1>
    %ne3A_38 = arith.xori %lt3A_33, %ne3A_37 : vector<3x36xi1>
    %and3A_39 = arith.andi %ne3A_38, %ne3A_30 : vector<3x36xi1>
    %add3A_40 = vector.broadcast %select_n3A_25 : i32 to vector<3x36xi32>
    %add3A_41 = arith.addi %rem3A_27, %add3A_40 : vector<3x36xi32>
    %select_n3A_42 = arith.select %and3A_39, %add3A_41, %rem3A_27 : vector<3x36xi1>, vector<3x36xi32>
    %convert_element_type3A = arith.sitofp %select_n3A_42 : vector<3x36xi32> to vector<3x36xf32>
    %exp23A = math.exp2 %convert_element_type3A : vector<3x36xf32>
    %jit3A_43 = arith.constant 12 : i32
    %div3A = vector.broadcast %jit3A_43 : i32 to vector<3x36xi32>
    %div3A_44 = arith.divsi %iota3A_5, %div3A : vector<3x36xi32>
    %sign3A = arith.constant 0 : i32
    %sign3A_45 = vector.broadcast %sign3A : i32 to vector<3x36xi32>
    %sign3A_46 = arith.cmpi sgt, %iota3A_5, %sign3A_45 : vector<3x36xi32>
    %sign3A_47 = arith.extui %sign3A_46 : vector<3x36xi1> to vector<3x36xi32>
    %sign3A_48 = arith.constant 0 : i32
    %sign3A_49 = vector.broadcast %sign3A_48 : i32 to vector<3x36xi32>
    %sign3A_50 = arith.cmpi slt, %iota3A_5, %sign3A_49 : vector<3x36xi32>
    %sign3A_51 = arith.extui %sign3A_50 : vector<3x36xi1> to vector<3x36xi32>
    %sign3A_52 = arith.subi %sign3A_47, %sign3A_51 : vector<3x36xi32>
    %sign3A_53 = arith.constant 0 : i32
    %sign3A_54 = arith.cmpi sgt, %jit3A_43, %sign3A_53 : i32
    %sign3A_55 = arith.extui %sign3A_54 : i1 to i32
    %sign3A_56 = arith.constant 0 : i32
    %sign3A_57 = arith.cmpi slt, %jit3A_43, %sign3A_56 : i32
    %sign3A_58 = arith.extui %sign3A_57 : i1 to i32
    %sign3A_59 = arith.subi %sign3A_55, %sign3A_58 : i32
    %ne3A_60 = vector.broadcast %sign3A_59 : i32 to vector<3x36xi32>
    %ne3A_61 = arith.cmpi ne, %sign3A_52, %ne3A_60 : vector<3x36xi32>
    %rem3A_62 = vector.broadcast %jit3A_43 : i32 to vector<3x36xi32>
    %rem3A_63 = arith.remsi %iota3A_5, %rem3A_62 : vector<3x36xi32>
    %ne3A_64 = arith.constant 0 : i32
    %ne3A_65 = vector.broadcast %ne3A_64 : i32 to vector<3x36xi32>
    %ne3A_66 = arith.cmpi ne, %rem3A_63, %ne3A_65 : vector<3x36xi32>
    %and3A_67 = arith.andi %ne3A_61, %ne3A_66 : vector<3x36xi1>
    %sub3A = arith.constant 1 : i32
    %sub3A_68 = vector.broadcast %sub3A : i32 to vector<3x36xi32>
    %sub3A_69 = arith.subi %div3A_44, %sub3A_68 : vector<3x36xi32>
    %select_n3A_70 = arith.select %and3A_67, %sub3A_69, %div3A_44 : vector<3x36xi1>, vector<3x36xi32>
    %eq3A_71 = arith.cmpi eq, %select_n3A_70, %iota3A : vector<3x36xi32>
    %jit3A_72 = arith.constant 0.000000e+00 : f32
    %broadcast_in_dim3A = vector.broadcast %jit3A_72 : f32 to vector<3x36xf32>
    %select_n3A_73 = arith.select %eq3A_71, %exp23A, %broadcast_in_dim3A : vector<3x36xi1>, vector<3x36xf32>
    %convert_element_type3A_74 = arith.truncf %select_n3A_73 : vector<3x36xf32> to vector<3x36xbf16>
    %convert_element_type3A_75 = arith.truncf %add3A : vector<4096x3xf32> to vector<4096x3xbf16>
    %convert_element_type3A_76 = arith.extf %convert_element_type3A_75 : vector<4096x3xbf16> to vector<4096x3xf32>
    %sub3A_77 = arith.subf %add3A, %convert_element_type3A_76 : vector<4096x3xf32>
    %convert_element_type3A_78 = arith.truncf %sub3A_77 : vector<4096x3xf32> to vector<4096x3xbf16>
    %convert_element_type3A_79 = arith.extf %convert_element_type3A_78 : vector<4096x3xbf16> to vector<4096x3xf32>
    %sub3A_80 = arith.subf %sub3A_77, %convert_element_type3A_79 : vector<4096x3xf32>
    %convert_element_type3A_81 = arith.truncf %sub3A_80 : vector<4096x3xf32> to vector<4096x3xbf16>
    %dot_general3A = arith.constant dense<0.000000e+00> : vector<4096x36xf32>
    %dot_general3A_82 = tpu.matmul %convert_element_type3A_75, %convert_element_type3A_74, %dot_general3A {dimension_numbers = #tpu.dot_dimension_numbers<[1], [0], [0], [1], [0, 0, 1, 1], [], []>, transpose_lhs_hint = false} : vector<4096x3xbf16>, vector<3x36xbf16>, vector<4096x36xf32> -> vector<4096x36xf32>
    %dot_general3A_83 = arith.constant dense<0.000000e+00> : vector<4096x36xf32>
    %dot_general3A_84 = tpu.matmul %convert_element_type3A_78, %convert_element_type3A_74, %dot_general3A_83 {dimension_numbers = #tpu.dot_dimension_numbers<[1], [0], [0], [1], [0, 0, 1, 1], [], []>, transpose_lhs_hint = false} : vector<4096x3xbf16>, vector<3x36xbf16>, vector<4096x36xf32> -> vector<4096x36xf32>
    %add3A_85 = arith.addf %dot_general3A_82, %dot_general3A_84 : vector<4096x36xf32>
    %dot_general3A_86 = arith.constant dense<0.000000e+00> : vector<4096x36xf32>
    %dot_general3A_87 = tpu.matmul %convert_element_type3A_81, %convert_element_type3A_74, %dot_general3A_86 {dimension_numbers = #tpu.dot_dimension_numbers<[1], [0], [0], [1], [0, 0, 1, 1], [], []>, transpose_lhs_hint = false} : vector<4096x3xbf16>, vector<3x36xbf16>, vector<4096x36xf32> -> vector<4096x36xf32>
    %add3A_88 = arith.addf %add3A_85, %dot_general3A_87 : vector<4096x36xf32>
    %iota3A_89 = tpu.iota {dimensions = array<i32: 1>} : vector<1x36xi32>
    %jit3A_90 = arith.constant 12 : i32
    %eq3A_91 = arith.constant 0 : i32
    %eq3A_92 = arith.cmpi eq, %jit3A_90, %eq3A_91 : i32
    %jit3A_93 = arith.constant 1 : i32
    %select_n3A_94 = arith.select %eq3A_92, %jit3A_93, %jit3A_90 : i32
    %rem3A_95 = vector.broadcast %select_n3A_94 : i32 to vector<1x36xi32>
    %rem3A_96 = arith.remsi %iota3A_89, %rem3A_95 : vector<1x36xi32>
    %ne3A_97 = arith.constant 0 : i32
    %ne3A_98 = vector.broadcast %ne3A_97 : i32 to vector<1x36xi32>
    %ne3A_99 = arith.cmpi ne, %rem3A_96, %ne3A_98 : vector<1x36xi32>
    %lt3A_100 = arith.constant 0 : i32
    %lt3A_101 = vector.broadcast %lt3A_100 : i32 to vector<1x36xi32>
    %lt3A_102 = arith.cmpi slt, %rem3A_96, %lt3A_101 : vector<1x36xi32>
    %lt3A_103 = arith.constant 0 : i32
    %lt3A_104 = arith.cmpi slt, %select_n3A_94, %lt3A_103 : i32
    %ne3A_105 = vector.broadcast %lt3A_104 : i1 to vector<1x36xi1>
    %ne3A_106 = vector.broadcast %ne3A_105 : vector<1x36xi1> to vector<1x36xi1>
    %ne3A_107 = arith.xori %lt3A_102, %ne3A_106 : vector<1x36xi1>
    %and3A_108 = arith.andi %ne3A_107, %ne3A_99 : vector<1x36xi1>
    %add3A_109 = vector.broadcast %select_n3A_94 : i32 to vector<1x36xi32>
    %add3A_110 = arith.addi %rem3A_96, %add3A_109 : vector<1x36xi32>
    %select_n3A_111 = arith.select %and3A_108, %add3A_110, %rem3A_96 : vector<1x36xi1>, vector<1x36xi32>
    %ge3A = arith.constant 6 : i32
    %ge3A_112 = vector.broadcast %ge3A : i32 to vector<1x36xi32>
    %ge3A_113 = arith.cmpi sge, %select_n3A_111, %ge3A_112 : vector<1x36xi32>
    %jit3A_114 = arith.constant 5.000000e-01 : f32
    %jit3A_115 = arith.constant 0.000000e+00 : f32
    %broadcast_in_dim3A_116 = vector.broadcast %jit3A_114 : f32 to vector<1x36xf32>
    %broadcast_in_dim3A_117 = vector.broadcast %jit3A_115 : f32 to vector<1x36xf32>
    %select_n3A_118 = arith.select %ge3A_113, %broadcast_in_dim3A_116, %broadcast_in_dim3A_117 : vector<1x36xi1>, vector<1x36xf32>
    %add3A_119 = vector.broadcast %select_n3A_118 : vector<1x36xf32> to vector<4096x36xf32>
    %add3A_120 = arith.addf %add3A_88, %add3A_119 : vector<4096x36xf32>
    %mul3A_121 = arith.constant 5.000000e-01 : f32
    %mul3A_122 = vector.broadcast %mul3A_121 : f32 to vector<4096x36xf32>
    %mul3A_123 = arith.mulf %mul3A_122, %add3A_120 : vector<4096x36xf32>
    %round3A = math.roundeven %mul3A_123 : vector<4096x36xf32>
    %mul3A_124 = arith.constant 2.000000e+00 : f32
    %mul3A_125 = vector.broadcast %mul3A_124 : f32 to vector<4096x36xf32>
    %mul3A_126 = arith.mulf %mul3A_125, %round3A : vector<4096x36xf32>
    %sub3A_127 = arith.subf %add3A_120, %mul3A_126 : vector<4096x36xf32>
    %mul3A_128 = arith.mulf %sub3A_127, %sub3A_127 : vector<4096x36xf32>
    %mul3A_129 = arith.constant 0.0647828355 : f32
    %mul3A_130 = vector.broadcast %mul3A_129 : f32 to vector<4096x36xf32>
    %mul3A_131 = arith.mulf %mul3A_128, %mul3A_130 : vector<4096x36xf32>
    %add3A_132 = arith.constant -5.834080e-01 : f32
    %add3A_133 = vector.broadcast %add3A_132 : f32 to vector<4096x36xf32>
    %add3A_134 = arith.addf %add3A_133, %mul3A_131 : vector<4096x36xf32>
    %mul3A_135 = arith.mulf %mul3A_128, %add3A_134 : vector<4096x36xf32>
    %add3A_136 = arith.constant 2.54375434 : f32
    %add3A_137 = vector.broadcast %add3A_136 : f32 to vector<4096x36xf32>
    %add3A_138 = arith.addf %add3A_137, %mul3A_135 : vector<4096x36xf32>
    %mul3A_139 = arith.mulf %mul3A_128, %add3A_138 : vector<4096x36xf32>
    %add3A_140 = arith.constant -5.16665649 : f32
    %add3A_141 = vector.broadcast %add3A_140 : f32 to vector<4096x36xf32>
    %add3A_142 = arith.addf %add3A_141, %mul3A_139 : vector<4096x36xf32>
    %mul3A_143 = arith.mulf %mul3A_128, %add3A_142 : vector<4096x36xf32>
    %add3A_144 = arith.constant 3.14154434 : f32
    %add3A_145 = vector.broadcast %add3A_144 : f32 to vector<4096x36xf32>
    %add3A_146 = arith.addf %add3A_145, %mul3A_143 : vector<4096x36xf32>
    %mul3A_147 = arith.mulf %sub3A_127, %add3A_146 : vector<4096x36xf32>
    %get3A_148 = arith.constant 0 : index
    %get3A_149 = arith.constant 0 : index
    %get3A_150 = vector.load %arg2[%get3A_148, %get3A_149] : memref<4096x128xi32, #tpu.memory_space<vmem>>, vector<4096x128xi32>
    %shift_left3A = arith.constant 16 : i32
    %shift_left3A_151 = vector.broadcast %shift_left3A : i32 to vector<4096x128xi32>
    %shift_left3A_152 = arith.shli %get3A_150, %shift_left3A_151 : vector<4096x128xi32>
    %bitcast_convert_type3A = tpu.bitcast %shift_left3A_152 : vector<4096x128xi32> -> vector<4096x128xf32>
    %and3A_153 = arith.constant -65536 : i32
    %and3A_154 = vector.broadcast %and3A_153 : i32 to vector<4096x128xi32>
    %and3A_155 = arith.andi %get3A_150, %and3A_154 : vector<4096x128xi32>
    %bitcast_convert_type3A_156 = tpu.bitcast %and3A_155 : vector<4096x128xi32> -> vector<4096x128xf32>
    %iota3A_157 = tpu.iota {dimensions = array<i32: 1>} : vector<4096x128xi32>
    %slice3A_158 = vector.extract_strided_slice %get3A_1 {offsets = [0, 7], sizes = [4096, 1], strides = [1, 1]} : vector<4096x8xf32> to vector<4096x1xf32>
    %convert_element_type3A_159 = arith.fptosi %slice3A_158 : vector<4096x1xf32> to vector<4096x1xi32>
    %jit3A_160 = arith.constant 32 : i32
    %div3A_161 = vector.broadcast %jit3A_160 : i32 to vector<4096x128xi32>
    %div3A_162 = arith.divsi %iota3A_157, %div3A_161 : vector<4096x128xi32>
    %sign3A_163 = arith.constant 0 : i32
    %sign3A_164 = vector.broadcast %sign3A_163 : i32 to vector<4096x128xi32>
    %sign3A_165 = arith.cmpi sgt, %iota3A_157, %sign3A_164 : vector<4096x128xi32>
    %sign3A_166 = arith.extui %sign3A_165 : vector<4096x128xi1> to vector<4096x128xi32>
    %sign3A_167 = arith.constant 0 : i32
    %sign3A_168 = vector.broadcast %sign3A_167 : i32 to vector<4096x128xi32>
    %sign3A_169 = arith.cmpi slt, %iota3A_157, %sign3A_168 : vector<4096x128xi32>
    %sign3A_170 = arith.extui %sign3A_169 : vector<4096x128xi1> to vector<4096x128xi32>
    %sign3A_171 = arith.subi %sign3A_166, %sign3A_170 : vector<4096x128xi32>
    %sign3A_172 = arith.constant 0 : i32
    %sign3A_173 = arith.cmpi sgt, %jit3A_160, %sign3A_172 : i32
    %sign3A_174 = arith.extui %sign3A_173 : i1 to i32
    %sign3A_175 = arith.constant 0 : i32
    %sign3A_176 = arith.cmpi slt, %jit3A_160, %sign3A_175 : i32
    %sign3A_177 = arith.extui %sign3A_176 : i1 to i32
    %sign3A_178 = arith.subi %sign3A_174, %sign3A_177 : i32
    %ne3A_179 = vector.broadcast %sign3A_178 : i32 to vector<4096x128xi32>
    %ne3A_180 = arith.cmpi ne, %sign3A_171, %ne3A_179 : vector<4096x128xi32>
    %rem3A_181 = vector.broadcast %jit3A_160 : i32 to vector<4096x128xi32>
    %rem3A_182 = arith.remsi %iota3A_157, %rem3A_181 : vector<4096x128xi32>
    %ne3A_183 = arith.constant 0 : i32
    %ne3A_184 = vector.broadcast %ne3A_183 : i32 to vector<4096x128xi32>
    %ne3A_185 = arith.cmpi ne, %rem3A_182, %ne3A_184 : vector<4096x128xi32>
    %and3A_186 = arith.andi %ne3A_180, %ne3A_185 : vector<4096x128xi1>
    %sub3A_187 = arith.constant 1 : i32
    %sub3A_188 = vector.broadcast %sub3A_187 : i32 to vector<4096x128xi32>
    %sub3A_189 = arith.subi %div3A_162, %sub3A_188 : vector<4096x128xi32>
    %select_n3A_190 = arith.select %and3A_186, %sub3A_189, %div3A_162 : vector<4096x128xi1>, vector<4096x128xi32>
    %eq3A_191 = vector.broadcast %convert_element_type3A_159 : vector<4096x1xi32> to vector<4096x128xi32>
    %eq3A_192 = arith.cmpi eq, %select_n3A_190, %eq3A_191 : vector<4096x128xi32>
    %jit3A_193 = arith.constant 0.000000e+00 : f32
    %broadcast_in_dim3A_194 = vector.broadcast %jit3A_193 : f32 to vector<4096x128xf32>
    %select_n3A_195 = arith.select %eq3A_192, %bitcast_convert_type3A, %broadcast_in_dim3A_194 : vector<4096x128xi1>, vector<4096x128xf32>
    %jit3A_196 = arith.constant 32 : i32
    %div3A_197 = vector.broadcast %jit3A_196 : i32 to vector<4096x128xi32>
    %div3A_198 = arith.divsi %iota3A_157, %div3A_197 : vector<4096x128xi32>
    %sign3A_199 = arith.constant 0 : i32
    %sign3A_200 = vector.broadcast %sign3A_199 : i32 to vector<4096x128xi32>
    %sign3A_201 = arith.cmpi sgt, %iota3A_157, %sign3A_200 : vector<4096x128xi32>
    %sign3A_202 = arith.extui %sign3A_201 : vector<4096x128xi1> to vector<4096x128xi32>
    %sign3A_203 = arith.constant 0 : i32
    %sign3A_204 = vector.broadcast %sign3A_203 : i32 to vector<4096x128xi32>
    %sign3A_205 = arith.cmpi slt, %iota3A_157, %sign3A_204 : vector<4096x128xi32>
    %sign3A_206 = arith.extui %sign3A_205 : vector<4096x128xi1> to vector<4096x128xi32>
    %sign3A_207 = arith.subi %sign3A_202, %sign3A_206 : vector<4096x128xi32>
    %sign3A_208 = arith.constant 0 : i32
    %sign3A_209 = arith.cmpi sgt, %jit3A_196, %sign3A_208 : i32
    %sign3A_210 = arith.extui %sign3A_209 : i1 to i32
    %sign3A_211 = arith.constant 0 : i32
    %sign3A_212 = arith.cmpi slt, %jit3A_196, %sign3A_211 : i32
    %sign3A_213 = arith.extui %sign3A_212 : i1 to i32
    %sign3A_214 = arith.subi %sign3A_210, %sign3A_213 : i32
    %ne3A_215 = vector.broadcast %sign3A_214 : i32 to vector<4096x128xi32>
    %ne3A_216 = arith.cmpi ne, %sign3A_207, %ne3A_215 : vector<4096x128xi32>
    %rem3A_217 = vector.broadcast %jit3A_196 : i32 to vector<4096x128xi32>
    %rem3A_218 = arith.remsi %iota3A_157, %rem3A_217 : vector<4096x128xi32>
    %ne3A_219 = arith.constant 0 : i32
    %ne3A_220 = vector.broadcast %ne3A_219 : i32 to vector<4096x128xi32>
    %ne3A_221 = arith.cmpi ne, %rem3A_218, %ne3A_220 : vector<4096x128xi32>
    %and3A_222 = arith.andi %ne3A_216, %ne3A_221 : vector<4096x128xi1>
    %sub3A_223 = arith.constant 1 : i32
    %sub3A_224 = vector.broadcast %sub3A_223 : i32 to vector<4096x128xi32>
    %sub3A_225 = arith.subi %div3A_198, %sub3A_224 : vector<4096x128xi32>
    %select_n3A_226 = arith.select %and3A_222, %sub3A_225, %div3A_198 : vector<4096x128xi1>, vector<4096x128xi32>
    %sub3A_227 = arith.constant 4 : i32
    %sub3A_228 = vector.broadcast %sub3A_227 : i32 to vector<4096x1xi32>
    %sub3A_229 = arith.subi %convert_element_type3A_159, %sub3A_228 : vector<4096x1xi32>
    %eq3A_230 = vector.broadcast %sub3A_229 : vector<4096x1xi32> to vector<4096x128xi32>
    %eq3A_231 = arith.cmpi eq, %select_n3A_226, %eq3A_230 : vector<4096x128xi32>
    %jit3A_232 = arith.constant 0.000000e+00 : f32
    %broadcast_in_dim3A_233 = vector.broadcast %jit3A_232 : f32 to vector<4096x128xf32>
    %select_n3A_234 = arith.select %eq3A_231, %bitcast_convert_type3A_156, %broadcast_in_dim3A_233 : vector<4096x128xi1>, vector<4096x128xf32>
    %add3A_235 = arith.addf %select_n3A_195, %select_n3A_234 : vector<4096x128xf32>
    %convert_element_type3A_236 = arith.truncf %add3A : vector<4096x3xf32> to vector<4096x3xbf16>
    %get3A_237 = arith.constant 0 : index
    %get3A_238 = arith.constant 0 : index
    %get3A_239 = vector.load %arg3[%get3A_237, %get3A_238] : memref<39x256xbf16, #tpu.memory_space<vmem>>, vector<3x256xbf16>
    %dot_general3A_240 = arith.constant dense<0.000000e+00> : vector<4096x256xf32>
    %dot_general3A_241 = tpu.matmul %convert_element_type3A_236, %get3A_239, %dot_general3A_240 {dimension_numbers = #tpu.dot_dimension_numbers<[1], [0], [0], [1], [0, 0, 1, 1], [], []>, transpose_lhs_hint = false} : vector<4096x3xbf16>, vector<3x256xbf16>, vector<4096x256xf32> -> vector<4096x256xf32>
    %convert_element_type3A_242 = arith.truncf %mul3A_147 : vector<4096x36xf32> to vector<4096x36xbf16>
    %get3A_243 = arith.constant 3 : index
    %get3A_244 = arith.constant 0 : index
    %get3A_245 = vector.load %arg3[%get3A_243, %get3A_244] : memref<39x256xbf16, #tpu.memory_space<vmem>>, vector<36x256xbf16>
    %dot_general3A_246 = arith.constant dense<0.000000e+00> : vector<4096x256xf32>
    %dot_general3A_247 = tpu.matmul %convert_element_type3A_242, %get3A_245, %dot_general3A_246 {dimension_numbers = #tpu.dot_dimension_numbers<[1], [0], [0], [1], [0, 0, 1, 1], [], []>, transpose_lhs_hint = false} : vector<4096x36xbf16>, vector<36x256xbf16>, vector<4096x256xf32> -> vector<4096x256xf32>
    %add3A_248 = arith.addf %dot_general3A_241, %dot_general3A_247 : vector<4096x256xf32>
    %convert_element_type3A_249 = arith.truncf %add3A_235 : vector<4096x128xf32> to vector<4096x128xbf16>
    %get3A_250 = arith.constant 0 : index
    %get3A_251 = arith.constant 0 : index
    %get3A_252 = vector.load %arg4[%get3A_250, %get3A_251] : memref<128x256xbf16, #tpu.memory_space<vmem>>, vector<128x256xbf16>
    %dot_general3A_253 = arith.constant dense<0.000000e+00> : vector<4096x256xf32>
    %dot_general3A_254 = tpu.matmul %convert_element_type3A_249, %get3A_252, %dot_general3A_253 {dimension_numbers = #tpu.dot_dimension_numbers<[1], [0], [0], [1], [0, 0, 1, 1], [], []>, transpose_lhs_hint = false} : vector<4096x128xbf16>, vector<128x256xbf16>, vector<4096x256xf32> -> vector<4096x256xf32>
    %add3A_255 = arith.addf %add3A_248, %dot_general3A_254 : vector<4096x256xf32>
    %get3A_256 = arith.constant 0 : index
    %get3A_257 = arith.constant 0 : index
    %get3A_258 = vector.load %arg5[%get3A_256, %get3A_257] : memref<1x256xf32, #tpu.memory_space<vmem>>, vector<1x256xf32>
    %add3A_259 = vector.broadcast %get3A_258 : vector<1x256xf32> to vector<4096x256xf32>
    %add3A_260 = arith.addf %add3A_255, %add3A_259 : vector<4096x256xf32>
    %max3A = arith.constant 0.000000e+00 : f32
    %max3A_261 = vector.broadcast %max3A : f32 to vector<4096x256xf32>
    %max3A_262 = arith.maximumf %add3A_260, %max3A_261 : vector<4096x256xf32>
    %convert_element_type3A_263 = arith.truncf %max3A_262 : vector<4096x256xf32> to vector<4096x256xbf16>
    %get3A_264 = arith.constant 0 : index
    %get3A_265 = arith.constant 0 : index
    %get3A_266 = vector.load %arg6[%get3A_264, %get3A_265] : memref<256x256xbf16, #tpu.memory_space<vmem>>, vector<256x256xbf16>
    %dot_general3A_267 = arith.constant dense<0.000000e+00> : vector<4096x256xf32>
    %dot_general3A_268 = tpu.matmul %convert_element_type3A_263, %get3A_266, %dot_general3A_267 {dimension_numbers = #tpu.dot_dimension_numbers<[1], [0], [0], [1], [0, 0, 1, 1], [], []>, transpose_lhs_hint = false} : vector<4096x256xbf16>, vector<256x256xbf16>, vector<4096x256xf32> -> vector<4096x256xf32>
    %get3A_269 = arith.constant 0 : index
    %get3A_270 = arith.constant 0 : index
    %get3A_271 = vector.load %arg7[%get3A_269, %get3A_270] : memref<1x256xf32, #tpu.memory_space<vmem>>, vector<1x256xf32>
    %add3A_272 = vector.broadcast %get3A_271 : vector<1x256xf32> to vector<4096x256xf32>
    %add3A_273 = arith.addf %dot_general3A_268, %add3A_272 : vector<4096x256xf32>
    %max3A_274 = arith.constant 0.000000e+00 : f32
    %max3A_275 = vector.broadcast %max3A_274 : f32 to vector<4096x256xf32>
    %max3A_276 = arith.maximumf %add3A_273, %max3A_275 : vector<4096x256xf32>
    %convert_element_type3A_277 = arith.truncf %max3A_276 : vector<4096x256xf32> to vector<4096x256xbf16>
    %get3A_278 = arith.constant 0 : index
    %get3A_279 = arith.constant 0 : index
    %get3A_280 = vector.load %arg8[%get3A_278, %get3A_279] : memref<256x1xbf16, #tpu.memory_space<vmem>>, vector<256x1xbf16>
    %dot_general3A_281 = arith.constant dense<0.000000e+00> : vector<4096x1xf32>
    %dot_general3A_282 = tpu.matmul %convert_element_type3A_277, %get3A_280, %dot_general3A_281 {dimension_numbers = #tpu.dot_dimension_numbers<[1], [0], [0], [1], [0, 0, 1, 1], [], []>, transpose_lhs_hint = false} : vector<4096x256xbf16>, vector<256x1xbf16>, vector<4096x1xf32> -> vector<4096x1xf32>
    %get3A_283 = arith.constant 0 : index
    %get3A_284 = arith.constant 0 : index
    %get3A_285 = vector.load %arg9[%get3A_283, %get3A_284] : memref<1x1xf32, #tpu.memory_space<vmem>>, vector<1x1xf32>
    %add3A_286 = vector.broadcast %get3A_285 : vector<1x1xf32> to vector<4096x1xf32>
    %add3A_287 = arith.addf %dot_general3A_282, %add3A_286 : vector<4096x1xf32>
    %swap3A = arith.constant 0 : index
    %swap3A_288 = arith.constant 0 : index
    %swap3A_289 = vector.load %arg15[%swap3A, %swap3A_288] : memref<4096x4xf32, #tpu.memory_space<vmem>>, vector<4096x1xf32>
    tpu.vector_store %arg15[%swap3A, %swap3A_288], %add3A_287 {strides = array<i32>} : memref<4096x4xf32, #tpu.memory_space<vmem>>, vector<4096x1xf32>,
    %get3A_290 = arith.constant 0 : index
    %get3A_291 = arith.constant 0 : index
    %get3A_292 = vector.load %arg10[%get3A_290, %get3A_291] : memref<256x128xbf16, #tpu.memory_space<vmem>>, vector<256x128xbf16>
    %dot_general3A_293 = arith.constant dense<0.000000e+00> : vector<4096x128xf32>
    %dot_general3A_294 = tpu.matmul %convert_element_type3A_277, %get3A_292, %dot_general3A_293 {dimension_numbers = #tpu.dot_dimension_numbers<[1], [0], [0], [1], [0, 0, 1, 1], [], []>, transpose_lhs_hint = false} : vector<4096x256xbf16>, vector<256x128xbf16>, vector<4096x128xf32> -> vector<4096x128xf32>
    %convert_element_type3A_295 = arith.truncf %slice3A : vector<4096x3xf32> to vector<4096x3xbf16>
    %get3A_296 = arith.constant 0 : index
    %get3A_297 = arith.constant 0 : index
    %get3A_298 = vector.load %arg11[%get3A_296, %get3A_297] : memref<3x128xbf16, #tpu.memory_space<vmem>>, vector<3x128xbf16>
    %dot_general3A_299 = arith.constant dense<0.000000e+00> : vector<4096x128xf32>
    %dot_general3A_300 = tpu.matmul %convert_element_type3A_295, %get3A_298, %dot_general3A_299 {dimension_numbers = #tpu.dot_dimension_numbers<[1], [0], [0], [1], [0, 0, 1, 1], [], []>, transpose_lhs_hint = false} : vector<4096x3xbf16>, vector<3x128xbf16>, vector<4096x128xf32> -> vector<4096x128xf32>
    %add3A_301 = arith.addf %dot_general3A_294, %dot_general3A_300 : vector<4096x128xf32>
    %get3A_302 = arith.constant 0 : index
    %get3A_303 = arith.constant 0 : index
    %get3A_304 = vector.load %arg12[%get3A_302, %get3A_303] : memref<1x128xf32, #tpu.memory_space<vmem>>, vector<1x128xf32>
    %add3A_305 = vector.broadcast %get3A_304 : vector<1x128xf32> to vector<4096x128xf32>
    %add3A_306 = arith.addf %add3A_301, %add3A_305 : vector<4096x128xf32>
    %max3A_307 = arith.constant 0.000000e+00 : f32
    %max3A_308 = vector.broadcast %max3A_307 : f32 to vector<4096x128xf32>
    %max3A_309 = arith.maximumf %add3A_306, %max3A_308 : vector<4096x128xf32>
    %convert_element_type3A_310 = arith.truncf %max3A_309 : vector<4096x128xf32> to vector<4096x128xbf16>
    %get3A_311 = arith.constant 0 : index
    %get3A_312 = arith.constant 0 : index
    %get3A_313 = vector.load %arg13[%get3A_311, %get3A_312] : memref<128x3xbf16, #tpu.memory_space<vmem>>, vector<128x3xbf16>
    %dot_general3A_314 = arith.constant dense<0.000000e+00> : vector<4096x3xf32>
    %dot_general3A_315 = tpu.matmul %convert_element_type3A_310, %get3A_313, %dot_general3A_314 {dimension_numbers = #tpu.dot_dimension_numbers<[1], [0], [0], [1], [0, 0, 1, 1], [], []>, transpose_lhs_hint = false} : vector<4096x128xbf16>, vector<128x3xbf16>, vector<4096x3xf32> -> vector<4096x3xf32>
    %get3A_316 = arith.constant 0 : index
    %get3A_317 = arith.constant 0 : index
    %get3A_318 = vector.load %arg14[%get3A_316, %get3A_317] : memref<1x3xf32, #tpu.memory_space<vmem>>, vector<1x3xf32>
    %add3A_319 = vector.broadcast %get3A_318 : vector<1x3xf32> to vector<4096x3xf32>
    %add3A_320 = arith.addf %dot_general3A_315, %add3A_319 : vector<4096x3xf32>
    %logistic3A = arith.negf %add3A_320 : vector<4096x3xf32>
    %logistic3A_321 = math.exp %logistic3A : vector<4096x3xf32>
    %logistic3A_322 = arith.constant 1.000000e+00 : f32
    %logistic3A_323 = vector.broadcast %logistic3A_322 : f32 to vector<4096x3xf32>
    %logistic3A_324 = arith.addf %logistic3A_323, %logistic3A_321 : vector<4096x3xf32>
    %logistic3A_325 = arith.divf %logistic3A_323, %logistic3A_324 : vector<4096x3xf32>
    %swap3A_326 = arith.constant 0 : index
    %swap3A_327 = arith.constant 1 : index
    %swap3A_328 = vector.load %arg15[%swap3A_326, %swap3A_327] : memref<4096x4xf32, #tpu.memory_space<vmem>>, vector<4096x3xf32>
    tpu.vector_store %arg15[%swap3A_326, %swap3A_327], %logistic3A_325 {strides = array<i32>} : memref<4096x4xf32, #tpu.memory_space<vmem>>, vector<4096x3xf32>,
    return
  }
  func.func @transform_0(%arg0: i32) -> (i32, i32) {
    %c0_i32 = arith.constant 0 : i32
    %c0_i32_0 = arith.constant 0 : i32
    return %arg0, %c0_i32 : i32, i32
  }
  func.func @transform_1(%arg0: i32) -> (i32, i32) {
    %c0_i32 = arith.constant 0 : i32
    %c0_i32_0 = arith.constant 0 : i32
    return %arg0, %c0_i32 : i32, i32
  }
  func.func @transform_2(%arg0: i32) -> (i32, i32) {
    %c0_i32 = arith.constant 0 : i32
    %c0_i32_0 = arith.constant 0 : i32
    %c0_i32_1 = arith.constant 0 : i32
    return %c0_i32, %c0_i32_0 : i32, i32
  }
  func.func @transform_3(%arg0: i32) -> (i32, i32) {
    %c0_i32 = arith.constant 0 : i32
    %c0_i32_0 = arith.constant 0 : i32
    %c0_i32_1 = arith.constant 0 : i32
    return %c0_i32, %c0_i32_0 : i32, i32
  }
  func.func @transform_4(%arg0: i32) -> (i32, i32) {
    %c0_i32 = arith.constant 0 : i32
    %c0_i32_0 = arith.constant 0 : i32
    %c0_i32_1 = arith.constant 0 : i32
    return %c0_i32, %c0_i32_0 : i32, i32
  }
  func.func @transform_5(%arg0: i32) -> (i32, i32) {
    %c0_i32 = arith.constant 0 : i32
    %c0_i32_0 = arith.constant 0 : i32
    %c0_i32_1 = arith.constant 0 : i32
    return %c0_i32, %c0_i32_0 : i32, i32
  }
  func.func @transform_6(%arg0: i32) -> (i32, i32) {
    %c0_i32 = arith.constant 0 : i32
    %c0_i32_0 = arith.constant 0 : i32
    %c0_i32_1 = arith.constant 0 : i32
    return %c0_i32, %c0_i32_0 : i32, i32
  }
  func.func @transform_7(%arg0: i32) -> (i32, i32) {
    %c0_i32 = arith.constant 0 : i32
    %c0_i32_0 = arith.constant 0 : i32
    %c0_i32_1 = arith.constant 0 : i32
    return %c0_i32, %c0_i32_0 : i32, i32
  }
  func.func @transform_8(%arg0: i32) -> (i32, i32) {
    %c0_i32 = arith.constant 0 : i32
    %c0_i32_0 = arith.constant 0 : i32
    %c0_i32_1 = arith.constant 0 : i32
    return %c0_i32, %c0_i32_0 : i32, i32
  }
  func.func @transform_9(%arg0: i32) -> (i32, i32) {
    %c0_i32 = arith.constant 0 : i32
    %c0_i32_0 = arith.constant 0 : i32
    %c0_i32_1 = arith.constant 0 : i32
    return %c0_i32, %c0_i32_0 : i32, i32
  }
  func.func @transform_10(%arg0: i32) -> (i32, i32) {
    %c0_i32 = arith.constant 0 : i32
    %c0_i32_0 = arith.constant 0 : i32
    %c0_i32_1 = arith.constant 0 : i32
    return %c0_i32, %c0_i32_0 : i32, i32
  }
  func.func @transform_11(%arg0: i32) -> (i32, i32) {
    %c0_i32 = arith.constant 0 : i32
    %c0_i32_0 = arith.constant 0 : i32
    %c0_i32_1 = arith.constant 0 : i32
    return %c0_i32, %c0_i32_0 : i32, i32
  }
  func.func @transform_12(%arg0: i32) -> (i32, i32) {
    %c0_i32 = arith.constant 0 : i32
    %c0_i32_0 = arith.constant 0 : i32
    %c0_i32_1 = arith.constant 0 : i32
    return %c0_i32, %c0_i32_0 : i32, i32
  }
  func.func @transform_13(%arg0: i32) -> (i32, i32) {
    %c0_i32 = arith.constant 0 : i32
    %c0_i32_0 = arith.constant 0 : i32
    %c0_i32_1 = arith.constant 0 : i32
    return %c0_i32, %c0_i32_0 : i32, i32
  }
  func.func @transform_14(%arg0: i32) -> (i32, i32) {
    %c0_i32 = arith.constant 0 : i32
    %c0_i32_0 = arith.constant 0 : i32
    return %arg0, %c0_i32 : i32, i32
  }
}

module attributes {stable_mosaic.version = 14 : i64} {
  func.func @_render_kernel(%arg0: i32, %arg1: memref<512x128xf32, #tpu.memory_space<vmem>>, %arg2: memref<512x128xf32, #tpu.memory_space<vmem>>, %arg3: memref<512x128xf32, #tpu.memory_space<vmem>>, %arg4: memref<512x128xf32, #tpu.memory_space<vmem>>, %arg5: memref<512x128xf32, #tpu.memory_space<vmem>>, %arg6: memref<512x128xf32, #tpu.memory_space<vmem>>, %arg7: memref<512x128xi32, #tpu.memory_space<vmem>>, %arg8: memref<512x128xf32, #tpu.memory_space<vmem>>, %arg9: memref<512x1xf32, #tpu.memory_space<vmem>>, %arg10: memref<512x1xf32, #tpu.memory_space<vmem>>, %arg11: memref<512x3xf32, #tpu.memory_space<vmem>>) attributes {dimension_semantics = [#tpu.dimension_semantics<arbitrary>], iteration_bounds = array<i64: 8>, scalar_prefetch = 0 : i64, scratch_operands = 0 : i64, tpu.core_type = #tpu.core_type<tc>, window_params = [{transform_indices = @transform_0, window_bounds = array<i64: 512, 128>}, {transform_indices = @transform_1, window_bounds = array<i64: 512, 128>}, {transform_indices = @transform_2, window_bounds = array<i64: 512, 128>}, {transform_indices = @transform_3, window_bounds = array<i64: 512, 128>}, {transform_indices = @transform_4, window_bounds = array<i64: 512, 128>}, {transform_indices = @transform_5, window_bounds = array<i64: 512, 128>}, {transform_indices = @transform_6, window_bounds = array<i64: 512, 128>}, {transform_indices = @transform_7, window_bounds = array<i64: 512, 128>}, {transform_indices = @transform_8, window_bounds = array<i64: 512, 1>}, {transform_indices = @transform_9, window_bounds = array<i64: 512, 1>}, {transform_indices = @transform_10, window_bounds = array<i64: 512, 3>}]} {
    %get3A = arith.constant 0 : index
    %get3A_0 = arith.constant 0 : index
    %get3A_1 = vector.load %arg7[%get3A, %get3A_0] : memref<512x128xi32, #tpu.memory_space<vmem>>, vector<512x128xi32>
    %ne3A = arith.constant -1 : i32
    %ne3A_2 = vector.broadcast %ne3A : i32 to vector<512x128xi32>
    %ne3A_3 = arith.cmpi ne, %get3A_1, %ne3A_2 : vector<512x128xi32>
    %convert_element_type3A = arith.extui %ne3A_3 : vector<512x128xi1> to vector<512x128xi32>
    %convert_element_type3A_4 = arith.sitofp %convert_element_type3A : vector<512x128xi32> to vector<512x128xf32>
    %get3A_5 = arith.constant 0 : index
    %get3A_6 = arith.constant 0 : index
    %get3A_7 = vector.load %arg1[%get3A_5, %get3A_6] : memref<512x128xf32, #tpu.memory_space<vmem>>, vector<512x128xf32>
    %max3A = arith.constant 0.000000e+00 : f32
    %max3A_8 = vector.broadcast %max3A : f32 to vector<512x128xf32>
    %max3A_9 = arith.maximumf %get3A_7, %max3A_8 : vector<512x128xf32>
    %get3A_10 = arith.constant 0 : index
    %get3A_11 = arith.constant 0 : index
    %get3A_12 = vector.load %arg6[%get3A_10, %get3A_11] : memref<512x128xf32, #tpu.memory_space<vmem>>, vector<512x128xf32>
    %mul3A = arith.mulf %max3A_9, %get3A_12 : vector<512x128xf32>
    %mul3A_13 = arith.mulf %mul3A, %convert_element_type3A_4 : vector<512x128xf32>
    %iota3A = tpu.iota {dimensions = array<i32: 0>} : vector<128x128xi32>
    %iota3A_14 = tpu.iota {dimensions = array<i32: 1>} : vector<128x128xi32>
    %lt3A = arith.cmpi slt, %iota3A, %iota3A_14 : vector<128x128xi32>
    %convert_element_type3A_15 = arith.extui %lt3A : vector<128x128xi1> to vector<128x128xi32>
    %convert_element_type3A_16 = arith.sitofp %convert_element_type3A_15 : vector<128x128xi32> to vector<128x128xf32>
    %dot_general3A = arith.constant dense<0.000000e+00> : vector<512x128xf32>
    %dot_general3A_17 = tpu.matmul %mul3A_13, %convert_element_type3A_16, %dot_general3A {dimension_numbers = #tpu.dot_dimension_numbers<[1], [0], [0], [1], [0, 0, 1, 1], [], []>, precision = #tpu.contract_precision<fp32>, transpose_lhs_hint = false} : vector<512x128xf32>, vector<128x128xf32>, vector<512x128xf32> -> vector<512x128xf32>
    %neg3A = arith.constant 0.000000e+00 : f32
    %neg3A_18 = vector.broadcast %neg3A : f32 to vector<512x128xf32>
    %neg3A_19 = arith.subf %neg3A_18, %mul3A_13 : vector<512x128xf32>
    %exp3A = math.exp %neg3A_19 : vector<512x128xf32>
    %sub3A = arith.constant 1.000000e+00 : f32
    %sub3A_20 = vector.broadcast %sub3A : f32 to vector<512x128xf32>
    %sub3A_21 = arith.subf %sub3A_20, %exp3A : vector<512x128xf32>
    %neg3A_22 = arith.constant 0.000000e+00 : f32
    %neg3A_23 = vector.broadcast %neg3A_22 : f32 to vector<512x128xf32>
    %neg3A_24 = arith.subf %neg3A_23, %dot_general3A_17 : vector<512x128xf32>
    %exp3A_25 = math.exp %neg3A_24 : vector<512x128xf32>
    %mul3A_26 = arith.mulf %sub3A_21, %exp3A_25 : vector<512x128xf32>
    %swap3A = arith.constant 0 : index
    %swap3A_27 = arith.constant 0 : index
    %swap3A_28 = vector.load %arg8[%swap3A, %swap3A_27] : memref<512x128xf32, #tpu.memory_space<vmem>>, vector<512x128xf32>
    tpu.vector_store %arg8[%swap3A, %swap3A_27], %mul3A_26 {strides = array<i32>} : memref<512x128xf32, #tpu.memory_space<vmem>>, vector<512x128xf32>,
    %get3A_29 = arith.constant 0 : index
    %get3A_30 = arith.constant 0 : index
    %get3A_31 = vector.load %arg5[%get3A_29, %get3A_30] : memref<512x128xf32, #tpu.memory_space<vmem>>, vector<512x128xf32>
    %mul3A_32 = arith.mulf %get3A_31, %mul3A_26 : vector<512x128xf32>
    %reduce_sum3A = arith.constant dense<0.000000e+00> : vector<512xf32>
    %reduce_sum3A_33 = vector.multi_reduction <add>, %mul3A_32, %reduce_sum3A [1] : vector<512x128xf32> to vector<512xf32>
    %broadcast_in_dim3A = vector.shape_cast %reduce_sum3A_33 : vector<512xf32> to vector<512x1xf32>
    %swap3A_34 = arith.constant 0 : index
    %swap3A_35 = arith.constant 0 : index
    %swap3A_36 = vector.load %arg9[%swap3A_34, %swap3A_35] : memref<512x1xf32, #tpu.memory_space<vmem>>, vector<512x1xf32>
    tpu.vector_store %arg9[%swap3A_34, %swap3A_35], %broadcast_in_dim3A {strides = array<i32>} : memref<512x1xf32, #tpu.memory_space<vmem>>, vector<512x1xf32>,
    %reduce_sum3A_37 = arith.constant dense<0.000000e+00> : vector<512xf32>
    %reduce_sum3A_38 = vector.multi_reduction <add>, %mul3A_26, %reduce_sum3A_37 [1] : vector<512x128xf32> to vector<512xf32>
    %broadcast_in_dim3A_39 = vector.shape_cast %reduce_sum3A_38 : vector<512xf32> to vector<512x1xf32>
    %sub3A_40 = arith.constant 1.000000e+00 : f32
    %sub3A_41 = vector.broadcast %sub3A_40 : f32 to vector<512x1xf32>
    %sub3A_42 = arith.subf %sub3A_41, %broadcast_in_dim3A_39 : vector<512x1xf32>
    %swap3A_43 = arith.constant 0 : index
    %swap3A_44 = arith.constant 0 : index
    %swap3A_45 = vector.load %arg10[%swap3A_43, %swap3A_44] : memref<512x1xf32, #tpu.memory_space<vmem>>, vector<512x1xf32>
    tpu.vector_store %arg10[%swap3A_43, %swap3A_44], %sub3A_42 {strides = array<i32>} : memref<512x1xf32, #tpu.memory_space<vmem>>, vector<512x1xf32>,
    %get3A_46 = arith.constant 0 : index
    %get3A_47 = arith.constant 0 : index
    %get3A_48 = vector.load %arg2[%get3A_46, %get3A_47] : memref<512x128xf32, #tpu.memory_space<vmem>>, vector<512x128xf32>
    %mul3A_49 = arith.mulf %get3A_48, %mul3A_26 : vector<512x128xf32>
    %reduce_sum3A_50 = arith.constant dense<0.000000e+00> : vector<512xf32>
    %reduce_sum3A_51 = vector.multi_reduction <add>, %mul3A_49, %reduce_sum3A_50 [1] : vector<512x128xf32> to vector<512xf32>
    %broadcast_in_dim3A_52 = vector.shape_cast %reduce_sum3A_51 : vector<512xf32> to vector<512x1xf32>
    %get3A_53 = arith.constant 0 : index
    %get3A_54 = arith.constant 0 : index
    %get3A_55 = vector.load %arg3[%get3A_53, %get3A_54] : memref<512x128xf32, #tpu.memory_space<vmem>>, vector<512x128xf32>
    %mul3A_56 = arith.mulf %get3A_55, %mul3A_26 : vector<512x128xf32>
    %reduce_sum3A_57 = arith.constant dense<0.000000e+00> : vector<512xf32>
    %reduce_sum3A_58 = vector.multi_reduction <add>, %mul3A_56, %reduce_sum3A_57 [1] : vector<512x128xf32> to vector<512xf32>
    %broadcast_in_dim3A_59 = vector.shape_cast %reduce_sum3A_58 : vector<512xf32> to vector<512x1xf32>
    %get3A_60 = arith.constant 0 : index
    %get3A_61 = arith.constant 0 : index
    %get3A_62 = vector.load %arg4[%get3A_60, %get3A_61] : memref<512x128xf32, #tpu.memory_space<vmem>>, vector<512x128xf32>
    %mul3A_63 = arith.mulf %get3A_62, %mul3A_26 : vector<512x128xf32>
    %reduce_sum3A_64 = arith.constant dense<0.000000e+00> : vector<512xf32>
    %reduce_sum3A_65 = vector.multi_reduction <add>, %mul3A_63, %reduce_sum3A_64 [1] : vector<512x128xf32> to vector<512xf32>
    %broadcast_in_dim3A_66 = vector.shape_cast %reduce_sum3A_65 : vector<512xf32> to vector<512x1xf32>
    %concatenate3A = tpu.concatenate %broadcast_in_dim3A_52, %broadcast_in_dim3A_59, %broadcast_in_dim3A_66 in 1 : vector<512x1xf32>, vector<512x1xf32>, vector<512x1xf32> -> vector<512x3xf32>
    %swap3A_67 = arith.constant 0 : index
    %swap3A_68 = arith.constant 0 : index
    %swap3A_69 = vector.load %arg11[%swap3A_67, %swap3A_68] : memref<512x3xf32, #tpu.memory_space<vmem>>, vector<512x3xf32>
    tpu.vector_store %arg11[%swap3A_67, %swap3A_68], %concatenate3A {strides = array<i32>} : memref<512x3xf32, #tpu.memory_space<vmem>>, vector<512x3xf32>,
    return
  }
  func.func @transform_0(%arg0: i32) -> (i32, i32) {
    %c0_i32 = arith.constant 0 : i32
    %c0_i32_0 = arith.constant 0 : i32
    return %arg0, %c0_i32 : i32, i32
  }
  func.func @transform_1(%arg0: i32) -> (i32, i32) {
    %c0_i32 = arith.constant 0 : i32
    %c0_i32_0 = arith.constant 0 : i32
    return %arg0, %c0_i32 : i32, i32
  }
  func.func @transform_2(%arg0: i32) -> (i32, i32) {
    %c0_i32 = arith.constant 0 : i32
    %c0_i32_0 = arith.constant 0 : i32
    return %arg0, %c0_i32 : i32, i32
  }
  func.func @transform_3(%arg0: i32) -> (i32, i32) {
    %c0_i32 = arith.constant 0 : i32
    %c0_i32_0 = arith.constant 0 : i32
    return %arg0, %c0_i32 : i32, i32
  }
  func.func @transform_4(%arg0: i32) -> (i32, i32) {
    %c0_i32 = arith.constant 0 : i32
    %c0_i32_0 = arith.constant 0 : i32
    return %arg0, %c0_i32 : i32, i32
  }
  func.func @transform_5(%arg0: i32) -> (i32, i32) {
    %c0_i32 = arith.constant 0 : i32
    %c0_i32_0 = arith.constant 0 : i32
    return %arg0, %c0_i32 : i32, i32
  }
  func.func @transform_6(%arg0: i32) -> (i32, i32) {
    %c0_i32 = arith.constant 0 : i32
    %c0_i32_0 = arith.constant 0 : i32
    return %arg0, %c0_i32 : i32, i32
  }
  func.func @transform_7(%arg0: i32) -> (i32, i32) {
    %c0_i32 = arith.constant 0 : i32
    %c0_i32_0 = arith.constant 0 : i32
    return %arg0, %c0_i32 : i32, i32
  }
  func.func @transform_8(%arg0: i32) -> (i32, i32) {
    %c0_i32 = arith.constant 0 : i32
    %c0_i32_0 = arith.constant 0 : i32
    return %arg0, %c0_i32 : i32, i32
  }
  func.func @transform_9(%arg0: i32) -> (i32, i32) {
    %c0_i32 = arith.constant 0 : i32
    %c0_i32_0 = arith.constant 0 : i32
    return %arg0, %c0_i32 : i32, i32
  }
  func.func @transform_10(%arg0: i32) -> (i32, i32) {
    %c0_i32 = arith.constant 0 : i32
    %c0_i32_0 = arith.constant 0 : i32
    return %arg0, %c0_i32 : i32, i32
  }
}

</mosaic_0001>

<sc_bundles>
// kernel: kernel.19.cloned.1.call-start
scs
__scs_entry_jumppad:
0x0: {  	(pc) =	sbr.rel $0x88, $3  }
0x1: {  	(tag) =	ssettag $0x0;
	lr =	simm.s32 $0x1  }
0x2: {  	[smem:$0x3F91] =	sst lr;
	_ =	strace $0xD0000000  }
0x3: {  	_ = 	snop  }
0x4: {  	_ = 	snop  }
0x5: {  	_ = 	snop  }
0x6: {  	_ = 	snop  }
0x7: {  	_ = 	snop  }
__scs_overlays_trampoline_lowered:
0x8: {  	[smem:$0x3FA0] =	sst s0  }
0x9: {  	[smem:$0x3FA1] =	sst s1  }
0xa: {  	[smem:$0x3FA2] =	sst s2  }
0xb: {  	[smem:$0x3FA3] =	sst s3  }
0xc: {  	[smem:$0x3FA4] =	sst s4  }
0xd: {  	[smem:$0x3FA5] =	sst s5  }
0xe: {  	[smem:$0x3FA6] =	sst s6  }
0xf: {  	[smem:$0x3FA7] =	sst s7  }
0x10: {  	[smem:$0x3FA8] =	sst s8  }
0x11: {  	[smem:$0x3FA9] =	sst s9;
	s0 =	simm.s32 @!p0 $0x0  }
0x12: {  	s1 =	sld [smem:$0x3F8F];
	s0 =	simm.s32 @p0 $0x1  }
0x13: {  	[smem:$0x3FAA] =	sst s0;
	s0 =	simm.s32 @!p1 $0x0  }
0x14: {  	s2 =	sld [smem:$0x3F8E];
	s0 =	simm.s32 @p1 $0x1  }
0x15: {  	[smem:$0x3FAB] =	sst s0;
	s0 =	simm.s32 @!p2 $0x0  }
0x16: {  	s3 =	sld [smem:$0x3FDB];
	s0 =	simm.s32 @p2 $0x1  }
0x17: {  	s4 =	simm.s32 $0x1BF5;
	[smem:$0x3FAD] =	sst s0  }
0x18: {  	s0 =	sld [smem:$0x3F90];
	_ =	swait.ge [sflag:s4], $0x0  }
0x19: {  	s7 =	sld [smem:$0x3F91]  }
0x1a: {  	s8 =	sadd.s32 $0xFFFFE003, lr  }
0x1b: {  	s9 =	sadd.s32 $0xFFFFFEF7, lr;
	s5 =	simm.s32 $0xFFFFFFFF;
	p2 =	slt.u32 s8, $0xFFFFF086  }
0x1c: {  	p1 =	slt.u32 s9, $0xF7A;
	s5 =	simm.s32 @!p2 $0x0  }
0x1d: {  	s5 =	simm.s32 @p1 $0x1;
	p0 =	seq.s32 s7, s2  }
0x1e: {  	s7 =	smul.u32 @!p0 $0xF7A, s2;
	p2 =	seq.s32 @!p0 s5, $0x0  }
0x1f: {  	s9 =	smul.u32 $0xF7A, s1;
	s8 =	simm.s32 @!p0 $0x1BF5;
	p2 =	por !p2, p0  }
0x20: {  	[sflag:s8] =	ssyncset.s32 @!p0 $0xFFFFF086;
	s6 =	sadd.s32 @!p0 s3, s7;
	s7 =	simm.s32 @!p0 $0x108  }
0x21: {  	s3 =	sadd.s32 s3, s9;
	s6 =	sadd.s32 @!p0 $0x88, s6;
	s7 =	simm.s32 @p2 $0x1082  }
0x22: {  	[simem:s7], [sflag:s8] =	dma.local @!p0 [hbm:s6], $0xF7A  }
0x23: {  	s9 =	sor.u32 $0xD0000000, s2;
	s6 =	simm.s32 $0x108;
	_ =	swait.ge @!p0 [sflag:s8], $0x0  }
0x24: {  	s3 =	sadd.s32 $0x88, s3;
	s6 =	simm.s32 @!p1 $0x1082;
	[sflag:s4] =	ssyncset.s32 $0xFFFFF086  }
0x25: {  	[simem:s6], [sflag:s4] =	dma.local [hbm:s3], $0xF7A  }
0x26: {  	[smem:$0x3F91] =	sst s1;
	(tag) =	ssettag s2;
	_ =	strace s9  }
0x27: {  	s1 =	sld [smem:$0x3FA1]  }
0x28: {  	s2 =	sld [smem:$0x3FA2]  }
0x29: {  	s4 =	sld [smem:$0x3FA4]  }
0x2a: {  	p0 =	seq.s32 s5, $0x0;
	s5 =	sld [smem:$0x3FA5]  }
0x2b: {  	s6 =	sld [smem:$0x3FA6]  }
0x2c: {  	s7 =	sld [smem:$0x3FA7]  }
0x2d: {  	s3 =	simm.s32 $0x108;
	s8 =	sld [smem:$0x3FA8]  }
0x2e: {  	s3 =	simm.s32 @!p0 $0x1082;
	s9 =	sld [smem:$0x3FA9]  }
0x2f: {  	lr =	sadd.s32 s0, s3;
	s0 =	sld [smem:$0x3FA0]  }
0x30: {  	s3 =	sld [smem:$0x3FA3]  }
0x31: {  	[smem:$0x3FAC] =	sst s10  }
0x32: {  	s10 =	sld [smem:$0x3FAA];
	_ =	sdelay $0x3  }
0x33: {  	p0 =	seq.s32 s10, $0x1;
	s10 =	sld [smem:$0x3FAC];
	_ =	sdelay $0x3  }
0x34: {  	[smem:$0x3FAC] =	sst s10  }
0x35: {  	s10 =	sld [smem:$0x3FAB];
	_ =	sdelay $0x3  }
0x36: {  	p1 =	seq.s32 s10, $0x1;
	s10 =	sld [smem:$0x3FAC];
	_ =	sdelay $0x3  }
0x37: {  	[smem:$0x3FAC] =	sst s10  }
0x38: {  	s10 =	sld [smem:$0x3FAD]  }
0x39: {  	_ = 	snop;
	(pc) =	sbr.ind lr, $3  }
0x3a: {  	_ = 	snop  }
0x3b: {  	_ = 	snop  }
0x3c: {  	p2 =	seq.s32 s10, $0x1;
	s10 =	sld [smem:$0x3FAC]  }
0x3d: {  	_ =	shalt  }
0x3e: {  	_ =	shalt  }
0x3f: {  	_ =	shalt  }
0x40: {  	_ =	shalt  }
0x41: {  	_ =	shalt  }
0x42: {  	_ =	shalt  }
0x43: {  	_ =	shalt  }
0x44: {  	_ =	shalt  }
0x45: {  	_ =	shalt  }
0x46: {  	_ =	shalt  }
0x47: {  	_ =	shalt  }
0x48: {  	_ =	shalt  }
0x49: {  	_ =	shalt  }
0x4a: {  	_ =	shalt  }
0x4b: {  	_ =	shalt  }
0x4c: {  	_ =	shalt  }
0x4d: {  	_ =	shalt  }
0x4e: {  	_ =	shalt  }
0x4f: {  	_ =	shalt  }
0x50: {  	_ =	shalt  }
0x51: {  	_ =	shalt  }
0x52: {  	_ =	shalt  }
0x53: {  	_ =	shalt  }
0x54: {  	_ =	shalt  }
0x55: {  	_ =	shalt  }
0x56: {  	_ =	shalt  }
0x57: {  	_ =	shalt  }
0x58: {  	_ =	shalt  }
0x59: {  	_ =	shalt  }
0x5a: {  	_ =	shalt  }
0x5b: {  	_ =	shalt  }
0x5c: {  	_ =	shalt  }
0x5d: {  	_ =	shalt  }
0x5e: {  	_ =	shalt  }
0x5f: {  	_ =	shalt  }
0x60: {  	_ =	shalt  }
0x61: {  	_ =	shalt  }
0x62: {  	_ =	shalt  }
0x63: {  	_ =	shalt  }
0x64: {  	_ =	shalt  }
0x65: {  	_ =	shalt  }
0x66: {  	_ =	shalt  }
0x67: {  	_ =	shalt  }
0x68: {  	_ =	shalt  }
0x69: {  	_ =	shalt  }
0x6a: {  	_ =	shalt  }
0x6b: {  	_ =	shalt  }
0x6c: {  	_ =	shalt  }
0x6d: {  	_ =	shalt  }
0x6e: {  	_ =	shalt  }
0x6f: {  	_ =	shalt  }
0x70: {  	_ =	shalt  }
0x71: {  	_ =	shalt  }
0x72: {  	_ =	shalt  }
0x73: {  	_ =	shalt  }
0x74: {  	_ =	shalt  }
0x75: {  	_ =	shalt  }
0x76: {  	_ =	shalt  }
0x77: {  	_ =	shalt  }
0x78: {  	_ =	shalt  }
0x79: {  	_ =	shalt  }
0x7a: {  	_ =	shalt  }
0x7b: {  	_ =	shalt  }
0x7c: {  	_ =	shalt  }
0x7d: {  	_ =	shalt  }
0x7e: {  	_ =	shalt  }
0x7f: {  	_ =	shalt  }
0x80: {  	_ =	shalt  }
0x81: {  	_ =	shalt  }
0x82: {  	_ =	shalt  }
0x83: {  	_ =	shalt  }
0x84: {  	_ =	shalt  }
0x85: {  	_ =	shalt  }
0x86: {  	_ =	shalt  }
0x87: {  	_ =	shalt  }
.Lfunc_end0:
.L_simem_size_0:
called_computation_lowered:
.L_overlay_start_0:
0x88: {  	s2 =	sld [smem:$0x3FD9]  }
0x89: {  	s3 =	sld [smem:$0x3FFE];
	_ =	sdelay $0x1  }
0x8a: {  	s1 =	srdreg.scid  }
0x8b: {  	s0 =	sand.u32 $0x1, s1  }
0x8c: {  	s16 =	sshll.u32 s0, $0xA;
	s2 =	sadd.s32 s3, s2  }
0x8d: {  	s2 =	sadd.s32 s2, s16  }
0x8e: {  	[smem:$0x3FB8] =	sst s2  }
0x8f: {  	_ = 	snop  }
0x90: {  	(tm) =	ssettm $0x1  }
0x91: {  	s17 =	sld [smem:$0x3FFB];
	_ =	sdelay $0x3  }
0x92: {  	_ =	strace s17  }
0x93: {  	s2 =	sld [smem:$0x3FFC];
	_ =	sdelay $0x3  }
0x94: {  	_ =	strace s2  }
0x95: {  	s2 =	sld [smem:$0x3FFD];
	_ =	sdelay $0x3  }
0x96: {  	_ =	strace s2  }
0x97: {  	_ =	strace $0x8FFFFFFF  }
0x98: {  	s18 =	sld [smem:$0x3FDB];
	_ =	sdelay $0x1  }
0x99: {  	s19 =	simm.s32 $_scs_section_size  }
0x9a: {  	s4 =	simm.s32 $_size__tile_overlayer_lowered;
	s5 =	simm.s32 $_tile_overlayer_lowered  }
0x9b: {  	s22 =	simm.s32 $0x1BFF;
	s21 =	sshll.u32 s5, $0x1;
	s2 =	sadd.s32 s19, s18  }
0x9c: {  	s6 =	simm.s32 $0x0;
	s20 =	sshll.u32 s4, $0x1;
	s4 =	sadd.s32 s21, s2  }
0x9d: {  	[timem:s6], [sflag:s22] =	dma.local [hbm:s4], s20  }
0x9e: {  	_ =	swait.ge [sflag:s22], s20  }
0x9f: {  	s3 =	ssub.s32 $0x0, s20;
	[sflag:s22] =	ssyncset.done $0x0  }
0xa0: {  	[sflag:s22] =	ssyncadd.s32 s3;
	_ =	sdelay $0x1  }
0xa1: {  	s23 =	simm.s32 $0x1B8B  }
0xa2: {  	_ =	swait.ge [sflag:s23], $0x1  }
0xa3: {  	[sflag:s23] =	ssyncset.done $0x0  }
0xa4: {  	s25 =	simm.s32 $0x1B8E;
	s24 =	sld [smem:$0x3FFE];
	[sflag:s23] =	ssyncadd.s32 $0xFFFFFFFF  }
0xa5: {  	s26 =	simm.s32 $execute0_lowered;
	[smem:$0x3FD2] =	sst s25  }
0xa6: {  	s4 =	sshll.u32 s26, $0x1;
	_ =	strace $0x80000046;
	[dreg:$0x1] =	wrdreg $0xFFFFFFFF  }
0xa7: {  	s28 =	simm.s32 $_size_execute0_lowered;
	s2 =	sadd.s32 s2, s4;
	[dreg:$0x0] =	wrdreg $0x0  }
0xa8: {  	s4 =	sshll.u32 s28, $0x1;
	[dreg:$0x2] =	wrdreg s2  }
0xa9: {  	[dreg:$0x3] =	wrdreg s4  }
0xaa: {  	[dreg:$0x4] =	wrdreg $0xC0  }
0xab: {  	_ =	task [dreg:s6], $0x5FFFF  }
0xac: {  	[dreg:$0x1] =	wrdreg $0xFFFFFFFF  }
0xad: {  	[dreg:$0x0] =	wrdreg $0x60  }
0xae: {  	[dreg:$0x2] =	wrdreg s24  }
0xaf: {  	[dreg:$0x3] =	wrdreg $0x0  }
0xb0: {  	[dreg:$0x4] =	wrdreg $0x9  }
0xb1: {  	_ =	task.clear_ibuf [dreg:s6], $0x5FFFF;
	_ =	strace $0x90000046  }
0xb2: {  	s29 =	simm.s32 $0x9;
	_ =	strace $0x80000048  }
0xb3: {  	_ =	swait.ge [sflag:s29], $0x1  }
0xb4: {  	[sflag:s29] =	ssyncadd.s32 $0xFFFFFFFF  }
0xb5: {  	_ =	strace $0x90000048  }
0xb6: {  	_ =	sfence  }
0xb7: {  	s30 =	sld [smem:$0x0];
	_ =	sdelay $0x2  }
0xb8: {  	s31 =	sshll.u32 s1, $0xD;
	s1 =	sshrl.u32 s1, $0x2  }
0xb9: {  	s3 =	sand.u32 $0x4000, s31;
	s1 =	sadd.s32 s1, s30  }
0xba: {  	s0 =	sor.u32 s3, s0;
	s1 =	sshll.u32 s1, $0x11  }
0xbb: {  	s0 =	sor.u32 s1, s0  }
0xbc: {  	s0 =	sadd.s32 $0x8F2B, s0  }
0xbd: {  	[sflag:s0] =	ssyncadd.remote.s32 $0x1  }
0xbe: {  	_ =	sfence.sel $0xFFFF  }
0xbf: {  	[dreg:$0x0] =	wrdreg $0xFFFFFFFF;
	(pc) =	sbr.abs _section_cstart, $3  }
0xc0: {  	[dreg:$0x1] =	wrdreg $0xFFFFFFFF  }
0xc1: {  	_ =	task.clear_ibuf [dreg:s6], $0x2FFFF;
	_ =	strace $0x9FFFFFFF  }
0xc2: {  	(tm) =	ssettm $0x7FFFFFFF  }
0xc3: {  	_ =	shalt  }
tec
execute0_lowered:
.L_overlay_start_1:
0x0: {  	(tag) =	ssettag $0x1  }
0x1: {  	s24 =	rddreg [dreg:$0x0]  }
0x2: {  	s2 =	rddreg [dreg:$0x1]  }
0x3: {  	s0 =	srdreg.scid;
	s1 =	stileid.u32  }
0x4: {  	s3 =	simm.s32 $0x0;
	s6 =	simm.s32 $0xC400;
	s0 =	sand.u32 $0x1, s0  }
0x5: {  	s4 =	sshll.u32 s1, $0xC;
	[smem:$0x7FF] =	sst s3;
	s5 =	sshll.u32 s0, $0xB  }
0x6: {  	s30 =	sadd.s32 $0x1D400, s24;
	s18 =	sadd.s32 $0x4C00, s24;
	s31 =	sor.u32 s5, s4  }
0x7: {  	[dreg:$0x4] =	wrdreg s0;
	s0 =	smul.u32 $0x1880, s1;
	s4 =	sshrl.u32 s31, $0x3  }
0x8: {  	s7 =	smul.u32 $0x31000, s1;
	_ =	strace $0x80000047;
	s4 =	sadd.s32 s30, s4  }
0x9: {  	s5 =	simm.s32 $0x2;
	[dreg:$0x3] =	wrdreg s4;
	s4 =	sadd.s32 s18, s0  }
0xa: {  	[tilespmem:s6], [sflag:$0x2] =	stream.linear.gather [hbm4b:s4+s3], $0x1C00, $0x38;
	[tilespmem:$0x1E200] =	vst v63  }
0xb: {  	_ =	swait.ge [sflag:s5], $0x1C00  }
0xc: {  	s7 =	sshrl.u32 s7, $0x2;
	[sflag:s5] =	ssyncset.done $0x0  }
0xd: {  	s19 =	smul.u32 $0x188, s1;
	s7 =	sadd.s32 s7, s2;
	[sflag:s5] =	ssyncadd.s32 $0xFFFFE400  }
0xe: {  	[spmem:s7] =	stream.linear.scatter [tilespmem:s6], [sflag:$0x2], $0x1C00, $0x38;
	[tilespmem:$0x1E200] =	vst v63  }
0xf: {  	s9 =	sadd.s32 $0x38, s19;
	_ =	swait.ge [sflag:s5], $0x1C00  }
0x10: {  	s8 =	sshll.u32 s9, $0x4;
	[sflag:s5] =	ssyncset.done $0x0  }
0x11: {  	s8 =	sadd.s32 s18, s8;
	[sflag:s5] =	ssyncadd.s32 $0xFFFFE400  }
0x12: {  	[tilespmem:s6], [sflag:$0x2] =	stream.linear.gather [hbm4b:s8+s3], $0x1C00, $0x38;
	[tilespmem:$0x1E200] =	vst v63  }
0x13: {  	_ =	swait.ge [sflag:s5], $0x1C00  }
0x14: {  	s9 =	sshll.u32 s9, $0x7;
	[sflag:s5] =	ssyncset.done $0x0  }
0x15: {  	s9 =	sadd.s32 s9, s2;
	[sflag:s5] =	ssyncadd.s32 $0xFFFFE400  }
0x16: {  	[spmem:s9] =	stream.linear.scatter [tilespmem:s6], [sflag:$0x2], $0x1C00, $0x38;
	[tilespmem:$0x1E200] =	vst v63  }
0x17: {  	s11 =	sadd.s32 $0x70, s19;
	_ =	swait.ge [sflag:s5], $0x1C00  }
0x18: {  	s10 =	sshll.u32 s11, $0x4;
	[sflag:s5] =	ssyncset.done $0x0  }
0x19: {  	s10 =	sadd.s32 s18, s10;
	[sflag:s5] =	ssyncadd.s32 $0xFFFFE400  }
0x1a: {  	[tilespmem:s6], [sflag:$0x2] =	stream.linear.gather [hbm4b:s10+s3], $0x1C00, $0x38;
	[tilespmem:$0x1E200] =	vst v63  }
0x1b: {  	_ =	swait.ge [sflag:s5], $0x1C00  }
0x1c: {  	s11 =	sshll.u32 s11, $0x7;
	[sflag:s5] =	ssyncset.done $0x0  }
0x1d: {  	s11 =	sadd.s32 s11, s2;
	[sflag:s5] =	ssyncadd.s32 $0xFFFFE400  }
0x1e: {  	[spmem:s11] =	stream.linear.scatter [tilespmem:s6], [sflag:$0x2], $0x1C00, $0x38;
	[tilespmem:$0x1E200] =	vst v63  }
0x1f: {  	s13 =	sadd.s32 $0xA8, s19;
	_ =	swait.ge [sflag:s5], $0x1C00  }
0x20: {  	s12 =	sshll.u32 s13, $0x4;
	[sflag:s5] =	ssyncset.done $0x0  }
0x21: {  	s12 =	sadd.s32 s18, s12;
	[sflag:s5] =	ssyncadd.s32 $0xFFFFE400  }
0x22: {  	[tilespmem:s6], [sflag:$0x2] =	stream.linear.gather [hbm4b:s12+s3], $0x1C00, $0x38;
	[tilespmem:$0x1E200] =	vst v63  }
0x23: {  	_ =	swait.ge [sflag:s5], $0x1C00  }
0x24: {  	s13 =	sshll.u32 s13, $0x7;
	[sflag:s5] =	ssyncset.done $0x0  }
0x25: {  	s13 =	sadd.s32 s13, s2;
	[sflag:s5] =	ssyncadd.s32 $0xFFFFE400  }
0x26: {  	[spmem:s13] =	stream.linear.scatter [tilespmem:s6], [sflag:$0x2], $0x1C00, $0x38;
	[tilespmem:$0x1E200] =	vst v63  }
0x27: {  	s15 =	sadd.s32 $0xE0, s19;
	_ =	swait.ge [sflag:s5], $0x1C00  }
0x28: {  	s14 =	sshll.u32 s15, $0x4;
	[sflag:s5] =	ssyncset.done $0x0  }
0x29: {  	s14 =	sadd.s32 s18, s14;
	[sflag:s5] =	ssyncadd.s32 $0xFFFFE400  }
0x2a: {  	[tilespmem:s6], [sflag:$0x2] =	stream.linear.gather [hbm4b:s14+s3], $0x1C00, $0x38;
	[tilespmem:$0x1E200] =	vst v63  }
0x2b: {  	_ =	swait.ge [sflag:s5], $0x1C00  }
0x2c: {  	s15 =	sshll.u32 s15, $0x7;
	[sflag:s5] =	ssyncset.done $0x0  }
0x2d: {  	s15 =	sadd.s32 s15, s2;
	[sflag:s5] =	ssyncadd.s32 $0xFFFFE400  }
0x2e: {  	[spmem:s15] =	stream.linear.scatter [tilespmem:s6], [sflag:$0x2], $0x1C00, $0x38;
	[tilespmem:$0x1E200] =	vst v63  }
0x2f: {  	s17 =	sadd.s32 $0x118, s19;
	_ =	swait.ge [sflag:s5], $0x1C00  }
0x30: {  	s16 =	sshll.u32 s17, $0x4;
	[sflag:s5] =	ssyncset.done $0x0  }
0x31: {  	s16 =	sadd.s32 s18, s16;
	[sflag:s5] =	ssyncadd.s32 $0xFFFFE400  }
0x32: {  	[tilespmem:s6], [sflag:$0x2] =	stream.linear.gather [hbm4b:s16+s3], $0x1C00, $0x38;
	[tilespmem:$0x1E200] =	vst v63  }
0x33: {  	_ =	swait.ge [sflag:s5], $0x1C00  }
0x34: {  	s17 =	sshll.u32 s17, $0x7;
	[sflag:s5] =	ssyncset.done $0x0  }
0x35: {  	s17 =	sadd.s32 s17, s2;
	[sflag:s5] =	ssyncadd.s32 $0xFFFFE400  }
0x36: {  	[spmem:s17] =	stream.linear.scatter [tilespmem:s6], [sflag:$0x2], $0x1C00, $0x38;
	[tilespmem:$0x1E200] =	vst v63  }
0x37: {  	s19 =	sadd.s32 $0x150, s19;
	_ =	swait.ge [sflag:s5], $0x1C00  }
0x38: {  	s20 =	sshll.u32 s19, $0x4;
	[sflag:s5] =	ssyncset.done $0x0  }
0x39: {  	s18 =	sadd.s32 s18, s20;
	[sflag:s5] =	ssyncadd.s32 $0xFFFFE400  }
0x3a: {  	[tilespmem:s6], [sflag:$0x2] =	stream.linear.gather [hbm4b:s18+s3], $0x1C00, $0x38;
	[tilespmem:$0x1E200] =	vst v63  }
0x3b: {  	_ =	swait.ge [sflag:s5], $0x1C00  }
0x3c: {  	s19 =	sshll.u32 s19, $0x7;
	[sflag:s5] =	ssyncset.done $0x0  }
0x3d: {  	s19 =	sadd.s32 s19, s2;
	[sflag:s5] =	ssyncadd.s32 $0xFFFFE400  }
0x3e: {  	[spmem:s19] =	stream.linear.scatter [tilespmem:s6], [sflag:$0x2], $0x1C00, $0x38;
	[tilespmem:$0x1E200] =	vst v63  }
0x3f: {  	_ =	swait.ge [sflag:s5], $0x1C00  }
0x40: {  	[sflag:s5] =	ssyncset.done $0x0  }
0x41: {  	[sflag:s5] =	ssyncadd.s32 $0xFFFFE400  }
0x42: {  	[bflag:$0x0] =	sbarrier.arrive $0xFFFF  }
0x43: {  	s20 =	simm.s32 $0xE000;
	s21 =	rddreg [dreg:$0x3]  }
0x44: {  	[tilespmem:s20], [sflag:$0x2] =	stream.linear.gather [hbm4b:s21+s3], $0x200, $0x38;
	[tilespmem:$0x1E200] =	vst v63  }
0x45: {  	_ =	swait.ge [sflag:s5], $0x200  }
0x46: {  	s22 =	simm.s32 $0xE200;
	[sflag:s5] =	ssyncset.done $0x0  }
0x47: {  	s23 =	simm.s32 $0x1;
	s21 =	simm.s32 $0x200;
	[sflag:s5] =	ssyncadd.s32 $0xFFFFFE00  }
0x48: {  	[tilespmem:s22], [sflag:$0x1] =	stream.indirect.gather [spmem:s2], $0x80, s20, s21, $0xb8;
	[tilespmem:$0x1E200] =	vst v63  }
0x49: {  	_ =	swait.ge [sflag:s23], $0x10000  }
0x4a: {  	s1 =	sadd.s32 $0x2D400, s24;
	s26 =	sshll.u32 s31, $0x4;
	[sflag:s23] =	ssyncset.done $0x0  }
0x4b: {  	s24 =	sadd.s32 s1, s26;
	[sflag:s23] =	ssyncadd.s32 $0xFFFF0000  }
0x4c: {  	[hbm4b:s24+s3] =	stream.linear.scatter [tilespmem:s22], [sflag:$0x2], $0x10000, $0x38;
	[tilespmem:$0x1E200] =	vst v63  }
0x4d: {  	s26 =	sor.u32 $0x200, s31;
	_ =	swait.ge [sflag:s5], $0x10000  }
0x4e: {  	s25 =	sshrl.u32 s26, $0x3;
	[sflag:s5] =	ssyncset.done $0x0  }
0x4f: {  	s25 =	sadd.s32 s30, s25;
	[sflag:s5] =	ssyncadd.s32 $0xFFFF0000  }
0x50: {  	[tilespmem:s20], [sflag:$0x2] =	stream.linear.gather [hbm4b:s25+s3], $0x200, $0x38;
	[tilespmem:$0x1E200] =	vst v63  }
0x51: {  	_ =	swait.ge [sflag:s5], $0x200  }
0x52: {  	[sflag:s5] =	ssyncset.done $0x0  }
0x53: {  	[sflag:s5] =	ssyncadd.s32 $0xFFFFFE00  }
0x54: {  	[tilespmem:s22], [sflag:$0x1] =	stream.indirect.gather [spmem:s2], $0x80, s20, s21, $0xb8;
	[tilespmem:$0x1E200] =	vst v63  }
0x55: {  	_ =	swait.ge [sflag:s23], $0x10000  }
0x56: {  	s26 =	sshll.u32 s26, $0x4;
	[sflag:s23] =	ssyncset.done $0x0  }
0x57: {  	s26 =	sadd.s32 s1, s26;
	[dreg:$0x5] =	wrdreg s1;
	[sflag:s23] =	ssyncadd.s32 $0xFFFF0000  }
0x58: {  	[hbm4b:s26+s3] =	stream.linear.scatter [tilespmem:s22], [sflag:$0x2], $0x10000, $0x38;
	[tilespmem:$0x1E200] =	vst v63  }
0x59: {  	s29 =	sor.u32 $0x400, s31;
	_ =	swait.ge [sflag:s5], $0x10000  }
0x5a: {  	s28 =	sshrl.u32 s29, $0x3;
	[sflag:s5] =	ssyncset.done $0x0  }
0x5b: {  	s28 =	sadd.s32 s30, s28;
	[sflag:s5] =	ssyncadd.s32 $0xFFFF0000  }
0x5c: {  	[tilespmem:s20], [sflag:$0x2] =	stream.linear.gather [hbm4b:s28+s3], $0x200, $0x38;
	[tilespmem:$0x1E200] =	vst v63  }
0x5d: {  	_ =	swait.ge [sflag:s5], $0x200  }
0x5e: {  	[sflag:s5] =	ssyncset.done $0x0  }
0x5f: {  	[sflag:s5] =	ssyncadd.s32 $0xFFFFFE00  }
0x60: {  	[tilespmem:s22], [sflag:$0x1] =	stream.indirect.gather [spmem:s2], $0x80, s20, s21, $0xb8;
	[tilespmem:$0x1E200] =	vst v63  }
0x61: {  	_ =	swait.ge [sflag:s23], $0x10000  }
0x62: {  	s29 =	sshll.u32 s29, $0x4;
	[sflag:s23] =	ssyncset.done $0x0  }
0x63: {  	s29 =	sadd.s32 s1, s29;
	[sflag:s23] =	ssyncadd.s32 $0xFFFF0000  }
0x64: {  	[hbm4b:s29+s3] =	stream.linear.scatter [tilespmem:s22], [sflag:$0x2], $0x10000, $0x38;
	[tilespmem:$0x1E200] =	vst v63  }
0x65: {  	s31 =	sor.u32 $0x600, s31;
	_ =	swait.ge [sflag:s5], $0x10000  }
0x66: {  	s1 =	sshrl.u32 s31, $0x3;
	[sflag:s5] =	ssyncset.done $0x0  }
0x67: {  	s30 =	sadd.s32 s30, s1;
	[sflag:s5] =	ssyncadd.s32 $0xFFFF0000  }
0x68: {  	[tilespmem:s20], [sflag:$0x2] =	stream.linear.gather [hbm4b:s30+s3], $0x200, $0x38;
	[tilespmem:$0x1E200] =	vst v63  }
0x69: {  	_ =	swait.ge [sflag:s5], $0x200  }
0x6a: {  	[sflag:s5] =	ssyncset.done $0x0;
	s1 =	rddreg [dreg:$0x4]  }
0x6b: {  	s0 =	ssub.s32 $0x2, s1;
	[sflag:s5] =	ssyncadd.s32 $0xFFFFFE00  }
0x6c: {  	[tilespmem:s22], [sflag:$0x1] =	stream.indirect.gather [spmem:s2], $0x80, s20, s21, $0xb8;
	[tilespmem:$0x1E200] =	vst v63  }
0x6d: {  	s1 =	sshrl.u32 s0, $0x1  }
0x6e: {  	s0 =	ssub.s32 s0, s1  }
0x6f: {  	s0 =	smax.u32 s0, $0x1  }
0x70: {  	_ =	swait.ge [sflag:s23], $0x10000;
	s1 =	sshll.u32 s31, $0x4;
	p0 =	sne.s32 s0, $0x1  }
.Ltmp0:
0x71: {  	[sflag:s23] =	ssyncset.done $0x0;
	s31 =	rddreg [dreg:$0x5];
	(pc) =	sbr.rel @!p0 .LBB2_2-.Ltmp0, $4  }
0x72: {  	s31 =	sadd.s32 s31, s1;
	[sflag:s23] =	ssyncadd.s32 $0xFFFF0000  }
0x73: {  	[hbm4b:s31+s3] =	stream.linear.scatter [tilespmem:s22], [sflag:$0x2], $0x10000, $0x38;
	[tilespmem:$0x1E200] =	vst v63  }
0x74: {  	_ =	swait.ge [sflag:s5], $0x10000  }
0x75: {  	s0 =	sadd.s32 $0xFFFFFFFF, s0;
	[sflag:s5] =	ssyncset.done $0x0  }
.LBB2_1:
0x76: {  	[sflag:s5] =	ssyncadd.s32 $0xFFFF0000  }
0x77: {  	[tilespmem:s6], [sflag:$0x2] =	stream.linear.gather [hbm4b:s4+s3], $0x1C00, $0x38;
	[tilespmem:$0x1E200] =	vst v63  }
0x78: {  	_ =	swait.ge [sflag:s5], $0x1C00  }
0x79: {  	[sflag:s5] =	ssyncset.done $0x0  }
0x7a: {  	[sflag:s5] =	ssyncadd.s32 $0xFFFFE400  }
0x7b: {  	[spmem:s7] =	stream.linear.scatter [tilespmem:s6], [sflag:$0x2], $0x1C00, $0x38;
	[tilespmem:$0x1E200] =	vst v63  }
0x7c: {  	_ =	swait.ge [sflag:s5], $0x1C00  }
0x7d: {  	[sflag:s5] =	ssyncset.done $0x0  }
0x7e: {  	[sflag:s5] =	ssyncadd.s32 $0xFFFFE400  }
0x7f: {  	[tilespmem:s6], [sflag:$0x2] =	stream.linear.gather [hbm4b:s8+s3], $0x1C00, $0x38;
	[tilespmem:$0x1E200] =	vst v63  }
0x80: {  	_ =	swait.ge [sflag:s5], $0x1C00  }
0x81: {  	[sflag:s5] =	ssyncset.done $0x0  }
0x82: {  	[sflag:s5] =	ssyncadd.s32 $0xFFFFE400  }
0x83: {  	[spmem:s9] =	stream.linear.scatter [tilespmem:s6], [sflag:$0x2], $0x1C00, $0x38;
	[tilespmem:$0x1E200] =	vst v63  }
0x84: {  	_ =	swait.ge [sflag:s5], $0x1C00  }
0x85: {  	[sflag:s5] =	ssyncset.done $0x0  }
0x86: {  	[sflag:s5] =	ssyncadd.s32 $0xFFFFE400  }
0x87: {  	[tilespmem:s6], [sflag:$0x2] =	stream.linear.gather [hbm4b:s10+s3], $0x1C00, $0x38;
	[tilespmem:$0x1E200] =	vst v63  }
0x88: {  	_ =	swait.ge [sflag:s5], $0x1C00  }
0x89: {  	[sflag:s5] =	ssyncset.done $0x0  }
0x8a: {  	[sflag:s5] =	ssyncadd.s32 $0xFFFFE400  }
0x8b: {  	[spmem:s11] =	stream.linear.scatter [tilespmem:s6], [sflag:$0x2], $0x1C00, $0x38;
	[tilespmem:$0x1E200] =	vst v63  }
0x8c: {  	_ =	swait.ge [sflag:s5], $0x1C00  }
0x8d: {  	[sflag:s5] =	ssyncset.done $0x0  }
0x8e: {  	[sflag:s5] =	ssyncadd.s32 $0xFFFFE400  }
0x8f: {  	[tilespmem:s6], [sflag:$0x2] =	stream.linear.gather [hbm4b:s12+s3], $0x1C00, $0x38;
	[tilespmem:$0x1E200] =	vst v63  }
0x90: {  	_ =	swait.ge [sflag:s5], $0x1C00  }
0x91: {  	[sflag:s5] =	ssyncset.done $0x0  }
0x92: {  	[sflag:s5] =	ssyncadd.s32 $0xFFFFE400  }
0x93: {  	[spmem:s13] =	stream.linear.scatter [tilespmem:s6], [sflag:$0x2], $0x1C00, $0x38;
	[tilespmem:$0x1E200] =	vst v63  }
0x94: {  	_ =	swait.ge [sflag:s5], $0x1C00  }
0x95: {  	[sflag:s5] =	ssyncset.done $0x0  }
0x96: {  	[sflag:s5] =	ssyncadd.s32 $0xFFFFE400  }
0x97: {  	[tilespmem:s6], [sflag:$0x2] =	stream.linear.gather [hbm4b:s14+s3], $0x1C00, $0x38;
	[tilespmem:$0x1E200] =	vst v63  }
0x98: {  	_ =	swait.ge [sflag:s5], $0x1C00  }
0x99: {  	[sflag:s5] =	ssyncset.done $0x0  }
0x9a: {  	[sflag:s5] =	ssyncadd.s32 $0xFFFFE400  }
0x9b: {  	[spmem:s15] =	stream.linear.scatter [tilespmem:s6], [sflag:$0x2], $0x1C00, $0x38;
	[tilespmem:$0x1E200] =	vst v63  }
0x9c: {  	_ =	swait.ge [sflag:s5], $0x1C00  }
0x9d: {  	[sflag:s5] =	ssyncset.done $0x0  }
0x9e: {  	[sflag:s5] =	ssyncadd.s32 $0xFFFFE400  }
0x9f: {  	[tilespmem:s6], [sflag:$0x2] =	stream.linear.gather [hbm4b:s16+s3], $0x1C00, $0x38;
	[tilespmem:$0x1E200] =	vst v63  }
0xa0: {  	_ =	swait.ge [sflag:s5], $0x1C00  }
0xa1: {  	[sflag:s5] =	ssyncset.done $0x0  }
0xa2: {  	[sflag:s5] =	ssyncadd.s32 $0xFFFFE400  }
0xa3: {  	[spmem:s17] =	stream.linear.scatter [tilespmem:s6], [sflag:$0x2], $0x1C00, $0x38;
	[tilespmem:$0x1E200] =	vst v63  }
0xa4: {  	_ =	swait.ge [sflag:s5], $0x1C00  }
0xa5: {  	[sflag:s5] =	ssyncset.done $0x0  }
0xa6: {  	[sflag:s5] =	ssyncadd.s32 $0xFFFFE400  }
0xa7: {  	[tilespmem:s6], [sflag:$0x2] =	stream.linear.gather [hbm4b:s18+s3], $0x1C00, $0x38;
	[tilespmem:$0x1E200] =	vst v63  }
0xa8: {  	_ =	swait.ge [sflag:s5], $0x1C00  }
0xa9: {  	[sflag:s5] =	ssyncset.done $0x0  }
0xaa: {  	[sflag:s5] =	ssyncadd.s32 $0xFFFFE400  }
0xab: {  	[spmem:s19] =	stream.linear.scatter [tilespmem:s6], [sflag:$0x2], $0x1C00, $0x38;
	[tilespmem:$0x1E200] =	vst v63  }
0xac: {  	_ =	swait.ge [sflag:s5], $0x1C00  }
0xad: {  	[sflag:s5] =	ssyncset.done $0x0  }
0xae: {  	[sflag:s5] =	ssyncadd.s32 $0xFFFFE400  }
0xaf: {  	[bflag:$0x0] =	sbarrier.arrive $0xFFFF  }
0xb0: {  	s1 =	rddreg [dreg:$0x3]  }
0xb1: {  	[tilespmem:s20], [sflag:$0x2] =	stream.linear.gather [hbm4b:s1+s3], $0x200, $0x38;
	[tilespmem:$0x1E200] =	vst v63  }
0xb2: {  	_ =	swait.ge [sflag:s5], $0x200  }
0xb3: {  	[sflag:s5] =	ssyncset.done $0x0  }
0xb4: {  	[sflag:s5] =	ssyncadd.s32 $0xFFFFFE00  }
0xb5: {  	[tilespmem:s22], [sflag:$0x1] =	stream.indirect.gather [spmem:s2], $0x80, s20, s21, $0xb8;
	[tilespmem:$0x1E200] =	vst v63  }
0xb6: {  	_ =	swait.ge [sflag:s23], $0x10000  }
0xb7: {  	[sflag:s23] =	ssyncset.done $0x0  }
0xb8: {  	[sflag:s23] =	ssyncadd.s32 $0xFFFF0000  }
0xb9: {  	[hbm4b:s24+s3] =	stream.linear.scatter [tilespmem:s22], [sflag:$0x2], $0x10000, $0x38;
	[tilespmem:$0x1E200] =	vst v63  }
0xba: {  	_ =	swait.ge [sflag:s5], $0x10000  }
0xbb: {  	[sflag:s5] =	ssyncset.done $0x0  }
0xbc: {  	[sflag:s5] =	ssyncadd.s32 $0xFFFF0000  }
0xbd: {  	[tilespmem:s20], [sflag:$0x2] =	stream.linear.gather [hbm4b:s25+s3], $0x200, $0x38;
	[tilespmem:$0x1E200] =	vst v63  }
0xbe: {  	_ =	swait.ge [sflag:s5], $0x200  }
0xbf: {  	[sflag:s5] =	ssyncset.done $0x0  }
0xc0: {  	[sflag:s5] =	ssyncadd.s32 $0xFFFFFE00  }
0xc1: {  	[tilespmem:s22], [sflag:$0x1] =	stream.indirect.gather [spmem:s2], $0x80, s20, s21, $0xb8;
	[tilespmem:$0x1E200] =	vst v63  }
0xc2: {  	_ =	swait.ge [sflag:s23], $0x10000  }
0xc3: {  	[sflag:s23] =	ssyncset.done $0x0  }
0xc4: {  	[sflag:s23] =	ssyncadd.s32 $0xFFFF0000  }
0xc5: {  	[hbm4b:s26+s3] =	stream.linear.scatter [tilespmem:s22], [sflag:$0x2], $0x10000, $0x38;
	[tilespmem:$0x1E200] =	vst v63  }
0xc6: {  	_ =	swait.ge [sflag:s5], $0x10000  }
0xc7: {  	[sflag:s5] =	ssyncset.done $0x0  }
0xc8: {  	[sflag:s5] =	ssyncadd.s32 $0xFFFF0000  }
0xc9: {  	[tilespmem:s20], [sflag:$0x2] =	stream.linear.gather [hbm4b:s28+s3], $0x200, $0x38;
	[tilespmem:$0x1E200] =	vst v63  }
0xca: {  	_ =	swait.ge [sflag:s5], $0x200  }
0xcb: {  	[sflag:s5] =	ssyncset.done $0x0  }
0xcc: {  	[sflag:s5] =	ssyncadd.s32 $0xFFFFFE00  }
0xcd: {  	[tilespmem:s22], [sflag:$0x1] =	stream.indirect.gather [spmem:s2], $0x80, s20, s21, $0xb8;
	[tilespmem:$0x1E200] =	vst v63  }
0xce: {  	_ =	swait.ge [sflag:s23], $0x10000  }
0xcf: {  	[sflag:s23] =	ssyncset.done $0x0  }
0xd0: {  	[sflag:s23] =	ssyncadd.s32 $0xFFFF0000  }
0xd1: {  	[hbm4b:s29+s3] =	stream.linear.scatter [tilespmem:s22], [sflag:$0x2], $0x10000, $0x38;
	[tilespmem:$0x1E200] =	vst v63  }
0xd2: {  	_ =	swait.ge [sflag:s5], $0x10000  }
0xd3: {  	[sflag:s5] =	ssyncset.done $0x0  }
0xd4: {  	[sflag:s5] =	ssyncadd.s32 $0xFFFF0000  }
0xd5: {  	[tilespmem:s20], [sflag:$0x2] =	stream.linear.gather [hbm4b:s30+s3], $0x200, $0x38;
	[tilespmem:$0x1E200] =	vst v63  }
0xd6: {  	_ =	swait.ge [sflag:s5], $0x200  }
0xd7: {  	[sflag:s5] =	ssyncset.done $0x0  }
0xd8: {  	[sflag:s5] =	ssyncadd.s32 $0xFFFFFE00  }
0xd9: {  	[tilespmem:s22], [sflag:$0x1] =	stream.indirect.gather [spmem:s2], $0x80, s20, s21, $0xb8;
	[tilespmem:$0x1E200] =	vst v63  }
0xda: {  	p0 =	sne.s32 s0, $0x1;
	_ =	swait.ge [sflag:s23], $0x10000  }
.Ltmp1:
0xdb: {  	[sflag:s23] =	ssyncset.done $0x0;
	(pc) =	sbr.rel @p0 .LBB2_1-.Ltmp1, $4  }
0xdc: {  	[sflag:s23] =	ssyncadd.s32 $0xFFFF0000  }
0xdd: {  	[hbm4b:s31+s3] =	stream.linear.scatter [tilespmem:s22], [sflag:$0x2], $0x10000, $0x38;
	[tilespmem:$0x1E200] =	vst v63  }
0xde: {  	_ =	swait.ge [sflag:s5], $0x10000  }
0xdf: {  	s0 =	sadd.s32 $0xFFFFFFFF, s0;
	[sflag:s5] =	ssyncset.done $0x0  }
.LBB2_2:
0xe0: {  	[sflag:s5] =	ssyncadd.s32 $0xFFFF0000  }
0xe1: {  	_ =	sfence.sel $0x180000  }
0xe2: {  	[bflag:$0x0] =	sbarrier.arrive $0xFFFF  }
0xe3: {  	_ =	strace $0x90000047  }
0xe4: {  	s0 =	stileid.u32;
	[bflag:$0x2] =	sbarrier.arrive $0xFFFF  }
0xe5: {  	p0 =	sne.s32 s0, $0x0;
	s0 =	rddreg [dreg:$0x2]  }
0xe6: {  	s0 =	sadd.s32 @!p0 $0x100000, s0  }
0xe7: {  	[sflag:s0] =	ssyncadd.tile.s32 @!p0 $0x1;
	_ =	shalt  }
.Lfunc_end2:
_tile_overlayer_lowered:
.L_overlay_start_2:
0xe8: {  	(tag) =	ssettag $0x2  }
0xe9: {  	s0 =	rddreg [dreg:$0x0];
	s2 =	stileid.u32  }
0xea: {  	s1 =	rddreg [dreg:$0x1];
	p0 =	sne.s32 s2, $0x0  }
0xeb: {  	s3 =	rddreg [dreg:$0x2];
	[bflag:$0x3] =	sbarrier.arrive $0xFFFF;
	s2 =	simm.s32 @!p0 $0x1C02  }
0xec: {  	[timem:s3], [sflag:s2] =	dma.local @!p0 [hbm:s0], s1  }
0xed: {  	s0 =	simm.s32 @!p0 $0x2  }
0xee: {  	_ =	swait.ge @!p0 [sflag:s0], s1  }
0xef: {  	s1 =	ssub.s32 @!p0 $0x0, s1;
	[sflag:s0] =	ssyncset.done @!p0 $0x0  }
0xf0: {  	[sflag:s0] =	ssyncadd.s32 @!p0 s1  }
0xf1: {  	[bflag:$0x3] =	sbarrier.arrive $0xFFFF  }
0xf2: {  	_ =	shalt  }

// kernel: kernel.22.cloned.1.call-start
scs
__scs_entry_jumppad:
0x0: {  	(pc) =	sbr.rel $0x88, $3  }
0x1: {  	(tag) =	ssettag $0x0;
	lr =	simm.s32 $0x1  }
0x2: {  	[smem:$0x3F91] =	sst lr;
	_ =	strace $0xD0000000  }
0x3: {  	_ = 	snop  }
0x4: {  	_ = 	snop  }
0x5: {  	_ = 	snop  }
0x6: {  	_ = 	snop  }
0x7: {  	_ = 	snop  }
__scs_overlays_trampoline_lowered:
0x8: {  	[smem:$0x3FA0] =	sst s0  }
0x9: {  	[smem:$0x3FA1] =	sst s1  }
0xa: {  	[smem:$0x3FA2] =	sst s2  }
0xb: {  	[smem:$0x3FA3] =	sst s3  }
0xc: {  	[smem:$0x3FA4] =	sst s4  }
0xd: {  	[smem:$0x3FA5] =	sst s5  }
0xe: {  	[smem:$0x3FA6] =	sst s6  }
0xf: {  	[smem:$0x3FA7] =	sst s7  }
0x10: {  	[smem:$0x3FA8] =	sst s8  }
0x11: {  	[smem:$0x3FA9] =	sst s9;
	s0 =	simm.s32 @!p0 $0x0  }
0x12: {  	s1 =	sld [smem:$0x3F8F];
	s0 =	simm.s32 @p0 $0x1  }
0x13: {  	[smem:$0x3FAA] =	sst s0;
	s0 =	simm.s32 @!p1 $0x0  }
0x14: {  	s2 =	sld [smem:$0x3F8E];
	s0 =	simm.s32 @p1 $0x1  }
0x15: {  	[smem:$0x3FAB] =	sst s0;
	s0 =	simm.s32 @!p2 $0x0  }
0x16: {  	s3 =	sld [smem:$0x3FDB];
	s0 =	simm.s32 @p2 $0x1  }
0x17: {  	s4 =	simm.s32 $0x1BF5;
	[smem:$0x3FAD] =	sst s0  }
0x18: {  	s0 =	sld [smem:$0x3F90];
	_ =	swait.ge [sflag:s4], $0x0  }
0x19: {  	s7 =	sld [smem:$0x3F91]  }
0x1a: {  	s8 =	sadd.s32 $0xFFFFE003, lr  }
0x1b: {  	s9 =	sadd.s32 $0xFFFFFEF7, lr;
	s5 =	simm.s32 $0xFFFFFFFF;
	p2 =	slt.u32 s8, $0xFFFFF086  }
0x1c: {  	p1 =	slt.u32 s9, $0xF7A;
	s5 =	simm.s32 @!p2 $0x0  }
0x1d: {  	s5 =	simm.s32 @p1 $0x1;
	p0 =	seq.s32 s7, s2  }
0x1e: {  	s7 =	smul.u32 @!p0 $0xF7A, s2;
	p2 =	seq.s32 @!p0 s5, $0x0  }
0x1f: {  	s9 =	smul.u32 $0xF7A, s1;
	s8 =	simm.s32 @!p0 $0x1BF5;
	p2 =	por !p2, p0  }
0x20: {  	[sflag:s8] =	ssyncset.s32 @!p0 $0xFFFFF086;
	s6 =	sadd.s32 @!p0 s3, s7;
	s7 =	simm.s32 @!p0 $0x108  }
0x21: {  	s3 =	sadd.s32 s3, s9;
	s6 =	sadd.s32 @!p0 $0x88, s6;
	s7 =	simm.s32 @p2 $0x1082  }
0x22: {  	[simem:s7], [sflag:s8] =	dma.local @!p0 [hbm:s6], $0xF7A  }
0x23: {  	s9 =	sor.u32 $0xD0000000, s2;
	s6 =	simm.s32 $0x108;
	_ =	swait.ge @!p0 [sflag:s8], $0x0  }
0x24: {  	s3 =	sadd.s32 $0x88, s3;
	s6 =	simm.s32 @!p1 $0x1082;
	[sflag:s4] =	ssyncset.s32 $0xFFFFF086  }
0x25: {  	[simem:s6], [sflag:s4] =	dma.local [hbm:s3], $0xF7A  }
0x26: {  	[smem:$0x3F91] =	sst s1;
	(tag) =	ssettag s2;
	_ =	strace s9  }
0x27: {  	s1 =	sld [smem:$0x3FA1]  }
0x28: {  	s2 =	sld [smem:$0x3FA2]  }
0x29: {  	s4 =	sld [smem:$0x3FA4]  }
0x2a: {  	p0 =	seq.s32 s5, $0x0;
	s5 =	sld [smem:$0x3FA5]  }
0x2b: {  	s6 =	sld [smem:$0x3FA6]  }
0x2c: {  	s7 =	sld [smem:$0x3FA7]  }
0x2d: {  	s3 =	simm.s32 $0x108;
	s8 =	sld [smem:$0x3FA8]  }
0x2e: {  	s3 =	simm.s32 @!p0 $0x1082;
	s9 =	sld [smem:$0x3FA9]  }
0x2f: {  	lr =	sadd.s32 s0, s3;
	s0 =	sld [smem:$0x3FA0]  }
0x30: {  	s3 =	sld [smem:$0x3FA3]  }
0x31: {  	[smem:$0x3FAC] =	sst s10  }
0x32: {  	s10 =	sld [smem:$0x3FAA];
	_ =	sdelay $0x3  }
0x33: {  	p0 =	seq.s32 s10, $0x1;
	s10 =	sld [smem:$0x3FAC];
	_ =	sdelay $0x3  }
0x34: {  	[smem:$0x3FAC] =	sst s10  }
0x35: {  	s10 =	sld [smem:$0x3FAB];
	_ =	sdelay $0x3  }
0x36: {  	p1 =	seq.s32 s10, $0x1;
	s10 =	sld [smem:$0x3FAC];
	_ =	sdelay $0x3  }
0x37: {  	[smem:$0x3FAC] =	sst s10  }
0x38: {  	s10 =	sld [smem:$0x3FAD]  }
0x39: {  	_ = 	snop;
	(pc) =	sbr.ind lr, $3  }
0x3a: {  	_ = 	snop  }
0x3b: {  	_ = 	snop  }
0x3c: {  	p2 =	seq.s32 s10, $0x1;
	s10 =	sld [smem:$0x3FAC]  }
0x3d: {  	_ =	shalt  }
0x3e: {  	_ =	shalt  }
0x3f: {  	_ =	shalt  }
0x40: {  	_ =	shalt  }
0x41: {  	_ =	shalt  }
0x42: {  	_ =	shalt  }
0x43: {  	_ =	shalt  }
0x44: {  	_ =	shalt  }
0x45: {  	_ =	shalt  }
0x46: {  	_ =	shalt  }
0x47: {  	_ =	shalt  }
0x48: {  	_ =	shalt  }
0x49: {  	_ =	shalt  }
0x4a: {  	_ =	shalt  }
0x4b: {  	_ =	shalt  }
0x4c: {  	_ =	shalt  }
0x4d: {  	_ =	shalt  }
0x4e: {  	_ =	shalt  }
0x4f: {  	_ =	shalt  }
0x50: {  	_ =	shalt  }
0x51: {  	_ =	shalt  }
0x52: {  	_ =	shalt  }
0x53: {  	_ =	shalt  }
0x54: {  	_ =	shalt  }
0x55: {  	_ =	shalt  }
0x56: {  	_ =	shalt  }
0x57: {  	_ =	shalt  }
0x58: {  	_ =	shalt  }
0x59: {  	_ =	shalt  }
0x5a: {  	_ =	shalt  }
0x5b: {  	_ =	shalt  }
0x5c: {  	_ =	shalt  }
0x5d: {  	_ =	shalt  }
0x5e: {  	_ =	shalt  }
0x5f: {  	_ =	shalt  }
0x60: {  	_ =	shalt  }
0x61: {  	_ =	shalt  }
0x62: {  	_ =	shalt  }
0x63: {  	_ =	shalt  }
0x64: {  	_ =	shalt  }
0x65: {  	_ =	shalt  }
0x66: {  	_ =	shalt  }
0x67: {  	_ =	shalt  }
0x68: {  	_ =	shalt  }
0x69: {  	_ =	shalt  }
0x6a: {  	_ =	shalt  }
0x6b: {  	_ =	shalt  }
0x6c: {  	_ =	shalt  }
0x6d: {  	_ =	shalt  }
0x6e: {  	_ =	shalt  }
0x6f: {  	_ =	shalt  }
0x70: {  	_ =	shalt  }
0x71: {  	_ =	shalt  }
0x72: {  	_ =	shalt  }
0x73: {  	_ =	shalt  }
0x74: {  	_ =	shalt  }
0x75: {  	_ =	shalt  }
0x76: {  	_ =	shalt  }
0x77: {  	_ =	shalt  }
0x78: {  	_ =	shalt  }
0x79: {  	_ =	shalt  }
0x7a: {  	_ =	shalt  }
0x7b: {  	_ =	shalt  }
0x7c: {  	_ =	shalt  }
0x7d: {  	_ =	shalt  }
0x7e: {  	_ =	shalt  }
0x7f: {  	_ =	shalt  }
0x80: {  	_ =	shalt  }
0x81: {  	_ =	shalt  }
0x82: {  	_ =	shalt  }
0x83: {  	_ =	shalt  }
0x84: {  	_ =	shalt  }
0x85: {  	_ =	shalt  }
0x86: {  	_ =	shalt  }
0x87: {  	_ =	shalt  }
.Lfunc_end0:
.L_simem_size_0:
called_computation.1_lowered:
.L_overlay_start_0:
0x88: {  	s2 =	sld [smem:$0x3FD9]  }
0x89: {  	s3 =	sld [smem:$0x3FFE];
	_ =	sdelay $0x1  }
0x8a: {  	s1 =	srdreg.scid  }
0x8b: {  	s0 =	sand.u32 $0x1, s1  }
0x8c: {  	s17 =	sshll.u32 s0, $0xA;
	s2 =	sadd.s32 s3, s2  }
0x8d: {  	s2 =	sadd.s32 s2, s17  }
0x8e: {  	[smem:$0x3FB8] =	sst s2  }
0x8f: {  	_ = 	snop  }
0x90: {  	(tm) =	ssettm $0x1  }
0x91: {  	s18 =	sld [smem:$0x3FFB];
	_ =	sdelay $0x3  }
0x92: {  	_ =	strace s18  }
0x93: {  	s2 =	sld [smem:$0x3FFC];
	_ =	sdelay $0x3  }
0x94: {  	_ =	strace s2  }
0x95: {  	s2 =	sld [smem:$0x3FFD];
	_ =	sdelay $0x3  }
0x96: {  	_ =	strace s2  }
0x97: {  	_ =	strace $0x8FFFFFFF  }
0x98: {  	s19 =	sld [smem:$0x3FDB];
	_ =	sdelay $0x1  }
0x99: {  	s20 =	simm.s32 $_scs_section_size  }
0x9a: {  	s4 =	simm.s32 $_size__tile_overlayer_lowered;
	s5 =	simm.s32 $_tile_overlayer_lowered  }
0x9b: {  	s6 =	simm.s32 $0x1BFF;
	s21 =	sshll.u32 s5, $0x1;
	s3 =	sadd.s32 s20, s19  }
0x9c: {  	s22 =	simm.s32 $0x0;
	s4 =	sshll.u32 s4, $0x1;
	s5 =	sadd.s32 s21, s3  }
0x9d: {  	[timem:s22], [sflag:s6] =	dma.local [hbm:s5], s4  }
0x9e: {  	_ =	swait.ge [sflag:s6], s4  }
0x9f: {  	s4 =	ssub.s32 $0x0, s4;
	[sflag:s6] =	ssyncset.done $0x0  }
0xa0: {  	[sflag:s6] =	ssyncadd.s32 s4;
	_ =	sdelay $0x1  }
0xa1: {  	s23 =	simm.s32 $0x1B8B  }
0xa2: {  	_ =	swait.ge [sflag:s23], $0x1  }
0xa3: {  	[sflag:s23] =	ssyncset.done $0x0  }
0xa4: {  	[sflag:s23] =	ssyncadd.s32 $0xFFFFFFFF  }
0xa5: {  	s4 =	sld [smem:$0x0]  }
0xa6: {  	s5 =	sand.u32 $0xFFFFFFFE, s1  }
0xa7: {  	p0 =	sne.s32 s1, s5  }
0xa8: {  	s5 =	sshll.u32 @p0 s5, $0xE  }
0xa9: {  	s5 =	sadd.s32 @p0 $0x11B8D, s5;
	s6 =	sshll.u32 @p0 s4, $0x11  }
0xaa: {  	s5 =	sor.u32 @p0 s6, s5  }
0xab: {  	[sflag:s5] =	ssyncadd.remote.s32 @p0 $0x1;
	_ =	sdelay $0x1  }
0xac: {  	s5 =	simm.s32 @p0 $0x1B8D  }
0xad: {  	_ =	swait.eq @p0 [sflag:s5], $0x1  }
0xae: {  	[sflag:s5] =	ssyncadd.s32 @p0 $0xFFFFFFFF  }
0xaf: {  	s6 =	sshll.u32 @!p0 s1, $0xE  }
0xb0: {  	s6 =	sor.u32 @!p0 $0x4000, s6;
	s5 =	simm.s32 @!p0 $0x1B8D  }
0xb1: {  	s4 =	sshll.u32 @!p0 s4, $0x11;
	s6 =	sadd.s32 @!p0 $0x11B8D, s6;
	_ =	swait.eq @!p0 [sflag:s5], $0x1  }
0xb2: {  	s4 =	sor.u32 @!p0 s4, s6;
	[sflag:s5] =	ssyncadd.s32 @!p0 $0xFFFFFFFF  }
0xb3: {  	s25 =	simm.s32 $0x1B8E;
	s24 =	sld [smem:$0x3FFE];
	[sflag:s4] =	ssyncadd.remote.s32 @!p0 $0x1  }
0xb4: {  	s26 =	simm.s32 $execute0_lowered;
	[smem:$0x3FD2] =	sst s25  }
0xb5: {  	s5 =	sshll.u32 s26, $0x1;
	_ =	strace $0x80000049;
	[dreg:$0x1] =	wrdreg $0xFFFFFFFF  }
0xb6: {  	s28 =	simm.s32 $_size_execute0_lowered;
	s3 =	sadd.s32 s3, s5;
	[dreg:$0x0] =	wrdreg $0x0  }
0xb7: {  	s5 =	sshll.u32 s28, $0x1;
	[dreg:$0x2] =	wrdreg s3  }
0xb8: {  	[dreg:$0x3] =	wrdreg s5  }
0xb9: {  	[dreg:$0x4] =	wrdreg $0xC0  }
0xba: {  	_ =	task [dreg:s22], $0x5FFFF  }
0xbb: {  	[dreg:$0x1] =	wrdreg $0xFFFFFFFF  }
0xbc: {  	[dreg:$0x0] =	wrdreg $0x60  }
0xbd: {  	[dreg:$0x2] =	wrdreg s24  }
0xbe: {  	[dreg:$0x3] =	wrdreg $0x0  }
0xbf: {  	[dreg:$0x4] =	wrdreg $0xA  }
0xc0: {  	_ =	task.clear_ibuf [dreg:s22], $0x5FFFF;
	_ =	strace $0x90000049  }
0xc1: {  	s29 =	simm.s32 $0xA;
	_ =	strace $0x8000004B  }
0xc2: {  	_ =	swait.ge [sflag:s29], $0x1  }
0xc3: {  	[sflag:s29] =	ssyncadd.s32 $0xFFFFFFFF  }
0xc4: {  	_ =	strace $0x9000004B  }
0xc5: {  	_ =	sfence  }
0xc6: {  	s30 =	sld [smem:$0x0];
	_ =	sdelay $0x2  }
0xc7: {  	s31 =	sshll.u32 s1, $0xD;
	s1 =	sshrl.u32 s1, $0x2  }
0xc8: {  	s4 =	sand.u32 $0x4000, s31;
	s1 =	sadd.s32 s1, s30  }
0xc9: {  	s0 =	sor.u32 s4, s0;
	s1 =	sshll.u32 s1, $0x11  }
0xca: {  	s0 =	sor.u32 s1, s0  }
0xcb: {  	s0 =	sadd.s32 $0x8F2B, s0  }
0xcc: {  	[sflag:s0] =	ssyncadd.remote.s32 $0x1  }
0xcd: {  	_ =	sfence.sel $0xFFFF  }
0xce: {  	[dreg:$0x0] =	wrdreg $0xFFFFFFFF;
	(pc) =	sbr.abs _section_cstart, $3  }
0xcf: {  	[dreg:$0x1] =	wrdreg $0xFFFFFFFF  }
0xd0: {  	_ =	task.clear_ibuf [dreg:s22], $0x2FFFF;
	_ =	strace $0x9FFFFFFF  }
0xd1: {  	(tm) =	ssettm $0x7FFFFFFF  }
tec
execute0_lowered:
.L_overlay_start_1:
0x0: {  	(tag) =	ssettag $0x1  }
0x1: {  	s24 =	rddreg [dreg:$0x0]  }
0x2: {  	s2 =	rddreg [dreg:$0x1]  }
0x3: {  	s0 =	srdreg.scid;
	s1 =	stileid.u32  }
0x4: {  	s3 =	simm.s32 $0x0;
	s6 =	simm.s32 $0xC400;
	s0 =	sand.u32 $0x1, s0  }
0x5: {  	s4 =	sshll.u32 s1, $0xC;
	[smem:$0x7FF] =	sst s3;
	s5 =	sshll.u32 s0, $0xB  }
0x6: {  	s30 =	sadd.s32 $0x1F400, s24;
	s18 =	sadd.s32 $0x4C00, s24;
	s31 =	sor.u32 s5, s4  }
0x7: {  	[dreg:$0x4] =	wrdreg s0;
	s0 =	smul.u32 $0x1880, s1;
	s4 =	sshrl.u32 s31, $0x3  }
0x8: {  	s7 =	smul.u32 $0x31000, s1;
	_ =	strace $0x8000004A;
	s4 =	sadd.s32 s30, s4  }
0x9: {  	s5 =	simm.s32 $0x2;
	[dreg:$0x3] =	wrdreg s4;
	s4 =	sadd.s32 s18, s0  }
0xa: {  	[tilespmem:s6], [sflag:$0x2] =	stream.linear.gather [hbm4b:s4+s3], $0x1C00, $0x38;
	[tilespmem:$0x1E200] =	vst v63  }
0xb: {  	_ =	swait.ge [sflag:s5], $0x1C00  }
0xc: {  	s7 =	sshrl.u32 s7, $0x2;
	[sflag:s5] =	ssyncset.done $0x0  }
0xd: {  	s19 =	smul.u32 $0x188, s1;
	s7 =	sadd.s32 s7, s2;
	[sflag:s5] =	ssyncadd.s32 $0xFFFFE400  }
0xe: {  	[spmem:s7] =	stream.linear.scatter [tilespmem:s6], [sflag:$0x2], $0x1C00, $0x38;
	[tilespmem:$0x1E200] =	vst v63  }
0xf: {  	s9 =	sadd.s32 $0x38, s19;
	_ =	swait.ge [sflag:s5], $0x1C00  }
0x10: {  	s8 =	sshll.u32 s9, $0x4;
	[sflag:s5] =	ssyncset.done $0x0  }
0x11: {  	s8 =	sadd.s32 s18, s8;
	[sflag:s5] =	ssyncadd.s32 $0xFFFFE400  }
0x12: {  	[tilespmem:s6], [sflag:$0x2] =	stream.linear.gather [hbm4b:s8+s3], $0x1C00, $0x38;
	[tilespmem:$0x1E200] =	vst v63  }
0x13: {  	_ =	swait.ge [sflag:s5], $0x1C00  }
0x14: {  	s9 =	sshll.u32 s9, $0x7;
	[sflag:s5] =	ssyncset.done $0x0  }
0x15: {  	s9 =	sadd.s32 s9, s2;
	[sflag:s5] =	ssyncadd.s32 $0xFFFFE400  }
0x16: {  	[spmem:s9] =	stream.linear.scatter [tilespmem:s6], [sflag:$0x2], $0x1C00, $0x38;
	[tilespmem:$0x1E200] =	vst v63  }
0x17: {  	s11 =	sadd.s32 $0x70, s19;
	_ =	swait.ge [sflag:s5], $0x1C00  }
0x18: {  	s10 =	sshll.u32 s11, $0x4;
	[sflag:s5] =	ssyncset.done $0x0  }
0x19: {  	s10 =	sadd.s32 s18, s10;
	[sflag:s5] =	ssyncadd.s32 $0xFFFFE400  }
0x1a: {  	[tilespmem:s6], [sflag:$0x2] =	stream.linear.gather [hbm4b:s10+s3], $0x1C00, $0x38;
	[tilespmem:$0x1E200] =	vst v63  }
0x1b: {  	_ =	swait.ge [sflag:s5], $0x1C00  }
0x1c: {  	s11 =	sshll.u32 s11, $0x7;
	[sflag:s5] =	ssyncset.done $0x0  }
0x1d: {  	s11 =	sadd.s32 s11, s2;
	[sflag:s5] =	ssyncadd.s32 $0xFFFFE400  }
0x1e: {  	[spmem:s11] =	stream.linear.scatter [tilespmem:s6], [sflag:$0x2], $0x1C00, $0x38;
	[tilespmem:$0x1E200] =	vst v63  }
0x1f: {  	s13 =	sadd.s32 $0xA8, s19;
	_ =	swait.ge [sflag:s5], $0x1C00  }
0x20: {  	s12 =	sshll.u32 s13, $0x4;
	[sflag:s5] =	ssyncset.done $0x0  }
0x21: {  	s12 =	sadd.s32 s18, s12;
	[sflag:s5] =	ssyncadd.s32 $0xFFFFE400  }
0x22: {  	[tilespmem:s6], [sflag:$0x2] =	stream.linear.gather [hbm4b:s12+s3], $0x1C00, $0x38;
	[tilespmem:$0x1E200] =	vst v63  }
0x23: {  	_ =	swait.ge [sflag:s5], $0x1C00  }
0x24: {  	s13 =	sshll.u32 s13, $0x7;
	[sflag:s5] =	ssyncset.done $0x0  }
0x25: {  	s13 =	sadd.s32 s13, s2;
	[sflag:s5] =	ssyncadd.s32 $0xFFFFE400  }
0x26: {  	[spmem:s13] =	stream.linear.scatter [tilespmem:s6], [sflag:$0x2], $0x1C00, $0x38;
	[tilespmem:$0x1E200] =	vst v63  }
0x27: {  	s15 =	sadd.s32 $0xE0, s19;
	_ =	swait.ge [sflag:s5], $0x1C00  }
0x28: {  	s14 =	sshll.u32 s15, $0x4;
	[sflag:s5] =	ssyncset.done $0x0  }
0x29: {  	s14 =	sadd.s32 s18, s14;
	[sflag:s5] =	ssyncadd.s32 $0xFFFFE400  }
0x2a: {  	[tilespmem:s6], [sflag:$0x2] =	stream.linear.gather [hbm4b:s14+s3], $0x1C00, $0x38;
	[tilespmem:$0x1E200] =	vst v63  }
0x2b: {  	_ =	swait.ge [sflag:s5], $0x1C00  }
0x2c: {  	s15 =	sshll.u32 s15, $0x7;
	[sflag:s5] =	ssyncset.done $0x0  }
0x2d: {  	s15 =	sadd.s32 s15, s2;
	[sflag:s5] =	ssyncadd.s32 $0xFFFFE400  }
0x2e: {  	[spmem:s15] =	stream.linear.scatter [tilespmem:s6], [sflag:$0x2], $0x1C00, $0x38;
	[tilespmem:$0x1E200] =	vst v63  }
0x2f: {  	s17 =	sadd.s32 $0x118, s19;
	_ =	swait.ge [sflag:s5], $0x1C00  }
0x30: {  	s16 =	sshll.u32 s17, $0x4;
	[sflag:s5] =	ssyncset.done $0x0  }
0x31: {  	s16 =	sadd.s32 s18, s16;
	[sflag:s5] =	ssyncadd.s32 $0xFFFFE400  }
0x32: {  	[tilespmem:s6], [sflag:$0x2] =	stream.linear.gather [hbm4b:s16+s3], $0x1C00, $0x38;
	[tilespmem:$0x1E200] =	vst v63  }
0x33: {  	_ =	swait.ge [sflag:s5], $0x1C00  }
0x34: {  	s17 =	sshll.u32 s17, $0x7;
	[sflag:s5] =	ssyncset.done $0x0  }
0x35: {  	s17 =	sadd.s32 s17, s2;
	[sflag:s5] =	ssyncadd.s32 $0xFFFFE400  }
0x36: {  	[spmem:s17] =	stream.linear.scatter [tilespmem:s6], [sflag:$0x2], $0x1C00, $0x38;
	[tilespmem:$0x1E200] =	vst v63  }
0x37: {  	s19 =	sadd.s32 $0x150, s19;
	_ =	swait.ge [sflag:s5], $0x1C00  }
0x38: {  	s20 =	sshll.u32 s19, $0x4;
	[sflag:s5] =	ssyncset.done $0x0  }
0x39: {  	s18 =	sadd.s32 s18, s20;
	[sflag:s5] =	ssyncadd.s32 $0xFFFFE400  }
0x3a: {  	[tilespmem:s6], [sflag:$0x2] =	stream.linear.gather [hbm4b:s18+s3], $0x1C00, $0x38;
	[tilespmem:$0x1E200] =	vst v63  }
0x3b: {  	_ =	swait.ge [sflag:s5], $0x1C00  }
0x3c: {  	s19 =	sshll.u32 s19, $0x7;
	[sflag:s5] =	ssyncset.done $0x0  }
0x3d: {  	s19 =	sadd.s32 s19, s2;
	[sflag:s5] =	ssyncadd.s32 $0xFFFFE400  }
0x3e: {  	[spmem:s19] =	stream.linear.scatter [tilespmem:s6], [sflag:$0x2], $0x1C00, $0x38;
	[tilespmem:$0x1E200] =	vst v63  }
0x3f: {  	_ =	swait.ge [sflag:s5], $0x1C00  }
0x40: {  	[sflag:s5] =	ssyncset.done $0x0  }
0x41: {  	[sflag:s5] =	ssyncadd.s32 $0xFFFFE400  }
0x42: {  	[bflag:$0x0] =	sbarrier.arrive $0xFFFF  }
0x43: {  	s20 =	simm.s32 $0xE000;
	s21 =	rddreg [dreg:$0x3]  }
0x44: {  	[tilespmem:s20], [sflag:$0x2] =	stream.linear.gather [hbm4b:s21+s3], $0x200, $0x38;
	[tilespmem:$0x1E200] =	vst v63  }
0x45: {  	_ =	swait.ge [sflag:s5], $0x200  }
0x46: {  	s22 =	simm.s32 $0xE200;
	[sflag:s5] =	ssyncset.done $0x0  }
0x47: {  	s23 =	simm.s32 $0x1;
	s21 =	simm.s32 $0x200;
	[sflag:s5] =	ssyncadd.s32 $0xFFFFFE00  }
0x48: {  	[tilespmem:s22], [sflag:$0x1] =	stream.indirect.gather [spmem:s2], $0x80, s20, s21, $0xb8;
	[tilespmem:$0x1E200] =	vst v63  }
0x49: {  	_ =	swait.ge [sflag:s23], $0x10000  }
0x4a: {  	s1 =	sadd.s32 $0x12D400, s24;
	s26 =	sshll.u32 s31, $0x4;
	[sflag:s23] =	ssyncset.done $0x0  }
0x4b: {  	s24 =	sadd.s32 s1, s26;
	[sflag:s23] =	ssyncadd.s32 $0xFFFF0000  }
0x4c: {  	[hbm4b:s24+s3] =	stream.linear.scatter [tilespmem:s22], [sflag:$0x2], $0x10000, $0x38;
	[tilespmem:$0x1E200] =	vst v63  }
0x4d: {  	s26 =	sor.u32 $0x200, s31;
	_ =	swait.ge [sflag:s5], $0x10000  }
0x4e: {  	s25 =	sshrl.u32 s26, $0x3;
	[sflag:s5] =	ssyncset.done $0x0  }
0x4f: {  	s25 =	sadd.s32 s30, s25;
	[sflag:s5] =	ssyncadd.s32 $0xFFFF0000  }
0x50: {  	[tilespmem:s20], [sflag:$0x2] =	stream.linear.gather [hbm4b:s25+s3], $0x200, $0x38;
	[tilespmem:$0x1E200] =	vst v63  }
0x51: {  	_ =	swait.ge [sflag:s5], $0x200  }
0x52: {  	[sflag:s5] =	ssyncset.done $0x0  }
0x53: {  	[sflag:s5] =	ssyncadd.s32 $0xFFFFFE00  }
0x54: {  	[tilespmem:s22], [sflag:$0x1] =	stream.indirect.gather [spmem:s2], $0x80, s20, s21, $0xb8;
	[tilespmem:$0x1E200] =	vst v63  }
0x55: {  	_ =	swait.ge [sflag:s23], $0x10000  }
0x56: {  	s26 =	sshll.u32 s26, $0x4;
	[sflag:s23] =	ssyncset.done $0x0  }
0x57: {  	s26 =	sadd.s32 s1, s26;
	[dreg:$0x5] =	wrdreg s1;
	[sflag:s23] =	ssyncadd.s32 $0xFFFF0000  }
0x58: {  	[hbm4b:s26+s3] =	stream.linear.scatter [tilespmem:s22], [sflag:$0x2], $0x10000, $0x38;
	[tilespmem:$0x1E200] =	vst v63  }
0x59: {  	s29 =	sor.u32 $0x400, s31;
	_ =	swait.ge [sflag:s5], $0x10000  }
0x5a: {  	s28 =	sshrl.u32 s29, $0x3;
	[sflag:s5] =	ssyncset.done $0x0  }
0x5b: {  	s28 =	sadd.s32 s30, s28;
	[sflag:s5] =	ssyncadd.s32 $0xFFFF0000  }
0x5c: {  	[tilespmem:s20], [sflag:$0x2] =	stream.linear.gather [hbm4b:s28+s3], $0x200, $0x38;
	[tilespmem:$0x1E200] =	vst v63  }
0x5d: {  	_ =	swait.ge [sflag:s5], $0x200  }
0x5e: {  	[sflag:s5] =	ssyncset.done $0x0  }
0x5f: {  	[sflag:s5] =	ssyncadd.s32 $0xFFFFFE00  }
0x60: {  	[tilespmem:s22], [sflag:$0x1] =	stream.indirect.gather [spmem:s2], $0x80, s20, s21, $0xb8;
	[tilespmem:$0x1E200] =	vst v63  }
0x61: {  	_ =	swait.ge [sflag:s23], $0x10000  }
0x62: {  	s29 =	sshll.u32 s29, $0x4;
	[sflag:s23] =	ssyncset.done $0x0  }
0x63: {  	s29 =	sadd.s32 s1, s29;
	[sflag:s23] =	ssyncadd.s32 $0xFFFF0000  }
0x64: {  	[hbm4b:s29+s3] =	stream.linear.scatter [tilespmem:s22], [sflag:$0x2], $0x10000, $0x38;
	[tilespmem:$0x1E200] =	vst v63  }
0x65: {  	s31 =	sor.u32 $0x600, s31;
	_ =	swait.ge [sflag:s5], $0x10000  }
0x66: {  	s1 =	sshrl.u32 s31, $0x3;
	[sflag:s5] =	ssyncset.done $0x0  }
0x67: {  	s30 =	sadd.s32 s30, s1;
	[sflag:s5] =	ssyncadd.s32 $0xFFFF0000  }
0x68: {  	[tilespmem:s20], [sflag:$0x2] =	stream.linear.gather [hbm4b:s30+s3], $0x200, $0x38;
	[tilespmem:$0x1E200] =	vst v63  }
0x69: {  	_ =	swait.ge [sflag:s5], $0x200  }
0x6a: {  	[sflag:s5] =	ssyncset.done $0x0;
	s1 =	rddreg [dreg:$0x4]  }
0x6b: {  	s0 =	ssub.s32 $0x2, s1;
	[sflag:s5] =	ssyncadd.s32 $0xFFFFFE00  }
0x6c: {  	[tilespmem:s22], [sflag:$0x1] =	stream.indirect.gather [spmem:s2], $0x80, s20, s21, $0xb8;
	[tilespmem:$0x1E200] =	vst v63  }
0x6d: {  	s1 =	sshrl.u32 s0, $0x1  }
0x6e: {  	s0 =	ssub.s32 s0, s1  }
0x6f: {  	s0 =	smax.u32 s0, $0x1  }
0x70: {  	_ =	swait.ge [sflag:s23], $0x10000;
	s1 =	sshll.u32 s31, $0x4;
	p0 =	sne.s32 s0, $0x1  }
.Ltmp0:
0x71: {  	[sflag:s23] =	ssyncset.done $0x0;
	s31 =	rddreg [dreg:$0x5];
	(pc) =	sbr.rel @!p0 .LBB2_2-.Ltmp0, $4  }
0x72: {  	s31 =	sadd.s32 s31, s1;
	[sflag:s23] =	ssyncadd.s32 $0xFFFF0000  }
0x73: {  	[hbm4b:s31+s3] =	stream.linear.scatter [tilespmem:s22], [sflag:$0x2], $0x10000, $0x38;
	[tilespmem:$0x1E200] =	vst v63  }
0x74: {  	_ =	swait.ge [sflag:s5], $0x10000  }
0x75: {  	s0 =	sadd.s32 $0xFFFFFFFF, s0;
	[sflag:s5] =	ssyncset.done $0x0  }
.LBB2_1:
0x76: {  	[sflag:s5] =	ssyncadd.s32 $0xFFFF0000  }
0x77: {  	[tilespmem:s6], [sflag:$0x2] =	stream.linear.gather [hbm4b:s4+s3], $0x1C00, $0x38;
	[tilespmem:$0x1E200] =	vst v63  }
0x78: {  	_ =	swait.ge [sflag:s5], $0x1C00  }
0x79: {  	[sflag:s5] =	ssyncset.done $0x0  }
0x7a: {  	[sflag:s5] =	ssyncadd.s32 $0xFFFFE400  }
0x7b: {  	[spmem:s7] =	stream.linear.scatter [tilespmem:s6], [sflag:$0x2], $0x1C00, $0x38;
	[tilespmem:$0x1E200] =	vst v63  }
0x7c: {  	_ =	swait.ge [sflag:s5], $0x1C00  }
0x7d: {  	[sflag:s5] =	ssyncset.done $0x0  }
0x7e: {  	[sflag:s5] =	ssyncadd.s32 $0xFFFFE400  }
0x7f: {  	[tilespmem:s6], [sflag:$0x2] =	stream.linear.gather [hbm4b:s8+s3], $0x1C00, $0x38;
	[tilespmem:$0x1E200] =	vst v63  }
0x80: {  	_ =	swait.ge [sflag:s5], $0x1C00  }
0x81: {  	[sflag:s5] =	ssyncset.done $0x0  }
0x82: {  	[sflag:s5] =	ssyncadd.s32 $0xFFFFE400  }
0x83: {  	[spmem:s9] =	stream.linear.scatter [tilespmem:s6], [sflag:$0x2], $0x1C00, $0x38;
	[tilespmem:$0x1E200] =	vst v63  }
0x84: {  	_ =	swait.ge [sflag:s5], $0x1C00  }
0x85: {  	[sflag:s5] =	ssyncset.done $0x0  }
0x86: {  	[sflag:s5] =	ssyncadd.s32 $0xFFFFE400  }
0x87: {  	[tilespmem:s6], [sflag:$0x2] =	stream.linear.gather [hbm4b:s10+s3], $0x1C00, $0x38;
	[tilespmem:$0x1E200] =	vst v63  }
0x88: {  	_ =	swait.ge [sflag:s5], $0x1C00  }
0x89: {  	[sflag:s5] =	ssyncset.done $0x0  }
0x8a: {  	[sflag:s5] =	ssyncadd.s32 $0xFFFFE400  }
0x8b: {  	[spmem:s11] =	stream.linear.scatter [tilespmem:s6], [sflag:$0x2], $0x1C00, $0x38;
	[tilespmem:$0x1E200] =	vst v63  }
0x8c: {  	_ =	swait.ge [sflag:s5], $0x1C00  }
0x8d: {  	[sflag:s5] =	ssyncset.done $0x0  }
0x8e: {  	[sflag:s5] =	ssyncadd.s32 $0xFFFFE400  }
0x8f: {  	[tilespmem:s6], [sflag:$0x2] =	stream.linear.gather [hbm4b:s12+s3], $0x1C00, $0x38;
	[tilespmem:$0x1E200] =	vst v63  }
0x90: {  	_ =	swait.ge [sflag:s5], $0x1C00  }
0x91: {  	[sflag:s5] =	ssyncset.done $0x0  }
0x92: {  	[sflag:s5] =	ssyncadd.s32 $0xFFFFE400  }
0x93: {  	[spmem:s13] =	stream.linear.scatter [tilespmem:s6], [sflag:$0x2], $0x1C00, $0x38;
	[tilespmem:$0x1E200] =	vst v63  }
0x94: {  	_ =	swait.ge [sflag:s5], $0x1C00  }
0x95: {  	[sflag:s5] =	ssyncset.done $0x0  }
0x96: {  	[sflag:s5] =	ssyncadd.s32 $0xFFFFE400  }
0x97: {  	[tilespmem:s6], [sflag:$0x2] =	stream.linear.gather [hbm4b:s14+s3], $0x1C00, $0x38;
	[tilespmem:$0x1E200] =	vst v63  }
0x98: {  	_ =	swait.ge [sflag:s5], $0x1C00  }
0x99: {  	[sflag:s5] =	ssyncset.done $0x0  }
0x9a: {  	[sflag:s5] =	ssyncadd.s32 $0xFFFFE400  }
0x9b: {  	[spmem:s15] =	stream.linear.scatter [tilespmem:s6], [sflag:$0x2], $0x1C00, $0x38;
	[tilespmem:$0x1E200] =	vst v63  }
0x9c: {  	_ =	swait.ge [sflag:s5], $0x1C00  }
0x9d: {  	[sflag:s5] =	ssyncset.done $0x0  }
0x9e: {  	[sflag:s5] =	ssyncadd.s32 $0xFFFFE400  }
0x9f: {  	[tilespmem:s6], [sflag:$0x2] =	stream.linear.gather [hbm4b:s16+s3], $0x1C00, $0x38;
	[tilespmem:$0x1E200] =	vst v63  }
0xa0: {  	_ =	swait.ge [sflag:s5], $0x1C00  }
0xa1: {  	[sflag:s5] =	ssyncset.done $0x0  }
0xa2: {  	[sflag:s5] =	ssyncadd.s32 $0xFFFFE400  }
0xa3: {  	[spmem:s17] =	stream.linear.scatter [tilespmem:s6], [sflag:$0x2], $0x1C00, $0x38;
	[tilespmem:$0x1E200] =	vst v63  }
0xa4: {  	_ =	swait.ge [sflag:s5], $0x1C00  }
0xa5: {  	[sflag:s5] =	ssyncset.done $0x0  }
0xa6: {  	[sflag:s5] =	ssyncadd.s32 $0xFFFFE400  }
0xa7: {  	[tilespmem:s6], [sflag:$0x2] =	stream.linear.gather [hbm4b:s18+s3], $0x1C00, $0x38;
	[tilespmem:$0x1E200] =	vst v63  }
0xa8: {  	_ =	swait.ge [sflag:s5], $0x1C00  }
0xa9: {  	[sflag:s5] =	ssyncset.done $0x0  }
0xaa: {  	[sflag:s5] =	ssyncadd.s32 $0xFFFFE400  }
0xab: {  	[spmem:s19] =	stream.linear.scatter [tilespmem:s6], [sflag:$0x2], $0x1C00, $0x38;
	[tilespmem:$0x1E200] =	vst v63  }
0xac: {  	_ =	swait.ge [sflag:s5], $0x1C00  }
0xad: {  	[sflag:s5] =	ssyncset.done $0x0  }
0xae: {  	[sflag:s5] =	ssyncadd.s32 $0xFFFFE400  }
0xaf: {  	[bflag:$0x0] =	sbarrier.arrive $0xFFFF  }
0xb0: {  	s1 =	rddreg [dreg:$0x3]  }
0xb1: {  	[tilespmem:s20], [sflag:$0x2] =	stream.linear.gather [hbm4b:s1+s3], $0x200, $0x38;
	[tilespmem:$0x1E200] =	vst v63  }
0xb2: {  	_ =	swait.ge [sflag:s5], $0x200  }
0xb3: {  	[sflag:s5] =	ssyncset.done $0x0  }
0xb4: {  	[sflag:s5] =	ssyncadd.s32 $0xFFFFFE00  }
0xb5: {  	[tilespmem:s22], [sflag:$0x1] =	stream.indirect.gather [spmem:s2], $0x80, s20, s21, $0xb8;
	[tilespmem:$0x1E200] =	vst v63  }
0xb6: {  	_ =	swait.ge [sflag:s23], $0x10000  }
0xb7: {  	[sflag:s23] =	ssyncset.done $0x0  }
0xb8: {  	[sflag:s23] =	ssyncadd.s32 $0xFFFF0000  }
0xb9: {  	[hbm4b:s24+s3] =	stream.linear.scatter [tilespmem:s22], [sflag:$0x2], $0x10000, $0x38;
	[tilespmem:$0x1E200] =	vst v63  }
0xba: {  	_ =	swait.ge [sflag:s5], $0x10000  }
0xbb: {  	[sflag:s5] =	ssyncset.done $0x0  }
0xbc: {  	[sflag:s5] =	ssyncadd.s32 $0xFFFF0000  }
0xbd: {  	[tilespmem:s20], [sflag:$0x2] =	stream.linear.gather [hbm4b:s25+s3], $0x200, $0x38;
	[tilespmem:$0x1E200] =	vst v63  }
0xbe: {  	_ =	swait.ge [sflag:s5], $0x200  }
0xbf: {  	[sflag:s5] =	ssyncset.done $0x0  }
0xc0: {  	[sflag:s5] =	ssyncadd.s32 $0xFFFFFE00  }
0xc1: {  	[tilespmem:s22], [sflag:$0x1] =	stream.indirect.gather [spmem:s2], $0x80, s20, s21, $0xb8;
	[tilespmem:$0x1E200] =	vst v63  }
0xc2: {  	_ =	swait.ge [sflag:s23], $0x10000  }
0xc3: {  	[sflag:s23] =	ssyncset.done $0x0  }
0xc4: {  	[sflag:s23] =	ssyncadd.s32 $0xFFFF0000  }
0xc5: {  	[hbm4b:s26+s3] =	stream.linear.scatter [tilespmem:s22], [sflag:$0x2], $0x10000, $0x38;
	[tilespmem:$0x1E200] =	vst v63  }
0xc6: {  	_ =	swait.ge [sflag:s5], $0x10000  }
0xc7: {  	[sflag:s5] =	ssyncset.done $0x0  }
0xc8: {  	[sflag:s5] =	ssyncadd.s32 $0xFFFF0000  }
0xc9: {  	[tilespmem:s20], [sflag:$0x2] =	stream.linear.gather [hbm4b:s28+s3], $0x200, $0x38;
	[tilespmem:$0x1E200] =	vst v63  }
0xca: {  	_ =	swait.ge [sflag:s5], $0x200  }
0xcb: {  	[sflag:s5] =	ssyncset.done $0x0  }
0xcc: {  	[sflag:s5] =	ssyncadd.s32 $0xFFFFFE00  }
0xcd: {  	[tilespmem:s22], [sflag:$0x1] =	stream.indirect.gather [spmem:s2], $0x80, s20, s21, $0xb8;
	[tilespmem:$0x1E200] =	vst v63  }
0xce: {  	_ =	swait.ge [sflag:s23], $0x10000  }
0xcf: {  	[sflag:s23] =	ssyncset.done $0x0  }
0xd0: {  	[sflag:s23] =	ssyncadd.s32 $0xFFFF0000  }
0xd1: {  	[hbm4b:s29+s3] =	stream.linear.scatter [tilespmem:s22], [sflag:$0x2], $0x10000, $0x38;
	[tilespmem:$0x1E200] =	vst v63  }
0xd2: {  	_ =	swait.ge [sflag:s5], $0x10000  }
0xd3: {  	[sflag:s5] =	ssyncset.done $0x0  }
0xd4: {  	[sflag:s5] =	ssyncadd.s32 $0xFFFF0000  }
0xd5: {  	[tilespmem:s20], [sflag:$0x2] =	stream.linear.gather [hbm4b:s30+s3], $0x200, $0x38;
	[tilespmem:$0x1E200] =	vst v63  }
0xd6: {  	_ =	swait.ge [sflag:s5], $0x200  }
0xd7: {  	[sflag:s5] =	ssyncset.done $0x0  }
0xd8: {  	[sflag:s5] =	ssyncadd.s32 $0xFFFFFE00  }
0xd9: {  	[tilespmem:s22], [sflag:$0x1] =	stream.indirect.gather [spmem:s2], $0x80, s20, s21, $0xb8;
	[tilespmem:$0x1E200] =	vst v63  }
0xda: {  	p0 =	sne.s32 s0, $0x1;
	_ =	swait.ge [sflag:s23], $0x10000  }
.Ltmp1:
0xdb: {  	[sflag:s23] =	ssyncset.done $0x0;
	(pc) =	sbr.rel @p0 .LBB2_1-.Ltmp1, $4  }
0xdc: {  	[sflag:s23] =	ssyncadd.s32 $0xFFFF0000  }
0xdd: {  	[hbm4b:s31+s3] =	stream.linear.scatter [tilespmem:s22], [sflag:$0x2], $0x10000, $0x38;
	[tilespmem:$0x1E200] =	vst v63  }
0xde: {  	_ =	swait.ge [sflag:s5], $0x10000  }
0xdf: {  	s0 =	sadd.s32 $0xFFFFFFFF, s0;
	[sflag:s5] =	ssyncset.done $0x0  }
.LBB2_2:
0xe0: {  	[sflag:s5] =	ssyncadd.s32 $0xFFFF0000  }
0xe1: {  	_ =	sfence.sel $0x180000  }
0xe2: {  	[bflag:$0x0] =	sbarrier.arrive $0xFFFF  }
0xe3: {  	_ =	strace $0x9000004A  }
0xe4: {  	s0 =	stileid.u32;
	[bflag:$0x2] =	sbarrier.arrive $0xFFFF  }
0xe5: {  	p0 =	sne.s32 s0, $0x0;
	s0 =	rddreg [dreg:$0x2]  }
0xe6: {  	s0 =	sadd.s32 @!p0 $0x100000, s0  }
0xe7: {  	[sflag:s0] =	ssyncadd.tile.s32 @!p0 $0x1;
	_ =	shalt  }
.Lfunc_end2:
_tile_overlayer_lowered:
.L_overlay_start_2:
0xe8: {  	(tag) =	ssettag $0x2  }
0xe9: {  	s0 =	rddreg [dreg:$0x0];
	s2 =	stileid.u32  }
0xea: {  	s1 =	rddreg [dreg:$0x1];
	p0 =	sne.s32 s2, $0x0  }
0xeb: {  	s3 =	rddreg [dreg:$0x2];
	[bflag:$0x3] =	sbarrier.arrive $0xFFFF;
	s2 =	simm.s32 @!p0 $0x1C02  }
0xec: {  	[timem:s3], [sflag:s2] =	dma.local @!p0 [hbm:s0], s1  }
0xed: {  	s0 =	simm.s32 @!p0 $0x2  }
0xee: {  	_ =	swait.ge @!p0 [sflag:s0], s1  }
0xef: {  	s1 =	ssub.s32 @!p0 $0x0, s1;
	[sflag:s0] =	ssyncset.done @!p0 $0x0  }
0xf0: {  	[sflag:s0] =	ssyncadd.s32 @!p0 s1  }
0xf1: {  	[bflag:$0x3] =	sbarrier.arrive $0xFFFF  }
0xf2: {  	_ =	shalt  }

// kernel: kernel.25.cloned.1.call-start
scs
__scs_entry_jumppad:
0x0: {  	(pc) =	sbr.rel $0x88, $3  }
0x1: {  	(tag) =	ssettag $0x0;
	lr =	simm.s32 $0x1  }
0x2: {  	[smem:$0x3F91] =	sst lr;
	_ =	strace $0xD0000000  }
0x3: {  	_ = 	snop  }
0x4: {  	_ = 	snop  }
0x5: {  	_ = 	snop  }
0x6: {  	_ = 	snop  }
0x7: {  	_ = 	snop  }
__scs_overlays_trampoline_lowered:
0x8: {  	[smem:$0x3FA0] =	sst s0  }
0x9: {  	[smem:$0x3FA1] =	sst s1  }
0xa: {  	[smem:$0x3FA2] =	sst s2  }
0xb: {  	[smem:$0x3FA3] =	sst s3  }
0xc: {  	[smem:$0x3FA4] =	sst s4  }
0xd: {  	[smem:$0x3FA5] =	sst s5  }
0xe: {  	[smem:$0x3FA6] =	sst s6  }
0xf: {  	[smem:$0x3FA7] =	sst s7  }
0x10: {  	[smem:$0x3FA8] =	sst s8  }
0x11: {  	[smem:$0x3FA9] =	sst s9;
	s0 =	simm.s32 @!p0 $0x0  }
0x12: {  	s1 =	sld [smem:$0x3F8F];
	s0 =	simm.s32 @p0 $0x1  }
0x13: {  	[smem:$0x3FAA] =	sst s0;
	s0 =	simm.s32 @!p1 $0x0  }
0x14: {  	s2 =	sld [smem:$0x3F8E];
	s0 =	simm.s32 @p1 $0x1  }
0x15: {  	[smem:$0x3FAB] =	sst s0;
	s0 =	simm.s32 @!p2 $0x0  }
0x16: {  	s3 =	sld [smem:$0x3FDB];
	s0 =	simm.s32 @p2 $0x1  }
0x17: {  	s4 =	simm.s32 $0x1BF5;
	[smem:$0x3FAD] =	sst s0  }
0x18: {  	s0 =	sld [smem:$0x3F90];
	_ =	swait.ge [sflag:s4], $0x0  }
0x19: {  	s7 =	sld [smem:$0x3F91]  }
0x1a: {  	s8 =	sadd.s32 $0xFFFFE003, lr  }
0x1b: {  	s9 =	sadd.s32 $0xFFFFFEF7, lr;
	s5 =	simm.s32 $0xFFFFFFFF;
	p2 =	slt.u32 s8, $0xFFFFF086  }
0x1c: {  	p1 =	slt.u32 s9, $0xF7A;
	s5 =	simm.s32 @!p2 $0x0  }
0x1d: {  	s5 =	simm.s32 @p1 $0x1;
	p0 =	seq.s32 s7, s2  }
0x1e: {  	s7 =	smul.u32 @!p0 $0xF7A, s2;
	p2 =	seq.s32 @!p0 s5, $0x0  }
0x1f: {  	s9 =	smul.u32 $0xF7A, s1;
	s8 =	simm.s32 @!p0 $0x1BF5;
	p2 =	por !p2, p0  }
0x20: {  	[sflag:s8] =	ssyncset.s32 @!p0 $0xFFFFF086;
	s6 =	sadd.s32 @!p0 s3, s7;
	s7 =	simm.s32 @!p0 $0x108  }
0x21: {  	s3 =	sadd.s32 s3, s9;
	s6 =	sadd.s32 @!p0 $0x88, s6;
	s7 =	simm.s32 @p2 $0x1082  }
0x22: {  	[simem:s7], [sflag:s8] =	dma.local @!p0 [hbm:s6], $0xF7A  }
0x23: {  	s9 =	sor.u32 $0xD0000000, s2;
	s6 =	simm.s32 $0x108;
	_ =	swait.ge @!p0 [sflag:s8], $0x0  }
0x24: {  	s3 =	sadd.s32 $0x88, s3;
	s6 =	simm.s32 @!p1 $0x1082;
	[sflag:s4] =	ssyncset.s32 $0xFFFFF086  }
0x25: {  	[simem:s6], [sflag:s4] =	dma.local [hbm:s3], $0xF7A  }
0x26: {  	[smem:$0x3F91] =	sst s1;
	(tag) =	ssettag s2;
	_ =	strace s9  }
0x27: {  	s1 =	sld [smem:$0x3FA1]  }
0x28: {  	s2 =	sld [smem:$0x3FA2]  }
0x29: {  	s4 =	sld [smem:$0x3FA4]  }
0x2a: {  	p0 =	seq.s32 s5, $0x0;
	s5 =	sld [smem:$0x3FA5]  }
0x2b: {  	s6 =	sld [smem:$0x3FA6]  }
0x2c: {  	s7 =	sld [smem:$0x3FA7]  }
0x2d: {  	s3 =	simm.s32 $0x108;
	s8 =	sld [smem:$0x3FA8]  }
0x2e: {  	s3 =	simm.s32 @!p0 $0x1082;
	s9 =	sld [smem:$0x3FA9]  }
0x2f: {  	lr =	sadd.s32 s0, s3;
	s0 =	sld [smem:$0x3FA0]  }
0x30: {  	s3 =	sld [smem:$0x3FA3]  }
0x31: {  	[smem:$0x3FAC] =	sst s10  }
0x32: {  	s10 =	sld [smem:$0x3FAA];
	_ =	sdelay $0x3  }
0x33: {  	p0 =	seq.s32 s10, $0x1;
	s10 =	sld [smem:$0x3FAC];
	_ =	sdelay $0x3  }
0x34: {  	[smem:$0x3FAC] =	sst s10  }
0x35: {  	s10 =	sld [smem:$0x3FAB];
	_ =	sdelay $0x3  }
0x36: {  	p1 =	seq.s32 s10, $0x1;
	s10 =	sld [smem:$0x3FAC];
	_ =	sdelay $0x3  }
0x37: {  	[smem:$0x3FAC] =	sst s10  }
0x38: {  	s10 =	sld [smem:$0x3FAD]  }
0x39: {  	_ = 	snop;
	(pc) =	sbr.ind lr, $3  }
0x3a: {  	_ = 	snop  }
0x3b: {  	_ = 	snop  }
0x3c: {  	p2 =	seq.s32 s10, $0x1;
	s10 =	sld [smem:$0x3FAC]  }
0x3d: {  	_ =	shalt  }
0x3e: {  	_ =	shalt  }
0x3f: {  	_ =	shalt  }
0x40: {  	_ =	shalt  }
0x41: {  	_ =	shalt  }
0x42: {  	_ =	shalt  }
0x43: {  	_ =	shalt  }
0x44: {  	_ =	shalt  }
0x45: {  	_ =	shalt  }
0x46: {  	_ =	shalt  }
0x47: {  	_ =	shalt  }
0x48: {  	_ =	shalt  }
0x49: {  	_ =	shalt  }
0x4a: {  	_ =	shalt  }
0x4b: {  	_ =	shalt  }
0x4c: {  	_ =	shalt  }
0x4d: {  	_ =	shalt  }
0x4e: {  	_ =	shalt  }
0x4f: {  	_ =	shalt  }
0x50: {  	_ =	shalt  }
0x51: {  	_ =	shalt  }
0x52: {  	_ =	shalt  }
0x53: {  	_ =	shalt  }
0x54: {  	_ =	shalt  }
0x55: {  	_ =	shalt  }
0x56: {  	_ =	shalt  }
0x57: {  	_ =	shalt  }
0x58: {  	_ =	shalt  }
0x59: {  	_ =	shalt  }
0x5a: {  	_ =	shalt  }
0x5b: {  	_ =	shalt  }
0x5c: {  	_ =	shalt  }
0x5d: {  	_ =	shalt  }
0x5e: {  	_ =	shalt  }
0x5f: {  	_ =	shalt  }
0x60: {  	_ =	shalt  }
0x61: {  	_ =	shalt  }
0x62: {  	_ =	shalt  }
0x63: {  	_ =	shalt  }
0x64: {  	_ =	shalt  }
0x65: {  	_ =	shalt  }
0x66: {  	_ =	shalt  }
0x67: {  	_ =	shalt  }
0x68: {  	_ =	shalt  }
0x69: {  	_ =	shalt  }
0x6a: {  	_ =	shalt  }
0x6b: {  	_ =	shalt  }
0x6c: {  	_ =	shalt  }
0x6d: {  	_ =	shalt  }
0x6e: {  	_ =	shalt  }
0x6f: {  	_ =	shalt  }
0x70: {  	_ =	shalt  }
0x71: {  	_ =	shalt  }
0x72: {  	_ =	shalt  }
0x73: {  	_ =	shalt  }
0x74: {  	_ =	shalt  }
0x75: {  	_ =	shalt  }
0x76: {  	_ =	shalt  }
0x77: {  	_ =	shalt  }
0x78: {  	_ =	shalt  }
0x79: {  	_ =	shalt  }
0x7a: {  	_ =	shalt  }
0x7b: {  	_ =	shalt  }
0x7c: {  	_ =	shalt  }
0x7d: {  	_ =	shalt  }
0x7e: {  	_ =	shalt  }
0x7f: {  	_ =	shalt  }
0x80: {  	_ =	shalt  }
0x81: {  	_ =	shalt  }
0x82: {  	_ =	shalt  }
0x83: {  	_ =	shalt  }
0x84: {  	_ =	shalt  }
0x85: {  	_ =	shalt  }
0x86: {  	_ =	shalt  }
0x87: {  	_ =	shalt  }
.Lfunc_end0:
.L_simem_size_0:
called_computation.2_lowered:
.L_overlay_start_0:
0x88: {  	s2 =	sld [smem:$0x3FD9]  }
0x89: {  	s3 =	sld [smem:$0x3FFE];
	_ =	sdelay $0x1  }
0x8a: {  	s1 =	srdreg.scid  }
0x8b: {  	s0 =	sand.u32 $0x1, s1  }
0x8c: {  	s17 =	sshll.u32 s0, $0xA;
	s2 =	sadd.s32 s3, s2  }
0x8d: {  	s2 =	sadd.s32 s2, s17  }
0x8e: {  	[smem:$0x3FB8] =	sst s2  }
0x8f: {  	_ = 	snop  }
0x90: {  	(tm) =	ssettm $0x1  }
0x91: {  	s18 =	sld [smem:$0x3FFB];
	_ =	sdelay $0x3  }
0x92: {  	_ =	strace s18  }
0x93: {  	s2 =	sld [smem:$0x3FFC];
	_ =	sdelay $0x3  }
0x94: {  	_ =	strace s2  }
0x95: {  	s2 =	sld [smem:$0x3FFD];
	_ =	sdelay $0x3  }
0x96: {  	_ =	strace s2  }
0x97: {  	_ =	strace $0x8FFFFFFF  }
0x98: {  	s19 =	sld [smem:$0x3FDB];
	_ =	sdelay $0x1  }
0x99: {  	s20 =	simm.s32 $_scs_section_size  }
0x9a: {  	s4 =	simm.s32 $_size__tile_overlayer_lowered;
	s5 =	simm.s32 $_tile_overlayer_lowered  }
0x9b: {  	s6 =	simm.s32 $0x1BFF;
	s21 =	sshll.u32 s5, $0x1;
	s3 =	sadd.s32 s20, s19  }
0x9c: {  	s22 =	simm.s32 $0x0;
	s4 =	sshll.u32 s4, $0x1;
	s5 =	sadd.s32 s21, s3  }
0x9d: {  	[timem:s22], [sflag:s6] =	dma.local [hbm:s5], s4  }
0x9e: {  	_ =	swait.ge [sflag:s6], s4  }
0x9f: {  	s4 =	ssub.s32 $0x0, s4;
	[sflag:s6] =	ssyncset.done $0x0  }
0xa0: {  	[sflag:s6] =	ssyncadd.s32 s4;
	_ =	sdelay $0x1  }
0xa1: {  	s23 =	simm.s32 $0x1B8B  }
0xa2: {  	_ =	swait.ge [sflag:s23], $0x1  }
0xa3: {  	[sflag:s23] =	ssyncset.done $0x0  }
0xa4: {  	[sflag:s23] =	ssyncadd.s32 $0xFFFFFFFF  }
0xa5: {  	s4 =	sld [smem:$0x0]  }
0xa6: {  	s5 =	sand.u32 $0xFFFFFFFE, s1  }
0xa7: {  	p0 =	sne.s32 s1, s5  }
0xa8: {  	s5 =	sshll.u32 @p0 s5, $0xE  }
0xa9: {  	s5 =	sadd.s32 @p0 $0x11B8D, s5;
	s6 =	sshll.u32 @p0 s4, $0x11  }
0xaa: {  	s5 =	sor.u32 @p0 s6, s5  }
0xab: {  	[sflag:s5] =	ssyncadd.remote.s32 @p0 $0x1;
	_ =	sdelay $0x1  }
0xac: {  	s5 =	simm.s32 @p0 $0x1B8D  }
0xad: {  	_ =	swait.eq @p0 [sflag:s5], $0x1  }
0xae: {  	[sflag:s5] =	ssyncadd.s32 @p0 $0xFFFFFFFF  }
0xaf: {  	s6 =	sshll.u32 @!p0 s1, $0xE  }
0xb0: {  	s6 =	sor.u32 @!p0 $0x4000, s6;
	s5 =	simm.s32 @!p0 $0x1B8D  }
0xb1: {  	s4 =	sshll.u32 @!p0 s4, $0x11;
	s6 =	sadd.s32 @!p0 $0x11B8D, s6;
	_ =	swait.eq @!p0 [sflag:s5], $0x1  }
0xb2: {  	s4 =	sor.u32 @!p0 s4, s6;
	[sflag:s5] =	ssyncadd.s32 @!p0 $0xFFFFFFFF  }
0xb3: {  	s25 =	simm.s32 $0x1B8E;
	s24 =	sld [smem:$0x3FFE];
	[sflag:s4] =	ssyncadd.remote.s32 @!p0 $0x1  }
0xb4: {  	s26 =	simm.s32 $execute0_lowered;
	[smem:$0x3FD2] =	sst s25  }
0xb5: {  	s5 =	sshll.u32 s26, $0x1;
	_ =	strace $0x8000004C;
	[dreg:$0x1] =	wrdreg $0xFFFFFFFF  }
0xb6: {  	s28 =	simm.s32 $_size_execute0_lowered;
	s3 =	sadd.s32 s3, s5;
	[dreg:$0x0] =	wrdreg $0x0  }
0xb7: {  	s5 =	sshll.u32 s28, $0x1;
	[dreg:$0x2] =	wrdreg s3  }
0xb8: {  	[dreg:$0x3] =	wrdreg s5  }
0xb9: {  	[dreg:$0x4] =	wrdreg $0xC0  }
0xba: {  	_ =	task [dreg:s22], $0x5FFFF  }
0xbb: {  	[dreg:$0x1] =	wrdreg $0xFFFFFFFF  }
0xbc: {  	[dreg:$0x0] =	wrdreg $0x60  }
0xbd: {  	[dreg:$0x2] =	wrdreg s24  }
0xbe: {  	[dreg:$0x3] =	wrdreg $0x0  }
0xbf: {  	[dreg:$0x4] =	wrdreg $0xB  }
0xc0: {  	_ =	task.clear_ibuf [dreg:s22], $0x5FFFF;
	_ =	strace $0x9000004C  }
0xc1: {  	s29 =	simm.s32 $0xB;
	_ =	strace $0x8000004E  }
0xc2: {  	_ =	swait.ge [sflag:s29], $0x1  }
0xc3: {  	[sflag:s29] =	ssyncadd.s32 $0xFFFFFFFF  }
0xc4: {  	_ =	strace $0x9000004E  }
0xc5: {  	_ =	sfence  }
0xc6: {  	s30 =	sld [smem:$0x0];
	_ =	sdelay $0x2  }
0xc7: {  	s31 =	sshll.u32 s1, $0xD;
	s1 =	sshrl.u32 s1, $0x2  }
0xc8: {  	s4 =	sand.u32 $0x4000, s31;
	s1 =	sadd.s32 s1, s30  }
0xc9: {  	s0 =	sor.u32 s4, s0;
	s1 =	sshll.u32 s1, $0x11  }
0xca: {  	s0 =	sor.u32 s1, s0  }
0xcb: {  	s0 =	sadd.s32 $0x8F2B, s0  }
0xcc: {  	[sflag:s0] =	ssyncadd.remote.s32 $0x1  }
0xcd: {  	_ =	sfence.sel $0xFFFF  }
0xce: {  	[dreg:$0x0] =	wrdreg $0xFFFFFFFF;
	(pc) =	sbr.abs _section_cstart, $3  }
0xcf: {  	[dreg:$0x1] =	wrdreg $0xFFFFFFFF  }
0xd0: {  	_ =	task.clear_ibuf [dreg:s22], $0x2FFFF;
	_ =	strace $0x9FFFFFFF  }
0xd1: {  	(tm) =	ssettm $0x7FFFFFFF  }
tec
execute0_lowered:
.L_overlay_start_1:
0x0: {  	(tag) =	ssettag $0x1  }
0x1: {  	s24 =	rddreg [dreg:$0x0]  }
0x2: {  	s2 =	rddreg [dreg:$0x1]  }
0x3: {  	s0 =	srdreg.scid;
	s1 =	stileid.u32  }
0x4: {  	s3 =	simm.s32 $0x0;
	s6 =	simm.s32 $0xC400;
	s0 =	sand.u32 $0x1, s0  }
0x5: {  	s4 =	sshll.u32 s1, $0xC;
	[smem:$0x7FF] =	sst s3;
	s5 =	sshll.u32 s0, $0xB  }
0x6: {  	s30 =	sadd.s32 $0x21400, s24;
	s18 =	sadd.s32 $0x4C00, s24;
	s31 =	sor.u32 s5, s4  }
0x7: {  	[dreg:$0x4] =	wrdreg s0;
	s0 =	smul.u32 $0x1880, s1;
	s4 =	sshrl.u32 s31, $0x3  }
0x8: {  	s7 =	smul.u32 $0x31000, s1;
	_ =	strace $0x8000004D;
	s4 =	sadd.s32 s30, s4  }
0x9: {  	s5 =	simm.s32 $0x2;
	[dreg:$0x3] =	wrdreg s4;
	s4 =	sadd.s32 s18, s0  }
0xa: {  	[tilespmem:s6], [sflag:$0x2] =	stream.linear.gather [hbm4b:s4+s3], $0x1C00, $0x38;
	[tilespmem:$0x1E200] =	vst v63  }
0xb: {  	_ =	swait.ge [sflag:s5], $0x1C00  }
0xc: {  	s7 =	sshrl.u32 s7, $0x2;
	[sflag:s5] =	ssyncset.done $0x0  }
0xd: {  	s19 =	smul.u32 $0x188, s1;
	s7 =	sadd.s32 s7, s2;
	[sflag:s5] =	ssyncadd.s32 $0xFFFFE400  }
0xe: {  	[spmem:s7] =	stream.linear.scatter [tilespmem:s6], [sflag:$0x2], $0x1C00, $0x38;
	[tilespmem:$0x1E200] =	vst v63  }
0xf: {  	s9 =	sadd.s32 $0x38, s19;
	_ =	swait.ge [sflag:s5], $0x1C00  }
0x10: {  	s8 =	sshll.u32 s9, $0x4;
	[sflag:s5] =	ssyncset.done $0x0  }
0x11: {  	s8 =	sadd.s32 s18, s8;
	[sflag:s5] =	ssyncadd.s32 $0xFFFFE400  }
0x12: {  	[tilespmem:s6], [sflag:$0x2] =	stream.linear.gather [hbm4b:s8+s3], $0x1C00, $0x38;
	[tilespmem:$0x1E200] =	vst v63  }
0x13: {  	_ =	swait.ge [sflag:s5], $0x1C00  }
0x14: {  	s9 =	sshll.u32 s9, $0x7;
	[sflag:s5] =	ssyncset.done $0x0  }
0x15: {  	s9 =	sadd.s32 s9, s2;
	[sflag:s5] =	ssyncadd.s32 $0xFFFFE400  }
0x16: {  	[spmem:s9] =	stream.linear.scatter [tilespmem:s6], [sflag:$0x2], $0x1C00, $0x38;
	[tilespmem:$0x1E200] =	vst v63  }
0x17: {  	s11 =	sadd.s32 $0x70, s19;
	_ =	swait.ge [sflag:s5], $0x1C00  }
0x18: {  	s10 =	sshll.u32 s11, $0x4;
	[sflag:s5] =	ssyncset.done $0x0  }
0x19: {  	s10 =	sadd.s32 s18, s10;
	[sflag:s5] =	ssyncadd.s32 $0xFFFFE400  }
0x1a: {  	[tilespmem:s6], [sflag:$0x2] =	stream.linear.gather [hbm4b:s10+s3], $0x1C00, $0x38;
	[tilespmem:$0x1E200] =	vst v63  }
0x1b: {  	_ =	swait.ge [sflag:s5], $0x1C00  }
0x1c: {  	s11 =	sshll.u32 s11, $0x7;
	[sflag:s5] =	ssyncset.done $0x0  }
0x1d: {  	s11 =	sadd.s32 s11, s2;
	[sflag:s5] =	ssyncadd.s32 $0xFFFFE400  }
0x1e: {  	[spmem:s11] =	stream.linear.scatter [tilespmem:s6], [sflag:$0x2], $0x1C00, $0x38;
	[tilespmem:$0x1E200] =	vst v63  }
0x1f: {  	s13 =	sadd.s32 $0xA8, s19;
	_ =	swait.ge [sflag:s5], $0x1C00  }
0x20: {  	s12 =	sshll.u32 s13, $0x4;
	[sflag:s5] =	ssyncset.done $0x0  }
0x21: {  	s12 =	sadd.s32 s18, s12;
	[sflag:s5] =	ssyncadd.s32 $0xFFFFE400  }
0x22: {  	[tilespmem:s6], [sflag:$0x2] =	stream.linear.gather [hbm4b:s12+s3], $0x1C00, $0x38;
	[tilespmem:$0x1E200] =	vst v63  }
0x23: {  	_ =	swait.ge [sflag:s5], $0x1C00  }
0x24: {  	s13 =	sshll.u32 s13, $0x7;
	[sflag:s5] =	ssyncset.done $0x0  }
0x25: {  	s13 =	sadd.s32 s13, s2;
	[sflag:s5] =	ssyncadd.s32 $0xFFFFE400  }
0x26: {  	[spmem:s13] =	stream.linear.scatter [tilespmem:s6], [sflag:$0x2], $0x1C00, $0x38;
	[tilespmem:$0x1E200] =	vst v63  }
0x27: {  	s15 =	sadd.s32 $0xE0, s19;
	_ =	swait.ge [sflag:s5], $0x1C00  }
0x28: {  	s14 =	sshll.u32 s15, $0x4;
	[sflag:s5] =	ssyncset.done $0x0  }
0x29: {  	s14 =	sadd.s32 s18, s14;
	[sflag:s5] =	ssyncadd.s32 $0xFFFFE400  }
0x2a: {  	[tilespmem:s6], [sflag:$0x2] =	stream.linear.gather [hbm4b:s14+s3], $0x1C00, $0x38;
	[tilespmem:$0x1E200] =	vst v63  }
0x2b: {  	_ =	swait.ge [sflag:s5], $0x1C00  }
0x2c: {  	s15 =	sshll.u32 s15, $0x7;
	[sflag:s5] =	ssyncset.done $0x0  }
0x2d: {  	s15 =	sadd.s32 s15, s2;
	[sflag:s5] =	ssyncadd.s32 $0xFFFFE400  }
0x2e: {  	[spmem:s15] =	stream.linear.scatter [tilespmem:s6], [sflag:$0x2], $0x1C00, $0x38;
	[tilespmem:$0x1E200] =	vst v63  }
0x2f: {  	s17 =	sadd.s32 $0x118, s19;
	_ =	swait.ge [sflag:s5], $0x1C00  }
0x30: {  	s16 =	sshll.u32 s17, $0x4;
	[sflag:s5] =	ssyncset.done $0x0  }
0x31: {  	s16 =	sadd.s32 s18, s16;
	[sflag:s5] =	ssyncadd.s32 $0xFFFFE400  }
0x32: {  	[tilespmem:s6], [sflag:$0x2] =	stream.linear.gather [hbm4b:s16+s3], $0x1C00, $0x38;
	[tilespmem:$0x1E200] =	vst v63  }
0x33: {  	_ =	swait.ge [sflag:s5], $0x1C00  }
0x34: {  	s17 =	sshll.u32 s17, $0x7;
	[sflag:s5] =	ssyncset.done $0x0  }
0x35: {  	s17 =	sadd.s32 s17, s2;
	[sflag:s5] =	ssyncadd.s32 $0xFFFFE400  }
0x36: {  	[spmem:s17] =	stream.linear.scatter [tilespmem:s6], [sflag:$0x2], $0x1C00, $0x38;
	[tilespmem:$0x1E200] =	vst v63  }
0x37: {  	s19 =	sadd.s32 $0x150, s19;
	_ =	swait.ge [sflag:s5], $0x1C00  }
0x38: {  	s20 =	sshll.u32 s19, $0x4;
	[sflag:s5] =	ssyncset.done $0x0  }
0x39: {  	s18 =	sadd.s32 s18, s20;
	[sflag:s5] =	ssyncadd.s32 $0xFFFFE400  }
0x3a: {  	[tilespmem:s6], [sflag:$0x2] =	stream.linear.gather [hbm4b:s18+s3], $0x1C00, $0x38;
	[tilespmem:$0x1E200] =	vst v63  }
0x3b: {  	_ =	swait.ge [sflag:s5], $0x1C00  }
0x3c: {  	s19 =	sshll.u32 s19, $0x7;
	[sflag:s5] =	ssyncset.done $0x0  }
0x3d: {  	s19 =	sadd.s32 s19, s2;
	[sflag:s5] =	ssyncadd.s32 $0xFFFFE400  }
0x3e: {  	[spmem:s19] =	stream.linear.scatter [tilespmem:s6], [sflag:$0x2], $0x1C00, $0x38;
	[tilespmem:$0x1E200] =	vst v63  }
0x3f: {  	_ =	swait.ge [sflag:s5], $0x1C00  }
0x40: {  	[sflag:s5] =	ssyncset.done $0x0  }
0x41: {  	[sflag:s5] =	ssyncadd.s32 $0xFFFFE400  }
0x42: {  	[bflag:$0x0] =	sbarrier.arrive $0xFFFF  }
0x43: {  	s20 =	simm.s32 $0xE000;
	s21 =	rddreg [dreg:$0x3]  }
0x44: {  	[tilespmem:s20], [sflag:$0x2] =	stream.linear.gather [hbm4b:s21+s3], $0x200, $0x38;
	[tilespmem:$0x1E200] =	vst v63  }
0x45: {  	_ =	swait.ge [sflag:s5], $0x200  }
0x46: {  	s22 =	simm.s32 $0xE200;
	[sflag:s5] =	ssyncset.done $0x0  }
0x47: {  	s23 =	simm.s32 $0x1;
	s21 =	simm.s32 $0x200;
	[sflag:s5] =	ssyncadd.s32 $0xFFFFFE00  }
0x48: {  	[tilespmem:s22], [sflag:$0x1] =	stream.indirect.gather [spmem:s2], $0x80, s20, s21, $0xb8;
	[tilespmem:$0x1E200] =	vst v63  }
0x49: {  	_ =	swait.ge [sflag:s23], $0x10000  }
0x4a: {  	s1 =	sadd.s32 $0x22D400, s24;
	s26 =	sshll.u32 s31, $0x4;
	[sflag:s23] =	ssyncset.done $0x0  }
0x4b: {  	s24 =	sadd.s32 s1, s26;
	[sflag:s23] =	ssyncadd.s32 $0xFFFF0000  }
0x4c: {  	[hbm4b:s24+s3] =	stream.linear.scatter [tilespmem:s22], [sflag:$0x2], $0x10000, $0x38;
	[tilespmem:$0x1E200] =	vst v63  }
0x4d: {  	s26 =	sor.u32 $0x200, s31;
	_ =	swait.ge [sflag:s5], $0x10000  }
0x4e: {  	s25 =	sshrl.u32 s26, $0x3;
	[sflag:s5] =	ssyncset.done $0x0  }
0x4f: {  	s25 =	sadd.s32 s30, s25;
	[sflag:s5] =	ssyncadd.s32 $0xFFFF0000  }
0x50: {  	[tilespmem:s20], [sflag:$0x2] =	stream.linear.gather [hbm4b:s25+s3], $0x200, $0x38;
	[tilespmem:$0x1E200] =	vst v63  }
0x51: {  	_ =	swait.ge [sflag:s5], $0x200  }
0x52: {  	[sflag:s5] =	ssyncset.done $0x0  }
0x53: {  	[sflag:s5] =	ssyncadd.s32 $0xFFFFFE00  }
0x54: {  	[tilespmem:s22], [sflag:$0x1] =	stream.indirect.gather [spmem:s2], $0x80, s20, s21, $0xb8;
	[tilespmem:$0x1E200] =	vst v63  }
0x55: {  	_ =	swait.ge [sflag:s23], $0x10000  }
0x56: {  	s26 =	sshll.u32 s26, $0x4;
	[sflag:s23] =	ssyncset.done $0x0  }
0x57: {  	s26 =	sadd.s32 s1, s26;
	[dreg:$0x5] =	wrdreg s1;
	[sflag:s23] =	ssyncadd.s32 $0xFFFF0000  }
0x58: {  	[hbm4b:s26+s3] =	stream.linear.scatter [tilespmem:s22], [sflag:$0x2], $0x10000, $0x38;
	[tilespmem:$0x1E200] =	vst v63  }
0x59: {  	s29 =	sor.u32 $0x400, s31;
	_ =	swait.ge [sflag:s5], $0x10000  }
0x5a: {  	s28 =	sshrl.u32 s29, $0x3;
	[sflag:s5] =	ssyncset.done $0x0  }
0x5b: {  	s28 =	sadd.s32 s30, s28;
	[sflag:s5] =	ssyncadd.s32 $0xFFFF0000  }
0x5c: {  	[tilespmem:s20], [sflag:$0x2] =	stream.linear.gather [hbm4b:s28+s3], $0x200, $0x38;
	[tilespmem:$0x1E200] =	vst v63  }
0x5d: {  	_ =	swait.ge [sflag:s5], $0x200  }
0x5e: {  	[sflag:s5] =	ssyncset.done $0x0  }
0x5f: {  	[sflag:s5] =	ssyncadd.s32 $0xFFFFFE00  }
0x60: {  	[tilespmem:s22], [sflag:$0x1] =	stream.indirect.gather [spmem:s2], $0x80, s20, s21, $0xb8;
	[tilespmem:$0x1E200] =	vst v63  }
0x61: {  	_ =	swait.ge [sflag:s23], $0x10000  }
0x62: {  	s29 =	sshll.u32 s29, $0x4;
	[sflag:s23] =	ssyncset.done $0x0  }
0x63: {  	s29 =	sadd.s32 s1, s29;
	[sflag:s23] =	ssyncadd.s32 $0xFFFF0000  }
0x64: {  	[hbm4b:s29+s3] =	stream.linear.scatter [tilespmem:s22], [sflag:$0x2], $0x10000, $0x38;
	[tilespmem:$0x1E200] =	vst v63  }
0x65: {  	s31 =	sor.u32 $0x600, s31;
	_ =	swait.ge [sflag:s5], $0x10000  }
0x66: {  	s1 =	sshrl.u32 s31, $0x3;
	[sflag:s5] =	ssyncset.done $0x0  }
0x67: {  	s30 =	sadd.s32 s30, s1;
	[sflag:s5] =	ssyncadd.s32 $0xFFFF0000  }
0x68: {  	[tilespmem:s20], [sflag:$0x2] =	stream.linear.gather [hbm4b:s30+s3], $0x200, $0x38;
	[tilespmem:$0x1E200] =	vst v63  }
0x69: {  	_ =	swait.ge [sflag:s5], $0x200  }
0x6a: {  	[sflag:s5] =	ssyncset.done $0x0;
	s1 =	rddreg [dreg:$0x4]  }
0x6b: {  	s0 =	ssub.s32 $0x2, s1;
	[sflag:s5] =	ssyncadd.s32 $0xFFFFFE00  }
0x6c: {  	[tilespmem:s22], [sflag:$0x1] =	stream.indirect.gather [spmem:s2], $0x80, s20, s21, $0xb8;
	[tilespmem:$0x1E200] =	vst v63  }
0x6d: {  	s1 =	sshrl.u32 s0, $0x1  }
0x6e: {  	s0 =	ssub.s32 s0, s1  }
0x6f: {  	s0 =	smax.u32 s0, $0x1  }
0x70: {  	_ =	swait.ge [sflag:s23], $0x10000;
	s1 =	sshll.u32 s31, $0x4;
	p0 =	sne.s32 s0, $0x1  }
.Ltmp0:
0x71: {  	[sflag:s23] =	ssyncset.done $0x0;
	s31 =	rddreg [dreg:$0x5];
	(pc) =	sbr.rel @!p0 .LBB2_2-.Ltmp0, $4  }
0x72: {  	s31 =	sadd.s32 s31, s1;
	[sflag:s23] =	ssyncadd.s32 $0xFFFF0000  }
0x73: {  	[hbm4b:s31+s3] =	stream.linear.scatter [tilespmem:s22], [sflag:$0x2], $0x10000, $0x38;
	[tilespmem:$0x1E200] =	vst v63  }
0x74: {  	_ =	swait.ge [sflag:s5], $0x10000  }
0x75: {  	s0 =	sadd.s32 $0xFFFFFFFF, s0;
	[sflag:s5] =	ssyncset.done $0x0  }
.LBB2_1:
0x76: {  	[sflag:s5] =	ssyncadd.s32 $0xFFFF0000  }
0x77: {  	[tilespmem:s6], [sflag:$0x2] =	stream.linear.gather [hbm4b:s4+s3], $0x1C00, $0x38;
	[tilespmem:$0x1E200] =	vst v63  }
0x78: {  	_ =	swait.ge [sflag:s5], $0x1C00  }
0x79: {  	[sflag:s5] =	ssyncset.done $0x0  }
0x7a: {  	[sflag:s5] =	ssyncadd.s32 $0xFFFFE400  }
0x7b: {  	[spmem:s7] =	stream.linear.scatter [tilespmem:s6], [sflag:$0x2], $0x1C00, $0x38;
	[tilespmem:$0x1E200] =	vst v63  }
0x7c: {  	_ =	swait.ge [sflag:s5], $0x1C00  }
0x7d: {  	[sflag:s5] =	ssyncset.done $0x0  }
0x7e: {  	[sflag:s5] =	ssyncadd.s32 $0xFFFFE400  }
0x7f: {  	[tilespmem:s6], [sflag:$0x2] =	stream.linear.gather [hbm4b:s8+s3], $0x1C00, $0x38;
	[tilespmem:$0x1E200] =	vst v63  }
0x80: {  	_ =	swait.ge [sflag:s5], $0x1C00  }
0x81: {  	[sflag:s5] =	ssyncset.done $0x0  }
0x82: {  	[sflag:s5] =	ssyncadd.s32 $0xFFFFE400  }
0x83: {  	[spmem:s9] =	stream.linear.scatter [tilespmem:s6], [sflag:$0x2], $0x1C00, $0x38;
	[tilespmem:$0x1E200] =	vst v63  }
0x84: {  	_ =	swait.ge [sflag:s5], $0x1C00  }
0x85: {  	[sflag:s5] =	ssyncset.done $0x0  }
0x86: {  	[sflag:s5] =	ssyncadd.s32 $0xFFFFE400  }
0x87: {  	[tilespmem:s6], [sflag:$0x2] =	stream.linear.gather [hbm4b:s10+s3], $0x1C00, $0x38;
	[tilespmem:$0x1E200] =	vst v63  }
0x88: {  	_ =	swait.ge [sflag:s5], $0x1C00  }
0x89: {  	[sflag:s5] =	ssyncset.done $0x0  }
0x8a: {  	[sflag:s5] =	ssyncadd.s32 $0xFFFFE400  }
0x8b: {  	[spmem:s11] =	stream.linear.scatter [tilespmem:s6], [sflag:$0x2], $0x1C00, $0x38;
	[tilespmem:$0x1E200] =	vst v63  }
0x8c: {  	_ =	swait.ge [sflag:s5], $0x1C00  }
0x8d: {  	[sflag:s5] =	ssyncset.done $0x0  }
0x8e: {  	[sflag:s5] =	ssyncadd.s32 $0xFFFFE400  }
0x8f: {  	[tilespmem:s6], [sflag:$0x2] =	stream.linear.gather [hbm4b:s12+s3], $0x1C00, $0x38;
	[tilespmem:$0x1E200] =	vst v63  }
0x90: {  	_ =	swait.ge [sflag:s5], $0x1C00  }
0x91: {  	[sflag:s5] =	ssyncset.done $0x0  }
0x92: {  	[sflag:s5] =	ssyncadd.s32 $0xFFFFE400  }
0x93: {  	[spmem:s13] =	stream.linear.scatter [tilespmem:s6], [sflag:$0x2], $0x1C00, $0x38;
	[tilespmem:$0x1E200] =	vst v63  }
0x94: {  	_ =	swait.ge [sflag:s5], $0x1C00  }
0x95: {  	[sflag:s5] =	ssyncset.done $0x0  }
0x96: {  	[sflag:s5] =	ssyncadd.s32 $0xFFFFE400  }
0x97: {  	[tilespmem:s6], [sflag:$0x2] =	stream.linear.gather [hbm4b:s14+s3], $0x1C00, $0x38;
	[tilespmem:$0x1E200] =	vst v63  }
0x98: {  	_ =	swait.ge [sflag:s5], $0x1C00  }
0x99: {  	[sflag:s5] =	ssyncset.done $0x0  }
0x9a: {  	[sflag:s5] =	ssyncadd.s32 $0xFFFFE400  }
0x9b: {  	[spmem:s15] =	stream.linear.scatter [tilespmem:s6], [sflag:$0x2], $0x1C00, $0x38;
	[tilespmem:$0x1E200] =	vst v63  }
0x9c: {  	_ =	swait.ge [sflag:s5], $0x1C00  }
0x9d: {  	[sflag:s5] =	ssyncset.done $0x0  }
0x9e: {  	[sflag:s5] =	ssyncadd.s32 $0xFFFFE400  }
0x9f: {  	[tilespmem:s6], [sflag:$0x2] =	stream.linear.gather [hbm4b:s16+s3], $0x1C00, $0x38;
	[tilespmem:$0x1E200] =	vst v63  }
0xa0: {  	_ =	swait.ge [sflag:s5], $0x1C00  }
0xa1: {  	[sflag:s5] =	ssyncset.done $0x0  }
0xa2: {  	[sflag:s5] =	ssyncadd.s32 $0xFFFFE400  }
0xa3: {  	[spmem:s17] =	stream.linear.scatter [tilespmem:s6], [sflag:$0x2], $0x1C00, $0x38;
	[tilespmem:$0x1E200] =	vst v63  }
0xa4: {  	_ =	swait.ge [sflag:s5], $0x1C00  }
0xa5: {  	[sflag:s5] =	ssyncset.done $0x0  }
0xa6: {  	[sflag:s5] =	ssyncadd.s32 $0xFFFFE400  }
0xa7: {  	[tilespmem:s6], [sflag:$0x2] =	stream.linear.gather [hbm4b:s18+s3], $0x1C00, $0x38;
	[tilespmem:$0x1E200] =	vst v63  }
0xa8: {  	_ =	swait.ge [sflag:s5], $0x1C00  }
0xa9: {  	[sflag:s5] =	ssyncset.done $0x0  }
0xaa: {  	[sflag:s5] =	ssyncadd.s32 $0xFFFFE400  }
0xab: {  	[spmem:s19] =	stream.linear.scatter [tilespmem:s6], [sflag:$0x2], $0x1C00, $0x38;
	[tilespmem:$0x1E200] =	vst v63  }
0xac: {  	_ =	swait.ge [sflag:s5], $0x1C00  }
0xad: {  	[sflag:s5] =	ssyncset.done $0x0  }
0xae: {  	[sflag:s5] =	ssyncadd.s32 $0xFFFFE400  }
0xaf: {  	[bflag:$0x0] =	sbarrier.arrive $0xFFFF  }
0xb0: {  	s1 =	rddreg [dreg:$0x3]  }
0xb1: {  	[tilespmem:s20], [sflag:$0x2] =	stream.linear.gather [hbm4b:s1+s3], $0x200, $0x38;
	[tilespmem:$0x1E200] =	vst v63  }
0xb2: {  	_ =	swait.ge [sflag:s5], $0x200  }
0xb3: {  	[sflag:s5] =	ssyncset.done $0x0  }
0xb4: {  	[sflag:s5] =	ssyncadd.s32 $0xFFFFFE00  }
0xb5: {  	[tilespmem:s22], [sflag:$0x1] =	stream.indirect.gather [spmem:s2], $0x80, s20, s21, $0xb8;
	[tilespmem:$0x1E200] =	vst v63  }
0xb6: {  	_ =	swait.ge [sflag:s23], $0x10000  }
0xb7: {  	[sflag:s23] =	ssyncset.done $0x0  }
0xb8: {  	[sflag:s23] =	ssyncadd.s32 $0xFFFF0000  }
0xb9: {  	[hbm4b:s24+s3] =	stream.linear.scatter [tilespmem:s22], [sflag:$0x2], $0x10000, $0x38;
	[tilespmem:$0x1E200] =	vst v63  }
0xba: {  	_ =	swait.ge [sflag:s5], $0x10000  }
0xbb: {  	[sflag:s5] =	ssyncset.done $0x0  }
0xbc: {  	[sflag:s5] =	ssyncadd.s32 $0xFFFF0000  }
0xbd: {  	[tilespmem:s20], [sflag:$0x2] =	stream.linear.gather [hbm4b:s25+s3], $0x200, $0x38;
	[tilespmem:$0x1E200] =	vst v63  }
0xbe: {  	_ =	swait.ge [sflag:s5], $0x200  }
0xbf: {  	[sflag:s5] =	ssyncset.done $0x0  }
0xc0: {  	[sflag:s5] =	ssyncadd.s32 $0xFFFFFE00  }
0xc1: {  	[tilespmem:s22], [sflag:$0x1] =	stream.indirect.gather [spmem:s2], $0x80, s20, s21, $0xb8;
	[tilespmem:$0x1E200] =	vst v63  }
0xc2: {  	_ =	swait.ge [sflag:s23], $0x10000  }
0xc3: {  	[sflag:s23] =	ssyncset.done $0x0  }
0xc4: {  	[sflag:s23] =	ssyncadd.s32 $0xFFFF0000  }
0xc5: {  	[hbm4b:s26+s3] =	stream.linear.scatter [tilespmem:s22], [sflag:$0x2], $0x10000, $0x38;
	[tilespmem:$0x1E200] =	vst v63  }
0xc6: {  	_ =	swait.ge [sflag:s5], $0x10000  }
0xc7: {  	[sflag:s5] =	ssyncset.done $0x0  }
0xc8: {  	[sflag:s5] =	ssyncadd.s32 $0xFFFF0000  }
0xc9: {  	[tilespmem:s20], [sflag:$0x2] =	stream.linear.gather [hbm4b:s28+s3], $0x200, $0x38;
	[tilespmem:$0x1E200] =	vst v63  }
0xca: {  	_ =	swait.ge [sflag:s5], $0x200  }
0xcb: {  	[sflag:s5] =	ssyncset.done $0x0  }
0xcc: {  	[sflag:s5] =	ssyncadd.s32 $0xFFFFFE00  }
0xcd: {  	[tilespmem:s22], [sflag:$0x1] =	stream.indirect.gather [spmem:s2], $0x80, s20, s21, $0xb8;
	[tilespmem:$0x1E200] =	vst v63  }
0xce: {  	_ =	swait.ge [sflag:s23], $0x10000  }
0xcf: {  	[sflag:s23] =	ssyncset.done $0x0  }
0xd0: {  	[sflag:s23] =	ssyncadd.s32 $0xFFFF0000  }
0xd1: {  	[hbm4b:s29+s3] =	stream.linear.scatter [tilespmem:s22], [sflag:$0x2], $0x10000, $0x38;
	[tilespmem:$0x1E200] =	vst v63  }
0xd2: {  	_ =	swait.ge [sflag:s5], $0x10000  }
0xd3: {  	[sflag:s5] =	ssyncset.done $0x0  }
0xd4: {  	[sflag:s5] =	ssyncadd.s32 $0xFFFF0000  }
0xd5: {  	[tilespmem:s20], [sflag:$0x2] =	stream.linear.gather [hbm4b:s30+s3], $0x200, $0x38;
	[tilespmem:$0x1E200] =	vst v63  }
0xd6: {  	_ =	swait.ge [sflag:s5], $0x200  }
0xd7: {  	[sflag:s5] =	ssyncset.done $0x0  }
0xd8: {  	[sflag:s5] =	ssyncadd.s32 $0xFFFFFE00  }
0xd9: {  	[tilespmem:s22], [sflag:$0x1] =	stream.indirect.gather [spmem:s2], $0x80, s20, s21, $0xb8;
	[tilespmem:$0x1E200] =	vst v63  }
0xda: {  	p0 =	sne.s32 s0, $0x1;
	_ =	swait.ge [sflag:s23], $0x10000  }
.Ltmp1:
0xdb: {  	[sflag:s23] =	ssyncset.done $0x0;
	(pc) =	sbr.rel @p0 .LBB2_1-.Ltmp1, $4  }
0xdc: {  	[sflag:s23] =	ssyncadd.s32 $0xFFFF0000  }
0xdd: {  	[hbm4b:s31+s3] =	stream.linear.scatter [tilespmem:s22], [sflag:$0x2], $0x10000, $0x38;
	[tilespmem:$0x1E200] =	vst v63  }
0xde: {  	_ =	swait.ge [sflag:s5], $0x10000  }
0xdf: {  	s0 =	sadd.s32 $0xFFFFFFFF, s0;
	[sflag:s5] =	ssyncset.done $0x0  }
.LBB2_2:
0xe0: {  	[sflag:s5] =	ssyncadd.s32 $0xFFFF0000  }
0xe1: {  	_ =	sfence.sel $0x180000  }
0xe2: {  	[bflag:$0x0] =	sbarrier.arrive $0xFFFF  }
0xe3: {  	_ =	strace $0x9000004D  }
0xe4: {  	s0 =	stileid.u32;
	[bflag:$0x2] =	sbarrier.arrive $0xFFFF  }
0xe5: {  	p0 =	sne.s32 s0, $0x0;
	s0 =	rddreg [dreg:$0x2]  }
0xe6: {  	s0 =	sadd.s32 @!p0 $0x100000, s0  }
0xe7: {  	[sflag:s0] =	ssyncadd.tile.s32 @!p0 $0x1;
	_ =	shalt  }
.Lfunc_end2:
_tile_overlayer_lowered:
.L_overlay_start_2:
0xe8: {  	(tag) =	ssettag $0x2  }
0xe9: {  	s0 =	rddreg [dreg:$0x0];
	s2 =	stileid.u32  }
0xea: {  	s1 =	rddreg [dreg:$0x1];
	p0 =	sne.s32 s2, $0x0  }
0xeb: {  	s3 =	rddreg [dreg:$0x2];
	[bflag:$0x3] =	sbarrier.arrive $0xFFFF;
	s2 =	simm.s32 @!p0 $0x1C02  }
0xec: {  	[timem:s3], [sflag:s2] =	dma.local @!p0 [hbm:s0], s1  }
0xed: {  	s0 =	simm.s32 @!p0 $0x2  }
0xee: {  	_ =	swait.ge @!p0 [sflag:s0], s1  }
0xef: {  	s1 =	ssub.s32 @!p0 $0x0, s1;
	[sflag:s0] =	ssyncset.done @!p0 $0x0  }
0xf0: {  	[sflag:s0] =	ssyncadd.s32 @!p0 s1  }
0xf1: {  	[bflag:$0x3] =	sbarrier.arrive $0xFFFF  }
0xf2: {  	_ =	shalt  }

// kernel: kernel.28.cloned.1.call-start
scs
__scs_entry_jumppad:
0x0: {  	(pc) =	sbr.rel $0x88, $3  }
0x1: {  	(tag) =	ssettag $0x0;
	lr =	simm.s32 $0x1  }
0x2: {  	[smem:$0x3F91] =	sst lr;
	_ =	strace $0xD0000000  }
0x3: {  	_ = 	snop  }
0x4: {  	_ = 	snop  }
0x5: {  	_ = 	snop  }
0x6: {  	_ = 	snop  }
0x7: {  	_ = 	snop  }
__scs_overlays_trampoline_lowered:
0x8: {  	[smem:$0x3FA0] =	sst s0  }
0x9: {  	[smem:$0x3FA1] =	sst s1  }
0xa: {  	[smem:$0x3FA2] =	sst s2  }
0xb: {  	[smem:$0x3FA3] =	sst s3  }
0xc: {  	[smem:$0x3FA4] =	sst s4  }
0xd: {  	[smem:$0x3FA5] =	sst s5  }
0xe: {  	[smem:$0x3FA6] =	sst s6  }
0xf: {  	[smem:$0x3FA7] =	sst s7  }
0x10: {  	[smem:$0x3FA8] =	sst s8  }
0x11: {  	[smem:$0x3FA9] =	sst s9;
	s0 =	simm.s32 @!p0 $0x0  }
0x12: {  	s1 =	sld [smem:$0x3F8F];
	s0 =	simm.s32 @p0 $0x1  }
0x13: {  	[smem:$0x3FAA] =	sst s0;
	s0 =	simm.s32 @!p1 $0x0  }
0x14: {  	s2 =	sld [smem:$0x3F8E];
	s0 =	simm.s32 @p1 $0x1  }
0x15: {  	[smem:$0x3FAB] =	sst s0;
	s0 =	simm.s32 @!p2 $0x0  }
0x16: {  	s3 =	sld [smem:$0x3FDB];
	s0 =	simm.s32 @p2 $0x1  }
0x17: {  	s4 =	simm.s32 $0x1BF5;
	[smem:$0x3FAD] =	sst s0  }
0x18: {  	s0 =	sld [smem:$0x3F90];
	_ =	swait.ge [sflag:s4], $0x0  }
0x19: {  	s7 =	sld [smem:$0x3F91]  }
0x1a: {  	s8 =	sadd.s32 $0xFFFFE003, lr  }
0x1b: {  	s9 =	sadd.s32 $0xFFFFFEF7, lr;
	s5 =	simm.s32 $0xFFFFFFFF;
	p2 =	slt.u32 s8, $0xFFFFF086  }
0x1c: {  	p1 =	slt.u32 s9, $0xF7A;
	s5 =	simm.s32 @!p2 $0x0  }
0x1d: {  	s5 =	simm.s32 @p1 $0x1;
	p0 =	seq.s32 s7, s2  }
0x1e: {  	s7 =	smul.u32 @!p0 $0xF7A, s2;
	p2 =	seq.s32 @!p0 s5, $0x0  }
0x1f: {  	s9 =	smul.u32 $0xF7A, s1;
	s8 =	simm.s32 @!p0 $0x1BF5;
	p2 =	por !p2, p0  }
0x20: {  	[sflag:s8] =	ssyncset.s32 @!p0 $0xFFFFF086;
	s6 =	sadd.s32 @!p0 s3, s7;
	s7 =	simm.s32 @!p0 $0x108  }
0x21: {  	s3 =	sadd.s32 s3, s9;
	s6 =	sadd.s32 @!p0 $0x88, s6;
	s7 =	simm.s32 @p2 $0x1082  }
0x22: {  	[simem:s7], [sflag:s8] =	dma.local @!p0 [hbm:s6], $0xF7A  }
0x23: {  	s9 =	sor.u32 $0xD0000000, s2;
	s6 =	simm.s32 $0x108;
	_ =	swait.ge @!p0 [sflag:s8], $0x0  }
0x24: {  	s3 =	sadd.s32 $0x88, s3;
	s6 =	simm.s32 @!p1 $0x1082;
	[sflag:s4] =	ssyncset.s32 $0xFFFFF086  }
0x25: {  	[simem:s6], [sflag:s4] =	dma.local [hbm:s3], $0xF7A  }
0x26: {  	[smem:$0x3F91] =	sst s1;
	(tag) =	ssettag s2;
	_ =	strace s9  }
0x27: {  	s1 =	sld [smem:$0x3FA1]  }
0x28: {  	s2 =	sld [smem:$0x3FA2]  }
0x29: {  	s4 =	sld [smem:$0x3FA4]  }
0x2a: {  	p0 =	seq.s32 s5, $0x0;
	s5 =	sld [smem:$0x3FA5]  }
0x2b: {  	s6 =	sld [smem:$0x3FA6]  }
0x2c: {  	s7 =	sld [smem:$0x3FA7]  }
0x2d: {  	s3 =	simm.s32 $0x108;
	s8 =	sld [smem:$0x3FA8]  }
0x2e: {  	s3 =	simm.s32 @!p0 $0x1082;
	s9 =	sld [smem:$0x3FA9]  }
0x2f: {  	lr =	sadd.s32 s0, s3;
	s0 =	sld [smem:$0x3FA0]  }
0x30: {  	s3 =	sld [smem:$0x3FA3]  }
0x31: {  	[smem:$0x3FAC] =	sst s10  }
0x32: {  	s10 =	sld [smem:$0x3FAA];
	_ =	sdelay $0x3  }
0x33: {  	p0 =	seq.s32 s10, $0x1;
	s10 =	sld [smem:$0x3FAC];
	_ =	sdelay $0x3  }
0x34: {  	[smem:$0x3FAC] =	sst s10  }
0x35: {  	s10 =	sld [smem:$0x3FAB];
	_ =	sdelay $0x3  }
0x36: {  	p1 =	seq.s32 s10, $0x1;
	s10 =	sld [smem:$0x3FAC];
	_ =	sdelay $0x3  }
0x37: {  	[smem:$0x3FAC] =	sst s10  }
0x38: {  	s10 =	sld [smem:$0x3FAD]  }
0x39: {  	_ = 	snop;
	(pc) =	sbr.ind lr, $3  }
0x3a: {  	_ = 	snop  }
0x3b: {  	_ = 	snop  }
0x3c: {  	p2 =	seq.s32 s10, $0x1;
	s10 =	sld [smem:$0x3FAC]  }
0x3d: {  	_ =	shalt  }
0x3e: {  	_ =	shalt  }
0x3f: {  	_ =	shalt  }
0x40: {  	_ =	shalt  }
0x41: {  	_ =	shalt  }
0x42: {  	_ =	shalt  }
0x43: {  	_ =	shalt  }
0x44: {  	_ =	shalt  }
0x45: {  	_ =	shalt  }
0x46: {  	_ =	shalt  }
0x47: {  	_ =	shalt  }
0x48: {  	_ =	shalt  }
0x49: {  	_ =	shalt  }
0x4a: {  	_ =	shalt  }
0x4b: {  	_ =	shalt  }
0x4c: {  	_ =	shalt  }
0x4d: {  	_ =	shalt  }
0x4e: {  	_ =	shalt  }
0x4f: {  	_ =	shalt  }
0x50: {  	_ =	shalt  }
0x51: {  	_ =	shalt  }
0x52: {  	_ =	shalt  }
0x53: {  	_ =	shalt  }
0x54: {  	_ =	shalt  }
0x55: {  	_ =	shalt  }
0x56: {  	_ =	shalt  }
0x57: {  	_ =	shalt  }
0x58: {  	_ =	shalt  }
0x59: {  	_ =	shalt  }
0x5a: {  	_ =	shalt  }
0x5b: {  	_ =	shalt  }
0x5c: {  	_ =	shalt  }
0x5d: {  	_ =	shalt  }
0x5e: {  	_ =	shalt  }
0x5f: {  	_ =	shalt  }
0x60: {  	_ =	shalt  }
0x61: {  	_ =	shalt  }
0x62: {  	_ =	shalt  }
0x63: {  	_ =	shalt  }
0x64: {  	_ =	shalt  }
0x65: {  	_ =	shalt  }
0x66: {  	_ =	shalt  }
0x67: {  	_ =	shalt  }
0x68: {  	_ =	shalt  }
0x69: {  	_ =	shalt  }
0x6a: {  	_ =	shalt  }
0x6b: {  	_ =	shalt  }
0x6c: {  	_ =	shalt  }
0x6d: {  	_ =	shalt  }
0x6e: {  	_ =	shalt  }
0x6f: {  	_ =	shalt  }
0x70: {  	_ =	shalt  }
0x71: {  	_ =	shalt  }
0x72: {  	_ =	shalt  }
0x73: {  	_ =	shalt  }
0x74: {  	_ =	shalt  }
0x75: {  	_ =	shalt  }
0x76: {  	_ =	shalt  }
0x77: {  	_ =	shalt  }
0x78: {  	_ =	shalt  }
0x79: {  	_ =	shalt  }
0x7a: {  	_ =	shalt  }
0x7b: {  	_ =	shalt  }
0x7c: {  	_ =	shalt  }
0x7d: {  	_ =	shalt  }
0x7e: {  	_ =	shalt  }
0x7f: {  	_ =	shalt  }
0x80: {  	_ =	shalt  }
0x81: {  	_ =	shalt  }
0x82: {  	_ =	shalt  }
0x83: {  	_ =	shalt  }
0x84: {  	_ =	shalt  }
0x85: {  	_ =	shalt  }
0x86: {  	_ =	shalt  }
0x87: {  	_ =	shalt  }
.Lfunc_end0:
.L_simem_size_0:
called_computation.3_lowered:
.L_overlay_start_0:
0x88: {  	s2 =	sld [smem:$0x3FD9]  }
0x89: {  	s3 =	sld [smem:$0x3FFE];
	_ =	sdelay $0x1  }
0x8a: {  	s1 =	srdreg.scid  }
0x8b: {  	s0 =	sand.u32 $0x1, s1  }
0x8c: {  	s17 =	sshll.u32 s0, $0xA;
	s2 =	sadd.s32 s3, s2  }
0x8d: {  	s2 =	sadd.s32 s2, s17  }
0x8e: {  	[smem:$0x3FB8] =	sst s2  }
0x8f: {  	_ = 	snop  }
0x90: {  	(tm) =	ssettm $0x1  }
0x91: {  	s18 =	sld [smem:$0x3FFB];
	_ =	sdelay $0x3  }
0x92: {  	_ =	strace s18  }
0x93: {  	s2 =	sld [smem:$0x3FFC];
	_ =	sdelay $0x3  }
0x94: {  	_ =	strace s2  }
0x95: {  	s2 =	sld [smem:$0x3FFD];
	_ =	sdelay $0x3  }
0x96: {  	_ =	strace s2  }
0x97: {  	_ =	strace $0x8FFFFFFF  }
0x98: {  	s19 =	sld [smem:$0x3FDB];
	_ =	sdelay $0x1  }
0x99: {  	s20 =	simm.s32 $_scs_section_size  }
0x9a: {  	s4 =	simm.s32 $_size__tile_overlayer_lowered;
	s5 =	simm.s32 $_tile_overlayer_lowered  }
0x9b: {  	s6 =	simm.s32 $0x1BFF;
	s21 =	sshll.u32 s5, $0x1;
	s3 =	sadd.s32 s20, s19  }
0x9c: {  	s22 =	simm.s32 $0x0;
	s4 =	sshll.u32 s4, $0x1;
	s5 =	sadd.s32 s21, s3  }
0x9d: {  	[timem:s22], [sflag:s6] =	dma.local [hbm:s5], s4  }
0x9e: {  	_ =	swait.ge [sflag:s6], s4  }
0x9f: {  	s4 =	ssub.s32 $0x0, s4;
	[sflag:s6] =	ssyncset.done $0x0  }
0xa0: {  	[sflag:s6] =	ssyncadd.s32 s4;
	_ =	sdelay $0x1  }
0xa1: {  	s23 =	simm.s32 $0x1B8B  }
0xa2: {  	_ =	swait.ge [sflag:s23], $0x1  }
0xa3: {  	[sflag:s23] =	ssyncset.done $0x0  }
0xa4: {  	[sflag:s23] =	ssyncadd.s32 $0xFFFFFFFF  }
0xa5: {  	s4 =	sld [smem:$0x0]  }
0xa6: {  	s5 =	sand.u32 $0xFFFFFFFE, s1  }
0xa7: {  	p0 =	sne.s32 s1, s5  }
0xa8: {  	s5 =	sshll.u32 @p0 s5, $0xE  }
0xa9: {  	s5 =	sadd.s32 @p0 $0x11B8D, s5;
	s6 =	sshll.u32 @p0 s4, $0x11  }
0xaa: {  	s5 =	sor.u32 @p0 s6, s5  }
0xab: {  	[sflag:s5] =	ssyncadd.remote.s32 @p0 $0x1;
	_ =	sdelay $0x1  }
0xac: {  	s5 =	simm.s32 @p0 $0x1B8D  }
0xad: {  	_ =	swait.eq @p0 [sflag:s5], $0x1  }
0xae: {  	[sflag:s5] =	ssyncadd.s32 @p0 $0xFFFFFFFF  }
0xaf: {  	s6 =	sshll.u32 @!p0 s1, $0xE  }
0xb0: {  	s6 =	sor.u32 @!p0 $0x4000, s6;
	s5 =	simm.s32 @!p0 $0x1B8D  }
0xb1: {  	s4 =	sshll.u32 @!p0 s4, $0x11;
	s6 =	sadd.s32 @!p0 $0x11B8D, s6;
	_ =	swait.eq @!p0 [sflag:s5], $0x1  }
0xb2: {  	s4 =	sor.u32 @!p0 s4, s6;
	[sflag:s5] =	ssyncadd.s32 @!p0 $0xFFFFFFFF  }
0xb3: {  	s25 =	simm.s32 $0x1B8E;
	s24 =	sld [smem:$0x3FFE];
	[sflag:s4] =	ssyncadd.remote.s32 @!p0 $0x1  }
0xb4: {  	s26 =	simm.s32 $execute0_lowered;
	[smem:$0x3FD2] =	sst s25  }
0xb5: {  	s5 =	sshll.u32 s26, $0x1;
	_ =	strace $0x8000004F;
	[dreg:$0x1] =	wrdreg $0xFFFFFFFF  }
0xb6: {  	s28 =	simm.s32 $_size_execute0_lowered;
	s3 =	sadd.s32 s3, s5;
	[dreg:$0x0] =	wrdreg $0x0  }
0xb7: {  	s5 =	sshll.u32 s28, $0x1;
	[dreg:$0x2] =	wrdreg s3  }
0xb8: {  	[dreg:$0x3] =	wrdreg s5  }
0xb9: {  	[dreg:$0x4] =	wrdreg $0xC0  }
0xba: {  	_ =	task [dreg:s22], $0x5FFFF  }
0xbb: {  	[dreg:$0x1] =	wrdreg $0xFFFFFFFF  }
0xbc: {  	[dreg:$0x0] =	wrdreg $0x60  }
0xbd: {  	[dreg:$0x2] =	wrdreg s24  }
0xbe: {  	[dreg:$0x3] =	wrdreg $0x0  }
0xbf: {  	[dreg:$0x4] =	wrdreg $0xC  }
0xc0: {  	_ =	task.clear_ibuf [dreg:s22], $0x5FFFF;
	_ =	strace $0x9000004F  }
0xc1: {  	s29 =	simm.s32 $0xC;
	_ =	strace $0x80000051  }
0xc2: {  	_ =	swait.ge [sflag:s29], $0x1  }
0xc3: {  	[sflag:s29] =	ssyncadd.s32 $0xFFFFFFFF  }
0xc4: {  	_ =	strace $0x90000051  }
0xc5: {  	_ =	sfence  }
0xc6: {  	s30 =	sld [smem:$0x0];
	_ =	sdelay $0x2  }
0xc7: {  	s31 =	sshll.u32 s1, $0xD;
	s1 =	sshrl.u32 s1, $0x2  }
0xc8: {  	s4 =	sand.u32 $0x4000, s31;
	s1 =	sadd.s32 s1, s30  }
0xc9: {  	s0 =	sor.u32 s4, s0;
	s1 =	sshll.u32 s1, $0x11  }
0xca: {  	s0 =	sor.u32 s1, s0  }
0xcb: {  	s0 =	sadd.s32 $0x8F2B, s0  }
0xcc: {  	[sflag:s0] =	ssyncadd.remote.s32 $0x1  }
0xcd: {  	_ =	sfence.sel $0xFFFF  }
0xce: {  	[dreg:$0x0] =	wrdreg $0xFFFFFFFF;
	(pc) =	sbr.abs _section_cstart, $3  }
0xcf: {  	[dreg:$0x1] =	wrdreg $0xFFFFFFFF  }
0xd0: {  	_ =	task.clear_ibuf [dreg:s22], $0x2FFFF;
	_ =	strace $0x9FFFFFFF  }
0xd1: {  	(tm) =	ssettm $0x7FFFFFFF  }
tec
execute0_lowered:
.L_overlay_start_1:
0x0: {  	(tag) =	ssettag $0x1  }
0x1: {  	s24 =	rddreg [dreg:$0x0]  }
0x2: {  	s2 =	rddreg [dreg:$0x1]  }
0x3: {  	s0 =	srdreg.scid;
	s1 =	stileid.u32  }
0x4: {  	s3 =	simm.s32 $0x0;
	s6 =	simm.s32 $0xC400;
	s0 =	sand.u32 $0x1, s0  }
0x5: {  	s4 =	sshll.u32 s1, $0xC;
	[smem:$0x7FF] =	sst s3;
	s5 =	sshll.u32 s0, $0xB  }
0x6: {  	s30 =	sadd.s32 $0x23400, s24;
	s18 =	sadd.s32 $0x4C00, s24;
	s31 =	sor.u32 s5, s4  }
0x7: {  	[dreg:$0x4] =	wrdreg s0;
	s0 =	smul.u32 $0x1880, s1;
	s4 =	sshrl.u32 s31, $0x3  }
0x8: {  	s7 =	smul.u32 $0x31000, s1;
	_ =	strace $0x80000050;
	s4 =	sadd.s32 s30, s4  }
0x9: {  	s5 =	simm.s32 $0x2;
	[dreg:$0x3] =	wrdreg s4;
	s4 =	sadd.s32 s18, s0  }
0xa: {  	[tilespmem:s6], [sflag:$0x2] =	stream.linear.gather [hbm4b:s4+s3], $0x1C00, $0x38;
	[tilespmem:$0x1E200] =	vst v63  }
0xb: {  	_ =	swait.ge [sflag:s5], $0x1C00  }
0xc: {  	s7 =	sshrl.u32 s7, $0x2;
	[sflag:s5] =	ssyncset.done $0x0  }
0xd: {  	s19 =	smul.u32 $0x188, s1;
	s7 =	sadd.s32 s7, s2;
	[sflag:s5] =	ssyncadd.s32 $0xFFFFE400  }
0xe: {  	[spmem:s7] =	stream.linear.scatter [tilespmem:s6], [sflag:$0x2], $0x1C00, $0x38;
	[tilespmem:$0x1E200] =	vst v63  }
0xf: {  	s9 =	sadd.s32 $0x38, s19;
	_ =	swait.ge [sflag:s5], $0x1C00  }
0x10: {  	s8 =	sshll.u32 s9, $0x4;
	[sflag:s5] =	ssyncset.done $0x0  }
0x11: {  	s8 =	sadd.s32 s18, s8;
	[sflag:s5] =	ssyncadd.s32 $0xFFFFE400  }
0x12: {  	[tilespmem:s6], [sflag:$0x2] =	stream.linear.gather [hbm4b:s8+s3], $0x1C00, $0x38;
	[tilespmem:$0x1E200] =	vst v63  }
0x13: {  	_ =	swait.ge [sflag:s5], $0x1C00  }
0x14: {  	s9 =	sshll.u32 s9, $0x7;
	[sflag:s5] =	ssyncset.done $0x0  }
0x15: {  	s9 =	sadd.s32 s9, s2;
	[sflag:s5] =	ssyncadd.s32 $0xFFFFE400  }
0x16: {  	[spmem:s9] =	stream.linear.scatter [tilespmem:s6], [sflag:$0x2], $0x1C00, $0x38;
	[tilespmem:$0x1E200] =	vst v63  }
0x17: {  	s11 =	sadd.s32 $0x70, s19;
	_ =	swait.ge [sflag:s5], $0x1C00  }
0x18: {  	s10 =	sshll.u32 s11, $0x4;
	[sflag:s5] =	ssyncset.done $0x0  }
0x19: {  	s10 =	sadd.s32 s18, s10;
	[sflag:s5] =	ssyncadd.s32 $0xFFFFE400  }
0x1a: {  	[tilespmem:s6], [sflag:$0x2] =	stream.linear.gather [hbm4b:s10+s3], $0x1C00, $0x38;
	[tilespmem:$0x1E200] =	vst v63  }
0x1b: {  	_ =	swait.ge [sflag:s5], $0x1C00  }
0x1c: {  	s11 =	sshll.u32 s11, $0x7;
	[sflag:s5] =	ssyncset.done $0x0  }
0x1d: {  	s11 =	sadd.s32 s11, s2;
	[sflag:s5] =	ssyncadd.s32 $0xFFFFE400  }
0x1e: {  	[spmem:s11] =	stream.linear.scatter [tilespmem:s6], [sflag:$0x2], $0x1C00, $0x38;
	[tilespmem:$0x1E200] =	vst v63  }
0x1f: {  	s13 =	sadd.s32 $0xA8, s19;
	_ =	swait.ge [sflag:s5], $0x1C00  }
0x20: {  	s12 =	sshll.u32 s13, $0x4;
	[sflag:s5] =	ssyncset.done $0x0  }
0x21: {  	s12 =	sadd.s32 s18, s12;
	[sflag:s5] =	ssyncadd.s32 $0xFFFFE400  }
0x22: {  	[tilespmem:s6], [sflag:$0x2] =	stream.linear.gather [hbm4b:s12+s3], $0x1C00, $0x38;
	[tilespmem:$0x1E200] =	vst v63  }
0x23: {  	_ =	swait.ge [sflag:s5], $0x1C00  }
0x24: {  	s13 =	sshll.u32 s13, $0x7;
	[sflag:s5] =	ssyncset.done $0x0  }
0x25: {  	s13 =	sadd.s32 s13, s2;
	[sflag:s5] =	ssyncadd.s32 $0xFFFFE400  }
0x26: {  	[spmem:s13] =	stream.linear.scatter [tilespmem:s6], [sflag:$0x2], $0x1C00, $0x38;
	[tilespmem:$0x1E200] =	vst v63  }
0x27: {  	s15 =	sadd.s32 $0xE0, s19;
	_ =	swait.ge [sflag:s5], $0x1C00  }
0x28: {  	s14 =	sshll.u32 s15, $0x4;
	[sflag:s5] =	ssyncset.done $0x0  }
0x29: {  	s14 =	sadd.s32 s18, s14;
	[sflag:s5] =	ssyncadd.s32 $0xFFFFE400  }
0x2a: {  	[tilespmem:s6], [sflag:$0x2] =	stream.linear.gather [hbm4b:s14+s3], $0x1C00, $0x38;
	[tilespmem:$0x1E200] =	vst v63  }
0x2b: {  	_ =	swait.ge [sflag:s5], $0x1C00  }
0x2c: {  	s15 =	sshll.u32 s15, $0x7;
	[sflag:s5] =	ssyncset.done $0x0  }
0x2d: {  	s15 =	sadd.s32 s15, s2;
	[sflag:s5] =	ssyncadd.s32 $0xFFFFE400  }
0x2e: {  	[spmem:s15] =	stream.linear.scatter [tilespmem:s6], [sflag:$0x2], $0x1C00, $0x38;
	[tilespmem:$0x1E200] =	vst v63  }
0x2f: {  	s17 =	sadd.s32 $0x118, s19;
	_ =	swait.ge [sflag:s5], $0x1C00  }
0x30: {  	s16 =	sshll.u32 s17, $0x4;
	[sflag:s5] =	ssyncset.done $0x0  }
0x31: {  	s16 =	sadd.s32 s18, s16;
	[sflag:s5] =	ssyncadd.s32 $0xFFFFE400  }
0x32: {  	[tilespmem:s6], [sflag:$0x2] =	stream.linear.gather [hbm4b:s16+s3], $0x1C00, $0x38;
	[tilespmem:$0x1E200] =	vst v63  }
0x33: {  	_ =	swait.ge [sflag:s5], $0x1C00  }
0x34: {  	s17 =	sshll.u32 s17, $0x7;
	[sflag:s5] =	ssyncset.done $0x0  }
0x35: {  	s17 =	sadd.s32 s17, s2;
	[sflag:s5] =	ssyncadd.s32 $0xFFFFE400  }
0x36: {  	[spmem:s17] =	stream.linear.scatter [tilespmem:s6], [sflag:$0x2], $0x1C00, $0x38;
	[tilespmem:$0x1E200] =	vst v63  }
0x37: {  	s19 =	sadd.s32 $0x150, s19;
	_ =	swait.ge [sflag:s5], $0x1C00  }
0x38: {  	s20 =	sshll.u32 s19, $0x4;
	[sflag:s5] =	ssyncset.done $0x0  }
0x39: {  	s18 =	sadd.s32 s18, s20;
	[sflag:s5] =	ssyncadd.s32 $0xFFFFE400  }
0x3a: {  	[tilespmem:s6], [sflag:$0x2] =	stream.linear.gather [hbm4b:s18+s3], $0x1C00, $0x38;
	[tilespmem:$0x1E200] =	vst v63  }
0x3b: {  	_ =	swait.ge [sflag:s5], $0x1C00  }
0x3c: {  	s19 =	sshll.u32 s19, $0x7;
	[sflag:s5] =	ssyncset.done $0x0  }
0x3d: {  	s19 =	sadd.s32 s19, s2;
	[sflag:s5] =	ssyncadd.s32 $0xFFFFE400  }
0x3e: {  	[spmem:s19] =	stream.linear.scatter [tilespmem:s6], [sflag:$0x2], $0x1C00, $0x38;
	[tilespmem:$0x1E200] =	vst v63  }
0x3f: {  	_ =	swait.ge [sflag:s5], $0x1C00  }
0x40: {  	[sflag:s5] =	ssyncset.done $0x0  }
0x41: {  	[sflag:s5] =	ssyncadd.s32 $0xFFFFE400  }
0x42: {  	[bflag:$0x0] =	sbarrier.arrive $0xFFFF  }
0x43: {  	s20 =	simm.s32 $0xE000;
	s21 =	rddreg [dreg:$0x3]  }
0x44: {  	[tilespmem:s20], [sflag:$0x2] =	stream.linear.gather [hbm4b:s21+s3], $0x200, $0x38;
	[tilespmem:$0x1E200] =	vst v63  }
0x45: {  	_ =	swait.ge [sflag:s5], $0x200  }
0x46: {  	s22 =	simm.s32 $0xE200;
	[sflag:s5] =	ssyncset.done $0x0  }
0x47: {  	s23 =	simm.s32 $0x1;
	s21 =	simm.s32 $0x200;
	[sflag:s5] =	ssyncadd.s32 $0xFFFFFE00  }
0x48: {  	[tilespmem:s22], [sflag:$0x1] =	stream.indirect.gather [spmem:s2], $0x80, s20, s21, $0xb8;
	[tilespmem:$0x1E200] =	vst v63  }
0x49: {  	_ =	swait.ge [sflag:s23], $0x10000  }
0x4a: {  	s1 =	sadd.s32 $0x32D400, s24;
	s26 =	sshll.u32 s31, $0x4;
	[sflag:s23] =	ssyncset.done $0x0  }
0x4b: {  	s24 =	sadd.s32 s1, s26;
	[sflag:s23] =	ssyncadd.s32 $0xFFFF0000  }
0x4c: {  	[hbm4b:s24+s3] =	stream.linear.scatter [tilespmem:s22], [sflag:$0x2], $0x10000, $0x38;
	[tilespmem:$0x1E200] =	vst v63  }
0x4d: {  	s26 =	sor.u32 $0x200, s31;
	_ =	swait.ge [sflag:s5], $0x10000  }
0x4e: {  	s25 =	sshrl.u32 s26, $0x3;
	[sflag:s5] =	ssyncset.done $0x0  }
0x4f: {  	s25 =	sadd.s32 s30, s25;
	[sflag:s5] =	ssyncadd.s32 $0xFFFF0000  }
0x50: {  	[tilespmem:s20], [sflag:$0x2] =	stream.linear.gather [hbm4b:s25+s3], $0x200, $0x38;
	[tilespmem:$0x1E200] =	vst v63  }
0x51: {  	_ =	swait.ge [sflag:s5], $0x200  }
0x52: {  	[sflag:s5] =	ssyncset.done $0x0  }
0x53: {  	[sflag:s5] =	ssyncadd.s32 $0xFFFFFE00  }
0x54: {  	[tilespmem:s22], [sflag:$0x1] =	stream.indirect.gather [spmem:s2], $0x80, s20, s21, $0xb8;
	[tilespmem:$0x1E200] =	vst v63  }
0x55: {  	_ =	swait.ge [sflag:s23], $0x10000  }
0x56: {  	s26 =	sshll.u32 s26, $0x4;
	[sflag:s23] =	ssyncset.done $0x0  }
0x57: {  	s26 =	sadd.s32 s1, s26;
	[dreg:$0x5] =	wrdreg s1;
	[sflag:s23] =	ssyncadd.s32 $0xFFFF0000  }
0x58: {  	[hbm4b:s26+s3] =	stream.linear.scatter [tilespmem:s22], [sflag:$0x2], $0x10000, $0x38;
	[tilespmem:$0x1E200] =	vst v63  }
0x59: {  	s29 =	sor.u32 $0x400, s31;
	_ =	swait.ge [sflag:s5], $0x10000  }
0x5a: {  	s28 =	sshrl.u32 s29, $0x3;
	[sflag:s5] =	ssyncset.done $0x0  }
0x5b: {  	s28 =	sadd.s32 s30, s28;
	[sflag:s5] =	ssyncadd.s32 $0xFFFF0000  }
0x5c: {  	[tilespmem:s20], [sflag:$0x2] =	stream.linear.gather [hbm4b:s28+s3], $0x200, $0x38;
	[tilespmem:$0x1E200] =	vst v63  }
0x5d: {  	_ =	swait.ge [sflag:s5], $0x200  }
0x5e: {  	[sflag:s5] =	ssyncset.done $0x0  }
0x5f: {  	[sflag:s5] =	ssyncadd.s32 $0xFFFFFE00  }
0x60: {  	[tilespmem:s22], [sflag:$0x1] =	stream.indirect.gather [spmem:s2], $0x80, s20, s21, $0xb8;
	[tilespmem:$0x1E200] =	vst v63  }
0x61: {  	_ =	swait.ge [sflag:s23], $0x10000  }
0x62: {  	s29 =	sshll.u32 s29, $0x4;
	[sflag:s23] =	ssyncset.done $0x0  }
0x63: {  	s29 =	sadd.s32 s1, s29;
	[sflag:s23] =	ssyncadd.s32 $0xFFFF0000  }
0x64: {  	[hbm4b:s29+s3] =	stream.linear.scatter [tilespmem:s22], [sflag:$0x2], $0x10000, $0x38;
	[tilespmem:$0x1E200] =	vst v63  }
0x65: {  	s31 =	sor.u32 $0x600, s31;
	_ =	swait.ge [sflag:s5], $0x10000  }
0x66: {  	s1 =	sshrl.u32 s31, $0x3;
	[sflag:s5] =	ssyncset.done $0x0  }
0x67: {  	s30 =	sadd.s32 s30, s1;
	[sflag:s5] =	ssyncadd.s32 $0xFFFF0000  }
0x68: {  	[tilespmem:s20], [sflag:$0x2] =	stream.linear.gather [hbm4b:s30+s3], $0x200, $0x38;
	[tilespmem:$0x1E200] =	vst v63  }
0x69: {  	_ =	swait.ge [sflag:s5], $0x200  }
0x6a: {  	[sflag:s5] =	ssyncset.done $0x0;
	s1 =	rddreg [dreg:$0x4]  }
0x6b: {  	s0 =	ssub.s32 $0x2, s1;
	[sflag:s5] =	ssyncadd.s32 $0xFFFFFE00  }
0x6c: {  	[tilespmem:s22], [sflag:$0x1] =	stream.indirect.gather [spmem:s2], $0x80, s20, s21, $0xb8;
	[tilespmem:$0x1E200] =	vst v63  }
0x6d: {  	s1 =	sshrl.u32 s0, $0x1  }
0x6e: {  	s0 =	ssub.s32 s0, s1  }
0x6f: {  	s0 =	smax.u32 s0, $0x1  }
0x70: {  	_ =	swait.ge [sflag:s23], $0x10000;
	s1 =	sshll.u32 s31, $0x4;
	p0 =	sne.s32 s0, $0x1  }
.Ltmp0:
0x71: {  	[sflag:s23] =	ssyncset.done $0x0;
	s31 =	rddreg [dreg:$0x5];
	(pc) =	sbr.rel @!p0 .LBB2_2-.Ltmp0, $4  }
0x72: {  	s31 =	sadd.s32 s31, s1;
	[sflag:s23] =	ssyncadd.s32 $0xFFFF0000  }
0x73: {  	[hbm4b:s31+s3] =	stream.linear.scatter [tilespmem:s22], [sflag:$0x2], $0x10000, $0x38;
	[tilespmem:$0x1E200] =	vst v63  }
0x74: {  	_ =	swait.ge [sflag:s5], $0x10000  }
0x75: {  	s0 =	sadd.s32 $0xFFFFFFFF, s0;
	[sflag:s5] =	ssyncset.done $0x0  }
.LBB2_1:
0x76: {  	[sflag:s5] =	ssyncadd.s32 $0xFFFF0000  }
0x77: {  	[tilespmem:s6], [sflag:$0x2] =	stream.linear.gather [hbm4b:s4+s3], $0x1C00, $0x38;
	[tilespmem:$0x1E200] =	vst v63  }
0x78: {  	_ =	swait.ge [sflag:s5], $0x1C00  }
0x79: {  	[sflag:s5] =	ssyncset.done $0x0  }
0x7a: {  	[sflag:s5] =	ssyncadd.s32 $0xFFFFE400  }
0x7b: {  	[spmem:s7] =	stream.linear.scatter [tilespmem:s6], [sflag:$0x2], $0x1C00, $0x38;
	[tilespmem:$0x1E200] =	vst v63  }
0x7c: {  	_ =	swait.ge [sflag:s5], $0x1C00  }
0x7d: {  	[sflag:s5] =	ssyncset.done $0x0  }
0x7e: {  	[sflag:s5] =	ssyncadd.s32 $0xFFFFE400  }
0x7f: {  	[tilespmem:s6], [sflag:$0x2] =	stream.linear.gather [hbm4b:s8+s3], $0x1C00, $0x38;
	[tilespmem:$0x1E200] =	vst v63  }
0x80: {  	_ =	swait.ge [sflag:s5], $0x1C00  }
0x81: {  	[sflag:s5] =	ssyncset.done $0x0  }
0x82: {  	[sflag:s5] =	ssyncadd.s32 $0xFFFFE400  }
0x83: {  	[spmem:s9] =	stream.linear.scatter [tilespmem:s6], [sflag:$0x2], $0x1C00, $0x38;
	[tilespmem:$0x1E200] =	vst v63  }
0x84: {  	_ =	swait.ge [sflag:s5], $0x1C00  }
0x85: {  	[sflag:s5] =	ssyncset.done $0x0  }
0x86: {  	[sflag:s5] =	ssyncadd.s32 $0xFFFFE400  }
0x87: {  	[tilespmem:s6], [sflag:$0x2] =	stream.linear.gather [hbm4b:s10+s3], $0x1C00, $0x38;
	[tilespmem:$0x1E200] =	vst v63  }
0x88: {  	_ =	swait.ge [sflag:s5], $0x1C00  }
0x89: {  	[sflag:s5] =	ssyncset.done $0x0  }
0x8a: {  	[sflag:s5] =	ssyncadd.s32 $0xFFFFE400  }
0x8b: {  	[spmem:s11] =	stream.linear.scatter [tilespmem:s6], [sflag:$0x2], $0x1C00, $0x38;
	[tilespmem:$0x1E200] =	vst v63  }
0x8c: {  	_ =	swait.ge [sflag:s5], $0x1C00  }
0x8d: {  	[sflag:s5] =	ssyncset.done $0x0  }
0x8e: {  	[sflag:s5] =	ssyncadd.s32 $0xFFFFE400  }
0x8f: {  	[tilespmem:s6], [sflag:$0x2] =	stream.linear.gather [hbm4b:s12+s3], $0x1C00, $0x38;
	[tilespmem:$0x1E200] =	vst v63  }
0x90: {  	_ =	swait.ge [sflag:s5], $0x1C00  }
0x91: {  	[sflag:s5] =	ssyncset.done $0x0  }
0x92: {  	[sflag:s5] =	ssyncadd.s32 $0xFFFFE400  }
0x93: {  	[spmem:s13] =	stream.linear.scatter [tilespmem:s6], [sflag:$0x2], $0x1C00, $0x38;
	[tilespmem:$0x1E200] =	vst v63  }
0x94: {  	_ =	swait.ge [sflag:s5], $0x1C00  }
0x95: {  	[sflag:s5] =	ssyncset.done $0x0  }
0x96: {  	[sflag:s5] =	ssyncadd.s32 $0xFFFFE400  }
0x97: {  	[tilespmem:s6], [sflag:$0x2] =	stream.linear.gather [hbm4b:s14+s3], $0x1C00, $0x38;
	[tilespmem:$0x1E200] =	vst v63  }
0x98: {  	_ =	swait.ge [sflag:s5], $0x1C00  }
0x99: {  	[sflag:s5] =	ssyncset.done $0x0  }
0x9a: {  	[sflag:s5] =	ssyncadd.s32 $0xFFFFE400  }
0x9b: {  	[spmem:s15] =	stream.linear.scatter [tilespmem:s6], [sflag:$0x2], $0x1C00, $0x38;
	[tilespmem:$0x1E200] =	vst v63  }
0x9c: {  	_ =	swait.ge [sflag:s5], $0x1C00  }
0x9d: {  	[sflag:s5] =	ssyncset.done $0x0  }
0x9e: {  	[sflag:s5] =	ssyncadd.s32 $0xFFFFE400  }
0x9f: {  	[tilespmem:s6], [sflag:$0x2] =	stream.linear.gather [hbm4b:s16+s3], $0x1C00, $0x38;
	[tilespmem:$0x1E200] =	vst v63  }
0xa0: {  	_ =	swait.ge [sflag:s5], $0x1C00  }
0xa1: {  	[sflag:s5] =	ssyncset.done $0x0  }
0xa2: {  	[sflag:s5] =	ssyncadd.s32 $0xFFFFE400  }
0xa3: {  	[spmem:s17] =	stream.linear.scatter [tilespmem:s6], [sflag:$0x2], $0x1C00, $0x38;
	[tilespmem:$0x1E200] =	vst v63  }
0xa4: {  	_ =	swait.ge [sflag:s5], $0x1C00  }
0xa5: {  	[sflag:s5] =	ssyncset.done $0x0  }
0xa6: {  	[sflag:s5] =	ssyncadd.s32 $0xFFFFE400  }
0xa7: {  	[tilespmem:s6], [sflag:$0x2] =	stream.linear.gather [hbm4b:s18+s3], $0x1C00, $0x38;
	[tilespmem:$0x1E200] =	vst v63  }
0xa8: {  	_ =	swait.ge [sflag:s5], $0x1C00  }
0xa9: {  	[sflag:s5] =	ssyncset.done $0x0  }
0xaa: {  	[sflag:s5] =	ssyncadd.s32 $0xFFFFE400  }
0xab: {  	[spmem:s19] =	stream.linear.scatter [tilespmem:s6], [sflag:$0x2], $0x1C00, $0x38;
	[tilespmem:$0x1E200] =	vst v63  }
0xac: {  	_ =	swait.ge [sflag:s5], $0x1C00  }
0xad: {  	[sflag:s5] =	ssyncset.done $0x0  }
0xae: {  	[sflag:s5] =	ssyncadd.s32 $0xFFFFE400  }
0xaf: {  	[bflag:$0x0] =	sbarrier.arrive $0xFFFF  }
0xb0: {  	s1 =	rddreg [dreg:$0x3]  }
0xb1: {  	[tilespmem:s20], [sflag:$0x2] =	stream.linear.gather [hbm4b:s1+s3], $0x200, $0x38;
	[tilespmem:$0x1E200] =	vst v63  }
0xb2: {  	_ =	swait.ge [sflag:s5], $0x200  }
0xb3: {  	[sflag:s5] =	ssyncset.done $0x0  }
0xb4: {  	[sflag:s5] =	ssyncadd.s32 $0xFFFFFE00  }
0xb5: {  	[tilespmem:s22], [sflag:$0x1] =	stream.indirect.gather [spmem:s2], $0x80, s20, s21, $0xb8;
	[tilespmem:$0x1E200] =	vst v63  }
0xb6: {  	_ =	swait.ge [sflag:s23], $0x10000  }
0xb7: {  	[sflag:s23] =	ssyncset.done $0x0  }
0xb8: {  	[sflag:s23] =	ssyncadd.s32 $0xFFFF0000  }
0xb9: {  	[hbm4b:s24+s3] =	stream.linear.scatter [tilespmem:s22], [sflag:$0x2], $0x10000, $0x38;
	[tilespmem:$0x1E200] =	vst v63  }
0xba: {  	_ =	swait.ge [sflag:s5], $0x10000  }
0xbb: {  	[sflag:s5] =	ssyncset.done $0x0  }
0xbc: {  	[sflag:s5] =	ssyncadd.s32 $0xFFFF0000  }
0xbd: {  	[tilespmem:s20], [sflag:$0x2] =	stream.linear.gather [hbm4b:s25+s3], $0x200, $0x38;
	[tilespmem:$0x1E200] =	vst v63  }
0xbe: {  	_ =	swait.ge [sflag:s5], $0x200  }
0xbf: {  	[sflag:s5] =	ssyncset.done $0x0  }
0xc0: {  	[sflag:s5] =	ssyncadd.s32 $0xFFFFFE00  }
0xc1: {  	[tilespmem:s22], [sflag:$0x1] =	stream.indirect.gather [spmem:s2], $0x80, s20, s21, $0xb8;
	[tilespmem:$0x1E200] =	vst v63  }
0xc2: {  	_ =	swait.ge [sflag:s23], $0x10000  }
0xc3: {  	[sflag:s23] =	ssyncset.done $0x0  }
0xc4: {  	[sflag:s23] =	ssyncadd.s32 $0xFFFF0000  }
0xc5: {  	[hbm4b:s26+s3] =	stream.linear.scatter [tilespmem:s22], [sflag:$0x2], $0x10000, $0x38;
	[tilespmem:$0x1E200] =	vst v63  }
0xc6: {  	_ =	swait.ge [sflag:s5], $0x10000  }
0xc7: {  	[sflag:s5] =	ssyncset.done $0x0  }
0xc8: {  	[sflag:s5] =	ssyncadd.s32 $0xFFFF0000  }
0xc9: {  	[tilespmem:s20], [sflag:$0x2] =	stream.linear.gather [hbm4b:s28+s3], $0x200, $0x38;
	[tilespmem:$0x1E200] =	vst v63  }
0xca: {  	_ =	swait.ge [sflag:s5], $0x200  }
0xcb: {  	[sflag:s5] =	ssyncset.done $0x0  }
0xcc: {  	[sflag:s5] =	ssyncadd.s32 $0xFFFFFE00  }
0xcd: {  	[tilespmem:s22], [sflag:$0x1] =	stream.indirect.gather [spmem:s2], $0x80, s20, s21, $0xb8;
	[tilespmem:$0x1E200] =	vst v63  }
0xce: {  	_ =	swait.ge [sflag:s23], $0x10000  }
0xcf: {  	[sflag:s23] =	ssyncset.done $0x0  }
0xd0: {  	[sflag:s23] =	ssyncadd.s32 $0xFFFF0000  }
0xd1: {  	[hbm4b:s29+s3] =	stream.linear.scatter [tilespmem:s22], [sflag:$0x2], $0x10000, $0x38;
	[tilespmem:$0x1E200] =	vst v63  }
0xd2: {  	_ =	swait.ge [sflag:s5], $0x10000  }
0xd3: {  	[sflag:s5] =	ssyncset.done $0x0  }
0xd4: {  	[sflag:s5] =	ssyncadd.s32 $0xFFFF0000  }
0xd5: {  	[tilespmem:s20], [sflag:$0x2] =	stream.linear.gather [hbm4b:s30+s3], $0x200, $0x38;
	[tilespmem:$0x1E200] =	vst v63  }
0xd6: {  	_ =	swait.ge [sflag:s5], $0x200  }
0xd7: {  	[sflag:s5] =	ssyncset.done $0x0  }
0xd8: {  	[sflag:s5] =	ssyncadd.s32 $0xFFFFFE00  }
0xd9: {  	[tilespmem:s22], [sflag:$0x1] =	stream.indirect.gather [spmem:s2], $0x80, s20, s21, $0xb8;
	[tilespmem:$0x1E200] =	vst v63  }
0xda: {  	p0 =	sne.s32 s0, $0x1;
	_ =	swait.ge [sflag:s23], $0x10000  }
.Ltmp1:
0xdb: {  	[sflag:s23] =	ssyncset.done $0x0;
	(pc) =	sbr.rel @p0 .LBB2_1-.Ltmp1, $4  }
0xdc: {  	[sflag:s23] =	ssyncadd.s32 $0xFFFF0000  }
0xdd: {  	[hbm4b:s31+s3] =	stream.linear.scatter [tilespmem:s22], [sflag:$0x2], $0x10000, $0x38;
	[tilespmem:$0x1E200] =	vst v63  }
0xde: {  	_ =	swait.ge [sflag:s5], $0x10000  }
0xdf: {  	s0 =	sadd.s32 $0xFFFFFFFF, s0;
	[sflag:s5] =	ssyncset.done $0x0  }
.LBB2_2:
0xe0: {  	[sflag:s5] =	ssyncadd.s32 $0xFFFF0000  }
0xe1: {  	_ =	sfence.sel $0x180000  }
0xe2: {  	[bflag:$0x0] =	sbarrier.arrive $0xFFFF  }
0xe3: {  	_ =	strace $0x90000050  }
0xe4: {  	s0 =	stileid.u32;
	[bflag:$0x2] =	sbarrier.arrive $0xFFFF  }
0xe5: {  	p0 =	sne.s32 s0, $0x0;
	s0 =	rddreg [dreg:$0x2]  }
0xe6: {  	s0 =	sadd.s32 @!p0 $0x100000, s0  }
0xe7: {  	[sflag:s0] =	ssyncadd.tile.s32 @!p0 $0x1;
	_ =	shalt  }
.Lfunc_end2:
_tile_overlayer_lowered:
.L_overlay_start_2:
0xe8: {  	(tag) =	ssettag $0x2  }
0xe9: {  	s0 =	rddreg [dreg:$0x0];
	s2 =	stileid.u32  }
0xea: {  	s1 =	rddreg [dreg:$0x1];
	p0 =	sne.s32 s2, $0x0  }
0xeb: {  	s3 =	rddreg [dreg:$0x2];
	[bflag:$0x3] =	sbarrier.arrive $0xFFFF;
	s2 =	simm.s32 @!p0 $0x1C02  }
0xec: {  	[timem:s3], [sflag:s2] =	dma.local @!p0 [hbm:s0], s1  }
0xed: {  	s0 =	simm.s32 @!p0 $0x2  }
0xee: {  	_ =	swait.ge @!p0 [sflag:s0], s1  }
0xef: {  	s1 =	ssub.s32 @!p0 $0x0, s1;
	[sflag:s0] =	ssyncset.done @!p0 $0x0  }
0xf0: {  	[sflag:s0] =	ssyncadd.s32 @!p0 s1  }
0xf1: {  	[bflag:$0x3] =	sbarrier.arrive $0xFFFF  }
0xf2: {  	_ =	shalt  }

// kernel: kernel.31.cloned.1.call-start
scs
__scs_entry_jumppad:
0x0: {  	(pc) =	sbr.rel $0x88, $3  }
0x1: {  	(tag) =	ssettag $0x0;
	lr =	simm.s32 $0x1  }
0x2: {  	[smem:$0x3F91] =	sst lr;
	_ =	strace $0xD0000000  }
0x3: {  	_ = 	snop  }
0x4: {  	_ = 	snop  }
0x5: {  	_ = 	snop  }
0x6: {  	_ = 	snop  }
0x7: {  	_ = 	snop  }
__scs_overlays_trampoline_lowered:
0x8: {  	[smem:$0x3FA0] =	sst s0  }
0x9: {  	[smem:$0x3FA1] =	sst s1  }
0xa: {  	[smem:$0x3FA2] =	sst s2  }
0xb: {  	[smem:$0x3FA3] =	sst s3  }
0xc: {  	[smem:$0x3FA4] =	sst s4  }
0xd: {  	[smem:$0x3FA5] =	sst s5  }
0xe: {  	[smem:$0x3FA6] =	sst s6  }
0xf: {  	[smem:$0x3FA7] =	sst s7  }
0x10: {  	[smem:$0x3FA8] =	sst s8  }
0x11: {  	[smem:$0x3FA9] =	sst s9;
	s0 =	simm.s32 @!p0 $0x0  }
0x12: {  	s1 =	sld [smem:$0x3F8F];
	s0 =	simm.s32 @p0 $0x1  }
0x13: {  	[smem:$0x3FAA] =	sst s0;
	s0 =	simm.s32 @!p1 $0x0  }
0x14: {  	s2 =	sld [smem:$0x3F8E];
	s0 =	simm.s32 @p1 $0x1  }
0x15: {  	[smem:$0x3FAB] =	sst s0;
	s0 =	simm.s32 @!p2 $0x0  }
0x16: {  	s3 =	sld [smem:$0x3FDB];
	s0 =	simm.s32 @p2 $0x1  }
0x17: {  	s4 =	simm.s32 $0x1BF5;
	[smem:$0x3FAD] =	sst s0  }
0x18: {  	s0 =	sld [smem:$0x3F90];
	_ =	swait.ge [sflag:s4], $0x0  }
0x19: {  	s7 =	sld [smem:$0x3F91]  }
0x1a: {  	s8 =	sadd.s32 $0xFFFFE003, lr  }
0x1b: {  	s9 =	sadd.s32 $0xFFFFFEF7, lr;
	s5 =	simm.s32 $0xFFFFFFFF;
	p2 =	slt.u32 s8, $0xFFFFF086  }
0x1c: {  	p1 =	slt.u32 s9, $0xF7A;
	s5 =	simm.s32 @!p2 $0x0  }
0x1d: {  	s5 =	simm.s32 @p1 $0x1;
	p0 =	seq.s32 s7, s2  }
0x1e: {  	s7 =	smul.u32 @!p0 $0xF7A, s2;
	p2 =	seq.s32 @!p0 s5, $0x0  }
0x1f: {  	s9 =	smul.u32 $0xF7A, s1;
	s8 =	simm.s32 @!p0 $0x1BF5;
	p2 =	por !p2, p0  }
0x20: {  	[sflag:s8] =	ssyncset.s32 @!p0 $0xFFFFF086;
	s6 =	sadd.s32 @!p0 s3, s7;
	s7 =	simm.s32 @!p0 $0x108  }
0x21: {  	s3 =	sadd.s32 s3, s9;
	s6 =	sadd.s32 @!p0 $0x88, s6;
	s7 =	simm.s32 @p2 $0x1082  }
0x22: {  	[simem:s7], [sflag:s8] =	dma.local @!p0 [hbm:s6], $0xF7A  }
0x23: {  	s9 =	sor.u32 $0xD0000000, s2;
	s6 =	simm.s32 $0x108;
	_ =	swait.ge @!p0 [sflag:s8], $0x0  }
0x24: {  	s3 =	sadd.s32 $0x88, s3;
	s6 =	simm.s32 @!p1 $0x1082;
	[sflag:s4] =	ssyncset.s32 $0xFFFFF086  }
0x25: {  	[simem:s6], [sflag:s4] =	dma.local [hbm:s3], $0xF7A  }
0x26: {  	[smem:$0x3F91] =	sst s1;
	(tag) =	ssettag s2;
	_ =	strace s9  }
0x27: {  	s1 =	sld [smem:$0x3FA1]  }
0x28: {  	s2 =	sld [smem:$0x3FA2]  }
0x29: {  	s4 =	sld [smem:$0x3FA4]  }
0x2a: {  	p0 =	seq.s32 s5, $0x0;
	s5 =	sld [smem:$0x3FA5]  }
0x2b: {  	s6 =	sld [smem:$0x3FA6]  }
0x2c: {  	s7 =	sld [smem:$0x3FA7]  }
0x2d: {  	s3 =	simm.s32 $0x108;
	s8 =	sld [smem:$0x3FA8]  }
0x2e: {  	s3 =	simm.s32 @!p0 $0x1082;
	s9 =	sld [smem:$0x3FA9]  }
0x2f: {  	lr =	sadd.s32 s0, s3;
	s0 =	sld [smem:$0x3FA0]  }
0x30: {  	s3 =	sld [smem:$0x3FA3]  }
0x31: {  	[smem:$0x3FAC] =	sst s10  }
0x32: {  	s10 =	sld [smem:$0x3FAA];
	_ =	sdelay $0x3  }
0x33: {  	p0 =	seq.s32 s10, $0x1;
	s10 =	sld [smem:$0x3FAC];
	_ =	sdelay $0x3  }
0x34: {  	[smem:$0x3FAC] =	sst s10  }
0x35: {  	s10 =	sld [smem:$0x3FAB];
	_ =	sdelay $0x3  }
0x36: {  	p1 =	seq.s32 s10, $0x1;
	s10 =	sld [smem:$0x3FAC];
	_ =	sdelay $0x3  }
0x37: {  	[smem:$0x3FAC] =	sst s10  }
0x38: {  	s10 =	sld [smem:$0x3FAD]  }
0x39: {  	_ = 	snop;
	(pc) =	sbr.ind lr, $3  }
0x3a: {  	_ = 	snop  }
0x3b: {  	_ = 	snop  }
0x3c: {  	p2 =	seq.s32 s10, $0x1;
	s10 =	sld [smem:$0x3FAC]  }
0x3d: {  	_ =	shalt  }
0x3e: {  	_ =	shalt  }
0x3f: {  	_ =	shalt  }
0x40: {  	_ =	shalt  }
0x41: {  	_ =	shalt  }
0x42: {  	_ =	shalt  }
0x43: {  	_ =	shalt  }
0x44: {  	_ =	shalt  }
0x45: {  	_ =	shalt  }
0x46: {  	_ =	shalt  }
0x47: {  	_ =	shalt  }
0x48: {  	_ =	shalt  }
0x49: {  	_ =	shalt  }
0x4a: {  	_ =	shalt  }
0x4b: {  	_ =	shalt  }
0x4c: {  	_ =	shalt  }
0x4d: {  	_ =	shalt  }
0x4e: {  	_ =	shalt  }
0x4f: {  	_ =	shalt  }
0x50: {  	_ =	shalt  }
0x51: {  	_ =	shalt  }
0x52: {  	_ =	shalt  }
0x53: {  	_ =	shalt  }
0x54: {  	_ =	shalt  }
0x55: {  	_ =	shalt  }
0x56: {  	_ =	shalt  }
0x57: {  	_ =	shalt  }
0x58: {  	_ =	shalt  }
0x59: {  	_ =	shalt  }
0x5a: {  	_ =	shalt  }
0x5b: {  	_ =	shalt  }
0x5c: {  	_ =	shalt  }
0x5d: {  	_ =	shalt  }
0x5e: {  	_ =	shalt  }
0x5f: {  	_ =	shalt  }
0x60: {  	_ =	shalt  }
0x61: {  	_ =	shalt  }
0x62: {  	_ =	shalt  }
0x63: {  	_ =	shalt  }
0x64: {  	_ =	shalt  }
0x65: {  	_ =	shalt  }
0x66: {  	_ =	shalt  }
0x67: {  	_ =	shalt  }
0x68: {  	_ =	shalt  }
0x69: {  	_ =	shalt  }
0x6a: {  	_ =	shalt  }
0x6b: {  	_ =	shalt  }
0x6c: {  	_ =	shalt  }
0x6d: {  	_ =	shalt  }
0x6e: {  	_ =	shalt  }
0x6f: {  	_ =	shalt  }
0x70: {  	_ =	shalt  }
0x71: {  	_ =	shalt  }
0x72: {  	_ =	shalt  }
0x73: {  	_ =	shalt  }
0x74: {  	_ =	shalt  }
0x75: {  	_ =	shalt  }
0x76: {  	_ =	shalt  }
0x77: {  	_ =	shalt  }
0x78: {  	_ =	shalt  }
0x79: {  	_ =	shalt  }
0x7a: {  	_ =	shalt  }
0x7b: {  	_ =	shalt  }
0x7c: {  	_ =	shalt  }
0x7d: {  	_ =	shalt  }
0x7e: {  	_ =	shalt  }
0x7f: {  	_ =	shalt  }
0x80: {  	_ =	shalt  }
0x81: {  	_ =	shalt  }
0x82: {  	_ =	shalt  }
0x83: {  	_ =	shalt  }
0x84: {  	_ =	shalt  }
0x85: {  	_ =	shalt  }
0x86: {  	_ =	shalt  }
0x87: {  	_ =	shalt  }
.Lfunc_end0:
.L_simem_size_0:
called_computation.4_lowered:
.L_overlay_start_0:
0x88: {  	s2 =	sld [smem:$0x3FD9]  }
0x89: {  	s3 =	sld [smem:$0x3FFE];
	_ =	sdelay $0x1  }
0x8a: {  	s1 =	srdreg.scid  }
0x8b: {  	s0 =	sand.u32 $0x1, s1  }
0x8c: {  	s17 =	sshll.u32 s0, $0xA;
	s2 =	sadd.s32 s3, s2  }
0x8d: {  	s2 =	sadd.s32 s2, s17  }
0x8e: {  	[smem:$0x3FB8] =	sst s2  }
0x8f: {  	_ = 	snop  }
0x90: {  	(tm) =	ssettm $0x1  }
0x91: {  	s18 =	sld [smem:$0x3FFB];
	_ =	sdelay $0x3  }
0x92: {  	_ =	strace s18  }
0x93: {  	s2 =	sld [smem:$0x3FFC];
	_ =	sdelay $0x3  }
0x94: {  	_ =	strace s2  }
0x95: {  	s2 =	sld [smem:$0x3FFD];
	_ =	sdelay $0x3  }
0x96: {  	_ =	strace s2  }
0x97: {  	_ =	strace $0x8FFFFFFF  }
0x98: {  	s19 =	sld [smem:$0x3FDB];
	_ =	sdelay $0x1  }
0x99: {  	s20 =	simm.s32 $_scs_section_size  }
0x9a: {  	s4 =	simm.s32 $_size__tile_overlayer_lowered;
	s5 =	simm.s32 $_tile_overlayer_lowered  }
0x9b: {  	s6 =	simm.s32 $0x1BFF;
	s21 =	sshll.u32 s5, $0x1;
	s3 =	sadd.s32 s20, s19  }
0x9c: {  	s22 =	simm.s32 $0x0;
	s4 =	sshll.u32 s4, $0x1;
	s5 =	sadd.s32 s21, s3  }
0x9d: {  	[timem:s22], [sflag:s6] =	dma.local [hbm:s5], s4  }
0x9e: {  	_ =	swait.ge [sflag:s6], s4  }
0x9f: {  	s4 =	ssub.s32 $0x0, s4;
	[sflag:s6] =	ssyncset.done $0x0  }
0xa0: {  	[sflag:s6] =	ssyncadd.s32 s4;
	_ =	sdelay $0x1  }
0xa1: {  	s23 =	simm.s32 $0x1B8B  }
0xa2: {  	_ =	swait.ge [sflag:s23], $0x1  }
0xa3: {  	[sflag:s23] =	ssyncset.done $0x0  }
0xa4: {  	[sflag:s23] =	ssyncadd.s32 $0xFFFFFFFF  }
0xa5: {  	s4 =	sld [smem:$0x0]  }
0xa6: {  	s5 =	sand.u32 $0xFFFFFFFE, s1  }
0xa7: {  	p0 =	sne.s32 s1, s5  }
0xa8: {  	s5 =	sshll.u32 @p0 s5, $0xE  }
0xa9: {  	s5 =	sadd.s32 @p0 $0x11B8D, s5;
	s6 =	sshll.u32 @p0 s4, $0x11  }
0xaa: {  	s5 =	sor.u32 @p0 s6, s5  }
0xab: {  	[sflag:s5] =	ssyncadd.remote.s32 @p0 $0x1;
	_ =	sdelay $0x1  }
0xac: {  	s5 =	simm.s32 @p0 $0x1B8D  }
0xad: {  	_ =	swait.eq @p0 [sflag:s5], $0x1  }
0xae: {  	[sflag:s5] =	ssyncadd.s32 @p0 $0xFFFFFFFF  }
0xaf: {  	s6 =	sshll.u32 @!p0 s1, $0xE  }
0xb0: {  	s6 =	sor.u32 @!p0 $0x4000, s6;
	s5 =	simm.s32 @!p0 $0x1B8D  }
0xb1: {  	s4 =	sshll.u32 @!p0 s4, $0x11;
	s6 =	sadd.s32 @!p0 $0x11B8D, s6;
	_ =	swait.eq @!p0 [sflag:s5], $0x1  }
0xb2: {  	s4 =	sor.u32 @!p0 s4, s6;
	[sflag:s5] =	ssyncadd.s32 @!p0 $0xFFFFFFFF  }
0xb3: {  	s25 =	simm.s32 $0x1B8E;
	s24 =	sld [smem:$0x3FFE];
	[sflag:s4] =	ssyncadd.remote.s32 @!p0 $0x1  }
0xb4: {  	s26 =	simm.s32 $execute0_lowered;
	[smem:$0x3FD2] =	sst s25  }
0xb5: {  	s5 =	sshll.u32 s26, $0x1;
	_ =	strace $0x80000052;
	[dreg:$0x1] =	wrdreg $0xFFFFFFFF  }
0xb6: {  	s28 =	simm.s32 $_size_execute0_lowered;
	s3 =	sadd.s32 s3, s5;
	[dreg:$0x0] =	wrdreg $0x0  }
0xb7: {  	s5 =	sshll.u32 s28, $0x1;
	[dreg:$0x2] =	wrdreg s3  }
0xb8: {  	[dreg:$0x3] =	wrdreg s5  }
0xb9: {  	[dreg:$0x4] =	wrdreg $0xC0  }
0xba: {  	_ =	task [dreg:s22], $0x5FFFF  }
0xbb: {  	[dreg:$0x1] =	wrdreg $0xFFFFFFFF  }
0xbc: {  	[dreg:$0x0] =	wrdreg $0x60  }
0xbd: {  	[dreg:$0x2] =	wrdreg s24  }
0xbe: {  	[dreg:$0x3] =	wrdreg $0x0  }
0xbf: {  	[dreg:$0x4] =	wrdreg $0xD  }
0xc0: {  	_ =	task.clear_ibuf [dreg:s22], $0x5FFFF;
	_ =	strace $0x90000052  }
0xc1: {  	s29 =	simm.s32 $0xD;
	_ =	strace $0x80000054  }
0xc2: {  	_ =	swait.ge [sflag:s29], $0x1  }
0xc3: {  	[sflag:s29] =	ssyncadd.s32 $0xFFFFFFFF  }
0xc4: {  	_ =	strace $0x90000054  }
0xc5: {  	_ =	sfence  }
0xc6: {  	s30 =	sld [smem:$0x0];
	_ =	sdelay $0x2  }
0xc7: {  	s31 =	sshll.u32 s1, $0xD;
	s1 =	sshrl.u32 s1, $0x2  }
0xc8: {  	s4 =	sand.u32 $0x4000, s31;
	s1 =	sadd.s32 s1, s30  }
0xc9: {  	s0 =	sor.u32 s4, s0;
	s1 =	sshll.u32 s1, $0x11  }
0xca: {  	s0 =	sor.u32 s1, s0  }
0xcb: {  	s0 =	sadd.s32 $0x8F2B, s0  }
0xcc: {  	[sflag:s0] =	ssyncadd.remote.s32 $0x1  }
0xcd: {  	_ =	sfence.sel $0xFFFF  }
0xce: {  	[dreg:$0x0] =	wrdreg $0xFFFFFFFF;
	(pc) =	sbr.abs _section_cstart, $3  }
0xcf: {  	[dreg:$0x1] =	wrdreg $0xFFFFFFFF  }
0xd0: {  	_ =	task.clear_ibuf [dreg:s22], $0x2FFFF;
	_ =	strace $0x9FFFFFFF  }
0xd1: {  	(tm) =	ssettm $0x7FFFFFFF  }
tec
execute0_lowered:
.L_overlay_start_1:
0x0: {  	(tag) =	ssettag $0x1  }
0x1: {  	s24 =	rddreg [dreg:$0x0]  }
0x2: {  	s2 =	rddreg [dreg:$0x1]  }
0x3: {  	s0 =	srdreg.scid;
	s1 =	stileid.u32  }
0x4: {  	s3 =	simm.s32 $0x0;
	s6 =	simm.s32 $0xC400;
	s0 =	sand.u32 $0x1, s0  }
0x5: {  	s4 =	sshll.u32 s1, $0xC;
	[smem:$0x7FF] =	sst s3;
	s5 =	sshll.u32 s0, $0xB  }
0x6: {  	s30 =	sadd.s32 $0x25400, s24;
	s18 =	sadd.s32 $0x4C00, s24;
	s31 =	sor.u32 s5, s4  }
0x7: {  	[dreg:$0x4] =	wrdreg s0;
	s0 =	smul.u32 $0x1880, s1;
	s4 =	sshrl.u32 s31, $0x3  }
0x8: {  	s7 =	smul.u32 $0x31000, s1;
	_ =	strace $0x80000053;
	s4 =	sadd.s32 s30, s4  }
0x9: {  	s5 =	simm.s32 $0x2;
	[dreg:$0x3] =	wrdreg s4;
	s4 =	sadd.s32 s18, s0  }
0xa: {  	[tilespmem:s6], [sflag:$0x2] =	stream.linear.gather [hbm4b:s4+s3], $0x1C00, $0x38;
	[tilespmem:$0x1E200] =	vst v63  }
0xb: {  	_ =	swait.ge [sflag:s5], $0x1C00  }
0xc: {  	s7 =	sshrl.u32 s7, $0x2;
	[sflag:s5] =	ssyncset.done $0x0  }
0xd: {  	s19 =	smul.u32 $0x188, s1;
	s7 =	sadd.s32 s7, s2;
	[sflag:s5] =	ssyncadd.s32 $0xFFFFE400  }
0xe: {  	[spmem:s7] =	stream.linear.scatter [tilespmem:s6], [sflag:$0x2], $0x1C00, $0x38;
	[tilespmem:$0x1E200] =	vst v63  }
0xf: {  	s9 =	sadd.s32 $0x38, s19;
	_ =	swait.ge [sflag:s5], $0x1C00  }
0x10: {  	s8 =	sshll.u32 s9, $0x4;
	[sflag:s5] =	ssyncset.done $0x0  }
0x11: {  	s8 =	sadd.s32 s18, s8;
	[sflag:s5] =	ssyncadd.s32 $0xFFFFE400  }
0x12: {  	[tilespmem:s6], [sflag:$0x2] =	stream.linear.gather [hbm4b:s8+s3], $0x1C00, $0x38;
	[tilespmem:$0x1E200] =	vst v63  }
0x13: {  	_ =	swait.ge [sflag:s5], $0x1C00  }
0x14: {  	s9 =	sshll.u32 s9, $0x7;
	[sflag:s5] =	ssyncset.done $0x0  }
0x15: {  	s9 =	sadd.s32 s9, s2;
	[sflag:s5] =	ssyncadd.s32 $0xFFFFE400  }
0x16: {  	[spmem:s9] =	stream.linear.scatter [tilespmem:s6], [sflag:$0x2], $0x1C00, $0x38;
	[tilespmem:$0x1E200] =	vst v63  }
0x17: {  	s11 =	sadd.s32 $0x70, s19;
	_ =	swait.ge [sflag:s5], $0x1C00  }
0x18: {  	s10 =	sshll.u32 s11, $0x4;
	[sflag:s5] =	ssyncset.done $0x0  }
0x19: {  	s10 =	sadd.s32 s18, s10;
	[sflag:s5] =	ssyncadd.s32 $0xFFFFE400  }
0x1a: {  	[tilespmem:s6], [sflag:$0x2] =	stream.linear.gather [hbm4b:s10+s3], $0x1C00, $0x38;
	[tilespmem:$0x1E200] =	vst v63  }
0x1b: {  	_ =	swait.ge [sflag:s5], $0x1C00  }
0x1c: {  	s11 =	sshll.u32 s11, $0x7;
	[sflag:s5] =	ssyncset.done $0x0  }
0x1d: {  	s11 =	sadd.s32 s11, s2;
	[sflag:s5] =	ssyncadd.s32 $0xFFFFE400  }
0x1e: {  	[spmem:s11] =	stream.linear.scatter [tilespmem:s6], [sflag:$0x2], $0x1C00, $0x38;
	[tilespmem:$0x1E200] =	vst v63  }
0x1f: {  	s13 =	sadd.s32 $0xA8, s19;
	_ =	swait.ge [sflag:s5], $0x1C00  }
0x20: {  	s12 =	sshll.u32 s13, $0x4;
	[sflag:s5] =	ssyncset.done $0x0  }
0x21: {  	s12 =	sadd.s32 s18, s12;
	[sflag:s5] =	ssyncadd.s32 $0xFFFFE400  }
0x22: {  	[tilespmem:s6], [sflag:$0x2] =	stream.linear.gather [hbm4b:s12+s3], $0x1C00, $0x38;
	[tilespmem:$0x1E200] =	vst v63  }
0x23: {  	_ =	swait.ge [sflag:s5], $0x1C00  }
0x24: {  	s13 =	sshll.u32 s13, $0x7;
	[sflag:s5] =	ssyncset.done $0x0  }
0x25: {  	s13 =	sadd.s32 s13, s2;
	[sflag:s5] =	ssyncadd.s32 $0xFFFFE400  }
0x26: {  	[spmem:s13] =	stream.linear.scatter [tilespmem:s6], [sflag:$0x2], $0x1C00, $0x38;
	[tilespmem:$0x1E200] =	vst v63  }
0x27: {  	s15 =	sadd.s32 $0xE0, s19;
	_ =	swait.ge [sflag:s5], $0x1C00  }
0x28: {  	s14 =	sshll.u32 s15, $0x4;
	[sflag:s5] =	ssyncset.done $0x0  }
0x29: {  	s14 =	sadd.s32 s18, s14;
	[sflag:s5] =	ssyncadd.s32 $0xFFFFE400  }
0x2a: {  	[tilespmem:s6], [sflag:$0x2] =	stream.linear.gather [hbm4b:s14+s3], $0x1C00, $0x38;
	[tilespmem:$0x1E200] =	vst v63  }
0x2b: {  	_ =	swait.ge [sflag:s5], $0x1C00  }
0x2c: {  	s15 =	sshll.u32 s15, $0x7;
	[sflag:s5] =	ssyncset.done $0x0  }
0x2d: {  	s15 =	sadd.s32 s15, s2;
	[sflag:s5] =	ssyncadd.s32 $0xFFFFE400  }
0x2e: {  	[spmem:s15] =	stream.linear.scatter [tilespmem:s6], [sflag:$0x2], $0x1C00, $0x38;
	[tilespmem:$0x1E200] =	vst v63  }
0x2f: {  	s17 =	sadd.s32 $0x118, s19;
	_ =	swait.ge [sflag:s5], $0x1C00  }
0x30: {  	s16 =	sshll.u32 s17, $0x4;
	[sflag:s5] =	ssyncset.done $0x0  }
0x31: {  	s16 =	sadd.s32 s18, s16;
	[sflag:s5] =	ssyncadd.s32 $0xFFFFE400  }
0x32: {  	[tilespmem:s6], [sflag:$0x2] =	stream.linear.gather [hbm4b:s16+s3], $0x1C00, $0x38;
	[tilespmem:$0x1E200] =	vst v63  }
0x33: {  	_ =	swait.ge [sflag:s5], $0x1C00  }
0x34: {  	s17 =	sshll.u32 s17, $0x7;
	[sflag:s5] =	ssyncset.done $0x0  }
0x35: {  	s17 =	sadd.s32 s17, s2;
	[sflag:s5] =	ssyncadd.s32 $0xFFFFE400  }
0x36: {  	[spmem:s17] =	stream.linear.scatter [tilespmem:s6], [sflag:$0x2], $0x1C00, $0x38;
	[tilespmem:$0x1E200] =	vst v63  }
0x37: {  	s19 =	sadd.s32 $0x150, s19;
	_ =	swait.ge [sflag:s5], $0x1C00  }
0x38: {  	s20 =	sshll.u32 s19, $0x4;
	[sflag:s5] =	ssyncset.done $0x0  }
0x39: {  	s18 =	sadd.s32 s18, s20;
	[sflag:s5] =	ssyncadd.s32 $0xFFFFE400  }
0x3a: {  	[tilespmem:s6], [sflag:$0x2] =	stream.linear.gather [hbm4b:s18+s3], $0x1C00, $0x38;
	[tilespmem:$0x1E200] =	vst v63  }
0x3b: {  	_ =	swait.ge [sflag:s5], $0x1C00  }
0x3c: {  	s19 =	sshll.u32 s19, $0x7;
	[sflag:s5] =	ssyncset.done $0x0  }
0x3d: {  	s19 =	sadd.s32 s19, s2;
	[sflag:s5] =	ssyncadd.s32 $0xFFFFE400  }
0x3e: {  	[spmem:s19] =	stream.linear.scatter [tilespmem:s6], [sflag:$0x2], $0x1C00, $0x38;
	[tilespmem:$0x1E200] =	vst v63  }
0x3f: {  	_ =	swait.ge [sflag:s5], $0x1C00  }
0x40: {  	[sflag:s5] =	ssyncset.done $0x0  }
0x41: {  	[sflag:s5] =	ssyncadd.s32 $0xFFFFE400  }
0x42: {  	[bflag:$0x0] =	sbarrier.arrive $0xFFFF  }
0x43: {  	s20 =	simm.s32 $0xE000;
	s21 =	rddreg [dreg:$0x3]  }
0x44: {  	[tilespmem:s20], [sflag:$0x2] =	stream.linear.gather [hbm4b:s21+s3], $0x200, $0x38;
	[tilespmem:$0x1E200] =	vst v63  }
0x45: {  	_ =	swait.ge [sflag:s5], $0x200  }
0x46: {  	s22 =	simm.s32 $0xE200;
	[sflag:s5] =	ssyncset.done $0x0  }
0x47: {  	s23 =	simm.s32 $0x1;
	s21 =	simm.s32 $0x200;
	[sflag:s5] =	ssyncadd.s32 $0xFFFFFE00  }
0x48: {  	[tilespmem:s22], [sflag:$0x1] =	stream.indirect.gather [spmem:s2], $0x80, s20, s21, $0xb8;
	[tilespmem:$0x1E200] =	vst v63  }
0x49: {  	_ =	swait.ge [sflag:s23], $0x10000  }
0x4a: {  	s1 =	sadd.s32 $0x42D400, s24;
	s26 =	sshll.u32 s31, $0x4;
	[sflag:s23] =	ssyncset.done $0x0  }
0x4b: {  	s24 =	sadd.s32 s1, s26;
	[sflag:s23] =	ssyncadd.s32 $0xFFFF0000  }
0x4c: {  	[hbm4b:s24+s3] =	stream.linear.scatter [tilespmem:s22], [sflag:$0x2], $0x10000, $0x38;
	[tilespmem:$0x1E200] =	vst v63  }
0x4d: {  	s26 =	sor.u32 $0x200, s31;
	_ =	swait.ge [sflag:s5], $0x10000  }
0x4e: {  	s25 =	sshrl.u32 s26, $0x3;
	[sflag:s5] =	ssyncset.done $0x0  }
0x4f: {  	s25 =	sadd.s32 s30, s25;
	[sflag:s5] =	ssyncadd.s32 $0xFFFF0000  }
0x50: {  	[tilespmem:s20], [sflag:$0x2] =	stream.linear.gather [hbm4b:s25+s3], $0x200, $0x38;
	[tilespmem:$0x1E200] =	vst v63  }
0x51: {  	_ =	swait.ge [sflag:s5], $0x200  }
0x52: {  	[sflag:s5] =	ssyncset.done $0x0  }
0x53: {  	[sflag:s5] =	ssyncadd.s32 $0xFFFFFE00  }
0x54: {  	[tilespmem:s22], [sflag:$0x1] =	stream.indirect.gather [spmem:s2], $0x80, s20, s21, $0xb8;
	[tilespmem:$0x1E200] =	vst v63  }
0x55: {  	_ =	swait.ge [sflag:s23], $0x10000  }
0x56: {  	s26 =	sshll.u32 s26, $0x4;
	[sflag:s23] =	ssyncset.done $0x0  }
0x57: {  	s26 =	sadd.s32 s1, s26;
	[dreg:$0x5] =	wrdreg s1;
	[sflag:s23] =	ssyncadd.s32 $0xFFFF0000  }
0x58: {  	[hbm4b:s26+s3] =	stream.linear.scatter [tilespmem:s22], [sflag:$0x2], $0x10000, $0x38;
	[tilespmem:$0x1E200] =	vst v63  }
0x59: {  	s29 =	sor.u32 $0x400, s31;
	_ =	swait.ge [sflag:s5], $0x10000  }
0x5a: {  	s28 =	sshrl.u32 s29, $0x3;
	[sflag:s5] =	ssyncset.done $0x0  }
0x5b: {  	s28 =	sadd.s32 s30, s28;
	[sflag:s5] =	ssyncadd.s32 $0xFFFF0000  }
0x5c: {  	[tilespmem:s20], [sflag:$0x2] =	stream.linear.gather [hbm4b:s28+s3], $0x200, $0x38;
	[tilespmem:$0x1E200] =	vst v63  }
0x5d: {  	_ =	swait.ge [sflag:s5], $0x200  }
0x5e: {  	[sflag:s5] =	ssyncset.done $0x0  }
0x5f: {  	[sflag:s5] =	ssyncadd.s32 $0xFFFFFE00  }
0x60: {  	[tilespmem:s22], [sflag:$0x1] =	stream.indirect.gather [spmem:s2], $0x80, s20, s21, $0xb8;
	[tilespmem:$0x1E200] =	vst v63  }
0x61: {  	_ =	swait.ge [sflag:s23], $0x10000  }
0x62: {  	s29 =	sshll.u32 s29, $0x4;
	[sflag:s23] =	ssyncset.done $0x0  }
0x63: {  	s29 =	sadd.s32 s1, s29;
	[sflag:s23] =	ssyncadd.s32 $0xFFFF0000  }
0x64: {  	[hbm4b:s29+s3] =	stream.linear.scatter [tilespmem:s22], [sflag:$0x2], $0x10000, $0x38;
	[tilespmem:$0x1E200] =	vst v63  }
0x65: {  	s31 =	sor.u32 $0x600, s31;
	_ =	swait.ge [sflag:s5], $0x10000  }
0x66: {  	s1 =	sshrl.u32 s31, $0x3;
	[sflag:s5] =	ssyncset.done $0x0  }
0x67: {  	s30 =	sadd.s32 s30, s1;
	[sflag:s5] =	ssyncadd.s32 $0xFFFF0000  }
0x68: {  	[tilespmem:s20], [sflag:$0x2] =	stream.linear.gather [hbm4b:s30+s3], $0x200, $0x38;
	[tilespmem:$0x1E200] =	vst v63  }
0x69: {  	_ =	swait.ge [sflag:s5], $0x200  }
0x6a: {  	[sflag:s5] =	ssyncset.done $0x0;
	s1 =	rddreg [dreg:$0x4]  }
0x6b: {  	s0 =	ssub.s32 $0x2, s1;
	[sflag:s5] =	ssyncadd.s32 $0xFFFFFE00  }
0x6c: {  	[tilespmem:s22], [sflag:$0x1] =	stream.indirect.gather [spmem:s2], $0x80, s20, s21, $0xb8;
	[tilespmem:$0x1E200] =	vst v63  }
0x6d: {  	s1 =	sshrl.u32 s0, $0x1  }
0x6e: {  	s0 =	ssub.s32 s0, s1  }
0x6f: {  	s0 =	smax.u32 s0, $0x1  }
0x70: {  	_ =	swait.ge [sflag:s23], $0x10000;
	s1 =	sshll.u32 s31, $0x4;
	p0 =	sne.s32 s0, $0x1  }
.Ltmp0:
0x71: {  	[sflag:s23] =	ssyncset.done $0x0;
	s31 =	rddreg [dreg:$0x5];
	(pc) =	sbr.rel @!p0 .LBB2_2-.Ltmp0, $4  }
0x72: {  	s31 =	sadd.s32 s31, s1;
	[sflag:s23] =	ssyncadd.s32 $0xFFFF0000  }
0x73: {  	[hbm4b:s31+s3] =	stream.linear.scatter [tilespmem:s22], [sflag:$0x2], $0x10000, $0x38;
	[tilespmem:$0x1E200] =	vst v63  }
0x74: {  	_ =	swait.ge [sflag:s5], $0x10000  }
0x75: {  	s0 =	sadd.s32 $0xFFFFFFFF, s0;
	[sflag:s5] =	ssyncset.done $0x0  }
.LBB2_1:
0x76: {  	[sflag:s5] =	ssyncadd.s32 $0xFFFF0000  }
0x77: {  	[tilespmem:s6], [sflag:$0x2] =	stream.linear.gather [hbm4b:s4+s3], $0x1C00, $0x38;
	[tilespmem:$0x1E200] =	vst v63  }
0x78: {  	_ =	swait.ge [sflag:s5], $0x1C00  }
0x79: {  	[sflag:s5] =	ssyncset.done $0x0  }
0x7a: {  	[sflag:s5] =	ssyncadd.s32 $0xFFFFE400  }
0x7b: {  	[spmem:s7] =	stream.linear.scatter [tilespmem:s6], [sflag:$0x2], $0x1C00, $0x38;
	[tilespmem:$0x1E200] =	vst v63  }
0x7c: {  	_ =	swait.ge [sflag:s5], $0x1C00  }
0x7d: {  	[sflag:s5] =	ssyncset.done $0x0  }
0x7e: {  	[sflag:s5] =	ssyncadd.s32 $0xFFFFE400  }
0x7f: {  	[tilespmem:s6], [sflag:$0x2] =	stream.linear.gather [hbm4b:s8+s3], $0x1C00, $0x38;
	[tilespmem:$0x1E200] =	vst v63  }
0x80: {  	_ =	swait.ge [sflag:s5], $0x1C00  }
0x81: {  	[sflag:s5] =	ssyncset.done $0x0  }
0x82: {  	[sflag:s5] =	ssyncadd.s32 $0xFFFFE400  }
0x83: {  	[spmem:s9] =	stream.linear.scatter [tilespmem:s6], [sflag:$0x2], $0x1C00, $0x38;
	[tilespmem:$0x1E200] =	vst v63  }
0x84: {  	_ =	swait.ge [sflag:s5], $0x1C00  }
0x85: {  	[sflag:s5] =	ssyncset.done $0x0  }
0x86: {  	[sflag:s5] =	ssyncadd.s32 $0xFFFFE400  }
0x87: {  	[tilespmem:s6], [sflag:$0x2] =	stream.linear.gather [hbm4b:s10+s3], $0x1C00, $0x38;
	[tilespmem:$0x1E200] =	vst v63  }
0x88: {  	_ =	swait.ge [sflag:s5], $0x1C00  }
0x89: {  	[sflag:s5] =	ssyncset.done $0x0  }
0x8a: {  	[sflag:s5] =	ssyncadd.s32 $0xFFFFE400  }
0x8b: {  	[spmem:s11] =	stream.linear.scatter [tilespmem:s6], [sflag:$0x2], $0x1C00, $0x38;
	[tilespmem:$0x1E200] =	vst v63  }
0x8c: {  	_ =	swait.ge [sflag:s5], $0x1C00  }
0x8d: {  	[sflag:s5] =	ssyncset.done $0x0  }
0x8e: {  	[sflag:s5] =	ssyncadd.s32 $0xFFFFE400  }
0x8f: {  	[tilespmem:s6], [sflag:$0x2] =	stream.linear.gather [hbm4b:s12+s3], $0x1C00, $0x38;
	[tilespmem:$0x1E200] =	vst v63  }
0x90: {  	_ =	swait.ge [sflag:s5], $0x1C00  }
0x91: {  	[sflag:s5] =	ssyncset.done $0x0  }
0x92: {  	[sflag:s5] =	ssyncadd.s32 $0xFFFFE400  }
0x93: {  	[spmem:s13] =	stream.linear.scatter [tilespmem:s6], [sflag:$0x2], $0x1C00, $0x38;
	[tilespmem:$0x1E200] =	vst v63  }
0x94: {  	_ =	swait.ge [sflag:s5], $0x1C00  }
0x95: {  	[sflag:s5] =	ssyncset.done $0x0  }
0x96: {  	[sflag:s5] =	ssyncadd.s32 $0xFFFFE400  }
0x97: {  	[tilespmem:s6], [sflag:$0x2] =	stream.linear.gather [hbm4b:s14+s3], $0x1C00, $0x38;
	[tilespmem:$0x1E200] =	vst v63  }
0x98: {  	_ =	swait.ge [sflag:s5], $0x1C00  }
0x99: {  	[sflag:s5] =	ssyncset.done $0x0  }
0x9a: {  	[sflag:s5] =	ssyncadd.s32 $0xFFFFE400  }
0x9b: {  	[spmem:s15] =	stream.linear.scatter [tilespmem:s6], [sflag:$0x2], $0x1C00, $0x38;
	[tilespmem:$0x1E200] =	vst v63  }
0x9c: {  	_ =	swait.ge [sflag:s5], $0x1C00  }
0x9d: {  	[sflag:s5] =	ssyncset.done $0x0  }
0x9e: {  	[sflag:s5] =	ssyncadd.s32 $0xFFFFE400  }
0x9f: {  	[tilespmem:s6], [sflag:$0x2] =	stream.linear.gather [hbm4b:s16+s3], $0x1C00, $0x38;
	[tilespmem:$0x1E200] =	vst v63  }
0xa0: {  	_ =	swait.ge [sflag:s5], $0x1C00  }
0xa1: {  	[sflag:s5] =	ssyncset.done $0x0  }
0xa2: {  	[sflag:s5] =	ssyncadd.s32 $0xFFFFE400  }
0xa3: {  	[spmem:s17] =	stream.linear.scatter [tilespmem:s6], [sflag:$0x2], $0x1C00, $0x38;
	[tilespmem:$0x1E200] =	vst v63  }
0xa4: {  	_ =	swait.ge [sflag:s5], $0x1C00  }
0xa5: {  	[sflag:s5] =	ssyncset.done $0x0  }
0xa6: {  	[sflag:s5] =	ssyncadd.s32 $0xFFFFE400  }
0xa7: {  	[tilespmem:s6], [sflag:$0x2] =	stream.linear.gather [hbm4b:s18+s3], $0x1C00, $0x38;
	[tilespmem:$0x1E200] =	vst v63  }
0xa8: {  	_ =	swait.ge [sflag:s5], $0x1C00  }
0xa9: {  	[sflag:s5] =	ssyncset.done $0x0  }
0xaa: {  	[sflag:s5] =	ssyncadd.s32 $0xFFFFE400  }
0xab: {  	[spmem:s19] =	stream.linear.scatter [tilespmem:s6], [sflag:$0x2], $0x1C00, $0x38;
	[tilespmem:$0x1E200] =	vst v63  }
0xac: {  	_ =	swait.ge [sflag:s5], $0x1C00  }
0xad: {  	[sflag:s5] =	ssyncset.done $0x0  }
0xae: {  	[sflag:s5] =	ssyncadd.s32 $0xFFFFE400  }
0xaf: {  	[bflag:$0x0] =	sbarrier.arrive $0xFFFF  }
0xb0: {  	s1 =	rddreg [dreg:$0x3]  }
0xb1: {  	[tilespmem:s20], [sflag:$0x2] =	stream.linear.gather [hbm4b:s1+s3], $0x200, $0x38;
	[tilespmem:$0x1E200] =	vst v63  }
0xb2: {  	_ =	swait.ge [sflag:s5], $0x200  }
0xb3: {  	[sflag:s5] =	ssyncset.done $0x0  }
0xb4: {  	[sflag:s5] =	ssyncadd.s32 $0xFFFFFE00  }
0xb5: {  	[tilespmem:s22], [sflag:$0x1] =	stream.indirect.gather [spmem:s2], $0x80, s20, s21, $0xb8;
	[tilespmem:$0x1E200] =	vst v63  }
0xb6: {  	_ =	swait.ge [sflag:s23], $0x10000  }
0xb7: {  	[sflag:s23] =	ssyncset.done $0x0  }
0xb8: {  	[sflag:s23] =	ssyncadd.s32 $0xFFFF0000  }
0xb9: {  	[hbm4b:s24+s3] =	stream.linear.scatter [tilespmem:s22], [sflag:$0x2], $0x10000, $0x38;
	[tilespmem:$0x1E200] =	vst v63  }
0xba: {  	_ =	swait.ge [sflag:s5], $0x10000  }
0xbb: {  	[sflag:s5] =	ssyncset.done $0x0  }
0xbc: {  	[sflag:s5] =	ssyncadd.s32 $0xFFFF0000  }
0xbd: {  	[tilespmem:s20], [sflag:$0x2] =	stream.linear.gather [hbm4b:s25+s3], $0x200, $0x38;
	[tilespmem:$0x1E200] =	vst v63  }
0xbe: {  	_ =	swait.ge [sflag:s5], $0x200  }
0xbf: {  	[sflag:s5] =	ssyncset.done $0x0  }
0xc0: {  	[sflag:s5] =	ssyncadd.s32 $0xFFFFFE00  }
0xc1: {  	[tilespmem:s22], [sflag:$0x1] =	stream.indirect.gather [spmem:s2], $0x80, s20, s21, $0xb8;
	[tilespmem:$0x1E200] =	vst v63  }
0xc2: {  	_ =	swait.ge [sflag:s23], $0x10000  }
0xc3: {  	[sflag:s23] =	ssyncset.done $0x0  }
0xc4: {  	[sflag:s23] =	ssyncadd.s32 $0xFFFF0000  }
0xc5: {  	[hbm4b:s26+s3] =	stream.linear.scatter [tilespmem:s22], [sflag:$0x2], $0x10000, $0x38;
	[tilespmem:$0x1E200] =	vst v63  }
0xc6: {  	_ =	swait.ge [sflag:s5], $0x10000  }
0xc7: {  	[sflag:s5] =	ssyncset.done $0x0  }
0xc8: {  	[sflag:s5] =	ssyncadd.s32 $0xFFFF0000  }
0xc9: {  	[tilespmem:s20], [sflag:$0x2] =	stream.linear.gather [hbm4b:s28+s3], $0x200, $0x38;
	[tilespmem:$0x1E200] =	vst v63  }
0xca: {  	_ =	swait.ge [sflag:s5], $0x200  }
0xcb: {  	[sflag:s5] =	ssyncset.done $0x0  }
0xcc: {  	[sflag:s5] =	ssyncadd.s32 $0xFFFFFE00  }
0xcd: {  	[tilespmem:s22], [sflag:$0x1] =	stream.indirect.gather [spmem:s2], $0x80, s20, s21, $0xb8;
	[tilespmem:$0x1E200] =	vst v63  }
0xce: {  	_ =	swait.ge [sflag:s23], $0x10000  }
0xcf: {  	[sflag:s23] =	ssyncset.done $0x0  }
0xd0: {  	[sflag:s23] =	ssyncadd.s32 $0xFFFF0000  }
0xd1: {  	[hbm4b:s29+s3] =	stream.linear.scatter [tilespmem:s22], [sflag:$0x2], $0x10000, $0x38;
	[tilespmem:$0x1E200] =	vst v63  }
0xd2: {  	_ =	swait.ge [sflag:s5], $0x10000  }
0xd3: {  	[sflag:s5] =	ssyncset.done $0x0  }
0xd4: {  	[sflag:s5] =	ssyncadd.s32 $0xFFFF0000  }
0xd5: {  	[tilespmem:s20], [sflag:$0x2] =	stream.linear.gather [hbm4b:s30+s3], $0x200, $0x38;
	[tilespmem:$0x1E200] =	vst v63  }
0xd6: {  	_ =	swait.ge [sflag:s5], $0x200  }
0xd7: {  	[sflag:s5] =	ssyncset.done $0x0  }
0xd8: {  	[sflag:s5] =	ssyncadd.s32 $0xFFFFFE00  }
0xd9: {  	[tilespmem:s22], [sflag:$0x1] =	stream.indirect.gather [spmem:s2], $0x80, s20, s21, $0xb8;
	[tilespmem:$0x1E200] =	vst v63  }
0xda: {  	p0 =	sne.s32 s0, $0x1;
	_ =	swait.ge [sflag:s23], $0x10000  }
.Ltmp1:
0xdb: {  	[sflag:s23] =	ssyncset.done $0x0;
	(pc) =	sbr.rel @p0 .LBB2_1-.Ltmp1, $4  }
0xdc: {  	[sflag:s23] =	ssyncadd.s32 $0xFFFF0000  }
0xdd: {  	[hbm4b:s31+s3] =	stream.linear.scatter [tilespmem:s22], [sflag:$0x2], $0x10000, $0x38;
	[tilespmem:$0x1E200] =	vst v63  }
0xde: {  	_ =	swait.ge [sflag:s5], $0x10000  }
0xdf: {  	s0 =	sadd.s32 $0xFFFFFFFF, s0;
	[sflag:s5] =	ssyncset.done $0x0  }
.LBB2_2:
0xe0: {  	[sflag:s5] =	ssyncadd.s32 $0xFFFF0000  }
0xe1: {  	_ =	sfence.sel $0x180000  }
0xe2: {  	[bflag:$0x0] =	sbarrier.arrive $0xFFFF  }
0xe3: {  	_ =	strace $0x90000053  }
0xe4: {  	s0 =	stileid.u32;
	[bflag:$0x2] =	sbarrier.arrive $0xFFFF  }
0xe5: {  	p0 =	sne.s32 s0, $0x0;
	s0 =	rddreg [dreg:$0x2]  }
0xe6: {  	s0 =	sadd.s32 @!p0 $0x100000, s0  }
0xe7: {  	[sflag:s0] =	ssyncadd.tile.s32 @!p0 $0x1;
	_ =	shalt  }
.Lfunc_end2:
_tile_overlayer_lowered:
.L_overlay_start_2:
0xe8: {  	(tag) =	ssettag $0x2  }
0xe9: {  	s0 =	rddreg [dreg:$0x0];
	s2 =	stileid.u32  }
0xea: {  	s1 =	rddreg [dreg:$0x1];
	p0 =	sne.s32 s2, $0x0  }
0xeb: {  	s3 =	rddreg [dreg:$0x2];
	[bflag:$0x3] =	sbarrier.arrive $0xFFFF;
	s2 =	simm.s32 @!p0 $0x1C02  }
0xec: {  	[timem:s3], [sflag:s2] =	dma.local @!p0 [hbm:s0], s1  }
0xed: {  	s0 =	simm.s32 @!p0 $0x2  }
0xee: {  	_ =	swait.ge @!p0 [sflag:s0], s1  }
0xef: {  	s1 =	ssub.s32 @!p0 $0x0, s1;
	[sflag:s0] =	ssyncset.done @!p0 $0x0  }
0xf0: {  	[sflag:s0] =	ssyncadd.s32 @!p0 s1  }
0xf1: {  	[bflag:$0x3] =	sbarrier.arrive $0xFFFF  }
0xf2: {  	_ =	shalt  }

// kernel: kernel.34.cloned.1.call-start
scs
__scs_entry_jumppad:
0x0: {  	(pc) =	sbr.rel $0x88, $3  }
0x1: {  	(tag) =	ssettag $0x0;
	lr =	simm.s32 $0x1  }
0x2: {  	[smem:$0x3F91] =	sst lr;
	_ =	strace $0xD0000000  }
0x3: {  	_ = 	snop  }
0x4: {  	_ = 	snop  }
0x5: {  	_ = 	snop  }
0x6: {  	_ = 	snop  }
0x7: {  	_ = 	snop  }
__scs_overlays_trampoline_lowered:
0x8: {  	[smem:$0x3FA0] =	sst s0  }
0x9: {  	[smem:$0x3FA1] =	sst s1  }
0xa: {  	[smem:$0x3FA2] =	sst s2  }
0xb: {  	[smem:$0x3FA3] =	sst s3  }
0xc: {  	[smem:$0x3FA4] =	sst s4  }
0xd: {  	[smem:$0x3FA5] =	sst s5  }
0xe: {  	[smem:$0x3FA6] =	sst s6  }
0xf: {  	[smem:$0x3FA7] =	sst s7  }
0x10: {  	[smem:$0x3FA8] =	sst s8  }
0x11: {  	[smem:$0x3FA9] =	sst s9;
	s0 =	simm.s32 @!p0 $0x0  }
0x12: {  	s1 =	sld [smem:$0x3F8F];
	s0 =	simm.s32 @p0 $0x1  }
0x13: {  	[smem:$0x3FAA] =	sst s0;
	s0 =	simm.s32 @!p1 $0x0  }
0x14: {  	s2 =	sld [smem:$0x3F8E];
	s0 =	simm.s32 @p1 $0x1  }
0x15: {  	[smem:$0x3FAB] =	sst s0;
	s0 =	simm.s32 @!p2 $0x0  }
0x16: {  	s3 =	sld [smem:$0x3FDB];
	s0 =	simm.s32 @p2 $0x1  }
0x17: {  	s4 =	simm.s32 $0x1BF5;
	[smem:$0x3FAD] =	sst s0  }
0x18: {  	s0 =	sld [smem:$0x3F90];
	_ =	swait.ge [sflag:s4], $0x0  }
0x19: {  	s7 =	sld [smem:$0x3F91]  }
0x1a: {  	s8 =	sadd.s32 $0xFFFFE003, lr  }
0x1b: {  	s9 =	sadd.s32 $0xFFFFFEF7, lr;
	s5 =	simm.s32 $0xFFFFFFFF;
	p2 =	slt.u32 s8, $0xFFFFF086  }
0x1c: {  	p1 =	slt.u32 s9, $0xF7A;
	s5 =	simm.s32 @!p2 $0x0  }
0x1d: {  	s5 =	simm.s32 @p1 $0x1;
	p0 =	seq.s32 s7, s2  }
0x1e: {  	s7 =	smul.u32 @!p0 $0xF7A, s2;
	p2 =	seq.s32 @!p0 s5, $0x0  }
0x1f: {  	s9 =	smul.u32 $0xF7A, s1;
	s8 =	simm.s32 @!p0 $0x1BF5;
	p2 =	por !p2, p0  }
0x20: {  	[sflag:s8] =	ssyncset.s32 @!p0 $0xFFFFF086;
	s6 =	sadd.s32 @!p0 s3, s7;
	s7 =	simm.s32 @!p0 $0x108  }
0x21: {  	s3 =	sadd.s32 s3, s9;
	s6 =	sadd.s32 @!p0 $0x88, s6;
	s7 =	simm.s32 @p2 $0x1082  }
0x22: {  	[simem:s7], [sflag:s8] =	dma.local @!p0 [hbm:s6], $0xF7A  }
0x23: {  	s9 =	sor.u32 $0xD0000000, s2;
	s6 =	simm.s32 $0x108;
	_ =	swait.ge @!p0 [sflag:s8], $0x0  }
0x24: {  	s3 =	sadd.s32 $0x88, s3;
	s6 =	simm.s32 @!p1 $0x1082;
	[sflag:s4] =	ssyncset.s32 $0xFFFFF086  }
0x25: {  	[simem:s6], [sflag:s4] =	dma.local [hbm:s3], $0xF7A  }
0x26: {  	[smem:$0x3F91] =	sst s1;
	(tag) =	ssettag s2;
	_ =	strace s9  }
0x27: {  	s1 =	sld [smem:$0x3FA1]  }
0x28: {  	s2 =	sld [smem:$0x3FA2]  }
0x29: {  	s4 =	sld [smem:$0x3FA4]  }
0x2a: {  	p0 =	seq.s32 s5, $0x0;
	s5 =	sld [smem:$0x3FA5]  }
0x2b: {  	s6 =	sld [smem:$0x3FA6]  }
0x2c: {  	s7 =	sld [smem:$0x3FA7]  }
0x2d: {  	s3 =	simm.s32 $0x108;
	s8 =	sld [smem:$0x3FA8]  }
0x2e: {  	s3 =	simm.s32 @!p0 $0x1082;
	s9 =	sld [smem:$0x3FA9]  }
0x2f: {  	lr =	sadd.s32 s0, s3;
	s0 =	sld [smem:$0x3FA0]  }
0x30: {  	s3 =	sld [smem:$0x3FA3]  }
0x31: {  	[smem:$0x3FAC] =	sst s10  }
0x32: {  	s10 =	sld [smem:$0x3FAA];
	_ =	sdelay $0x3  }
0x33: {  	p0 =	seq.s32 s10, $0x1;
	s10 =	sld [smem:$0x3FAC];
	_ =	sdelay $0x3  }
0x34: {  	[smem:$0x3FAC] =	sst s10  }
0x35: {  	s10 =	sld [smem:$0x3FAB];
	_ =	sdelay $0x3  }
0x36: {  	p1 =	seq.s32 s10, $0x1;
	s10 =	sld [smem:$0x3FAC];
	_ =	sdelay $0x3  }
0x37: {  	[smem:$0x3FAC] =	sst s10  }
0x38: {  	s10 =	sld [smem:$0x3FAD]  }
0x39: {  	_ = 	snop;
	(pc) =	sbr.ind lr, $3  }
0x3a: {  	_ = 	snop  }
0x3b: {  	_ = 	snop  }
0x3c: {  	p2 =	seq.s32 s10, $0x1;
	s10 =	sld [smem:$0x3FAC]  }
0x3d: {  	_ =	shalt  }
0x3e: {  	_ =	shalt  }
0x3f: {  	_ =	shalt  }
0x40: {  	_ =	shalt  }
0x41: {  	_ =	shalt  }
0x42: {  	_ =	shalt  }
0x43: {  	_ =	shalt  }
0x44: {  	_ =	shalt  }
0x45: {  	_ =	shalt  }
0x46: {  	_ =	shalt  }
0x47: {  	_ =	shalt  }
0x48: {  	_ =	shalt  }
0x49: {  	_ =	shalt  }
0x4a: {  	_ =	shalt  }
0x4b: {  	_ =	shalt  }
0x4c: {  	_ =	shalt  }
0x4d: {  	_ =	shalt  }
0x4e: {  	_ =	shalt  }
0x4f: {  	_ =	shalt  }
0x50: {  	_ =	shalt  }
0x51: {  	_ =	shalt  }
0x52: {  	_ =	shalt  }
0x53: {  	_ =	shalt  }
0x54: {  	_ =	shalt  }
0x55: {  	_ =	shalt  }
0x56: {  	_ =	shalt  }
0x57: {  	_ =	shalt  }
0x58: {  	_ =	shalt  }
0x59: {  	_ =	shalt  }
0x5a: {  	_ =	shalt  }
0x5b: {  	_ =	shalt  }
0x5c: {  	_ =	shalt  }
0x5d: {  	_ =	shalt  }
0x5e: {  	_ =	shalt  }
0x5f: {  	_ =	shalt  }
0x60: {  	_ =	shalt  }
0x61: {  	_ =	shalt  }
0x62: {  	_ =	shalt  }
0x63: {  	_ =	shalt  }
0x64: {  	_ =	shalt  }
0x65: {  	_ =	shalt  }
0x66: {  	_ =	shalt  }
0x67: {  	_ =	shalt  }
0x68: {  	_ =	shalt  }
0x69: {  	_ =	shalt  }
0x6a: {  	_ =	shalt  }
0x6b: {  	_ =	shalt  }
0x6c: {  	_ =	shalt  }
0x6d: {  	_ =	shalt  }
0x6e: {  	_ =	shalt  }
0x6f: {  	_ =	shalt  }
0x70: {  	_ =	shalt  }
0x71: {  	_ =	shalt  }
0x72: {  	_ =	shalt  }
0x73: {  	_ =	shalt  }
0x74: {  	_ =	shalt  }
0x75: {  	_ =	shalt  }
0x76: {  	_ =	shalt  }
0x77: {  	_ =	shalt  }
0x78: {  	_ =	shalt  }
0x79: {  	_ =	shalt  }
0x7a: {  	_ =	shalt  }
0x7b: {  	_ =	shalt  }
0x7c: {  	_ =	shalt  }
0x7d: {  	_ =	shalt  }
0x7e: {  	_ =	shalt  }
0x7f: {  	_ =	shalt  }
0x80: {  	_ =	shalt  }
0x81: {  	_ =	shalt  }
0x82: {  	_ =	shalt  }
0x83: {  	_ =	shalt  }
0x84: {  	_ =	shalt  }
0x85: {  	_ =	shalt  }
0x86: {  	_ =	shalt  }
0x87: {  	_ =	shalt  }
.Lfunc_end0:
.L_simem_size_0:
called_computation.5_lowered:
.L_overlay_start_0:
0x88: {  	s2 =	sld [smem:$0x3FD9]  }
0x89: {  	s3 =	sld [smem:$0x3FFE];
	_ =	sdelay $0x1  }
0x8a: {  	s1 =	srdreg.scid  }
0x8b: {  	s0 =	sand.u32 $0x1, s1  }
0x8c: {  	s17 =	sshll.u32 s0, $0xA;
	s2 =	sadd.s32 s3, s2  }
0x8d: {  	s2 =	sadd.s32 s2, s17  }
0x8e: {  	[smem:$0x3FB8] =	sst s2  }
0x8f: {  	_ = 	snop  }
0x90: {  	(tm) =	ssettm $0x1  }
0x91: {  	s18 =	sld [smem:$0x3FFB];
	_ =	sdelay $0x3  }
0x92: {  	_ =	strace s18  }
0x93: {  	s2 =	sld [smem:$0x3FFC];
	_ =	sdelay $0x3  }
0x94: {  	_ =	strace s2  }
0x95: {  	s2 =	sld [smem:$0x3FFD];
	_ =	sdelay $0x3  }
0x96: {  	_ =	strace s2  }
0x97: {  	_ =	strace $0x8FFFFFFF  }
0x98: {  	s19 =	sld [smem:$0x3FDB];
	_ =	sdelay $0x1  }
0x99: {  	s20 =	simm.s32 $_scs_section_size  }
0x9a: {  	s4 =	simm.s32 $_size__tile_overlayer_lowered;
	s5 =	simm.s32 $_tile_overlayer_lowered  }
0x9b: {  	s6 =	simm.s32 $0x1BFF;
	s21 =	sshll.u32 s5, $0x1;
	s3 =	sadd.s32 s20, s19  }
0x9c: {  	s22 =	simm.s32 $0x0;
	s4 =	sshll.u32 s4, $0x1;
	s5 =	sadd.s32 s21, s3  }
0x9d: {  	[timem:s22], [sflag:s6] =	dma.local [hbm:s5], s4  }
0x9e: {  	_ =	swait.ge [sflag:s6], s4  }
0x9f: {  	s4 =	ssub.s32 $0x0, s4;
	[sflag:s6] =	ssyncset.done $0x0  }
0xa0: {  	[sflag:s6] =	ssyncadd.s32 s4;
	_ =	sdelay $0x1  }
0xa1: {  	s23 =	simm.s32 $0x1B8B  }
0xa2: {  	_ =	swait.ge [sflag:s23], $0x1  }
0xa3: {  	[sflag:s23] =	ssyncset.done $0x0  }
0xa4: {  	[sflag:s23] =	ssyncadd.s32 $0xFFFFFFFF  }
0xa5: {  	s4 =	sld [smem:$0x0]  }
0xa6: {  	s5 =	sand.u32 $0xFFFFFFFE, s1  }
0xa7: {  	p0 =	sne.s32 s1, s5  }
0xa8: {  	s5 =	sshll.u32 @p0 s5, $0xE  }
0xa9: {  	s5 =	sadd.s32 @p0 $0x11B8D, s5;
	s6 =	sshll.u32 @p0 s4, $0x11  }
0xaa: {  	s5 =	sor.u32 @p0 s6, s5  }
0xab: {  	[sflag:s5] =	ssyncadd.remote.s32 @p0 $0x1;
	_ =	sdelay $0x1  }
0xac: {  	s5 =	simm.s32 @p0 $0x1B8D  }
0xad: {  	_ =	swait.eq @p0 [sflag:s5], $0x1  }
0xae: {  	[sflag:s5] =	ssyncadd.s32 @p0 $0xFFFFFFFF  }
0xaf: {  	s6 =	sshll.u32 @!p0 s1, $0xE  }
0xb0: {  	s6 =	sor.u32 @!p0 $0x4000, s6;
	s5 =	simm.s32 @!p0 $0x1B8D  }
0xb1: {  	s4 =	sshll.u32 @!p0 s4, $0x11;
	s6 =	sadd.s32 @!p0 $0x11B8D, s6;
	_ =	swait.eq @!p0 [sflag:s5], $0x1  }
0xb2: {  	s4 =	sor.u32 @!p0 s4, s6;
	[sflag:s5] =	ssyncadd.s32 @!p0 $0xFFFFFFFF  }
0xb3: {  	s25 =	simm.s32 $0x1B8E;
	s24 =	sld [smem:$0x3FFE];
	[sflag:s4] =	ssyncadd.remote.s32 @!p0 $0x1  }
0xb4: {  	s26 =	simm.s32 $execute0_lowered;
	[smem:$0x3FD2] =	sst s25  }
0xb5: {  	s5 =	sshll.u32 s26, $0x1;
	_ =	strace $0x80000055;
	[dreg:$0x1] =	wrdreg $0xFFFFFFFF  }
0xb6: {  	s28 =	simm.s32 $_size_execute0_lowered;
	s3 =	sadd.s32 s3, s5;
	[dreg:$0x0] =	wrdreg $0x0  }
0xb7: {  	s5 =	sshll.u32 s28, $0x1;
	[dreg:$0x2] =	wrdreg s3  }
0xb8: {  	[dreg:$0x3] =	wrdreg s5  }
0xb9: {  	[dreg:$0x4] =	wrdreg $0xC0  }
0xba: {  	_ =	task [dreg:s22], $0x5FFFF  }
0xbb: {  	[dreg:$0x1] =	wrdreg $0xFFFFFFFF  }
0xbc: {  	[dreg:$0x0] =	wrdreg $0x60  }
0xbd: {  	[dreg:$0x2] =	wrdreg s24  }
0xbe: {  	[dreg:$0x3] =	wrdreg $0x0  }
0xbf: {  	[dreg:$0x4] =	wrdreg $0xE  }
0xc0: {  	_ =	task.clear_ibuf [dreg:s22], $0x5FFFF;
	_ =	strace $0x90000055  }
0xc1: {  	s29 =	simm.s32 $0xE;
	_ =	strace $0x80000057  }
0xc2: {  	_ =	swait.ge [sflag:s29], $0x1  }
0xc3: {  	[sflag:s29] =	ssyncadd.s32 $0xFFFFFFFF  }
0xc4: {  	_ =	strace $0x90000057  }
0xc5: {  	_ =	sfence  }
0xc6: {  	s30 =	sld [smem:$0x0];
	_ =	sdelay $0x2  }
0xc7: {  	s31 =	sshll.u32 s1, $0xD;
	s1 =	sshrl.u32 s1, $0x2  }
0xc8: {  	s4 =	sand.u32 $0x4000, s31;
	s1 =	sadd.s32 s1, s30  }
0xc9: {  	s0 =	sor.u32 s4, s0;
	s1 =	sshll.u32 s1, $0x11  }
0xca: {  	s0 =	sor.u32 s1, s0  }
0xcb: {  	s0 =	sadd.s32 $0x8F2B, s0  }
0xcc: {  	[sflag:s0] =	ssyncadd.remote.s32 $0x1  }
0xcd: {  	_ =	sfence.sel $0xFFFF  }
0xce: {  	[dreg:$0x0] =	wrdreg $0xFFFFFFFF;
	(pc) =	sbr.abs _section_cstart, $3  }
0xcf: {  	[dreg:$0x1] =	wrdreg $0xFFFFFFFF  }
0xd0: {  	_ =	task.clear_ibuf [dreg:s22], $0x2FFFF;
	_ =	strace $0x9FFFFFFF  }
0xd1: {  	(tm) =	ssettm $0x7FFFFFFF  }
tec
execute0_lowered:
.L_overlay_start_1:
0x0: {  	(tag) =	ssettag $0x1  }
0x1: {  	s24 =	rddreg [dreg:$0x0]  }
0x2: {  	s2 =	rddreg [dreg:$0x1]  }
0x3: {  	s0 =	srdreg.scid;
	s1 =	stileid.u32  }
0x4: {  	s3 =	simm.s32 $0x0;
	s6 =	simm.s32 $0xC400;
	s0 =	sand.u32 $0x1, s0  }
0x5: {  	s4 =	sshll.u32 s1, $0xC;
	[smem:$0x7FF] =	sst s3;
	s5 =	sshll.u32 s0, $0xB  }
0x6: {  	s30 =	sadd.s32 $0x27400, s24;
	s18 =	sadd.s32 $0x4C00, s24;
	s31 =	sor.u32 s5, s4  }
0x7: {  	[dreg:$0x4] =	wrdreg s0;
	s0 =	smul.u32 $0x1880, s1;
	s4 =	sshrl.u32 s31, $0x3  }
0x8: {  	s7 =	smul.u32 $0x31000, s1;
	_ =	strace $0x80000056;
	s4 =	sadd.s32 s30, s4  }
0x9: {  	s5 =	simm.s32 $0x2;
	[dreg:$0x3] =	wrdreg s4;
	s4 =	sadd.s32 s18, s0  }
0xa: {  	[tilespmem:s6], [sflag:$0x2] =	stream.linear.gather [hbm4b:s4+s3], $0x1C00, $0x38;
	[tilespmem:$0x1E200] =	vst v63  }
0xb: {  	_ =	swait.ge [sflag:s5], $0x1C00  }
0xc: {  	s7 =	sshrl.u32 s7, $0x2;
	[sflag:s5] =	ssyncset.done $0x0  }
0xd: {  	s19 =	smul.u32 $0x188, s1;
	s7 =	sadd.s32 s7, s2;
	[sflag:s5] =	ssyncadd.s32 $0xFFFFE400  }
0xe: {  	[spmem:s7] =	stream.linear.scatter [tilespmem:s6], [sflag:$0x2], $0x1C00, $0x38;
	[tilespmem:$0x1E200] =	vst v63  }
0xf: {  	s9 =	sadd.s32 $0x38, s19;
	_ =	swait.ge [sflag:s5], $0x1C00  }
0x10: {  	s8 =	sshll.u32 s9, $0x4;
	[sflag:s5] =	ssyncset.done $0x0  }
0x11: {  	s8 =	sadd.s32 s18, s8;
	[sflag:s5] =	ssyncadd.s32 $0xFFFFE400  }
0x12: {  	[tilespmem:s6], [sflag:$0x2] =	stream.linear.gather [hbm4b:s8+s3], $0x1C00, $0x38;
	[tilespmem:$0x1E200] =	vst v63  }
0x13: {  	_ =	swait.ge [sflag:s5], $0x1C00  }
0x14: {  	s9 =	sshll.u32 s9, $0x7;
	[sflag:s5] =	ssyncset.done $0x0  }
0x15: {  	s9 =	sadd.s32 s9, s2;
	[sflag:s5] =	ssyncadd.s32 $0xFFFFE400  }
0x16: {  	[spmem:s9] =	stream.linear.scatter [tilespmem:s6], [sflag:$0x2], $0x1C00, $0x38;
	[tilespmem:$0x1E200] =	vst v63  }
0x17: {  	s11 =	sadd.s32 $0x70, s19;
	_ =	swait.ge [sflag:s5], $0x1C00  }
0x18: {  	s10 =	sshll.u32 s11, $0x4;
	[sflag:s5] =	ssyncset.done $0x0  }
0x19: {  	s10 =	sadd.s32 s18, s10;
	[sflag:s5] =	ssyncadd.s32 $0xFFFFE400  }
0x1a: {  	[tilespmem:s6], [sflag:$0x2] =	stream.linear.gather [hbm4b:s10+s3], $0x1C00, $0x38;
	[tilespmem:$0x1E200] =	vst v63  }
0x1b: {  	_ =	swait.ge [sflag:s5], $0x1C00  }
0x1c: {  	s11 =	sshll.u32 s11, $0x7;
	[sflag:s5] =	ssyncset.done $0x0  }
0x1d: {  	s11 =	sadd.s32 s11, s2;
	[sflag:s5] =	ssyncadd.s32 $0xFFFFE400  }
0x1e: {  	[spmem:s11] =	stream.linear.scatter [tilespmem:s6], [sflag:$0x2], $0x1C00, $0x38;
	[tilespmem:$0x1E200] =	vst v63  }
0x1f: {  	s13 =	sadd.s32 $0xA8, s19;
	_ =	swait.ge [sflag:s5], $0x1C00  }
0x20: {  	s12 =	sshll.u32 s13, $0x4;
	[sflag:s5] =	ssyncset.done $0x0  }
0x21: {  	s12 =	sadd.s32 s18, s12;
	[sflag:s5] =	ssyncadd.s32 $0xFFFFE400  }
0x22: {  	[tilespmem:s6], [sflag:$0x2] =	stream.linear.gather [hbm4b:s12+s3], $0x1C00, $0x38;
	[tilespmem:$0x1E200] =	vst v63  }
0x23: {  	_ =	swait.ge [sflag:s5], $0x1C00  }
0x24: {  	s13 =	sshll.u32 s13, $0x7;
	[sflag:s5] =	ssyncset.done $0x0  }
0x25: {  	s13 =	sadd.s32 s13, s2;
	[sflag:s5] =	ssyncadd.s32 $0xFFFFE400  }
0x26: {  	[spmem:s13] =	stream.linear.scatter [tilespmem:s6], [sflag:$0x2], $0x1C00, $0x38;
	[tilespmem:$0x1E200] =	vst v63  }
0x27: {  	s15 =	sadd.s32 $0xE0, s19;
	_ =	swait.ge [sflag:s5], $0x1C00  }
0x28: {  	s14 =	sshll.u32 s15, $0x4;
	[sflag:s5] =	ssyncset.done $0x0  }
0x29: {  	s14 =	sadd.s32 s18, s14;
	[sflag:s5] =	ssyncadd.s32 $0xFFFFE400  }
0x2a: {  	[tilespmem:s6], [sflag:$0x2] =	stream.linear.gather [hbm4b:s14+s3], $0x1C00, $0x38;
	[tilespmem:$0x1E200] =	vst v63  }
0x2b: {  	_ =	swait.ge [sflag:s5], $0x1C00  }
0x2c: {  	s15 =	sshll.u32 s15, $0x7;
	[sflag:s5] =	ssyncset.done $0x0  }
0x2d: {  	s15 =	sadd.s32 s15, s2;
	[sflag:s5] =	ssyncadd.s32 $0xFFFFE400  }
0x2e: {  	[spmem:s15] =	stream.linear.scatter [tilespmem:s6], [sflag:$0x2], $0x1C00, $0x38;
	[tilespmem:$0x1E200] =	vst v63  }
0x2f: {  	s17 =	sadd.s32 $0x118, s19;
	_ =	swait.ge [sflag:s5], $0x1C00  }
0x30: {  	s16 =	sshll.u32 s17, $0x4;
	[sflag:s5] =	ssyncset.done $0x0  }
0x31: {  	s16 =	sadd.s32 s18, s16;
	[sflag:s5] =	ssyncadd.s32 $0xFFFFE400  }
0x32: {  	[tilespmem:s6], [sflag:$0x2] =	stream.linear.gather [hbm4b:s16+s3], $0x1C00, $0x38;
	[tilespmem:$0x1E200] =	vst v63  }
0x33: {  	_ =	swait.ge [sflag:s5], $0x1C00  }
0x34: {  	s17 =	sshll.u32 s17, $0x7;
	[sflag:s5] =	ssyncset.done $0x0  }
0x35: {  	s17 =	sadd.s32 s17, s2;
	[sflag:s5] =	ssyncadd.s32 $0xFFFFE400  }
0x36: {  	[spmem:s17] =	stream.linear.scatter [tilespmem:s6], [sflag:$0x2], $0x1C00, $0x38;
	[tilespmem:$0x1E200] =	vst v63  }
0x37: {  	s19 =	sadd.s32 $0x150, s19;
	_ =	swait.ge [sflag:s5], $0x1C00  }
0x38: {  	s20 =	sshll.u32 s19, $0x4;
	[sflag:s5] =	ssyncset.done $0x0  }
0x39: {  	s18 =	sadd.s32 s18, s20;
	[sflag:s5] =	ssyncadd.s32 $0xFFFFE400  }
0x3a: {  	[tilespmem:s6], [sflag:$0x2] =	stream.linear.gather [hbm4b:s18+s3], $0x1C00, $0x38;
	[tilespmem:$0x1E200] =	vst v63  }
0x3b: {  	_ =	swait.ge [sflag:s5], $0x1C00  }
0x3c: {  	s19 =	sshll.u32 s19, $0x7;
	[sflag:s5] =	ssyncset.done $0x0  }
0x3d: {  	s19 =	sadd.s32 s19, s2;
	[sflag:s5] =	ssyncadd.s32 $0xFFFFE400  }
0x3e: {  	[spmem:s19] =	stream.linear.scatter [tilespmem:s6], [sflag:$0x2], $0x1C00, $0x38;
	[tilespmem:$0x1E200] =	vst v63  }
0x3f: {  	_ =	swait.ge [sflag:s5], $0x1C00  }
0x40: {  	[sflag:s5] =	ssyncset.done $0x0  }
0x41: {  	[sflag:s5] =	ssyncadd.s32 $0xFFFFE400  }
0x42: {  	[bflag:$0x0] =	sbarrier.arrive $0xFFFF  }
0x43: {  	s20 =	simm.s32 $0xE000;
	s21 =	rddreg [dreg:$0x3]  }
0x44: {  	[tilespmem:s20], [sflag:$0x2] =	stream.linear.gather [hbm4b:s21+s3], $0x200, $0x38;
	[tilespmem:$0x1E200] =	vst v63  }
0x45: {  	_ =	swait.ge [sflag:s5], $0x200  }
0x46: {  	s22 =	simm.s32 $0xE200;
	[sflag:s5] =	ssyncset.done $0x0  }
0x47: {  	s23 =	simm.s32 $0x1;
	s21 =	simm.s32 $0x200;
	[sflag:s5] =	ssyncadd.s32 $0xFFFFFE00  }
0x48: {  	[tilespmem:s22], [sflag:$0x1] =	stream.indirect.gather [spmem:s2], $0x80, s20, s21, $0xb8;
	[tilespmem:$0x1E200] =	vst v63  }
0x49: {  	_ =	swait.ge [sflag:s23], $0x10000  }
0x4a: {  	s1 =	sadd.s32 $0x52D400, s24;
	s26 =	sshll.u32 s31, $0x4;
	[sflag:s23] =	ssyncset.done $0x0  }
0x4b: {  	s24 =	sadd.s32 s1, s26;
	[sflag:s23] =	ssyncadd.s32 $0xFFFF0000  }
0x4c: {  	[hbm4b:s24+s3] =	stream.linear.scatter [tilespmem:s22], [sflag:$0x2], $0x10000, $0x38;
	[tilespmem:$0x1E200] =	vst v63  }
0x4d: {  	s26 =	sor.u32 $0x200, s31;
	_ =	swait.ge [sflag:s5], $0x10000  }
0x4e: {  	s25 =	sshrl.u32 s26, $0x3;
	[sflag:s5] =	ssyncset.done $0x0  }
0x4f: {  	s25 =	sadd.s32 s30, s25;
	[sflag:s5] =	ssyncadd.s32 $0xFFFF0000  }
0x50: {  	[tilespmem:s20], [sflag:$0x2] =	stream.linear.gather [hbm4b:s25+s3], $0x200, $0x38;
	[tilespmem:$0x1E200] =	vst v63  }
0x51: {  	_ =	swait.ge [sflag:s5], $0x200  }
0x52: {  	[sflag:s5] =	ssyncset.done $0x0  }
0x53: {  	[sflag:s5] =	ssyncadd.s32 $0xFFFFFE00  }
0x54: {  	[tilespmem:s22], [sflag:$0x1] =	stream.indirect.gather [spmem:s2], $0x80, s20, s21, $0xb8;
	[tilespmem:$0x1E200] =	vst v63  }
0x55: {  	_ =	swait.ge [sflag:s23], $0x10000  }
0x56: {  	s26 =	sshll.u32 s26, $0x4;
	[sflag:s23] =	ssyncset.done $0x0  }
0x57: {  	s26 =	sadd.s32 s1, s26;
	[dreg:$0x5] =	wrdreg s1;
	[sflag:s23] =	ssyncadd.s32 $0xFFFF0000  }
0x58: {  	[hbm4b:s26+s3] =	stream.linear.scatter [tilespmem:s22], [sflag:$0x2], $0x10000, $0x38;
	[tilespmem:$0x1E200] =	vst v63  }
0x59: {  	s29 =	sor.u32 $0x400, s31;
	_ =	swait.ge [sflag:s5], $0x10000  }
0x5a: {  	s28 =	sshrl.u32 s29, $0x3;
	[sflag:s5] =	ssyncset.done $0x0  }
0x5b: {  	s28 =	sadd.s32 s30, s28;
	[sflag:s5] =	ssyncadd.s32 $0xFFFF0000  }
0x5c: {  	[tilespmem:s20], [sflag:$0x2] =	stream.linear.gather [hbm4b:s28+s3], $0x200, $0x38;
	[tilespmem:$0x1E200] =	vst v63  }
0x5d: {  	_ =	swait.ge [sflag:s5], $0x200  }
0x5e: {  	[sflag:s5] =	ssyncset.done $0x0  }
0x5f: {  	[sflag:s5] =	ssyncadd.s32 $0xFFFFFE00  }
0x60: {  	[tilespmem:s22], [sflag:$0x1] =	stream.indirect.gather [spmem:s2], $0x80, s20, s21, $0xb8;
	[tilespmem:$0x1E200] =	vst v63  }
0x61: {  	_ =	swait.ge [sflag:s23], $0x10000  }
0x62: {  	s29 =	sshll.u32 s29, $0x4;
	[sflag:s23] =	ssyncset.done $0x0  }
0x63: {  	s29 =	sadd.s32 s1, s29;
	[sflag:s23] =	ssyncadd.s32 $0xFFFF0000  }
0x64: {  	[hbm4b:s29+s3] =	stream.linear.scatter [tilespmem:s22], [sflag:$0x2], $0x10000, $0x38;
	[tilespmem:$0x1E200] =	vst v63  }
0x65: {  	s31 =	sor.u32 $0x600, s31;
	_ =	swait.ge [sflag:s5], $0x10000  }
0x66: {  	s1 =	sshrl.u32 s31, $0x3;
	[sflag:s5] =	ssyncset.done $0x0  }
0x67: {  	s30 =	sadd.s32 s30, s1;
	[sflag:s5] =	ssyncadd.s32 $0xFFFF0000  }
0x68: {  	[tilespmem:s20], [sflag:$0x2] =	stream.linear.gather [hbm4b:s30+s3], $0x200, $0x38;
	[tilespmem:$0x1E200] =	vst v63  }
0x69: {  	_ =	swait.ge [sflag:s5], $0x200  }
0x6a: {  	[sflag:s5] =	ssyncset.done $0x0;
	s1 =	rddreg [dreg:$0x4]  }
0x6b: {  	s0 =	ssub.s32 $0x2, s1;
	[sflag:s5] =	ssyncadd.s32 $0xFFFFFE00  }
0x6c: {  	[tilespmem:s22], [sflag:$0x1] =	stream.indirect.gather [spmem:s2], $0x80, s20, s21, $0xb8;
	[tilespmem:$0x1E200] =	vst v63  }
0x6d: {  	s1 =	sshrl.u32 s0, $0x1  }
0x6e: {  	s0 =	ssub.s32 s0, s1  }
0x6f: {  	s0 =	smax.u32 s0, $0x1  }
0x70: {  	_ =	swait.ge [sflag:s23], $0x10000;
	s1 =	sshll.u32 s31, $0x4;
	p0 =	sne.s32 s0, $0x1  }
.Ltmp0:
0x71: {  	[sflag:s23] =	ssyncset.done $0x0;
	s31 =	rddreg [dreg:$0x5];
	(pc) =	sbr.rel @!p0 .LBB2_2-.Ltmp0, $4  }
0x72: {  	s31 =	sadd.s32 s31, s1;
	[sflag:s23] =	ssyncadd.s32 $0xFFFF0000  }
0x73: {  	[hbm4b:s31+s3] =	stream.linear.scatter [tilespmem:s22], [sflag:$0x2], $0x10000, $0x38;
	[tilespmem:$0x1E200] =	vst v63  }
0x74: {  	_ =	swait.ge [sflag:s5], $0x10000  }
0x75: {  	s0 =	sadd.s32 $0xFFFFFFFF, s0;
	[sflag:s5] =	ssyncset.done $0x0  }
.LBB2_1:
0x76: {  	[sflag:s5] =	ssyncadd.s32 $0xFFFF0000  }
0x77: {  	[tilespmem:s6], [sflag:$0x2] =	stream.linear.gather [hbm4b:s4+s3], $0x1C00, $0x38;
	[tilespmem:$0x1E200] =	vst v63  }
0x78: {  	_ =	swait.ge [sflag:s5], $0x1C00  }
0x79: {  	[sflag:s5] =	ssyncset.done $0x0  }
0x7a: {  	[sflag:s5] =	ssyncadd.s32 $0xFFFFE400  }
0x7b: {  	[spmem:s7] =	stream.linear.scatter [tilespmem:s6], [sflag:$0x2], $0x1C00, $0x38;
	[tilespmem:$0x1E200] =	vst v63  }
0x7c: {  	_ =	swait.ge [sflag:s5], $0x1C00  }
0x7d: {  	[sflag:s5] =	ssyncset.done $0x0  }
0x7e: {  	[sflag:s5] =	ssyncadd.s32 $0xFFFFE400  }
0x7f: {  	[tilespmem:s6], [sflag:$0x2] =	stream.linear.gather [hbm4b:s8+s3], $0x1C00, $0x38;
	[tilespmem:$0x1E200] =	vst v63  }
0x80: {  	_ =	swait.ge [sflag:s5], $0x1C00  }
0x81: {  	[sflag:s5] =	ssyncset.done $0x0  }
0x82: {  	[sflag:s5] =	ssyncadd.s32 $0xFFFFE400  }
0x83: {  	[spmem:s9] =	stream.linear.scatter [tilespmem:s6], [sflag:$0x2], $0x1C00, $0x38;
	[tilespmem:$0x1E200] =	vst v63  }
0x84: {  	_ =	swait.ge [sflag:s5], $0x1C00  }
0x85: {  	[sflag:s5] =	ssyncset.done $0x0  }
0x86: {  	[sflag:s5] =	ssyncadd.s32 $0xFFFFE400  }
0x87: {  	[tilespmem:s6], [sflag:$0x2] =	stream.linear.gather [hbm4b:s10+s3], $0x1C00, $0x38;
	[tilespmem:$0x1E200] =	vst v63  }
0x88: {  	_ =	swait.ge [sflag:s5], $0x1C00  }
0x89: {  	[sflag:s5] =	ssyncset.done $0x0  }
0x8a: {  	[sflag:s5] =	ssyncadd.s32 $0xFFFFE400  }
0x8b: {  	[spmem:s11] =	stream.linear.scatter [tilespmem:s6], [sflag:$0x2], $0x1C00, $0x38;
	[tilespmem:$0x1E200] =	vst v63  }
0x8c: {  	_ =	swait.ge [sflag:s5], $0x1C00  }
0x8d: {  	[sflag:s5] =	ssyncset.done $0x0  }
0x8e: {  	[sflag:s5] =	ssyncadd.s32 $0xFFFFE400  }
0x8f: {  	[tilespmem:s6], [sflag:$0x2] =	stream.linear.gather [hbm4b:s12+s3], $0x1C00, $0x38;
	[tilespmem:$0x1E200] =	vst v63  }
0x90: {  	_ =	swait.ge [sflag:s5], $0x1C00  }
0x91: {  	[sflag:s5] =	ssyncset.done $0x0  }
0x92: {  	[sflag:s5] =	ssyncadd.s32 $0xFFFFE400  }
0x93: {  	[spmem:s13] =	stream.linear.scatter [tilespmem:s6], [sflag:$0x2], $0x1C00, $0x38;
	[tilespmem:$0x1E200] =	vst v63  }
0x94: {  	_ =	swait.ge [sflag:s5], $0x1C00  }
0x95: {  	[sflag:s5] =	ssyncset.done $0x0  }
0x96: {  	[sflag:s5] =	ssyncadd.s32 $0xFFFFE400  }
0x97: {  	[tilespmem:s6], [sflag:$0x2] =	stream.linear.gather [hbm4b:s14+s3], $0x1C00, $0x38;
	[tilespmem:$0x1E200] =	vst v63  }
0x98: {  	_ =	swait.ge [sflag:s5], $0x1C00  }
0x99: {  	[sflag:s5] =	ssyncset.done $0x0  }
0x9a: {  	[sflag:s5] =	ssyncadd.s32 $0xFFFFE400  }
0x9b: {  	[spmem:s15] =	stream.linear.scatter [tilespmem:s6], [sflag:$0x2], $0x1C00, $0x38;
	[tilespmem:$0x1E200] =	vst v63  }
0x9c: {  	_ =	swait.ge [sflag:s5], $0x1C00  }
0x9d: {  	[sflag:s5] =	ssyncset.done $0x0  }
0x9e: {  	[sflag:s5] =	ssyncadd.s32 $0xFFFFE400  }
0x9f: {  	[tilespmem:s6], [sflag:$0x2] =	stream.linear.gather [hbm4b:s16+s3], $0x1C00, $0x38;
	[tilespmem:$0x1E200] =	vst v63  }
0xa0: {  	_ =	swait.ge [sflag:s5], $0x1C00  }
0xa1: {  	[sflag:s5] =	ssyncset.done $0x0  }
0xa2: {  	[sflag:s5] =	ssyncadd.s32 $0xFFFFE400  }
0xa3: {  	[spmem:s17] =	stream.linear.scatter [tilespmem:s6], [sflag:$0x2], $0x1C00, $0x38;
	[tilespmem:$0x1E200] =	vst v63  }
0xa4: {  	_ =	swait.ge [sflag:s5], $0x1C00  }
0xa5: {  	[sflag:s5] =	ssyncset.done $0x0  }
0xa6: {  	[sflag:s5] =	ssyncadd.s32 $0xFFFFE400  }
0xa7: {  	[tilespmem:s6], [sflag:$0x2] =	stream.linear.gather [hbm4b:s18+s3], $0x1C00, $0x38;
	[tilespmem:$0x1E200] =	vst v63  }
0xa8: {  	_ =	swait.ge [sflag:s5], $0x1C00  }
0xa9: {  	[sflag:s5] =	ssyncset.done $0x0  }
0xaa: {  	[sflag:s5] =	ssyncadd.s32 $0xFFFFE400  }
0xab: {  	[spmem:s19] =	stream.linear.scatter [tilespmem:s6], [sflag:$0x2], $0x1C00, $0x38;
	[tilespmem:$0x1E200] =	vst v63  }
0xac: {  	_ =	swait.ge [sflag:s5], $0x1C00  }
0xad: {  	[sflag:s5] =	ssyncset.done $0x0  }
0xae: {  	[sflag:s5] =	ssyncadd.s32 $0xFFFFE400  }
0xaf: {  	[bflag:$0x0] =	sbarrier.arrive $0xFFFF  }
0xb0: {  	s1 =	rddreg [dreg:$0x3]  }
0xb1: {  	[tilespmem:s20], [sflag:$0x2] =	stream.linear.gather [hbm4b:s1+s3], $0x200, $0x38;
	[tilespmem:$0x1E200] =	vst v63  }
0xb2: {  	_ =	swait.ge [sflag:s5], $0x200  }
0xb3: {  	[sflag:s5] =	ssyncset.done $0x0  }
0xb4: {  	[sflag:s5] =	ssyncadd.s32 $0xFFFFFE00  }
0xb5: {  	[tilespmem:s22], [sflag:$0x1] =	stream.indirect.gather [spmem:s2], $0x80, s20, s21, $0xb8;
	[tilespmem:$0x1E200] =	vst v63  }
0xb6: {  	_ =	swait.ge [sflag:s23], $0x10000  }
0xb7: {  	[sflag:s23] =	ssyncset.done $0x0  }
0xb8: {  	[sflag:s23] =	ssyncadd.s32 $0xFFFF0000  }
0xb9: {  	[hbm4b:s24+s3] =	stream.linear.scatter [tilespmem:s22], [sflag:$0x2], $0x10000, $0x38;
	[tilespmem:$0x1E200] =	vst v63  }
0xba: {  	_ =	swait.ge [sflag:s5], $0x10000  }
0xbb: {  	[sflag:s5] =	ssyncset.done $0x0  }
0xbc: {  	[sflag:s5] =	ssyncadd.s32 $0xFFFF0000  }
0xbd: {  	[tilespmem:s20], [sflag:$0x2] =	stream.linear.gather [hbm4b:s25+s3], $0x200, $0x38;
	[tilespmem:$0x1E200] =	vst v63  }
0xbe: {  	_ =	swait.ge [sflag:s5], $0x200  }
0xbf: {  	[sflag:s5] =	ssyncset.done $0x0  }
0xc0: {  	[sflag:s5] =	ssyncadd.s32 $0xFFFFFE00  }
0xc1: {  	[tilespmem:s22], [sflag:$0x1] =	stream.indirect.gather [spmem:s2], $0x80, s20, s21, $0xb8;
	[tilespmem:$0x1E200] =	vst v63  }
0xc2: {  	_ =	swait.ge [sflag:s23], $0x10000  }
0xc3: {  	[sflag:s23] =	ssyncset.done $0x0  }
0xc4: {  	[sflag:s23] =	ssyncadd.s32 $0xFFFF0000  }
0xc5: {  	[hbm4b:s26+s3] =	stream.linear.scatter [tilespmem:s22], [sflag:$0x2], $0x10000, $0x38;
	[tilespmem:$0x1E200] =	vst v63  }
0xc6: {  	_ =	swait.ge [sflag:s5], $0x10000  }
0xc7: {  	[sflag:s5] =	ssyncset.done $0x0  }
0xc8: {  	[sflag:s5] =	ssyncadd.s32 $0xFFFF0000  }
0xc9: {  	[tilespmem:s20], [sflag:$0x2] =	stream.linear.gather [hbm4b:s28+s3], $0x200, $0x38;
	[tilespmem:$0x1E200] =	vst v63  }
0xca: {  	_ =	swait.ge [sflag:s5], $0x200  }
0xcb: {  	[sflag:s5] =	ssyncset.done $0x0  }
0xcc: {  	[sflag:s5] =	ssyncadd.s32 $0xFFFFFE00  }
0xcd: {  	[tilespmem:s22], [sflag:$0x1] =	stream.indirect.gather [spmem:s2], $0x80, s20, s21, $0xb8;
	[tilespmem:$0x1E200] =	vst v63  }
0xce: {  	_ =	swait.ge [sflag:s23], $0x10000  }
0xcf: {  	[sflag:s23] =	ssyncset.done $0x0  }
0xd0: {  	[sflag:s23] =	ssyncadd.s32 $0xFFFF0000  }
0xd1: {  	[hbm4b:s29+s3] =	stream.linear.scatter [tilespmem:s22], [sflag:$0x2], $0x10000, $0x38;
	[tilespmem:$0x1E200] =	vst v63  }
0xd2: {  	_ =	swait.ge [sflag:s5], $0x10000  }
0xd3: {  	[sflag:s5] =	ssyncset.done $0x0  }
0xd4: {  	[sflag:s5] =	ssyncadd.s32 $0xFFFF0000  }
0xd5: {  	[tilespmem:s20], [sflag:$0x2] =	stream.linear.gather [hbm4b:s30+s3], $0x200, $0x38;
	[tilespmem:$0x1E200] =	vst v63  }
0xd6: {  	_ =	swait.ge [sflag:s5], $0x200  }
0xd7: {  	[sflag:s5] =	ssyncset.done $0x0  }
0xd8: {  	[sflag:s5] =	ssyncadd.s32 $0xFFFFFE00  }
0xd9: {  	[tilespmem:s22], [sflag:$0x1] =	stream.indirect.gather [spmem:s2], $0x80, s20, s21, $0xb8;
	[tilespmem:$0x1E200] =	vst v63  }
0xda: {  	p0 =	sne.s32 s0, $0x1;
	_ =	swait.ge [sflag:s23], $0x10000  }
.Ltmp1:
0xdb: {  	[sflag:s23] =	ssyncset.done $0x0;
	(pc) =	sbr.rel @p0 .LBB2_1-.Ltmp1, $4  }
0xdc: {  	[sflag:s23] =	ssyncadd.s32 $0xFFFF0000  }
0xdd: {  	[hbm4b:s31+s3] =	stream.linear.scatter [tilespmem:s22], [sflag:$0x2], $0x10000, $0x38;
	[tilespmem:$0x1E200] =	vst v63  }
0xde: {  	_ =	swait.ge [sflag:s5], $0x10000  }
0xdf: {  	s0 =	sadd.s32 $0xFFFFFFFF, s0;
	[sflag:s5] =	ssyncset.done $0x0  }
.LBB2_2:
0xe0: {  	[sflag:s5] =	ssyncadd.s32 $0xFFFF0000  }
0xe1: {  	_ =	sfence.sel $0x180000  }
0xe2: {  	[bflag:$0x0] =	sbarrier.arrive $0xFFFF  }
0xe3: {  	_ =	strace $0x90000056  }
0xe4: {  	s0 =	stileid.u32;
	[bflag:$0x2] =	sbarrier.arrive $0xFFFF  }
0xe5: {  	p0 =	sne.s32 s0, $0x0;
	s0 =	rddreg [dreg:$0x2]  }
0xe6: {  	s0 =	sadd.s32 @!p0 $0x100000, s0  }
0xe7: {  	[sflag:s0] =	ssyncadd.tile.s32 @!p0 $0x1;
	_ =	shalt  }
.Lfunc_end2:
_tile_overlayer_lowered:
.L_overlay_start_2:
0xe8: {  	(tag) =	ssettag $0x2  }
0xe9: {  	s0 =	rddreg [dreg:$0x0];
	s2 =	stileid.u32  }
0xea: {  	s1 =	rddreg [dreg:$0x1];
	p0 =	sne.s32 s2, $0x0  }
0xeb: {  	s3 =	rddreg [dreg:$0x2];
	[bflag:$0x3] =	sbarrier.arrive $0xFFFF;
	s2 =	simm.s32 @!p0 $0x1C02  }
0xec: {  	[timem:s3], [sflag:s2] =	dma.local @!p0 [hbm:s0], s1  }
0xed: {  	s0 =	simm.s32 @!p0 $0x2  }
0xee: {  	_ =	swait.ge @!p0 [sflag:s0], s1  }
0xef: {  	s1 =	ssub.s32 @!p0 $0x0, s1;
	[sflag:s0] =	ssyncset.done @!p0 $0x0  }
0xf0: {  	[sflag:s0] =	ssyncadd.s32 @!p0 s1  }
0xf1: {  	[bflag:$0x3] =	sbarrier.arrive $0xFFFF  }
0xf2: {  	_ =	shalt  }

// kernel: kernel.37.cloned.1.call-start
scs
__scs_entry_jumppad:
0x0: {  	(pc) =	sbr.rel $0x88, $3  }
0x1: {  	(tag) =	ssettag $0x0;
	lr =	simm.s32 $0x1  }
0x2: {  	[smem:$0x3F91] =	sst lr;
	_ =	strace $0xD0000000  }
0x3: {  	_ = 	snop  }
0x4: {  	_ = 	snop  }
0x5: {  	_ = 	snop  }
0x6: {  	_ = 	snop  }
0x7: {  	_ = 	snop  }
__scs_overlays_trampoline_lowered:
0x8: {  	[smem:$0x3FA0] =	sst s0  }
0x9: {  	[smem:$0x3FA1] =	sst s1  }
0xa: {  	[smem:$0x3FA2] =	sst s2  }
0xb: {  	[smem:$0x3FA3] =	sst s3  }
0xc: {  	[smem:$0x3FA4] =	sst s4  }
0xd: {  	[smem:$0x3FA5] =	sst s5  }
0xe: {  	[smem:$0x3FA6] =	sst s6  }
0xf: {  	[smem:$0x3FA7] =	sst s7  }
0x10: {  	[smem:$0x3FA8] =	sst s8  }
0x11: {  	[smem:$0x3FA9] =	sst s9;
	s0 =	simm.s32 @!p0 $0x0  }
0x12: {  	s1 =	sld [smem:$0x3F8F];
	s0 =	simm.s32 @p0 $0x1  }
0x13: {  	[smem:$0x3FAA] =	sst s0;
	s0 =	simm.s32 @!p1 $0x0  }
0x14: {  	s2 =	sld [smem:$0x3F8E];
	s0 =	simm.s32 @p1 $0x1  }
0x15: {  	[smem:$0x3FAB] =	sst s0;
	s0 =	simm.s32 @!p2 $0x0  }
0x16: {  	s3 =	sld [smem:$0x3FDB];
	s0 =	simm.s32 @p2 $0x1  }
0x17: {  	s4 =	simm.s32 $0x1BF5;
	[smem:$0x3FAD] =	sst s0  }
0x18: {  	s0 =	sld [smem:$0x3F90];
	_ =	swait.ge [sflag:s4], $0x0  }
0x19: {  	s7 =	sld [smem:$0x3F91]  }
0x1a: {  	s8 =	sadd.s32 $0xFFFFE003, lr  }
0x1b: {  	s9 =	sadd.s32 $0xFFFFFEF7, lr;
	s5 =	simm.s32 $0xFFFFFFFF;
	p2 =	slt.u32 s8, $0xFFFFF086  }
0x1c: {  	p1 =	slt.u32 s9, $0xF7A;
	s5 =	simm.s32 @!p2 $0x0  }
0x1d: {  	s5 =	simm.s32 @p1 $0x1;
	p0 =	seq.s32 s7, s2  }
0x1e: {  	s7 =	smul.u32 @!p0 $0xF7A, s2;
	p2 =	seq.s32 @!p0 s5, $0x0  }
0x1f: {  	s9 =	smul.u32 $0xF7A, s1;
	s8 =	simm.s32 @!p0 $0x1BF5;
	p2 =	por !p2, p0  }
0x20: {  	[sflag:s8] =	ssyncset.s32 @!p0 $0xFFFFF086;
	s6 =	sadd.s32 @!p0 s3, s7;
	s7 =	simm.s32 @!p0 $0x108  }
0x21: {  	s3 =	sadd.s32 s3, s9;
	s6 =	sadd.s32 @!p0 $0x88, s6;
	s7 =	simm.s32 @p2 $0x1082  }
0x22: {  	[simem:s7], [sflag:s8] =	dma.local @!p0 [hbm:s6], $0xF7A  }
0x23: {  	s9 =	sor.u32 $0xD0000000, s2;
	s6 =	simm.s32 $0x108;
	_ =	swait.ge @!p0 [sflag:s8], $0x0  }
0x24: {  	s3 =	sadd.s32 $0x88, s3;
	s6 =	simm.s32 @!p1 $0x1082;
	[sflag:s4] =	ssyncset.s32 $0xFFFFF086  }
0x25: {  	[simem:s6], [sflag:s4] =	dma.local [hbm:s3], $0xF7A  }
0x26: {  	[smem:$0x3F91] =	sst s1;
	(tag) =	ssettag s2;
	_ =	strace s9  }
0x27: {  	s1 =	sld [smem:$0x3FA1]  }
0x28: {  	s2 =	sld [smem:$0x3FA2]  }
0x29: {  	s4 =	sld [smem:$0x3FA4]  }
0x2a: {  	p0 =	seq.s32 s5, $0x0;
	s5 =	sld [smem:$0x3FA5]  }
0x2b: {  	s6 =	sld [smem:$0x3FA6]  }
0x2c: {  	s7 =	sld [smem:$0x3FA7]  }
0x2d: {  	s3 =	simm.s32 $0x108;
	s8 =	sld [smem:$0x3FA8]  }
0x2e: {  	s3 =	simm.s32 @!p0 $0x1082;
	s9 =	sld [smem:$0x3FA9]  }
0x2f: {  	lr =	sadd.s32 s0, s3;
	s0 =	sld [smem:$0x3FA0]  }
0x30: {  	s3 =	sld [smem:$0x3FA3]  }
0x31: {  	[smem:$0x3FAC] =	sst s10  }
0x32: {  	s10 =	sld [smem:$0x3FAA];
	_ =	sdelay $0x3  }
0x33: {  	p0 =	seq.s32 s10, $0x1;
	s10 =	sld [smem:$0x3FAC];
	_ =	sdelay $0x3  }
0x34: {  	[smem:$0x3FAC] =	sst s10  }
0x35: {  	s10 =	sld [smem:$0x3FAB];
	_ =	sdelay $0x3  }
0x36: {  	p1 =	seq.s32 s10, $0x1;
	s10 =	sld [smem:$0x3FAC];
	_ =	sdelay $0x3  }
0x37: {  	[smem:$0x3FAC] =	sst s10  }
0x38: {  	s10 =	sld [smem:$0x3FAD]  }
0x39: {  	_ = 	snop;
	(pc) =	sbr.ind lr, $3  }
0x3a: {  	_ = 	snop  }
0x3b: {  	_ = 	snop  }
0x3c: {  	p2 =	seq.s32 s10, $0x1;
	s10 =	sld [smem:$0x3FAC]  }
0x3d: {  	_ =	shalt  }
0x3e: {  	_ =	shalt  }
0x3f: {  	_ =	shalt  }
0x40: {  	_ =	shalt  }
0x41: {  	_ =	shalt  }
0x42: {  	_ =	shalt  }
0x43: {  	_ =	shalt  }
0x44: {  	_ =	shalt  }
0x45: {  	_ =	shalt  }
0x46: {  	_ =	shalt  }
0x47: {  	_ =	shalt  }
0x48: {  	_ =	shalt  }
0x49: {  	_ =	shalt  }
0x4a: {  	_ =	shalt  }
0x4b: {  	_ =	shalt  }
0x4c: {  	_ =	shalt  }
0x4d: {  	_ =	shalt  }
0x4e: {  	_ =	shalt  }
0x4f: {  	_ =	shalt  }
0x50: {  	_ =	shalt  }
0x51: {  	_ =	shalt  }
0x52: {  	_ =	shalt  }
0x53: {  	_ =	shalt  }
0x54: {  	_ =	shalt  }
0x55: {  	_ =	shalt  }
0x56: {  	_ =	shalt  }
0x57: {  	_ =	shalt  }
0x58: {  	_ =	shalt  }
0x59: {  	_ =	shalt  }
0x5a: {  	_ =	shalt  }
0x5b: {  	_ =	shalt  }
0x5c: {  	_ =	shalt  }
0x5d: {  	_ =	shalt  }
0x5e: {  	_ =	shalt  }
0x5f: {  	_ =	shalt  }
0x60: {  	_ =	shalt  }
0x61: {  	_ =	shalt  }
0x62: {  	_ =	shalt  }
0x63: {  	_ =	shalt  }
0x64: {  	_ =	shalt  }
0x65: {  	_ =	shalt  }
0x66: {  	_ =	shalt  }
0x67: {  	_ =	shalt  }
0x68: {  	_ =	shalt  }
0x69: {  	_ =	shalt  }
0x6a: {  	_ =	shalt  }
0x6b: {  	_ =	shalt  }
0x6c: {  	_ =	shalt  }
0x6d: {  	_ =	shalt  }
0x6e: {  	_ =	shalt  }
0x6f: {  	_ =	shalt  }
0x70: {  	_ =	shalt  }
0x71: {  	_ =	shalt  }
0x72: {  	_ =	shalt  }
0x73: {  	_ =	shalt  }
0x74: {  	_ =	shalt  }
0x75: {  	_ =	shalt  }
0x76: {  	_ =	shalt  }
0x77: {  	_ =	shalt  }
0x78: {  	_ =	shalt  }
0x79: {  	_ =	shalt  }
0x7a: {  	_ =	shalt  }
0x7b: {  	_ =	shalt  }
0x7c: {  	_ =	shalt  }
0x7d: {  	_ =	shalt  }
0x7e: {  	_ =	shalt  }
0x7f: {  	_ =	shalt  }
0x80: {  	_ =	shalt  }
0x81: {  	_ =	shalt  }
0x82: {  	_ =	shalt  }
0x83: {  	_ =	shalt  }
0x84: {  	_ =	shalt  }
0x85: {  	_ =	shalt  }
0x86: {  	_ =	shalt  }
0x87: {  	_ =	shalt  }
.Lfunc_end0:
.L_simem_size_0:
called_computation.6_lowered:
.L_overlay_start_0:
0x88: {  	s2 =	sld [smem:$0x3FD9]  }
0x89: {  	s3 =	sld [smem:$0x3FFE];
	_ =	sdelay $0x1  }
0x8a: {  	s1 =	srdreg.scid  }
0x8b: {  	s0 =	sand.u32 $0x1, s1  }
0x8c: {  	s17 =	sshll.u32 s0, $0xA;
	s2 =	sadd.s32 s3, s2  }
0x8d: {  	s2 =	sadd.s32 s2, s17  }
0x8e: {  	[smem:$0x3FB8] =	sst s2  }
0x8f: {  	_ = 	snop  }
0x90: {  	(tm) =	ssettm $0x1  }
0x91: {  	s18 =	sld [smem:$0x3FFB];
	_ =	sdelay $0x3  }
0x92: {  	_ =	strace s18  }
0x93: {  	s2 =	sld [smem:$0x3FFC];
	_ =	sdelay $0x3  }
0x94: {  	_ =	strace s2  }
0x95: {  	s2 =	sld [smem:$0x3FFD];
	_ =	sdelay $0x3  }
0x96: {  	_ =	strace s2  }
0x97: {  	_ =	strace $0x8FFFFFFF  }
0x98: {  	s19 =	sld [smem:$0x3FDB];
	_ =	sdelay $0x1  }
0x99: {  	s20 =	simm.s32 $_scs_section_size  }
0x9a: {  	s4 =	simm.s32 $_size__tile_overlayer_lowered;
	s5 =	simm.s32 $_tile_overlayer_lowered  }
0x9b: {  	s6 =	simm.s32 $0x1BFF;
	s21 =	sshll.u32 s5, $0x1;
	s3 =	sadd.s32 s20, s19  }
0x9c: {  	s22 =	simm.s32 $0x0;
	s4 =	sshll.u32 s4, $0x1;
	s5 =	sadd.s32 s21, s3  }
0x9d: {  	[timem:s22], [sflag:s6] =	dma.local [hbm:s5], s4  }
0x9e: {  	_ =	swait.ge [sflag:s6], s4  }
0x9f: {  	s4 =	ssub.s32 $0x0, s4;
	[sflag:s6] =	ssyncset.done $0x0  }
0xa0: {  	[sflag:s6] =	ssyncadd.s32 s4;
	_ =	sdelay $0x1  }
0xa1: {  	s23 =	simm.s32 $0x1B8B  }
0xa2: {  	_ =	swait.ge [sflag:s23], $0x1  }
0xa3: {  	[sflag:s23] =	ssyncset.done $0x0  }
0xa4: {  	[sflag:s23] =	ssyncadd.s32 $0xFFFFFFFF  }
0xa5: {  	s4 =	sld [smem:$0x0]  }
0xa6: {  	s5 =	sand.u32 $0xFFFFFFFE, s1  }
0xa7: {  	p0 =	sne.s32 s1, s5  }
0xa8: {  	s5 =	sshll.u32 @p0 s5, $0xE  }
0xa9: {  	s5 =	sadd.s32 @p0 $0x11B8D, s5;
	s6 =	sshll.u32 @p0 s4, $0x11  }
0xaa: {  	s5 =	sor.u32 @p0 s6, s5  }
0xab: {  	[sflag:s5] =	ssyncadd.remote.s32 @p0 $0x1;
	_ =	sdelay $0x1  }
0xac: {  	s5 =	simm.s32 @p0 $0x1B8D  }
0xad: {  	_ =	swait.eq @p0 [sflag:s5], $0x1  }
0xae: {  	[sflag:s5] =	ssyncadd.s32 @p0 $0xFFFFFFFF  }
0xaf: {  	s6 =	sshll.u32 @!p0 s1, $0xE  }
0xb0: {  	s6 =	sor.u32 @!p0 $0x4000, s6;
	s5 =	simm.s32 @!p0 $0x1B8D  }
0xb1: {  	s4 =	sshll.u32 @!p0 s4, $0x11;
	s6 =	sadd.s32 @!p0 $0x11B8D, s6;
	_ =	swait.eq @!p0 [sflag:s5], $0x1  }
0xb2: {  	s4 =	sor.u32 @!p0 s4, s6;
	[sflag:s5] =	ssyncadd.s32 @!p0 $0xFFFFFFFF  }
0xb3: {  	s25 =	simm.s32 $0x1B8E;
	s24 =	sld [smem:$0x3FFE];
	[sflag:s4] =	ssyncadd.remote.s32 @!p0 $0x1  }
0xb4: {  	s26 =	simm.s32 $execute0_lowered;
	[smem:$0x3FD2] =	sst s25  }
0xb5: {  	s5 =	sshll.u32 s26, $0x1;
	_ =	strace $0x80000058;
	[dreg:$0x1] =	wrdreg $0xFFFFFFFF  }
0xb6: {  	s28 =	simm.s32 $_size_execute0_lowered;
	s3 =	sadd.s32 s3, s5;
	[dreg:$0x0] =	wrdreg $0x0  }
0xb7: {  	s5 =	sshll.u32 s28, $0x1;
	[dreg:$0x2] =	wrdreg s3  }
0xb8: {  	[dreg:$0x3] =	wrdreg s5  }
0xb9: {  	[dreg:$0x4] =	wrdreg $0xC0  }
0xba: {  	_ =	task [dreg:s22], $0x5FFFF  }
0xbb: {  	[dreg:$0x1] =	wrdreg $0xFFFFFFFF  }
0xbc: {  	[dreg:$0x0] =	wrdreg $0x60  }
0xbd: {  	[dreg:$0x2] =	wrdreg s24  }
0xbe: {  	[dreg:$0x3] =	wrdreg $0x0  }
0xbf: {  	[dreg:$0x4] =	wrdreg $0xF  }
0xc0: {  	_ =	task.clear_ibuf [dreg:s22], $0x5FFFF;
	_ =	strace $0x90000058  }
0xc1: {  	s29 =	simm.s32 $0xF;
	_ =	strace $0x8000005A  }
0xc2: {  	_ =	swait.ge [sflag:s29], $0x1  }
0xc3: {  	[sflag:s29] =	ssyncadd.s32 $0xFFFFFFFF  }
0xc4: {  	_ =	strace $0x9000005A  }
0xc5: {  	_ =	sfence  }
0xc6: {  	s30 =	sld [smem:$0x0];
	_ =	sdelay $0x2  }
0xc7: {  	s31 =	sshll.u32 s1, $0xD;
	s1 =	sshrl.u32 s1, $0x2  }
0xc8: {  	s4 =	sand.u32 $0x4000, s31;
	s1 =	sadd.s32 s1, s30  }
0xc9: {  	s0 =	sor.u32 s4, s0;
	s1 =	sshll.u32 s1, $0x11  }
0xca: {  	s0 =	sor.u32 s1, s0  }
0xcb: {  	s0 =	sadd.s32 $0x8F2B, s0  }
0xcc: {  	[sflag:s0] =	ssyncadd.remote.s32 $0x1  }
0xcd: {  	_ =	sfence.sel $0xFFFF  }
0xce: {  	[dreg:$0x0] =	wrdreg $0xFFFFFFFF;
	(pc) =	sbr.abs _section_cstart, $3  }
0xcf: {  	[dreg:$0x1] =	wrdreg $0xFFFFFFFF  }
0xd0: {  	_ =	task.clear_ibuf [dreg:s22], $0x2FFFF;
	_ =	strace $0x9FFFFFFF  }
0xd1: {  	(tm) =	ssettm $0x7FFFFFFF  }
tec
execute0_lowered:
.L_overlay_start_1:
0x0: {  	(tag) =	ssettag $0x1  }
0x1: {  	s24 =	rddreg [dreg:$0x0]  }
0x2: {  	s2 =	rddreg [dreg:$0x1]  }
0x3: {  	s0 =	srdreg.scid;
	s1 =	stileid.u32  }
0x4: {  	s3 =	simm.s32 $0x0;
	s6 =	simm.s32 $0xC400;
	s0 =	sand.u32 $0x1, s0  }
0x5: {  	s4 =	sshll.u32 s1, $0xC;
	[smem:$0x7FF] =	sst s3;
	s5 =	sshll.u32 s0, $0xB  }
0x6: {  	s30 =	sadd.s32 $0x29400, s24;
	s18 =	sadd.s32 $0x4C00, s24;
	s31 =	sor.u32 s5, s4  }
0x7: {  	[dreg:$0x4] =	wrdreg s0;
	s0 =	smul.u32 $0x1880, s1;
	s4 =	sshrl.u32 s31, $0x3  }
0x8: {  	s7 =	smul.u32 $0x31000, s1;
	_ =	strace $0x80000059;
	s4 =	sadd.s32 s30, s4  }
0x9: {  	s5 =	simm.s32 $0x2;
	[dreg:$0x3] =	wrdreg s4;
	s4 =	sadd.s32 s18, s0  }
0xa: {  	[tilespmem:s6], [sflag:$0x2] =	stream.linear.gather [hbm4b:s4+s3], $0x1C00, $0x38;
	[tilespmem:$0x1E200] =	vst v63  }
0xb: {  	_ =	swait.ge [sflag:s5], $0x1C00  }
0xc: {  	s7 =	sshrl.u32 s7, $0x2;
	[sflag:s5] =	ssyncset.done $0x0  }
0xd: {  	s19 =	smul.u32 $0x188, s1;
	s7 =	sadd.s32 s7, s2;
	[sflag:s5] =	ssyncadd.s32 $0xFFFFE400  }
0xe: {  	[spmem:s7] =	stream.linear.scatter [tilespmem:s6], [sflag:$0x2], $0x1C00, $0x38;
	[tilespmem:$0x1E200] =	vst v63  }
0xf: {  	s9 =	sadd.s32 $0x38, s19;
	_ =	swait.ge [sflag:s5], $0x1C00  }
0x10: {  	s8 =	sshll.u32 s9, $0x4;
	[sflag:s5] =	ssyncset.done $0x0  }
0x11: {  	s8 =	sadd.s32 s18, s8;
	[sflag:s5] =	ssyncadd.s32 $0xFFFFE400  }
0x12: {  	[tilespmem:s6], [sflag:$0x2] =	stream.linear.gather [hbm4b:s8+s3], $0x1C00, $0x38;
	[tilespmem:$0x1E200] =	vst v63  }
0x13: {  	_ =	swait.ge [sflag:s5], $0x1C00  }
0x14: {  	s9 =	sshll.u32 s9, $0x7;
	[sflag:s5] =	ssyncset.done $0x0  }
0x15: {  	s9 =	sadd.s32 s9, s2;
	[sflag:s5] =	ssyncadd.s32 $0xFFFFE400  }
0x16: {  	[spmem:s9] =	stream.linear.scatter [tilespmem:s6], [sflag:$0x2], $0x1C00, $0x38;
	[tilespmem:$0x1E200] =	vst v63  }
0x17: {  	s11 =	sadd.s32 $0x70, s19;
	_ =	swait.ge [sflag:s5], $0x1C00  }
0x18: {  	s10 =	sshll.u32 s11, $0x4;
	[sflag:s5] =	ssyncset.done $0x0  }
0x19: {  	s10 =	sadd.s32 s18, s10;
	[sflag:s5] =	ssyncadd.s32 $0xFFFFE400  }
0x1a: {  	[tilespmem:s6], [sflag:$0x2] =	stream.linear.gather [hbm4b:s10+s3], $0x1C00, $0x38;
	[tilespmem:$0x1E200] =	vst v63  }
0x1b: {  	_ =	swait.ge [sflag:s5], $0x1C00  }
0x1c: {  	s11 =	sshll.u32 s11, $0x7;
	[sflag:s5] =	ssyncset.done $0x0  }
0x1d: {  	s11 =	sadd.s32 s11, s2;
	[sflag:s5] =	ssyncadd.s32 $0xFFFFE400  }
0x1e: {  	[spmem:s11] =	stream.linear.scatter [tilespmem:s6], [sflag:$0x2], $0x1C00, $0x38;
	[tilespmem:$0x1E200] =	vst v63  }
0x1f: {  	s13 =	sadd.s32 $0xA8, s19;
	_ =	swait.ge [sflag:s5], $0x1C00  }
0x20: {  	s12 =	sshll.u32 s13, $0x4;
	[sflag:s5] =	ssyncset.done $0x0  }
0x21: {  	s12 =	sadd.s32 s18, s12;
	[sflag:s5] =	ssyncadd.s32 $0xFFFFE400  }
0x22: {  	[tilespmem:s6], [sflag:$0x2] =	stream.linear.gather [hbm4b:s12+s3], $0x1C00, $0x38;
	[tilespmem:$0x1E200] =	vst v63  }
0x23: {  	_ =	swait.ge [sflag:s5], $0x1C00  }
0x24: {  	s13 =	sshll.u32 s13, $0x7;
	[sflag:s5] =	ssyncset.done $0x0  }
0x25: {  	s13 =	sadd.s32 s13, s2;
	[sflag:s5] =	ssyncadd.s32 $0xFFFFE400  }
0x26: {  	[spmem:s13] =	stream.linear.scatter [tilespmem:s6], [sflag:$0x2], $0x1C00, $0x38;
	[tilespmem:$0x1E200] =	vst v63  }
0x27: {  	s15 =	sadd.s32 $0xE0, s19;
	_ =	swait.ge [sflag:s5], $0x1C00  }
0x28: {  	s14 =	sshll.u32 s15, $0x4;
	[sflag:s5] =	ssyncset.done $0x0  }
0x29: {  	s14 =	sadd.s32 s18, s14;
	[sflag:s5] =	ssyncadd.s32 $0xFFFFE400  }
0x2a: {  	[tilespmem:s6], [sflag:$0x2] =	stream.linear.gather [hbm4b:s14+s3], $0x1C00, $0x38;
	[tilespmem:$0x1E200] =	vst v63  }
0x2b: {  	_ =	swait.ge [sflag:s5], $0x1C00  }
0x2c: {  	s15 =	sshll.u32 s15, $0x7;
	[sflag:s5] =	ssyncset.done $0x0  }
0x2d: {  	s15 =	sadd.s32 s15, s2;
	[sflag:s5] =	ssyncadd.s32 $0xFFFFE400  }
0x2e: {  	[spmem:s15] =	stream.linear.scatter [tilespmem:s6], [sflag:$0x2], $0x1C00, $0x38;
	[tilespmem:$0x1E200] =	vst v63  }
0x2f: {  	s17 =	sadd.s32 $0x118, s19;
	_ =	swait.ge [sflag:s5], $0x1C00  }
0x30: {  	s16 =	sshll.u32 s17, $0x4;
	[sflag:s5] =	ssyncset.done $0x0  }
0x31: {  	s16 =	sadd.s32 s18, s16;
	[sflag:s5] =	ssyncadd.s32 $0xFFFFE400  }
0x32: {  	[tilespmem:s6], [sflag:$0x2] =	stream.linear.gather [hbm4b:s16+s3], $0x1C00, $0x38;
	[tilespmem:$0x1E200] =	vst v63  }
0x33: {  	_ =	swait.ge [sflag:s5], $0x1C00  }
0x34: {  	s17 =	sshll.u32 s17, $0x7;
	[sflag:s5] =	ssyncset.done $0x0  }
0x35: {  	s17 =	sadd.s32 s17, s2;
	[sflag:s5] =	ssyncadd.s32 $0xFFFFE400  }
0x36: {  	[spmem:s17] =	stream.linear.scatter [tilespmem:s6], [sflag:$0x2], $0x1C00, $0x38;
	[tilespmem:$0x1E200] =	vst v63  }
0x37: {  	s19 =	sadd.s32 $0x150, s19;
	_ =	swait.ge [sflag:s5], $0x1C00  }
0x38: {  	s20 =	sshll.u32 s19, $0x4;
	[sflag:s5] =	ssyncset.done $0x0  }
0x39: {  	s18 =	sadd.s32 s18, s20;
	[sflag:s5] =	ssyncadd.s32 $0xFFFFE400  }
0x3a: {  	[tilespmem:s6], [sflag:$0x2] =	stream.linear.gather [hbm4b:s18+s3], $0x1C00, $0x38;
	[tilespmem:$0x1E200] =	vst v63  }
0x3b: {  	_ =	swait.ge [sflag:s5], $0x1C00  }
0x3c: {  	s19 =	sshll.u32 s19, $0x7;
	[sflag:s5] =	ssyncset.done $0x0  }
0x3d: {  	s19 =	sadd.s32 s19, s2;
	[sflag:s5] =	ssyncadd.s32 $0xFFFFE400  }
0x3e: {  	[spmem:s19] =	stream.linear.scatter [tilespmem:s6], [sflag:$0x2], $0x1C00, $0x38;
	[tilespmem:$0x1E200] =	vst v63  }
0x3f: {  	_ =	swait.ge [sflag:s5], $0x1C00  }
0x40: {  	[sflag:s5] =	ssyncset.done $0x0  }
0x41: {  	[sflag:s5] =	ssyncadd.s32 $0xFFFFE400  }
0x42: {  	[bflag:$0x0] =	sbarrier.arrive $0xFFFF  }
0x43: {  	s20 =	simm.s32 $0xE000;
	s21 =	rddreg [dreg:$0x3]  }
0x44: {  	[tilespmem:s20], [sflag:$0x2] =	stream.linear.gather [hbm4b:s21+s3], $0x200, $0x38;
	[tilespmem:$0x1E200] =	vst v63  }
0x45: {  	_ =	swait.ge [sflag:s5], $0x200  }
0x46: {  	s22 =	simm.s32 $0xE200;
	[sflag:s5] =	ssyncset.done $0x0  }
0x47: {  	s23 =	simm.s32 $0x1;
	s21 =	simm.s32 $0x200;
	[sflag:s5] =	ssyncadd.s32 $0xFFFFFE00  }
0x48: {  	[tilespmem:s22], [sflag:$0x1] =	stream.indirect.gather [spmem:s2], $0x80, s20, s21, $0xb8;
	[tilespmem:$0x1E200] =	vst v63  }
0x49: {  	_ =	swait.ge [sflag:s23], $0x10000  }
0x4a: {  	s1 =	sadd.s32 $0x62D400, s24;
	s26 =	sshll.u32 s31, $0x4;
	[sflag:s23] =	ssyncset.done $0x0  }
0x4b: {  	s24 =	sadd.s32 s1, s26;
	[sflag:s23] =	ssyncadd.s32 $0xFFFF0000  }
0x4c: {  	[hbm4b:s24+s3] =	stream.linear.scatter [tilespmem:s22], [sflag:$0x2], $0x10000, $0x38;
	[tilespmem:$0x1E200] =	vst v63  }
0x4d: {  	s26 =	sor.u32 $0x200, s31;
	_ =	swait.ge [sflag:s5], $0x10000  }
0x4e: {  	s25 =	sshrl.u32 s26, $0x3;
	[sflag:s5] =	ssyncset.done $0x0  }
0x4f: {  	s25 =	sadd.s32 s30, s25;
	[sflag:s5] =	ssyncadd.s32 $0xFFFF0000  }
0x50: {  	[tilespmem:s20], [sflag:$0x2] =	stream.linear.gather [hbm4b:s25+s3], $0x200, $0x38;
	[tilespmem:$0x1E200] =	vst v63  }
0x51: {  	_ =	swait.ge [sflag:s5], $0x200  }
0x52: {  	[sflag:s5] =	ssyncset.done $0x0  }
0x53: {  	[sflag:s5] =	ssyncadd.s32 $0xFFFFFE00  }
0x54: {  	[tilespmem:s22], [sflag:$0x1] =	stream.indirect.gather [spmem:s2], $0x80, s20, s21, $0xb8;
	[tilespmem:$0x1E200] =	vst v63  }
0x55: {  	_ =	swait.ge [sflag:s23], $0x10000  }
0x56: {  	s26 =	sshll.u32 s26, $0x4;
	[sflag:s23] =	ssyncset.done $0x0  }
0x57: {  	s26 =	sadd.s32 s1, s26;
	[dreg:$0x5] =	wrdreg s1;
	[sflag:s23] =	ssyncadd.s32 $0xFFFF0000  }
0x58: {  	[hbm4b:s26+s3] =	stream.linear.scatter [tilespmem:s22], [sflag:$0x2], $0x10000, $0x38;
	[tilespmem:$0x1E200] =	vst v63  }
0x59: {  	s29 =	sor.u32 $0x400, s31;
	_ =	swait.ge [sflag:s5], $0x10000  }
0x5a: {  	s28 =	sshrl.u32 s29, $0x3;
	[sflag:s5] =	ssyncset.done $0x0  }
0x5b: {  	s28 =	sadd.s32 s30, s28;
	[sflag:s5] =	ssyncadd.s32 $0xFFFF0000  }
0x5c: {  	[tilespmem:s20], [sflag:$0x2] =	stream.linear.gather [hbm4b:s28+s3], $0x200, $0x38;
	[tilespmem:$0x1E200] =	vst v63  }
0x5d: {  	_ =	swait.ge [sflag:s5], $0x200  }
0x5e: {  	[sflag:s5] =	ssyncset.done $0x0  }
0x5f: {  	[sflag:s5] =	ssyncadd.s32 $0xFFFFFE00  }
0x60: {  	[tilespmem:s22], [sflag:$0x1] =	stream.indirect.gather [spmem:s2], $0x80, s20, s21, $0xb8;
	[tilespmem:$0x1E200] =	vst v63  }
0x61: {  	_ =	swait.ge [sflag:s23], $0x10000  }
0x62: {  	s29 =	sshll.u32 s29, $0x4;
	[sflag:s23] =	ssyncset.done $0x0  }
0x63: {  	s29 =	sadd.s32 s1, s29;
	[sflag:s23] =	ssyncadd.s32 $0xFFFF0000  }
0x64: {  	[hbm4b:s29+s3] =	stream.linear.scatter [tilespmem:s22], [sflag:$0x2], $0x10000, $0x38;
	[tilespmem:$0x1E200] =	vst v63  }
0x65: {  	s31 =	sor.u32 $0x600, s31;
	_ =	swait.ge [sflag:s5], $0x10000  }
0x66: {  	s1 =	sshrl.u32 s31, $0x3;
	[sflag:s5] =	ssyncset.done $0x0  }
0x67: {  	s30 =	sadd.s32 s30, s1;
	[sflag:s5] =	ssyncadd.s32 $0xFFFF0000  }
0x68: {  	[tilespmem:s20], [sflag:$0x2] =	stream.linear.gather [hbm4b:s30+s3], $0x200, $0x38;
	[tilespmem:$0x1E200] =	vst v63  }
0x69: {  	_ =	swait.ge [sflag:s5], $0x200  }
0x6a: {  	[sflag:s5] =	ssyncset.done $0x0;
	s1 =	rddreg [dreg:$0x4]  }
0x6b: {  	s0 =	ssub.s32 $0x2, s1;
	[sflag:s5] =	ssyncadd.s32 $0xFFFFFE00  }
0x6c: {  	[tilespmem:s22], [sflag:$0x1] =	stream.indirect.gather [spmem:s2], $0x80, s20, s21, $0xb8;
	[tilespmem:$0x1E200] =	vst v63  }
0x6d: {  	s1 =	sshrl.u32 s0, $0x1  }
0x6e: {  	s0 =	ssub.s32 s0, s1  }
0x6f: {  	s0 =	smax.u32 s0, $0x1  }
0x70: {  	_ =	swait.ge [sflag:s23], $0x10000;
	s1 =	sshll.u32 s31, $0x4;
	p0 =	sne.s32 s0, $0x1  }
.Ltmp0:
0x71: {  	[sflag:s23] =	ssyncset.done $0x0;
	s31 =	rddreg [dreg:$0x5];
	(pc) =	sbr.rel @!p0 .LBB2_2-.Ltmp0, $4  }
0x72: {  	s31 =	sadd.s32 s31, s1;
	[sflag:s23] =	ssyncadd.s32 $0xFFFF0000  }
0x73: {  	[hbm4b:s31+s3] =	stream.linear.scatter [tilespmem:s22], [sflag:$0x2], $0x10000, $0x38;
	[tilespmem:$0x1E200] =	vst v63  }
0x74: {  	_ =	swait.ge [sflag:s5], $0x10000  }
0x75: {  	s0 =	sadd.s32 $0xFFFFFFFF, s0;
	[sflag:s5] =	ssyncset.done $0x0  }
.LBB2_1:
0x76: {  	[sflag:s5] =	ssyncadd.s32 $0xFFFF0000  }
0x77: {  	[tilespmem:s6], [sflag:$0x2] =	stream.linear.gather [hbm4b:s4+s3], $0x1C00, $0x38;
	[tilespmem:$0x1E200] =	vst v63  }
0x78: {  	_ =	swait.ge [sflag:s5], $0x1C00  }
0x79: {  	[sflag:s5] =	ssyncset.done $0x0  }
0x7a: {  	[sflag:s5] =	ssyncadd.s32 $0xFFFFE400  }
0x7b: {  	[spmem:s7] =	stream.linear.scatter [tilespmem:s6], [sflag:$0x2], $0x1C00, $0x38;
	[tilespmem:$0x1E200] =	vst v63  }
0x7c: {  	_ =	swait.ge [sflag:s5], $0x1C00  }
0x7d: {  	[sflag:s5] =	ssyncset.done $0x0  }
0x7e: {  	[sflag:s5] =	ssyncadd.s32 $0xFFFFE400  }
0x7f: {  	[tilespmem:s6], [sflag:$0x2] =	stream.linear.gather [hbm4b:s8+s3], $0x1C00, $0x38;
	[tilespmem:$0x1E200] =	vst v63  }
0x80: {  	_ =	swait.ge [sflag:s5], $0x1C00  }
0x81: {  	[sflag:s5] =	ssyncset.done $0x0  }
0x82: {  	[sflag:s5] =	ssyncadd.s32 $0xFFFFE400  }
0x83: {  	[spmem:s9] =	stream.linear.scatter [tilespmem:s6], [sflag:$0x2], $0x1C00, $0x38;
	[tilespmem:$0x1E200] =	vst v63  }
0x84: {  	_ =	swait.ge [sflag:s5], $0x1C00  }
0x85: {  	[sflag:s5] =	ssyncset.done $0x0  }
0x86: {  	[sflag:s5] =	ssyncadd.s32 $0xFFFFE400  }
0x87: {  	[tilespmem:s6], [sflag:$0x2] =	stream.linear.gather [hbm4b:s10+s3], $0x1C00, $0x38;
	[tilespmem:$0x1E200] =	vst v63  }
0x88: {  	_ =	swait.ge [sflag:s5], $0x1C00  }
0x89: {  	[sflag:s5] =	ssyncset.done $0x0  }
0x8a: {  	[sflag:s5] =	ssyncadd.s32 $0xFFFFE400  }
0x8b: {  	[spmem:s11] =	stream.linear.scatter [tilespmem:s6], [sflag:$0x2], $0x1C00, $0x38;
	[tilespmem:$0x1E200] =	vst v63  }
0x8c: {  	_ =	swait.ge [sflag:s5], $0x1C00  }
0x8d: {  	[sflag:s5] =	ssyncset.done $0x0  }
0x8e: {  	[sflag:s5] =	ssyncadd.s32 $0xFFFFE400  }
0x8f: {  	[tilespmem:s6], [sflag:$0x2] =	stream.linear.gather [hbm4b:s12+s3], $0x1C00, $0x38;
	[tilespmem:$0x1E200] =	vst v63  }
0x90: {  	_ =	swait.ge [sflag:s5], $0x1C00  }
0x91: {  	[sflag:s5] =	ssyncset.done $0x0  }
0x92: {  	[sflag:s5] =	ssyncadd.s32 $0xFFFFE400  }
0x93: {  	[spmem:s13] =	stream.linear.scatter [tilespmem:s6], [sflag:$0x2], $0x1C00, $0x38;
	[tilespmem:$0x1E200] =	vst v63  }
0x94: {  	_ =	swait.ge [sflag:s5], $0x1C00  }
0x95: {  	[sflag:s5] =	ssyncset.done $0x0  }
0x96: {  	[sflag:s5] =	ssyncadd.s32 $0xFFFFE400  }
0x97: {  	[tilespmem:s6], [sflag:$0x2] =	stream.linear.gather [hbm4b:s14+s3], $0x1C00, $0x38;
	[tilespmem:$0x1E200] =	vst v63  }
0x98: {  	_ =	swait.ge [sflag:s5], $0x1C00  }
0x99: {  	[sflag:s5] =	ssyncset.done $0x0  }
0x9a: {  	[sflag:s5] =	ssyncadd.s32 $0xFFFFE400  }
0x9b: {  	[spmem:s15] =	stream.linear.scatter [tilespmem:s6], [sflag:$0x2], $0x1C00, $0x38;
	[tilespmem:$0x1E200] =	vst v63  }
0x9c: {  	_ =	swait.ge [sflag:s5], $0x1C00  }
0x9d: {  	[sflag:s5] =	ssyncset.done $0x0  }
0x9e: {  	[sflag:s5] =	ssyncadd.s32 $0xFFFFE400  }
0x9f: {  	[tilespmem:s6], [sflag:$0x2] =	stream.linear.gather [hbm4b:s16+s3], $0x1C00, $0x38;
	[tilespmem:$0x1E200] =	vst v63  }
0xa0: {  	_ =	swait.ge [sflag:s5], $0x1C00  }
0xa1: {  	[sflag:s5] =	ssyncset.done $0x0  }
0xa2: {  	[sflag:s5] =	ssyncadd.s32 $0xFFFFE400  }
0xa3: {  	[spmem:s17] =	stream.linear.scatter [tilespmem:s6], [sflag:$0x2], $0x1C00, $0x38;
	[tilespmem:$0x1E200] =	vst v63  }
0xa4: {  	_ =	swait.ge [sflag:s5], $0x1C00  }
0xa5: {  	[sflag:s5] =	ssyncset.done $0x0  }
0xa6: {  	[sflag:s5] =	ssyncadd.s32 $0xFFFFE400  }
0xa7: {  	[tilespmem:s6], [sflag:$0x2] =	stream.linear.gather [hbm4b:s18+s3], $0x1C00, $0x38;
	[tilespmem:$0x1E200] =	vst v63  }
0xa8: {  	_ =	swait.ge [sflag:s5], $0x1C00  }
0xa9: {  	[sflag:s5] =	ssyncset.done $0x0  }
0xaa: {  	[sflag:s5] =	ssyncadd.s32 $0xFFFFE400  }
0xab: {  	[spmem:s19] =	stream.linear.scatter [tilespmem:s6], [sflag:$0x2], $0x1C00, $0x38;
	[tilespmem:$0x1E200] =	vst v63  }
0xac: {  	_ =	swait.ge [sflag:s5], $0x1C00  }
0xad: {  	[sflag:s5] =	ssyncset.done $0x0  }
0xae: {  	[sflag:s5] =	ssyncadd.s32 $0xFFFFE400  }
0xaf: {  	[bflag:$0x0] =	sbarrier.arrive $0xFFFF  }
0xb0: {  	s1 =	rddreg [dreg:$0x3]  }
0xb1: {  	[tilespmem:s20], [sflag:$0x2] =	stream.linear.gather [hbm4b:s1+s3], $0x200, $0x38;
	[tilespmem:$0x1E200] =	vst v63  }
0xb2: {  	_ =	swait.ge [sflag:s5], $0x200  }
0xb3: {  	[sflag:s5] =	ssyncset.done $0x0  }
0xb4: {  	[sflag:s5] =	ssyncadd.s32 $0xFFFFFE00  }
0xb5: {  	[tilespmem:s22], [sflag:$0x1] =	stream.indirect.gather [spmem:s2], $0x80, s20, s21, $0xb8;
	[tilespmem:$0x1E200] =	vst v63  }
0xb6: {  	_ =	swait.ge [sflag:s23], $0x10000  }
0xb7: {  	[sflag:s23] =	ssyncset.done $0x0  }
0xb8: {  	[sflag:s23] =	ssyncadd.s32 $0xFFFF0000  }
0xb9: {  	[hbm4b:s24+s3] =	stream.linear.scatter [tilespmem:s22], [sflag:$0x2], $0x10000, $0x38;
	[tilespmem:$0x1E200] =	vst v63  }
0xba: {  	_ =	swait.ge [sflag:s5], $0x10000  }
0xbb: {  	[sflag:s5] =	ssyncset.done $0x0  }
0xbc: {  	[sflag:s5] =	ssyncadd.s32 $0xFFFF0000  }
0xbd: {  	[tilespmem:s20], [sflag:$0x2] =	stream.linear.gather [hbm4b:s25+s3], $0x200, $0x38;
	[tilespmem:$0x1E200] =	vst v63  }
0xbe: {  	_ =	swait.ge [sflag:s5], $0x200  }
0xbf: {  	[sflag:s5] =	ssyncset.done $0x0  }
0xc0: {  	[sflag:s5] =	ssyncadd.s32 $0xFFFFFE00  }
0xc1: {  	[tilespmem:s22], [sflag:$0x1] =	stream.indirect.gather [spmem:s2], $0x80, s20, s21, $0xb8;
	[tilespmem:$0x1E200] =	vst v63  }
0xc2: {  	_ =	swait.ge [sflag:s23], $0x10000  }
0xc3: {  	[sflag:s23] =	ssyncset.done $0x0  }
0xc4: {  	[sflag:s23] =	ssyncadd.s32 $0xFFFF0000  }
0xc5: {  	[hbm4b:s26+s3] =	stream.linear.scatter [tilespmem:s22], [sflag:$0x2], $0x10000, $0x38;
	[tilespmem:$0x1E200] =	vst v63  }
0xc6: {  	_ =	swait.ge [sflag:s5], $0x10000  }
0xc7: {  	[sflag:s5] =	ssyncset.done $0x0  }
0xc8: {  	[sflag:s5] =	ssyncadd.s32 $0xFFFF0000  }
0xc9: {  	[tilespmem:s20], [sflag:$0x2] =	stream.linear.gather [hbm4b:s28+s3], $0x200, $0x38;
	[tilespmem:$0x1E200] =	vst v63  }
0xca: {  	_ =	swait.ge [sflag:s5], $0x200  }
0xcb: {  	[sflag:s5] =	ssyncset.done $0x0  }
0xcc: {  	[sflag:s5] =	ssyncadd.s32 $0xFFFFFE00  }
0xcd: {  	[tilespmem:s22], [sflag:$0x1] =	stream.indirect.gather [spmem:s2], $0x80, s20, s21, $0xb8;
	[tilespmem:$0x1E200] =	vst v63  }
0xce: {  	_ =	swait.ge [sflag:s23], $0x10000  }
0xcf: {  	[sflag:s23] =	ssyncset.done $0x0  }
0xd0: {  	[sflag:s23] =	ssyncadd.s32 $0xFFFF0000  }
0xd1: {  	[hbm4b:s29+s3] =	stream.linear.scatter [tilespmem:s22], [sflag:$0x2], $0x10000, $0x38;
	[tilespmem:$0x1E200] =	vst v63  }
0xd2: {  	_ =	swait.ge [sflag:s5], $0x10000  }
0xd3: {  	[sflag:s5] =	ssyncset.done $0x0  }
0xd4: {  	[sflag:s5] =	ssyncadd.s32 $0xFFFF0000  }
0xd5: {  	[tilespmem:s20], [sflag:$0x2] =	stream.linear.gather [hbm4b:s30+s3], $0x200, $0x38;
	[tilespmem:$0x1E200] =	vst v63  }
0xd6: {  	_ =	swait.ge [sflag:s5], $0x200  }
0xd7: {  	[sflag:s5] =	ssyncset.done $0x0  }
0xd8: {  	[sflag:s5] =	ssyncadd.s32 $0xFFFFFE00  }
0xd9: {  	[tilespmem:s22], [sflag:$0x1] =	stream.indirect.gather [spmem:s2], $0x80, s20, s21, $0xb8;
	[tilespmem:$0x1E200] =	vst v63  }
0xda: {  	p0 =	sne.s32 s0, $0x1;
	_ =	swait.ge [sflag:s23], $0x10000  }
.Ltmp1:
0xdb: {  	[sflag:s23] =	ssyncset.done $0x0;
	(pc) =	sbr.rel @p0 .LBB2_1-.Ltmp1, $4  }
0xdc: {  	[sflag:s23] =	ssyncadd.s32 $0xFFFF0000  }
0xdd: {  	[hbm4b:s31+s3] =	stream.linear.scatter [tilespmem:s22], [sflag:$0x2], $0x10000, $0x38;
	[tilespmem:$0x1E200] =	vst v63  }
0xde: {  	_ =	swait.ge [sflag:s5], $0x10000  }
0xdf: {  	s0 =	sadd.s32 $0xFFFFFFFF, s0;
	[sflag:s5] =	ssyncset.done $0x0  }
.LBB2_2:
0xe0: {  	[sflag:s5] =	ssyncadd.s32 $0xFFFF0000  }
0xe1: {  	_ =	sfence.sel $0x180000  }
0xe2: {  	[bflag:$0x0] =	sbarrier.arrive $0xFFFF  }
0xe3: {  	_ =	strace $0x90000059  }
0xe4: {  	s0 =	stileid.u32;
	[bflag:$0x2] =	sbarrier.arrive $0xFFFF  }
0xe5: {  	p0 =	sne.s32 s0, $0x0;
	s0 =	rddreg [dreg:$0x2]  }
0xe6: {  	s0 =	sadd.s32 @!p0 $0x100000, s0  }
0xe7: {  	[sflag:s0] =	ssyncadd.tile.s32 @!p0 $0x1;
	_ =	shalt  }
.Lfunc_end2:
_tile_overlayer_lowered:
.L_overlay_start_2:
0xe8: {  	(tag) =	ssettag $0x2  }
0xe9: {  	s0 =	rddreg [dreg:$0x0];
	s2 =	stileid.u32  }
0xea: {  	s1 =	rddreg [dreg:$0x1];
	p0 =	sne.s32 s2, $0x0  }
0xeb: {  	s3 =	rddreg [dreg:$0x2];
	[bflag:$0x3] =	sbarrier.arrive $0xFFFF;
	s2 =	simm.s32 @!p0 $0x1C02  }
0xec: {  	[timem:s3], [sflag:s2] =	dma.local @!p0 [hbm:s0], s1  }
0xed: {  	s0 =	simm.s32 @!p0 $0x2  }
0xee: {  	_ =	swait.ge @!p0 [sflag:s0], s1  }
0xef: {  	s1 =	ssub.s32 @!p0 $0x0, s1;
	[sflag:s0] =	ssyncset.done @!p0 $0x0  }
0xf0: {  	[sflag:s0] =	ssyncadd.s32 @!p0 s1  }
0xf1: {  	[bflag:$0x3] =	sbarrier.arrive $0xFFFF  }
0xf2: {  	_ =	shalt  }

// kernel: kernel.40.cloned.1.call-start
scs
__scs_entry_jumppad:
0x0: {  	(pc) =	sbr.rel $0x88, $3  }
0x1: {  	(tag) =	ssettag $0x0;
	lr =	simm.s32 $0x1  }
0x2: {  	[smem:$0x3F91] =	sst lr;
	_ =	strace $0xD0000000  }
0x3: {  	_ = 	snop  }
0x4: {  	_ = 	snop  }
0x5: {  	_ = 	snop  }
0x6: {  	_ = 	snop  }
0x7: {  	_ = 	snop  }
__scs_overlays_trampoline_lowered:
0x8: {  	[smem:$0x3FA0] =	sst s0  }
0x9: {  	[smem:$0x3FA1] =	sst s1  }
0xa: {  	[smem:$0x3FA2] =	sst s2  }
0xb: {  	[smem:$0x3FA3] =	sst s3  }
0xc: {  	[smem:$0x3FA4] =	sst s4  }
0xd: {  	[smem:$0x3FA5] =	sst s5  }
0xe: {  	[smem:$0x3FA6] =	sst s6  }
0xf: {  	[smem:$0x3FA7] =	sst s7  }
0x10: {  	[smem:$0x3FA8] =	sst s8  }
0x11: {  	[smem:$0x3FA9] =	sst s9;
	s0 =	simm.s32 @!p0 $0x0  }
0x12: {  	s1 =	sld [smem:$0x3F8F];
	s0 =	simm.s32 @p0 $0x1  }
0x13: {  	[smem:$0x3FAA] =	sst s0;
	s0 =	simm.s32 @!p1 $0x0  }
0x14: {  	s2 =	sld [smem:$0x3F8E];
	s0 =	simm.s32 @p1 $0x1  }
0x15: {  	[smem:$0x3FAB] =	sst s0;
	s0 =	simm.s32 @!p2 $0x0  }
0x16: {  	s3 =	sld [smem:$0x3FDB];
	s0 =	simm.s32 @p2 $0x1  }
0x17: {  	s4 =	simm.s32 $0x1BF5;
	[smem:$0x3FAD] =	sst s0  }
0x18: {  	s0 =	sld [smem:$0x3F90];
	_ =	swait.ge [sflag:s4], $0x0  }
0x19: {  	s7 =	sld [smem:$0x3F91]  }
0x1a: {  	s8 =	sadd.s32 $0xFFFFE003, lr  }
0x1b: {  	s9 =	sadd.s32 $0xFFFFFEF7, lr;
	s5 =	simm.s32 $0xFFFFFFFF;
	p2 =	slt.u32 s8, $0xFFFFF086  }
0x1c: {  	p1 =	slt.u32 s9, $0xF7A;
	s5 =	simm.s32 @!p2 $0x0  }
0x1d: {  	s5 =	simm.s32 @p1 $0x1;
	p0 =	seq.s32 s7, s2  }
0x1e: {  	s7 =	smul.u32 @!p0 $0xF7A, s2;
	p2 =	seq.s32 @!p0 s5, $0x0  }
0x1f: {  	s9 =	smul.u32 $0xF7A, s1;
	s8 =	simm.s32 @!p0 $0x1BF5;
	p2 =	por !p2, p0  }
0x20: {  	[sflag:s8] =	ssyncset.s32 @!p0 $0xFFFFF086;
	s6 =	sadd.s32 @!p0 s3, s7;
	s7 =	simm.s32 @!p0 $0x108  }
0x21: {  	s3 =	sadd.s32 s3, s9;
	s6 =	sadd.s32 @!p0 $0x88, s6;
	s7 =	simm.s32 @p2 $0x1082  }
0x22: {  	[simem:s7], [sflag:s8] =	dma.local @!p0 [hbm:s6], $0xF7A  }
0x23: {  	s9 =	sor.u32 $0xD0000000, s2;
	s6 =	simm.s32 $0x108;
	_ =	swait.ge @!p0 [sflag:s8], $0x0  }
0x24: {  	s3 =	sadd.s32 $0x88, s3;
	s6 =	simm.s32 @!p1 $0x1082;
	[sflag:s4] =	ssyncset.s32 $0xFFFFF086  }
0x25: {  	[simem:s6], [sflag:s4] =	dma.local [hbm:s3], $0xF7A  }
0x26: {  	[smem:$0x3F91] =	sst s1;
	(tag) =	ssettag s2;
	_ =	strace s9  }
0x27: {  	s1 =	sld [smem:$0x3FA1]  }
0x28: {  	s2 =	sld [smem:$0x3FA2]  }
0x29: {  	s4 =	sld [smem:$0x3FA4]  }
0x2a: {  	p0 =	seq.s32 s5, $0x0;
	s5 =	sld [smem:$0x3FA5]  }
0x2b: {  	s6 =	sld [smem:$0x3FA6]  }
0x2c: {  	s7 =	sld [smem:$0x3FA7]  }
0x2d: {  	s3 =	simm.s32 $0x108;
	s8 =	sld [smem:$0x3FA8]  }
0x2e: {  	s3 =	simm.s32 @!p0 $0x1082;
	s9 =	sld [smem:$0x3FA9]  }
0x2f: {  	lr =	sadd.s32 s0, s3;
	s0 =	sld [smem:$0x3FA0]  }
0x30: {  	s3 =	sld [smem:$0x3FA3]  }
0x31: {  	[smem:$0x3FAC] =	sst s10  }
0x32: {  	s10 =	sld [smem:$0x3FAA];
	_ =	sdelay $0x3  }
0x33: {  	p0 =	seq.s32 s10, $0x1;
	s10 =	sld [smem:$0x3FAC];
	_ =	sdelay $0x3  }
0x34: {  	[smem:$0x3FAC] =	sst s10  }
0x35: {  	s10 =	sld [smem:$0x3FAB];
	_ =	sdelay $0x3  }
0x36: {  	p1 =	seq.s32 s10, $0x1;
	s10 =	sld [smem:$0x3FAC];
	_ =	sdelay $0x3  }
0x37: {  	[smem:$0x3FAC] =	sst s10  }
0x38: {  	s10 =	sld [smem:$0x3FAD]  }
0x39: {  	_ = 	snop;
	(pc) =	sbr.ind lr, $3  }
0x3a: {  	_ = 	snop  }
0x3b: {  	_ = 	snop  }
0x3c: {  	p2 =	seq.s32 s10, $0x1;
	s10 =	sld [smem:$0x3FAC]  }
0x3d: {  	_ =	shalt  }
0x3e: {  	_ =	shalt  }
0x3f: {  	_ =	shalt  }
0x40: {  	_ =	shalt  }
0x41: {  	_ =	shalt  }
0x42: {  	_ =	shalt  }
0x43: {  	_ =	shalt  }
0x44: {  	_ =	shalt  }
0x45: {  	_ =	shalt  }
0x46: {  	_ =	shalt  }
0x47: {  	_ =	shalt  }
0x48: {  	_ =	shalt  }
0x49: {  	_ =	shalt  }
0x4a: {  	_ =	shalt  }
0x4b: {  	_ =	shalt  }
0x4c: {  	_ =	shalt  }
0x4d: {  	_ =	shalt  }
0x4e: {  	_ =	shalt  }
0x4f: {  	_ =	shalt  }
0x50: {  	_ =	shalt  }
0x51: {  	_ =	shalt  }
0x52: {  	_ =	shalt  }
0x53: {  	_ =	shalt  }
0x54: {  	_ =	shalt  }
0x55: {  	_ =	shalt  }
0x56: {  	_ =	shalt  }
0x57: {  	_ =	shalt  }
0x58: {  	_ =	shalt  }
0x59: {  	_ =	shalt  }
0x5a: {  	_ =	shalt  }
0x5b: {  	_ =	shalt  }
0x5c: {  	_ =	shalt  }
0x5d: {  	_ =	shalt  }
0x5e: {  	_ =	shalt  }
0x5f: {  	_ =	shalt  }
0x60: {  	_ =	shalt  }
0x61: {  	_ =	shalt  }
0x62: {  	_ =	shalt  }
0x63: {  	_ =	shalt  }
0x64: {  	_ =	shalt  }
0x65: {  	_ =	shalt  }
0x66: {  	_ =	shalt  }
0x67: {  	_ =	shalt  }
0x68: {  	_ =	shalt  }
0x69: {  	_ =	shalt  }
0x6a: {  	_ =	shalt  }
0x6b: {  	_ =	shalt  }
0x6c: {  	_ =	shalt  }
0x6d: {  	_ =	shalt  }
0x6e: {  	_ =	shalt  }
0x6f: {  	_ =	shalt  }
0x70: {  	_ =	shalt  }
0x71: {  	_ =	shalt  }
0x72: {  	_ =	shalt  }
0x73: {  	_ =	shalt  }
0x74: {  	_ =	shalt  }
0x75: {  	_ =	shalt  }
0x76: {  	_ =	shalt  }
0x77: {  	_ =	shalt  }
0x78: {  	_ =	shalt  }
0x79: {  	_ =	shalt  }
0x7a: {  	_ =	shalt  }
0x7b: {  	_ =	shalt  }
0x7c: {  	_ =	shalt  }
0x7d: {  	_ =	shalt  }
0x7e: {  	_ =	shalt  }
0x7f: {  	_ =	shalt  }
0x80: {  	_ =	shalt  }
0x81: {  	_ =	shalt  }
0x82: {  	_ =	shalt  }
0x83: {  	_ =	shalt  }
0x84: {  	_ =	shalt  }
0x85: {  	_ =	shalt  }
0x86: {  	_ =	shalt  }
0x87: {  	_ =	shalt  }
.Lfunc_end0:
.L_simem_size_0:
called_computation.7_lowered:
.L_overlay_start_0:
0x88: {  	s2 =	sld [smem:$0x3FD9]  }
0x89: {  	s3 =	sld [smem:$0x3FFE];
	_ =	sdelay $0x1  }
0x8a: {  	s1 =	srdreg.scid  }
0x8b: {  	s0 =	sand.u32 $0x1, s1  }
0x8c: {  	s17 =	sshll.u32 s0, $0xA;
	s2 =	sadd.s32 s3, s2  }
0x8d: {  	s2 =	sadd.s32 s2, s17  }
0x8e: {  	[smem:$0x3FB8] =	sst s2  }
0x8f: {  	_ = 	snop  }
0x90: {  	(tm) =	ssettm $0x1  }
0x91: {  	s18 =	sld [smem:$0x3FFB];
	_ =	sdelay $0x3  }
0x92: {  	_ =	strace s18  }
0x93: {  	s2 =	sld [smem:$0x3FFC];
	_ =	sdelay $0x3  }
0x94: {  	_ =	strace s2  }
0x95: {  	s2 =	sld [smem:$0x3FFD];
	_ =	sdelay $0x3  }
0x96: {  	_ =	strace s2  }
0x97: {  	_ =	strace $0x8FFFFFFF  }
0x98: {  	s19 =	sld [smem:$0x3FDB];
	_ =	sdelay $0x1  }
0x99: {  	s20 =	simm.s32 $_scs_section_size  }
0x9a: {  	s4 =	simm.s32 $_size__tile_overlayer_lowered;
	s5 =	simm.s32 $_tile_overlayer_lowered  }
0x9b: {  	s6 =	simm.s32 $0x1BFF;
	s21 =	sshll.u32 s5, $0x1;
	s3 =	sadd.s32 s20, s19  }
0x9c: {  	s22 =	simm.s32 $0x0;
	s4 =	sshll.u32 s4, $0x1;
	s5 =	sadd.s32 s21, s3  }
0x9d: {  	[timem:s22], [sflag:s6] =	dma.local [hbm:s5], s4  }
0x9e: {  	_ =	swait.ge [sflag:s6], s4  }
0x9f: {  	s4 =	ssub.s32 $0x0, s4;
	[sflag:s6] =	ssyncset.done $0x0  }
0xa0: {  	[sflag:s6] =	ssyncadd.s32 s4;
	_ =	sdelay $0x1  }
0xa1: {  	s23 =	simm.s32 $0x1B8B  }
0xa2: {  	_ =	swait.ge [sflag:s23], $0x1  }
0xa3: {  	[sflag:s23] =	ssyncset.done $0x0  }
0xa4: {  	[sflag:s23] =	ssyncadd.s32 $0xFFFFFFFF  }
0xa5: {  	s4 =	sld [smem:$0x0]  }
0xa6: {  	s5 =	sand.u32 $0xFFFFFFFE, s1  }
0xa7: {  	p0 =	sne.s32 s1, s5  }
0xa8: {  	s5 =	sshll.u32 @p0 s5, $0xE  }
0xa9: {  	s5 =	sadd.s32 @p0 $0x11B8D, s5;
	s6 =	sshll.u32 @p0 s4, $0x11  }
0xaa: {  	s5 =	sor.u32 @p0 s6, s5  }
0xab: {  	[sflag:s5] =	ssyncadd.remote.s32 @p0 $0x1;
	_ =	sdelay $0x1  }
0xac: {  	s5 =	simm.s32 @p0 $0x1B8D  }
0xad: {  	_ =	swait.eq @p0 [sflag:s5], $0x1  }
0xae: {  	[sflag:s5] =	ssyncadd.s32 @p0 $0xFFFFFFFF  }
0xaf: {  	s6 =	sshll.u32 @!p0 s1, $0xE  }
0xb0: {  	s6 =	sor.u32 @!p0 $0x4000, s6;
	s5 =	simm.s32 @!p0 $0x1B8D  }
0xb1: {  	s4 =	sshll.u32 @!p0 s4, $0x11;
	s6 =	sadd.s32 @!p0 $0x11B8D, s6;
	_ =	swait.eq @!p0 [sflag:s5], $0x1  }
0xb2: {  	s4 =	sor.u32 @!p0 s4, s6;
	[sflag:s5] =	ssyncadd.s32 @!p0 $0xFFFFFFFF  }
0xb3: {  	s25 =	simm.s32 $0x1B8E;
	s24 =	sld [smem:$0x3FFE];
	[sflag:s4] =	ssyncadd.remote.s32 @!p0 $0x1  }
0xb4: {  	s26 =	simm.s32 $execute0_lowered;
	[smem:$0x3FD2] =	sst s25  }
0xb5: {  	s5 =	sshll.u32 s26, $0x1;
	_ =	strace $0x8000005B;
	[dreg:$0x1] =	wrdreg $0xFFFFFFFF  }
0xb6: {  	s28 =	simm.s32 $_size_execute0_lowered;
	s3 =	sadd.s32 s3, s5;
	[dreg:$0x0] =	wrdreg $0x0  }
0xb7: {  	s5 =	sshll.u32 s28, $0x1;
	[dreg:$0x2] =	wrdreg s3  }
0xb8: {  	[dreg:$0x3] =	wrdreg s5  }
0xb9: {  	[dreg:$0x4] =	wrdreg $0xC0  }
0xba: {  	_ =	task [dreg:s22], $0x5FFFF  }
0xbb: {  	[dreg:$0x1] =	wrdreg $0xFFFFFFFF  }
0xbc: {  	[dreg:$0x0] =	wrdreg $0x60  }
0xbd: {  	[dreg:$0x2] =	wrdreg s24  }
0xbe: {  	[dreg:$0x3] =	wrdreg $0x0  }
0xbf: {  	[dreg:$0x4] =	wrdreg $0x10  }
0xc0: {  	_ =	task.clear_ibuf [dreg:s22], $0x5FFFF;
	_ =	strace $0x9000005B  }
0xc1: {  	s29 =	simm.s32 $0x10;
	_ =	strace $0x8000005D  }
0xc2: {  	_ =	swait.ge [sflag:s29], $0x1  }
0xc3: {  	[sflag:s29] =	ssyncadd.s32 $0xFFFFFFFF  }
0xc4: {  	_ =	strace $0x9000005D  }
0xc5: {  	_ =	sfence  }
0xc6: {  	s30 =	sld [smem:$0x0];
	_ =	sdelay $0x2  }
0xc7: {  	s31 =	sshll.u32 s1, $0xD;
	s1 =	sshrl.u32 s1, $0x2  }
0xc8: {  	s4 =	sand.u32 $0x4000, s31;
	s1 =	sadd.s32 s1, s30  }
0xc9: {  	s0 =	sor.u32 s4, s0;
	s1 =	sshll.u32 s1, $0x11  }
0xca: {  	s0 =	sor.u32 s1, s0  }
0xcb: {  	s0 =	sadd.s32 $0x8F2B, s0  }
0xcc: {  	[sflag:s0] =	ssyncadd.remote.s32 $0x1  }
0xcd: {  	_ =	sfence.sel $0xFFFF  }
0xce: {  	[dreg:$0x0] =	wrdreg $0xFFFFFFFF;
	(pc) =	sbr.abs _section_cstart, $3  }
0xcf: {  	[dreg:$0x1] =	wrdreg $0xFFFFFFFF  }
0xd0: {  	_ =	task.clear_ibuf [dreg:s22], $0x2FFFF;
	_ =	strace $0x9FFFFFFF  }
0xd1: {  	(tm) =	ssettm $0x7FFFFFFF  }
tec
execute0_lowered:
.L_overlay_start_1:
0x0: {  	(tag) =	ssettag $0x1  }
0x1: {  	s24 =	rddreg [dreg:$0x0]  }
0x2: {  	s2 =	rddreg [dreg:$0x1]  }
0x3: {  	s0 =	srdreg.scid;
	s1 =	stileid.u32  }
0x4: {  	s3 =	simm.s32 $0x0;
	s6 =	simm.s32 $0xC400;
	s0 =	sand.u32 $0x1, s0  }
0x5: {  	s4 =	sshll.u32 s1, $0xC;
	[smem:$0x7FF] =	sst s3;
	s5 =	sshll.u32 s0, $0xB  }
0x6: {  	s30 =	sadd.s32 $0x2B400, s24;
	s18 =	sadd.s32 $0x4C00, s24;
	s31 =	sor.u32 s5, s4  }
0x7: {  	[dreg:$0x4] =	wrdreg s0;
	s0 =	smul.u32 $0x1880, s1;
	s4 =	sshrl.u32 s31, $0x3  }
0x8: {  	s7 =	smul.u32 $0x31000, s1;
	_ =	strace $0x8000005C;
	s4 =	sadd.s32 s30, s4  }
0x9: {  	s5 =	simm.s32 $0x2;
	[dreg:$0x3] =	wrdreg s4;
	s4 =	sadd.s32 s18, s0  }
0xa: {  	[tilespmem:s6], [sflag:$0x2] =	stream.linear.gather [hbm4b:s4+s3], $0x1C00, $0x38;
	[tilespmem:$0x1E200] =	vst v63  }
0xb: {  	_ =	swait.ge [sflag:s5], $0x1C00  }
0xc: {  	s7 =	sshrl.u32 s7, $0x2;
	[sflag:s5] =	ssyncset.done $0x0  }
0xd: {  	s19 =	smul.u32 $0x188, s1;
	s7 =	sadd.s32 s7, s2;
	[sflag:s5] =	ssyncadd.s32 $0xFFFFE400  }
0xe: {  	[spmem:s7] =	stream.linear.scatter [tilespmem:s6], [sflag:$0x2], $0x1C00, $0x38;
	[tilespmem:$0x1E200] =	vst v63  }
0xf: {  	s9 =	sadd.s32 $0x38, s19;
	_ =	swait.ge [sflag:s5], $0x1C00  }
0x10: {  	s8 =	sshll.u32 s9, $0x4;
	[sflag:s5] =	ssyncset.done $0x0  }
0x11: {  	s8 =	sadd.s32 s18, s8;
	[sflag:s5] =	ssyncadd.s32 $0xFFFFE400  }
0x12: {  	[tilespmem:s6], [sflag:$0x2] =	stream.linear.gather [hbm4b:s8+s3], $0x1C00, $0x38;
	[tilespmem:$0x1E200] =	vst v63  }
0x13: {  	_ =	swait.ge [sflag:s5], $0x1C00  }
0x14: {  	s9 =	sshll.u32 s9, $0x7;
	[sflag:s5] =	ssyncset.done $0x0  }
0x15: {  	s9 =	sadd.s32 s9, s2;
	[sflag:s5] =	ssyncadd.s32 $0xFFFFE400  }
0x16: {  	[spmem:s9] =	stream.linear.scatter [tilespmem:s6], [sflag:$0x2], $0x1C00, $0x38;
	[tilespmem:$0x1E200] =	vst v63  }
0x17: {  	s11 =	sadd.s32 $0x70, s19;
	_ =	swait.ge [sflag:s5], $0x1C00  }
0x18: {  	s10 =	sshll.u32 s11, $0x4;
	[sflag:s5] =	ssyncset.done $0x0  }
0x19: {  	s10 =	sadd.s32 s18, s10;
	[sflag:s5] =	ssyncadd.s32 $0xFFFFE400  }
0x1a: {  	[tilespmem:s6], [sflag:$0x2] =	stream.linear.gather [hbm4b:s10+s3], $0x1C00, $0x38;
	[tilespmem:$0x1E200] =	vst v63  }
0x1b: {  	_ =	swait.ge [sflag:s5], $0x1C00  }
0x1c: {  	s11 =	sshll.u32 s11, $0x7;
	[sflag:s5] =	ssyncset.done $0x0  }
0x1d: {  	s11 =	sadd.s32 s11, s2;
	[sflag:s5] =	ssyncadd.s32 $0xFFFFE400  }
0x1e: {  	[spmem:s11] =	stream.linear.scatter [tilespmem:s6], [sflag:$0x2], $0x1C00, $0x38;
	[tilespmem:$0x1E200] =	vst v63  }
0x1f: {  	s13 =	sadd.s32 $0xA8, s19;
	_ =	swait.ge [sflag:s5], $0x1C00  }
0x20: {  	s12 =	sshll.u32 s13, $0x4;
	[sflag:s5] =	ssyncset.done $0x0  }
0x21: {  	s12 =	sadd.s32 s18, s12;
	[sflag:s5] =	ssyncadd.s32 $0xFFFFE400  }
0x22: {  	[tilespmem:s6], [sflag:$0x2] =	stream.linear.gather [hbm4b:s12+s3], $0x1C00, $0x38;
	[tilespmem:$0x1E200] =	vst v63  }
0x23: {  	_ =	swait.ge [sflag:s5], $0x1C00  }
0x24: {  	s13 =	sshll.u32 s13, $0x7;
	[sflag:s5] =	ssyncset.done $0x0  }
0x25: {  	s13 =	sadd.s32 s13, s2;
	[sflag:s5] =	ssyncadd.s32 $0xFFFFE400  }
0x26: {  	[spmem:s13] =	stream.linear.scatter [tilespmem:s6], [sflag:$0x2], $0x1C00, $0x38;
	[tilespmem:$0x1E200] =	vst v63  }
0x27: {  	s15 =	sadd.s32 $0xE0, s19;
	_ =	swait.ge [sflag:s5], $0x1C00  }
0x28: {  	s14 =	sshll.u32 s15, $0x4;
	[sflag:s5] =	ssyncset.done $0x0  }
0x29: {  	s14 =	sadd.s32 s18, s14;
	[sflag:s5] =	ssyncadd.s32 $0xFFFFE400  }
0x2a: {  	[tilespmem:s6], [sflag:$0x2] =	stream.linear.gather [hbm4b:s14+s3], $0x1C00, $0x38;
	[tilespmem:$0x1E200] =	vst v63  }
0x2b: {  	_ =	swait.ge [sflag:s5], $0x1C00  }
0x2c: {  	s15 =	sshll.u32 s15, $0x7;
	[sflag:s5] =	ssyncset.done $0x0  }
0x2d: {  	s15 =	sadd.s32 s15, s2;
	[sflag:s5] =	ssyncadd.s32 $0xFFFFE400  }
0x2e: {  	[spmem:s15] =	stream.linear.scatter [tilespmem:s6], [sflag:$0x2], $0x1C00, $0x38;
	[tilespmem:$0x1E200] =	vst v63  }
0x2f: {  	s17 =	sadd.s32 $0x118, s19;
	_ =	swait.ge [sflag:s5], $0x1C00  }
0x30: {  	s16 =	sshll.u32 s17, $0x4;
	[sflag:s5] =	ssyncset.done $0x0  }
0x31: {  	s16 =	sadd.s32 s18, s16;
	[sflag:s5] =	ssyncadd.s32 $0xFFFFE400  }
0x32: {  	[tilespmem:s6], [sflag:$0x2] =	stream.linear.gather [hbm4b:s16+s3], $0x1C00, $0x38;
	[tilespmem:$0x1E200] =	vst v63  }
0x33: {  	_ =	swait.ge [sflag:s5], $0x1C00  }
0x34: {  	s17 =	sshll.u32 s17, $0x7;
	[sflag:s5] =	ssyncset.done $0x0  }
0x35: {  	s17 =	sadd.s32 s17, s2;
	[sflag:s5] =	ssyncadd.s32 $0xFFFFE400  }
0x36: {  	[spmem:s17] =	stream.linear.scatter [tilespmem:s6], [sflag:$0x2], $0x1C00, $0x38;
	[tilespmem:$0x1E200] =	vst v63  }
0x37: {  	s19 =	sadd.s32 $0x150, s19;
	_ =	swait.ge [sflag:s5], $0x1C00  }
0x38: {  	s20 =	sshll.u32 s19, $0x4;
	[sflag:s5] =	ssyncset.done $0x0  }
0x39: {  	s18 =	sadd.s32 s18, s20;
	[sflag:s5] =	ssyncadd.s32 $0xFFFFE400  }
0x3a: {  	[tilespmem:s6], [sflag:$0x2] =	stream.linear.gather [hbm4b:s18+s3], $0x1C00, $0x38;
	[tilespmem:$0x1E200] =	vst v63  }
0x3b: {  	_ =	swait.ge [sflag:s5], $0x1C00  }
0x3c: {  	s19 =	sshll.u32 s19, $0x7;
	[sflag:s5] =	ssyncset.done $0x0  }
0x3d: {  	s19 =	sadd.s32 s19, s2;
	[sflag:s5] =	ssyncadd.s32 $0xFFFFE400  }
0x3e: {  	[spmem:s19] =	stream.linear.scatter [tilespmem:s6], [sflag:$0x2], $0x1C00, $0x38;
	[tilespmem:$0x1E200] =	vst v63  }
0x3f: {  	_ =	swait.ge [sflag:s5], $0x1C00  }
0x40: {  	[sflag:s5] =	ssyncset.done $0x0  }
0x41: {  	[sflag:s5] =	ssyncadd.s32 $0xFFFFE400  }
0x42: {  	[bflag:$0x0] =	sbarrier.arrive $0xFFFF  }
0x43: {  	s20 =	simm.s32 $0xE000;
	s21 =	rddreg [dreg:$0x3]  }
0x44: {  	[tilespmem:s20], [sflag:$0x2] =	stream.linear.gather [hbm4b:s21+s3], $0x200, $0x38;
	[tilespmem:$0x1E200] =	vst v63  }
0x45: {  	_ =	swait.ge [sflag:s5], $0x200  }
0x46: {  	s22 =	simm.s32 $0xE200;
	[sflag:s5] =	ssyncset.done $0x0  }
0x47: {  	s23 =	simm.s32 $0x1;
	s21 =	simm.s32 $0x200;
	[sflag:s5] =	ssyncadd.s32 $0xFFFFFE00  }
0x48: {  	[tilespmem:s22], [sflag:$0x1] =	stream.indirect.gather [spmem:s2], $0x80, s20, s21, $0xb8;
	[tilespmem:$0x1E200] =	vst v63  }
0x49: {  	_ =	swait.ge [sflag:s23], $0x10000  }
0x4a: {  	s1 =	sadd.s32 $0x72D400, s24;
	s26 =	sshll.u32 s31, $0x4;
	[sflag:s23] =	ssyncset.done $0x0  }
0x4b: {  	s24 =	sadd.s32 s1, s26;
	[sflag:s23] =	ssyncadd.s32 $0xFFFF0000  }
0x4c: {  	[hbm4b:s24+s3] =	stream.linear.scatter [tilespmem:s22], [sflag:$0x2], $0x10000, $0x38;
	[tilespmem:$0x1E200] =	vst v63  }
0x4d: {  	s26 =	sor.u32 $0x200, s31;
	_ =	swait.ge [sflag:s5], $0x10000  }
0x4e: {  	s25 =	sshrl.u32 s26, $0x3;
	[sflag:s5] =	ssyncset.done $0x0  }
0x4f: {  	s25 =	sadd.s32 s30, s25;
	[sflag:s5] =	ssyncadd.s32 $0xFFFF0000  }
0x50: {  	[tilespmem:s20], [sflag:$0x2] =	stream.linear.gather [hbm4b:s25+s3], $0x200, $0x38;
	[tilespmem:$0x1E200] =	vst v63  }
0x51: {  	_ =	swait.ge [sflag:s5], $0x200  }
0x52: {  	[sflag:s5] =	ssyncset.done $0x0  }
0x53: {  	[sflag:s5] =	ssyncadd.s32 $0xFFFFFE00  }
0x54: {  	[tilespmem:s22], [sflag:$0x1] =	stream.indirect.gather [spmem:s2], $0x80, s20, s21, $0xb8;
	[tilespmem:$0x1E200] =	vst v63  }
0x55: {  	_ =	swait.ge [sflag:s23], $0x10000  }
0x56: {  	s26 =	sshll.u32 s26, $0x4;
	[sflag:s23] =	ssyncset.done $0x0  }
0x57: {  	s26 =	sadd.s32 s1, s26;
	[dreg:$0x5] =	wrdreg s1;
	[sflag:s23] =	ssyncadd.s32 $0xFFFF0000  }
0x58: {  	[hbm4b:s26+s3] =	stream.linear.scatter [tilespmem:s22], [sflag:$0x2], $0x10000, $0x38;
	[tilespmem:$0x1E200] =	vst v63  }
0x59: {  	s29 =	sor.u32 $0x400, s31;
	_ =	swait.ge [sflag:s5], $0x10000  }
0x5a: {  	s28 =	sshrl.u32 s29, $0x3;
	[sflag:s5] =	ssyncset.done $0x0  }
0x5b: {  	s28 =	sadd.s32 s30, s28;
	[sflag:s5] =	ssyncadd.s32 $0xFFFF0000  }
0x5c: {  	[tilespmem:s20], [sflag:$0x2] =	stream.linear.gather [hbm4b:s28+s3], $0x200, $0x38;
	[tilespmem:$0x1E200] =	vst v63  }
0x5d: {  	_ =	swait.ge [sflag:s5], $0x200  }
0x5e: {  	[sflag:s5] =	ssyncset.done $0x0  }
0x5f: {  	[sflag:s5] =	ssyncadd.s32 $0xFFFFFE00  }
0x60: {  	[tilespmem:s22], [sflag:$0x1] =	stream.indirect.gather [spmem:s2], $0x80, s20, s21, $0xb8;
	[tilespmem:$0x1E200] =	vst v63  }
0x61: {  	_ =	swait.ge [sflag:s23], $0x10000  }
0x62: {  	s29 =	sshll.u32 s29, $0x4;
	[sflag:s23] =	ssyncset.done $0x0  }
0x63: {  	s29 =	sadd.s32 s1, s29;
	[sflag:s23] =	ssyncadd.s32 $0xFFFF0000  }
0x64: {  	[hbm4b:s29+s3] =	stream.linear.scatter [tilespmem:s22], [sflag:$0x2], $0x10000, $0x38;
	[tilespmem:$0x1E200] =	vst v63  }
0x65: {  	s31 =	sor.u32 $0x600, s31;
	_ =	swait.ge [sflag:s5], $0x10000  }
0x66: {  	s1 =	sshrl.u32 s31, $0x3;
	[sflag:s5] =	ssyncset.done $0x0  }
0x67: {  	s30 =	sadd.s32 s30, s1;
	[sflag:s5] =	ssyncadd.s32 $0xFFFF0000  }
0x68: {  	[tilespmem:s20], [sflag:$0x2] =	stream.linear.gather [hbm4b:s30+s3], $0x200, $0x38;
	[tilespmem:$0x1E200] =	vst v63  }
0x69: {  	_ =	swait.ge [sflag:s5], $0x200  }
0x6a: {  	[sflag:s5] =	ssyncset.done $0x0;
	s1 =	rddreg [dreg:$0x4]  }
0x6b: {  	s0 =	ssub.s32 $0x2, s1;
	[sflag:s5] =	ssyncadd.s32 $0xFFFFFE00  }
0x6c: {  	[tilespmem:s22], [sflag:$0x1] =	stream.indirect.gather [spmem:s2], $0x80, s20, s21, $0xb8;
	[tilespmem:$0x1E200] =	vst v63  }
0x6d: {  	s1 =	sshrl.u32 s0, $0x1  }
0x6e: {  	s0 =	ssub.s32 s0, s1  }
0x6f: {  	s0 =	smax.u32 s0, $0x1  }
0x70: {  	_ =	swait.ge [sflag:s23], $0x10000;
	s1 =	sshll.u32 s31, $0x4;
	p0 =	sne.s32 s0, $0x1  }
.Ltmp0:
0x71: {  	[sflag:s23] =	ssyncset.done $0x0;
	s31 =	rddreg [dreg:$0x5];
	(pc) =	sbr.rel @!p0 .LBB2_2-.Ltmp0, $4  }
0x72: {  	s31 =	sadd.s32 s31, s1;
	[sflag:s23] =	ssyncadd.s32 $0xFFFF0000  }
0x73: {  	[hbm4b:s31+s3] =	stream.linear.scatter [tilespmem:s22], [sflag:$0x2], $0x10000, $0x38;
	[tilespmem:$0x1E200] =	vst v63  }
0x74: {  	_ =	swait.ge [sflag:s5], $0x10000  }
0x75: {  	s0 =	sadd.s32 $0xFFFFFFFF, s0;
	[sflag:s5] =	ssyncset.done $0x0  }
.LBB2_1:
0x76: {  	[sflag:s5] =	ssyncadd.s32 $0xFFFF0000  }
0x77: {  	[tilespmem:s6], [sflag:$0x2] =	stream.linear.gather [hbm4b:s4+s3], $0x1C00, $0x38;
	[tilespmem:$0x1E200] =	vst v63  }
0x78: {  	_ =	swait.ge [sflag:s5], $0x1C00  }
0x79: {  	[sflag:s5] =	ssyncset.done $0x0  }
0x7a: {  	[sflag:s5] =	ssyncadd.s32 $0xFFFFE400  }
0x7b: {  	[spmem:s7] =	stream.linear.scatter [tilespmem:s6], [sflag:$0x2], $0x1C00, $0x38;
	[tilespmem:$0x1E200] =	vst v63  }
0x7c: {  	_ =	swait.ge [sflag:s5], $0x1C00  }
0x7d: {  	[sflag:s5] =	ssyncset.done $0x0  }
0x7e: {  	[sflag:s5] =	ssyncadd.s32 $0xFFFFE400  }
0x7f: {  	[tilespmem:s6], [sflag:$0x2] =	stream.linear.gather [hbm4b:s8+s3], $0x1C00, $0x38;
	[tilespmem:$0x1E200] =	vst v63  }
0x80: {  	_ =	swait.ge [sflag:s5], $0x1C00  }
0x81: {  	[sflag:s5] =	ssyncset.done $0x0  }
0x82: {  	[sflag:s5] =	ssyncadd.s32 $0xFFFFE400  }
0x83: {  	[spmem:s9] =	stream.linear.scatter [tilespmem:s6], [sflag:$0x2], $0x1C00, $0x38;
	[tilespmem:$0x1E200] =	vst v63  }
0x84: {  	_ =	swait.ge [sflag:s5], $0x1C00  }
0x85: {  	[sflag:s5] =	ssyncset.done $0x0  }
0x86: {  	[sflag:s5] =	ssyncadd.s32 $0xFFFFE400  }
0x87: {  	[tilespmem:s6], [sflag:$0x2] =	stream.linear.gather [hbm4b:s10+s3], $0x1C00, $0x38;
	[tilespmem:$0x1E200] =	vst v63  }
0x88: {  	_ =	swait.ge [sflag:s5], $0x1C00  }
0x89: {  	[sflag:s5] =	ssyncset.done $0x0  }
0x8a: {  	[sflag:s5] =	ssyncadd.s32 $0xFFFFE400  }
0x8b: {  	[spmem:s11] =	stream.linear.scatter [tilespmem:s6], [sflag:$0x2], $0x1C00, $0x38;
	[tilespmem:$0x1E200] =	vst v63  }
0x8c: {  	_ =	swait.ge [sflag:s5], $0x1C00  }
0x8d: {  	[sflag:s5] =	ssyncset.done $0x0  }
0x8e: {  	[sflag:s5] =	ssyncadd.s32 $0xFFFFE400  }
0x8f: {  	[tilespmem:s6], [sflag:$0x2] =	stream.linear.gather [hbm4b:s12+s3], $0x1C00, $0x38;
	[tilespmem:$0x1E200] =	vst v63  }
0x90: {  	_ =	swait.ge [sflag:s5], $0x1C00  }
0x91: {  	[sflag:s5] =	ssyncset.done $0x0  }
0x92: {  	[sflag:s5] =	ssyncadd.s32 $0xFFFFE400  }
0x93: {  	[spmem:s13] =	stream.linear.scatter [tilespmem:s6], [sflag:$0x2], $0x1C00, $0x38;
	[tilespmem:$0x1E200] =	vst v63  }
0x94: {  	_ =	swait.ge [sflag:s5], $0x1C00  }
0x95: {  	[sflag:s5] =	ssyncset.done $0x0  }
0x96: {  	[sflag:s5] =	ssyncadd.s32 $0xFFFFE400  }
0x97: {  	[tilespmem:s6], [sflag:$0x2] =	stream.linear.gather [hbm4b:s14+s3], $0x1C00, $0x38;
	[tilespmem:$0x1E200] =	vst v63  }
0x98: {  	_ =	swait.ge [sflag:s5], $0x1C00  }
0x99: {  	[sflag:s5] =	ssyncset.done $0x0  }
0x9a: {  	[sflag:s5] =	ssyncadd.s32 $0xFFFFE400  }
0x9b: {  	[spmem:s15] =	stream.linear.scatter [tilespmem:s6], [sflag:$0x2], $0x1C00, $0x38;
	[tilespmem:$0x1E200] =	vst v63  }
0x9c: {  	_ =	swait.ge [sflag:s5], $0x1C00  }
0x9d: {  	[sflag:s5] =	ssyncset.done $0x0  }
0x9e: {  	[sflag:s5] =	ssyncadd.s32 $0xFFFFE400  }
0x9f: {  	[tilespmem:s6], [sflag:$0x2] =	stream.linear.gather [hbm4b:s16+s3], $0x1C00, $0x38;
	[tilespmem:$0x1E200] =	vst v63  }
0xa0: {  	_ =	swait.ge [sflag:s5], $0x1C00  }
0xa1: {  	[sflag:s5] =	ssyncset.done $0x0  }
0xa2: {  	[sflag:s5] =	ssyncadd.s32 $0xFFFFE400  }
0xa3: {  	[spmem:s17] =	stream.linear.scatter [tilespmem:s6], [sflag:$0x2], $0x1C00, $0x38;
	[tilespmem:$0x1E200] =	vst v63  }
0xa4: {  	_ =	swait.ge [sflag:s5], $0x1C00  }
0xa5: {  	[sflag:s5] =	ssyncset.done $0x0  }
0xa6: {  	[sflag:s5] =	ssyncadd.s32 $0xFFFFE400  }
0xa7: {  	[tilespmem:s6], [sflag:$0x2] =	stream.linear.gather [hbm4b:s18+s3], $0x1C00, $0x38;
	[tilespmem:$0x1E200] =	vst v63  }
0xa8: {  	_ =	swait.ge [sflag:s5], $0x1C00  }
0xa9: {  	[sflag:s5] =	ssyncset.done $0x0  }
0xaa: {  	[sflag:s5] =	ssyncadd.s32 $0xFFFFE400  }
0xab: {  	[spmem:s19] =	stream.linear.scatter [tilespmem:s6], [sflag:$0x2], $0x1C00, $0x38;
	[tilespmem:$0x1E200] =	vst v63  }
0xac: {  	_ =	swait.ge [sflag:s5], $0x1C00  }
0xad: {  	[sflag:s5] =	ssyncset.done $0x0  }
0xae: {  	[sflag:s5] =	ssyncadd.s32 $0xFFFFE400  }
0xaf: {  	[bflag:$0x0] =	sbarrier.arrive $0xFFFF  }
0xb0: {  	s1 =	rddreg [dreg:$0x3]  }
0xb1: {  	[tilespmem:s20], [sflag:$0x2] =	stream.linear.gather [hbm4b:s1+s3], $0x200, $0x38;
	[tilespmem:$0x1E200] =	vst v63  }
0xb2: {  	_ =	swait.ge [sflag:s5], $0x200  }
0xb3: {  	[sflag:s5] =	ssyncset.done $0x0  }
0xb4: {  	[sflag:s5] =	ssyncadd.s32 $0xFFFFFE00  }
0xb5: {  	[tilespmem:s22], [sflag:$0x1] =	stream.indirect.gather [spmem:s2], $0x80, s20, s21, $0xb8;
	[tilespmem:$0x1E200] =	vst v63  }
0xb6: {  	_ =	swait.ge [sflag:s23], $0x10000  }
0xb7: {  	[sflag:s23] =	ssyncset.done $0x0  }
0xb8: {  	[sflag:s23] =	ssyncadd.s32 $0xFFFF0000  }
0xb9: {  	[hbm4b:s24+s3] =	stream.linear.scatter [tilespmem:s22], [sflag:$0x2], $0x10000, $0x38;
	[tilespmem:$0x1E200] =	vst v63  }
0xba: {  	_ =	swait.ge [sflag:s5], $0x10000  }
0xbb: {  	[sflag:s5] =	ssyncset.done $0x0  }
0xbc: {  	[sflag:s5] =	ssyncadd.s32 $0xFFFF0000  }
0xbd: {  	[tilespmem:s20], [sflag:$0x2] =	stream.linear.gather [hbm4b:s25+s3], $0x200, $0x38;
	[tilespmem:$0x1E200] =	vst v63  }
0xbe: {  	_ =	swait.ge [sflag:s5], $0x200  }
0xbf: {  	[sflag:s5] =	ssyncset.done $0x0  }
0xc0: {  	[sflag:s5] =	ssyncadd.s32 $0xFFFFFE00  }
0xc1: {  	[tilespmem:s22], [sflag:$0x1] =	stream.indirect.gather [spmem:s2], $0x80, s20, s21, $0xb8;
	[tilespmem:$0x1E200] =	vst v63  }
0xc2: {  	_ =	swait.ge [sflag:s23], $0x10000  }
0xc3: {  	[sflag:s23] =	ssyncset.done $0x0  }
0xc4: {  	[sflag:s23] =	ssyncadd.s32 $0xFFFF0000  }
0xc5: {  	[hbm4b:s26+s3] =	stream.linear.scatter [tilespmem:s22], [sflag:$0x2], $0x10000, $0x38;
	[tilespmem:$0x1E200] =	vst v63  }
0xc6: {  	_ =	swait.ge [sflag:s5], $0x10000  }
0xc7: {  	[sflag:s5] =	ssyncset.done $0x0  }
0xc8: {  	[sflag:s5] =	ssyncadd.s32 $0xFFFF0000  }
0xc9: {  	[tilespmem:s20], [sflag:$0x2] =	stream.linear.gather [hbm4b:s28+s3], $0x200, $0x38;
	[tilespmem:$0x1E200] =	vst v63  }
0xca: {  	_ =	swait.ge [sflag:s5], $0x200  }
0xcb: {  	[sflag:s5] =	ssyncset.done $0x0  }
0xcc: {  	[sflag:s5] =	ssyncadd.s32 $0xFFFFFE00  }
0xcd: {  	[tilespmem:s22], [sflag:$0x1] =	stream.indirect.gather [spmem:s2], $0x80, s20, s21, $0xb8;
	[tilespmem:$0x1E200] =	vst v63  }
0xce: {  	_ =	swait.ge [sflag:s23], $0x10000  }
0xcf: {  	[sflag:s23] =	ssyncset.done $0x0  }
0xd0: {  	[sflag:s23] =	ssyncadd.s32 $0xFFFF0000  }
0xd1: {  	[hbm4b:s29+s3] =	stream.linear.scatter [tilespmem:s22], [sflag:$0x2], $0x10000, $0x38;
	[tilespmem:$0x1E200] =	vst v63  }
0xd2: {  	_ =	swait.ge [sflag:s5], $0x10000  }
0xd3: {  	[sflag:s5] =	ssyncset.done $0x0  }
0xd4: {  	[sflag:s5] =	ssyncadd.s32 $0xFFFF0000  }
0xd5: {  	[tilespmem:s20], [sflag:$0x2] =	stream.linear.gather [hbm4b:s30+s3], $0x200, $0x38;
	[tilespmem:$0x1E200] =	vst v63  }
0xd6: {  	_ =	swait.ge [sflag:s5], $0x200  }
0xd7: {  	[sflag:s5] =	ssyncset.done $0x0  }
0xd8: {  	[sflag:s5] =	ssyncadd.s32 $0xFFFFFE00  }
0xd9: {  	[tilespmem:s22], [sflag:$0x1] =	stream.indirect.gather [spmem:s2], $0x80, s20, s21, $0xb8;
	[tilespmem:$0x1E200] =	vst v63  }
0xda: {  	p0 =	sne.s32 s0, $0x1;
	_ =	swait.ge [sflag:s23], $0x10000  }
.Ltmp1:
0xdb: {  	[sflag:s23] =	ssyncset.done $0x0;
	(pc) =	sbr.rel @p0 .LBB2_1-.Ltmp1, $4  }
0xdc: {  	[sflag:s23] =	ssyncadd.s32 $0xFFFF0000  }
0xdd: {  	[hbm4b:s31+s3] =	stream.linear.scatter [tilespmem:s22], [sflag:$0x2], $0x10000, $0x38;
	[tilespmem:$0x1E200] =	vst v63  }
0xde: {  	_ =	swait.ge [sflag:s5], $0x10000  }
0xdf: {  	s0 =	sadd.s32 $0xFFFFFFFF, s0;
	[sflag:s5] =	ssyncset.done $0x0  }
.LBB2_2:
0xe0: {  	[sflag:s5] =	ssyncadd.s32 $0xFFFF0000  }
0xe1: {  	_ =	sfence.sel $0x180000  }
0xe2: {  	[bflag:$0x0] =	sbarrier.arrive $0xFFFF  }
0xe3: {  	_ =	strace $0x9000005C  }
0xe4: {  	s0 =	stileid.u32;
	[bflag:$0x2] =	sbarrier.arrive $0xFFFF  }
0xe5: {  	p0 =	sne.s32 s0, $0x0;
	s0 =	rddreg [dreg:$0x2]  }
0xe6: {  	s0 =	sadd.s32 @!p0 $0x100000, s0  }
0xe7: {  	[sflag:s0] =	ssyncadd.tile.s32 @!p0 $0x1;
	_ =	shalt  }
.Lfunc_end2:
_tile_overlayer_lowered:
.L_overlay_start_2:
0xe8: {  	(tag) =	ssettag $0x2  }
0xe9: {  	s0 =	rddreg [dreg:$0x0];
	s2 =	stileid.u32  }
0xea: {  	s1 =	rddreg [dreg:$0x1];
	p0 =	sne.s32 s2, $0x0  }
0xeb: {  	s3 =	rddreg [dreg:$0x2];
	[bflag:$0x3] =	sbarrier.arrive $0xFFFF;
	s2 =	simm.s32 @!p0 $0x1C02  }
0xec: {  	[timem:s3], [sflag:s2] =	dma.local @!p0 [hbm:s0], s1  }
0xed: {  	s0 =	simm.s32 @!p0 $0x2  }
0xee: {  	_ =	swait.ge @!p0 [sflag:s0], s1  }
0xef: {  	s1 =	ssub.s32 @!p0 $0x0, s1;
	[sflag:s0] =	ssyncset.done @!p0 $0x0  }
0xf0: {  	[sflag:s0] =	ssyncadd.s32 @!p0 s1  }
0xf1: {  	[bflag:$0x3] =	sbarrier.arrive $0xFFFF  }
0xf2: {  	_ =	shalt  }

</sc_bundles>
